<compile_context>
chip_gen: v7x
topology: tpu7x:2x2x1
jax: 0.10.2.dev20260603
libtpu: 0.0.44.dev20260713+nightly
codegen_flags: <defaults>
</compile_context>

<pallas_src>
import functools

import jax
import jax.numpy as jnp
from jax import lax
from jax.experimental import pallas as pl
from jax.experimental.pallas import tpu as pltpu
from jax.experimental.pallas import tpu_sc as plsc

N, D, B, P, NB, SF, CF = 10000, 128, 1024, 6, 32, 128, 128
PB = P * B
NC, NS = 2, 16
NW = NC * NS
PAIRS_W = PB // NW
GROUP = 4
GROUPS_W = PAIRS_W // GROUP
ROWS_G = GROUP * NB


def _xw_body(x_ref, w_ref, b_ref, o_ref):
    o_ref[...] = jnp.maximum(
        jnp.dot(x_ref[...], w_ref[...], preferred_element_type=jnp.float32)
        + b_ref[...], 0.0)


def _sc_body(xw_hbm, x_hbm, nidx_hbm, pidx_hbm, hmax_out, self_out,
             nidx_v, pidx_v, nbuf0, nbuf1, selfbuf, hbuf, sem0, sem1, sem2,
             semout):
    wid = lax.axis_index("s") * NC + lax.axis_index("c")
    gbase = wid * GROUPS_W
    rbase = wid * PAIRS_W

    pltpu.sync_copy(nidx_hbm.at[pl.ds(gbase, GROUPS_W)], nidx_v)
    pltpu.sync_copy(pidx_hbm.at[pl.ds(wid * 2, 2)], pidx_v)

    pltpu.async_copy(x_hbm.at[pidx_v.at[0]], selfbuf.at[pl.ds(0, 96)], sem2)
    pltpu.async_copy(x_hbm.at[pidx_v.at[1]], selfbuf.at[pl.ds(96, 96)], sem2)

    def start(g, buf, sem):
        pltpu.async_copy(xw_hbm.at[nidx_v.at[g]], buf, sem)

    def wait(buf, sem):
        pltpu.make_async_copy(xw_hbm.at[nidx_v.at[0]], buf, sem).wait()

    def reduce_group(buf, g):
        def qbody(q, carry):
            r0 = q * NB
            for c in range(D // 16):
                acc = buf[r0, pl.ds(c * 16, 16)]
                for r in range(1, NB):
                    acc = jnp.maximum(acc, buf[r0 + r, pl.ds(c * 16, 16)])
                hbuf[g * GROUP + q, pl.ds(c * 16, 16)] = acc
            return carry
        lax.fori_loop(0, GROUP, qbody, 0, unroll=False)

    start(0, nbuf0, sem0)

    def mbody(m, carry):
        g0 = 2 * m
        start(g0 + 1, nbuf1, sem1)
        wait(nbuf0, sem0)
        reduce_group(nbuf0, g0)

        @pl.when(m < GROUPS_W // 2 - 1)
        def _():
            start(g0 + 2, nbuf0, sem0)

        wait(nbuf1, sem1)
        reduce_group(nbuf1, g0 + 1)
        pltpu.async_copy(hbuf.at[pl.ds(8 * m, 8)],
                         hmax_out.at[pl.ds(rbase + 8 * m, 8)], semout)
        return carry

    lax.fori_loop(0, GROUPS_W // 2, mbody, 0, unroll=False)

    pltpu.make_async_copy(x_hbm.at[pidx_v.at[0]],
                          selfbuf.at[pl.ds(0, 96)], sem2).wait()
    pltpu.make_async_copy(x_hbm.at[pidx_v.at[1]],
                          selfbuf.at[pl.ds(96, 96)], sem2).wait()

    pltpu.sync_copy(selfbuf, self_out.at[pl.ds(rbase, PAIRS_W)])

    def drain(m, carry):
        pltpu.make_async_copy(hbuf.at[pl.ds(0, 8)],
                              hmax_out.at[pl.ds(rbase, 8)], semout).wait()
        return carry

    lax.fori_loop(0, GROUPS_W // 2, drain, 0, unroll=False)


_sc_gather_max = functools.partial(
    pl.kernel,
    out_type=(jax.ShapeDtypeStruct((PB, D), jnp.float32),
              jax.ShapeDtypeStruct((PB, D), jnp.float32)),
    mesh=plsc.VectorSubcoreMesh(core_axis_name="c", subcore_axis_name="s"),
    scratch_types=[
        pltpu.VMEM((GROUPS_W, ROWS_G), jnp.int32),
        pltpu.VMEM((2, 96), jnp.int32),
        pltpu.VMEM((ROWS_G, D), jnp.float32),
        pltpu.VMEM((ROWS_G, D), jnp.float32),
        pltpu.VMEM((PAIRS_W, D), jnp.float32),
        pltpu.VMEM((PAIRS_W, D), jnp.float32),
        pltpu.SemaphoreType.DMA,
        pltpu.SemaphoreType.DMA,
        pltpu.SemaphoreType.DMA,
        pltpu.SemaphoreType.DMA,
    ])(_sc_body)


def _head_body(self_ref, hmax_ref, wagg_ref, bagg_ref,
               k2_ref, bk2_ref, k3_ref, bk3_ref,
               w1_ref, b1_ref, w2_ref, b2_ref, w3_ref, b3_ref,
               o_ref):
    def dot(a, b):
        return jnp.dot(a, b, preferred_element_type=jnp.float32)

    was, wah = wagg_ref[0:D], wagg_ref[D:2 * D]
    k20, k21 = k2_ref[0], k2_ref[1]
    k30, k31, k32 = k3_ref[0], k3_ref[1], k3_ref[2]
    w1a, w1b = w1_ref[0:CF], w1_ref[CF:2 * CF]

    steps = []
    for t in range(P):
        s = (dot(self_ref[t], was) + dot(hmax_ref[t], wah)
             + bagg_ref[...])
        steps.append(jnp.maximum(s, 0.0))

    p2 = None
    for t in range(P - 1):
        c = jnp.maximum(dot(steps[t], k20)
                        + dot(steps[t + 1], k21) + bk2_ref[...], 0.0)
        p2 = c if p2 is None else jnp.maximum(p2, c)

    p3 = None
    for t in range(P - 2):
        c = jnp.maximum(dot(steps[t], k30)
                        + dot(steps[t + 1], k31)
                        + dot(steps[t + 2], k32) + bk3_ref[...], 0.0)
        p3 = c if p3 is None else jnp.maximum(p3, c)

    h1 = jnp.maximum(dot(p2, w1a) + dot(p3, w1b)
                     + b1_ref[...], 0.0)
    h2 = jnp.maximum(dot(h1, w2_ref[...]) + b2_ref[...], 0.0)
    logits = dot(h2, w3_ref[...]) + b3_ref[...]
    mx = jnp.max(logits, axis=-1, keepdims=True)
    e = jnp.exp(logits - mx)
    o_ref[...] = e / jnp.sum(e, axis=-1, keepdims=True)


def kernel(x, path_nodes, neighbor_idx, W_pool, b_pool, W_agg, b_agg,
           K2, bK2, K3, bK3, W1, b1, W2, b2, W3, b3):
    xw = pl.pallas_call(
        _xw_body,
        grid=(5,),
        in_specs=[pl.BlockSpec((N // 5, D), lambda i: (i, 0)),
                  pl.BlockSpec((D, D), lambda i: (0, 0)),
                  pl.BlockSpec((1, D), lambda i: (0, 0))],
        out_specs=pl.BlockSpec((N // 5, D), lambda i: (i, 0)),
        out_shape=jax.ShapeDtypeStruct((N, D), jnp.float32),
    )(x, W_pool, b_pool.reshape(1, D))

    nidx_t = jnp.transpose(neighbor_idx, (1, 0, 2)).reshape(PB * NB // ROWS_G,
                                                            ROWS_G)
    pidx_t = jnp.transpose(path_nodes, (1, 0)).reshape(NW * 2, 96)

    hmax_flat, self_flat = _sc_gather_max(xw, x, nidx_t, pidx_t)

    BBLK = 1024
    full = lambda shape: pl.BlockSpec(shape, lambda i: tuple(0 for _ in shape))
    out = pl.pallas_call(
        _head_body,
        grid=(B // BBLK,),
        in_specs=[
            pl.BlockSpec((P, BBLK, D), lambda i: (0, i, 0)),
            pl.BlockSpec((P, BBLK, D), lambda i: (0, i, 0)),
            full((2 * D, SF)), full((1, SF)),
            full((2, SF, CF)), full((1, CF)),
            full((3, SF, CF)), full((1, CF)),
            full((2 * CF, 400)), full((1, 400)),
            full((400, 400)), full((1, 400)),
            full((400, 2)), full((1, 2)),
        ],
        out_specs=pl.BlockSpec((BBLK, 2), lambda i: (i, 0)),
        out_shape=jax.ShapeDtypeStruct((B, 2), jnp.float32),
    )(self_flat.reshape(P, B, D), hmax_flat.reshape(P, B, D),
      W_agg, b_agg.reshape(1, SF),
      K2, bK2.reshape(1, CF),
      K3, bK3.reshape(1, CF),
      W1, b1.reshape(1, 400),
      W2, b2.reshape(1, 400),
      W3, b3.reshape(1, 2))
    return out

# --- scband reference (transcript-rebuilt; emitter-appended) ---
"""Pipeline reference for scband-graph-sagereasoner-4054449127923 (READ-ONLY COPY).

The authoritative reference and input builder live on the scoring server;
editing this copy changes nothing except your own understanding.
"""

import jax, jax.numpy as jnp
import numpy as np

N, D, B, P, NB, SF, CF = 10000, 128, 1024, 6, 32, 128, 128

def setup_inputs(seed: int = 0) -> dict:
    key = jax.random.key(seed)
    ks = jax.random.split(key, 12)
    s = 0.05
    x = jax.random.normal(ks[0], (N, D), dtype=jnp.float32)
    path_nodes = jax.random.randint(ks[1], (B, P), 0, N, dtype=jnp.int32)
    neighbor_idx = jax.random.randint(ks[2], (B, P, NB), 0, N, dtype=jnp.int32)
    W_pool = jax.random.normal(ks[3], (D, D), dtype=jnp.float32) * s
    b_pool = jnp.zeros((D,), dtype=jnp.float32)
    W_agg = jax.random.normal(ks[4], (2 * D, SF), dtype=jnp.float32) * s
    b_agg = jnp.zeros((SF,), dtype=jnp.float32)
    K2 = jax.random.normal(ks[5], (2, SF, CF), dtype=jnp.float32) * s
    bK2 = jnp.zeros((CF,), dtype=jnp.float32)
    K3 = jax.random.normal(ks[6], (3, SF, CF), dtype=jnp.float32) * s
    bK3 = jnp.zeros((CF,), dtype=jnp.float32)
    W1 = jax.random.normal(ks[7], (2 * CF, 400), dtype=jnp.float32) * s
    b1 = jnp.zeros((400,), dtype=jnp.float32)
    W2 = jax.random.normal(ks[8], (400, 400), dtype=jnp.float32) * s
    b2 = jnp.zeros((400,), dtype=jnp.float32)
    W3 = jax.random.normal(ks[9], (400, 2), dtype=jnp.float32) * s
    b3 = jnp.zeros((2,), dtype=jnp.float32)
    return {"x": x, "path_nodes": path_nodes, "neighbor_idx": neighbor_idx,
            "W_pool": W_pool, "b_pool": b_pool, "W_agg": W_agg, "b_agg": b_agg,
            "K2": K2, "bK2": bK2, "K3": K3, "bK3": bK3,
            "W1": W1, "b1": b1, "W2": W2, "b2": b2, "W3": W3, "b3": b3}

def _conv1d(z, K, b):
    return jax.lax.conv_general_dilated(z, K, (1,), 'VALID', dimension_numbers=('NWC', 'WIO', 'NWC')) + b

def _forward(x, W_pool, b_pool, W_agg, b_agg, K2, bK2, K3, bK3, W1, b1, W2, b2, W3, b3, path_nodes, neighbor_idx):
    # GraphSAGE max-pooling aggregator for each entity along each path
    neigh = jnp.take(x, neighbor_idx, axis=0)              # [B, P, NB, D] gather
    h = jax.nn.relu(jnp.einsum('bpnd,df->bpnf', neigh, W_pool) + b_pool)
    h_max = jnp.max(h, axis=2)                              # max pooling over neighbors [B, P, D]
    self_f = jnp.take(x, path_nodes, axis=0)                # [B, P, D] gather
    cat = jnp.concatenate([self_f, h_max], axis=-1)         # [B, P, 2D]
    step = jax.nn.relu(cat @ W_agg + b_agg)                 # [B, P, SF] per-step features
    # zeros_bottom: pad to max_path_length + 1 = 6 (already P = 6)
    # CNN window kernel_size=2 -> length 5 -> MaxPool1D(5) -> [B, 1, CF]
    c2 = jax.nn.relu(_conv1d(step, K2, bK2))
    p2 = jnp.max(c2, axis=1, keepdims=True)
    # CNN window kernel_size=3 -> length 4 -> MaxPool1D(4) -> [B, 1, CF]
    c3 = jax.nn.relu(_conv1d(step, K3, bK3))
    p3 = jnp.max(c3, axis=1, keepdims=True)
    feat = jnp.concatenate([p2, p3], axis=-1)               # [B, 1, 2*CF]
    h1 = jax.nn.relu(feat @ W1 + b1)
    h2 = jax.nn.relu(h1 @ W2 + b2)
    logits = h2 @ W3 + b3
    probs = jax.nn.softmax(logits, axis=-1)                 # [B, 1, 2]
    return probs[:, 0, :]                                   # probabilities[0] per path -> [B, 2]

def reference(x, path_nodes, neighbor_idx, W_pool, b_pool, W_agg, b_agg, K2, bK2, K3, bK3, W1, b1, W2, b2, W3, b3):
    return _forward(x, W_pool, b_pool, W_agg, b_agg, K2, bK2, K3, bK3, W1, b1, W2, b2, W3, b3, path_nodes, neighbor_idx)

if __name__ == "__main__":
    import jax
    _d = setup_inputs()
    print(jax.jit(kernel)(*tuple(_d.values())))

</pallas_src>

<mosaic_0001>
#map = affine_map<(d0, d1) -> (0, 0)>
module attributes {stable_mosaic.version = 14 : i64} {
  func.func @_sc_body(%arg0: i32, %arg1: i32, %arg2: memref<10000x128xf32, #tpu.memory_space<hbm>>, %arg3: memref<10000x128xf32, #tpu.memory_space<hbm>>, %arg4: memref<1536x128xi32, #tpu.memory_space<hbm>>, %arg5: memref<64x96xi32, #tpu.memory_space<hbm>>, %arg6: memref<6144x128xf32, #tpu.memory_space<hbm>>, %arg7: memref<6144x128xf32, #tpu.memory_space<hbm>>, %arg8: memref<48x128xi32, #tpu.memory_space<vmem>>, %arg9: memref<2x96xi32, #tpu.memory_space<vmem>>, %arg10: memref<128x128xf32, #tpu.memory_space<vmem>>, %arg11: memref<128x128xf32, #tpu.memory_space<vmem>>, %arg12: memref<192x128xf32, #tpu.memory_space<vmem>>, %arg13: memref<192x128xf32, #tpu.memory_space<vmem>>, %arg14: memref<!tpu.dma_semaphore, #tpu.memory_space<semaphore_mem>>, %arg15: memref<!tpu.dma_semaphore, #tpu.memory_space<semaphore_mem>>, %arg16: memref<!tpu.dma_semaphore, #tpu.memory_space<semaphore_mem>>, %arg17: memref<!tpu.dma_semaphore, #tpu.memory_space<semaphore_mem>>) attributes {dimension_semantics = [#tpu.dimension_semantics<core_parallel>, #tpu.dimension_semantics<subcore_parallel>], iteration_bounds = array<i64: 2, 16>, scalar_prefetch = 0 : i64, scratch_operands = 10 : i64, tpu.core_type = #tpu.core_type<sc_vector_subcore>, window_params = [{transform_indices = #map}, {transform_indices = #map}, {transform_indices = #map}, {transform_indices = #map}, {transform_indices = #map}, {transform_indices = #map}]} {
    %mul3A = arith.constant 2 : i32
    %mul3A_0 = arith.muli %arg1, %mul3A : i32
    %add3A = arith.addi %mul3A_0, %arg0 : i32
    %mul3A_1 = arith.constant 48 : i32
    %mul3A_2 = arith.muli %add3A, %mul3A_1 : i32
    %mul3A_3 = arith.constant 192 : i32
    %mul3A_4 = arith.muli %add3A, %mul3A_3 : i32
    "tpu.region"() ({
      %run_scoped3A = tpu.sem_alloc : memref<!tpu.dma_semaphore, #tpu.memory_space<semaphore_mem>>
      %dma_start3A_63 = arith.constant 0 : i32
      %dma_start3A_64 = tpu.memref_slice %arg4[%mul3A_2, %dma_start3A_63] : memref<1536x128xi32, #tpu.memory_space<hbm>> -> memref<48x128xi32, #tpu.memory_space<hbm>>
      %dma_start3A_65 = arith.constant 0 : i32
      %dma_start3A_66 = tpu.memref_slice %arg4[%mul3A_2, %dma_start3A_65] : memref<1536x128xi32, #tpu.memory_space<hbm>> -> memref<48x128xi32, #tpu.memory_space<hbm>>
      tpu.enqueue_dma source(%dma_start3A_66 : memref<48x128xi32, #tpu.memory_space<hbm>>) target(%arg8 : memref<48x128xi32, #tpu.memory_space<vmem>>) target_semaphore(%run_scoped3A : memref<!tpu.dma_semaphore, #tpu.memory_space<semaphore_mem>>)
      %dma_wait3A_67 = arith.constant 0 : i32
      %dma_wait3A_68 = tpu.memref_slice %arg4[%mul3A_2, %dma_wait3A_67] : memref<1536x128xi32, #tpu.memory_space<hbm>> -> memref<48x128xi32, #tpu.memory_space<hbm>>
      %dma_wait3A_69 = arith.constant 0 : i32
      %dma_wait3A_70 = tpu.memref_slice %arg4[%mul3A_2, %dma_wait3A_69] : memref<1536x128xi32, #tpu.memory_space<hbm>> -> memref<48x128xi32, #tpu.memory_space<hbm>>
      tpu.wait_dma2 semaphore(%run_scoped3A : memref<!tpu.dma_semaphore, #tpu.memory_space<semaphore_mem>>) src(%dma_wait3A_70 : memref<48x128xi32, #tpu.memory_space<hbm>>) dst(%arg8 : memref<48x128xi32, #tpu.memory_space<vmem>>)
      tpu.yield
    }) : () -> ()
    %mul3A_5 = arith.constant 2 : i32
    %mul3A_6 = arith.muli %add3A, %mul3A_5 : i32
    "tpu.region"() ({
      %run_scoped3A = tpu.sem_alloc : memref<!tpu.dma_semaphore, #tpu.memory_space<semaphore_mem>>
      %dma_start3A_63 = arith.constant 0 : i32
      %dma_start3A_64 = tpu.memref_slice %arg5[%mul3A_6, %dma_start3A_63] : memref<64x96xi32, #tpu.memory_space<hbm>> -> memref<2x96xi32, #tpu.memory_space<hbm>>
      %dma_start3A_65 = arith.constant 0 : i32
      %dma_start3A_66 = tpu.memref_slice %arg5[%mul3A_6, %dma_start3A_65] : memref<64x96xi32, #tpu.memory_space<hbm>> -> memref<2x96xi32, #tpu.memory_space<hbm>>
      tpu.enqueue_dma source(%dma_start3A_66 : memref<2x96xi32, #tpu.memory_space<hbm>>) target(%arg9 : memref<2x96xi32, #tpu.memory_space<vmem>>) target_semaphore(%run_scoped3A : memref<!tpu.dma_semaphore, #tpu.memory_space<semaphore_mem>>)
      %dma_wait3A_67 = arith.constant 0 : i32
      %dma_wait3A_68 = tpu.memref_slice %arg5[%mul3A_6, %dma_wait3A_67] : memref<64x96xi32, #tpu.memory_space<hbm>> -> memref<2x96xi32, #tpu.memory_space<hbm>>
      %dma_wait3A_69 = arith.constant 0 : i32
      %dma_wait3A_70 = tpu.memref_slice %arg5[%mul3A_6, %dma_wait3A_69] : memref<64x96xi32, #tpu.memory_space<hbm>> -> memref<2x96xi32, #tpu.memory_space<hbm>>
      tpu.wait_dma2 semaphore(%run_scoped3A : memref<!tpu.dma_semaphore, #tpu.memory_space<semaphore_mem>>) src(%dma_wait3A_70 : memref<2x96xi32, #tpu.memory_space<hbm>>) dst(%arg9 : memref<2x96xi32, #tpu.memory_space<vmem>>)
      tpu.yield
    }) : () -> ()
    %dma_start3A = arith.constant 0 : i32
    %dma_start3A_7 = arith.constant 0 : i32
    %dma_start3A_8 = arith.constant 0 : i32
    %dma_start3A_9 = tpu.memref_slice %arg12[%dma_start3A_7, %dma_start3A_8] : memref<192x128xf32, #tpu.memory_space<vmem>> -> memref<96x128xf32, #tpu.memory_space<vmem>>
    %dma_start3A_10 = arith.constant 0 : i32
    %dma_start3A_11 = tpu.memref_slice %arg9[%dma_start3A, %dma_start3A_10] : memref<2x96xi32, #tpu.memory_space<vmem>> -> memref<1x96xi32, #tpu.memory_space<vmem>>
    %dma_start3A_12 = tpu.memref_squeeze %dma_start3A_11 : memref<1x96xi32, #tpu.memory_space<vmem>> -> memref<96xi32, #tpu.memory_space<vmem>>
    %dma_start3A_13 = arith.constant 0 : i32
    %dma_start3A_14 = arith.constant 0 : i32
    %dma_start3A_15 = tpu.memref_slice %arg3[%dma_start3A_13, %dma_start3A_14] : memref<10000x128xf32, #tpu.memory_space<hbm>> -> memref<10000x128xf32, #tpu.memory_space<hbm>>
    tpu.enqueue_indirect_dma source(%dma_start3A_15 : memref<10000x128xf32, #tpu.memory_space<hbm>>) target(%dma_start3A_9 : memref<96x128xf32, #tpu.memory_space<vmem>>) offsets(%dma_start3A_12 : memref<96xi32, #tpu.memory_space<vmem>>) semaphore(%arg16 : memref<!tpu.dma_semaphore, #tpu.memory_space<semaphore_mem>>)
    %dma_start3A_16 = arith.constant 1 : i32
    %dma_start3A_17 = arith.constant 96 : i32
    %dma_start3A_18 = arith.constant 0 : i32
    %dma_start3A_19 = tpu.memref_slice %arg12[%dma_start3A_17, %dma_start3A_18] : memref<192x128xf32, #tpu.memory_space<vmem>> -> memref<96x128xf32, #tpu.memory_space<vmem>>
    %dma_start3A_20 = arith.constant 0 : i32
    %dma_start3A_21 = tpu.memref_slice %arg9[%dma_start3A_16, %dma_start3A_20] : memref<2x96xi32, #tpu.memory_space<vmem>> -> memref<1x96xi32, #tpu.memory_space<vmem>>
    %dma_start3A_22 = tpu.memref_squeeze %dma_start3A_21 : memref<1x96xi32, #tpu.memory_space<vmem>> -> memref<96xi32, #tpu.memory_space<vmem>>
    %dma_start3A_23 = arith.constant 0 : i32
    %dma_start3A_24 = arith.constant 0 : i32
    %dma_start3A_25 = tpu.memref_slice %arg3[%dma_start3A_23, %dma_start3A_24] : memref<10000x128xf32, #tpu.memory_space<hbm>> -> memref<10000x128xf32, #tpu.memory_space<hbm>>
    tpu.enqueue_indirect_dma source(%dma_start3A_25 : memref<10000x128xf32, #tpu.memory_space<hbm>>) target(%dma_start3A_19 : memref<96x128xf32, #tpu.memory_space<vmem>>) offsets(%dma_start3A_22 : memref<96xi32, #tpu.memory_space<vmem>>) semaphore(%arg16 : memref<!tpu.dma_semaphore, #tpu.memory_space<semaphore_mem>>)
    %dma_start3A_26 = arith.constant 0 : i32
    %dma_start3A_27 = arith.constant 0 : i32
    %dma_start3A_28 = tpu.memref_slice %arg8[%dma_start3A_26, %dma_start3A_27] : memref<48x128xi32, #tpu.memory_space<vmem>> -> memref<1x128xi32, #tpu.memory_space<vmem>>
    %dma_start3A_29 = tpu.memref_squeeze %dma_start3A_28 : memref<1x128xi32, #tpu.memory_space<vmem>> -> memref<128xi32, #tpu.memory_space<vmem>>
    %dma_start3A_30 = arith.constant 0 : i32
    %dma_start3A_31 = arith.constant 0 : i32
    %dma_start3A_32 = tpu.memref_slice %arg2[%dma_start3A_30, %dma_start3A_31] : memref<10000x128xf32, #tpu.memory_space<hbm>> -> memref<10000x128xf32, #tpu.memory_space<hbm>>
    tpu.enqueue_indirect_dma source(%dma_start3A_32 : memref<10000x128xf32, #tpu.memory_space<hbm>>) target(%arg10 : memref<128x128xf32, #tpu.memory_space<vmem>>) offsets(%dma_start3A_29 : memref<128xi32, #tpu.memory_space<vmem>>) semaphore(%arg14 : memref<!tpu.dma_semaphore, #tpu.memory_space<semaphore_mem>>)
    %scan3A = arith.constant 0 : i32
    %scan3A_33 = arith.constant 0 : i32
    %scan3A_34 = arith.constant 24 : i32
    %scan3A_35 = arith.addi %scan3A_33, %scan3A_34 : i32
    %scan3A_36 = arith.constant 1 : i32
    scf.for %scan3A_63 = %scan3A_33 to %scan3A_35 step %scan3A_36  : i32 {
      %mul3A_64 = arith.constant 2 : i32
      %mul3A_65 = arith.muli %mul3A_64, %scan3A_63 : i32
      %add3A_66 = arith.constant 1 : i32
      %add3A_67 = arith.addi %mul3A_65, %add3A_66 : i32
      %dma_start3A_68 = arith.constant 0 : i32
      %dma_start3A_69 = tpu.memref_slice %arg8[%add3A_67, %dma_start3A_68] : memref<48x128xi32, #tpu.memory_space<vmem>> -> memref<1x128xi32, #tpu.memory_space<vmem>>
      %dma_start3A_70 = tpu.memref_squeeze %dma_start3A_69 : memref<1x128xi32, #tpu.memory_space<vmem>> -> memref<128xi32, #tpu.memory_space<vmem>>
      %dma_start3A_71 = arith.constant 0 : i32
      %dma_start3A_72 = arith.constant 0 : i32
      %dma_start3A_73 = tpu.memref_slice %arg2[%dma_start3A_71, %dma_start3A_72] : memref<10000x128xf32, #tpu.memory_space<hbm>> -> memref<10000x128xf32, #tpu.memory_space<hbm>>
      tpu.enqueue_indirect_dma source(%dma_start3A_73 : memref<10000x128xf32, #tpu.memory_space<hbm>>) target(%arg11 : memref<128x128xf32, #tpu.memory_space<vmem>>) offsets(%dma_start3A_70 : memref<128xi32, #tpu.memory_space<vmem>>) semaphore(%arg15 : memref<!tpu.dma_semaphore, #tpu.memory_space<semaphore_mem>>)
      %dma_wait3A_74 = arith.constant 0 : i32
      %dma_wait3A_75 = arith.constant 0 : i32
      %dma_wait3A_76 = tpu.memref_slice %arg8[%dma_wait3A_74, %dma_wait3A_75] : memref<48x128xi32, #tpu.memory_space<vmem>> -> memref<1x128xi32, #tpu.memory_space<vmem>>
      %dma_wait3A_77 = tpu.memref_squeeze %dma_wait3A_76 : memref<1x128xi32, #tpu.memory_space<vmem>> -> memref<128xi32, #tpu.memory_space<vmem>>
      %dma_wait3A_78 = arith.constant 0 : i32
      %dma_wait3A_79 = arith.constant 0 : i32
      %dma_wait3A_80 = tpu.memref_slice %arg2[%dma_wait3A_78, %dma_wait3A_79] : memref<10000x128xf32, #tpu.memory_space<hbm>> -> memref<10000x128xf32, #tpu.memory_space<hbm>>
      tpu.wait_indirect_dma semaphore(%arg14 : memref<!tpu.dma_semaphore, #tpu.memory_space<semaphore_mem>>) src(%dma_wait3A_80 : memref<10000x128xf32, #tpu.memory_space<hbm>>) dst(%arg10 : memref<128x128xf32, #tpu.memory_space<vmem>>)
      %scan3A_81 = arith.constant 0 : i32
      %scan3A_82 = arith.constant 0 : i32
      %scan3A_83 = arith.constant 4 : i32
      %scan3A_84 = arith.addi %scan3A_82, %scan3A_83 : i32
      %scan3A_85 = arith.constant 1 : i32
      scf.for %scan3A_117 = %scan3A_82 to %scan3A_84 step %scan3A_85  : i32 {
        %mul3A_118 = arith.constant 32 : i32
        %mul3A_119 = arith.muli %scan3A_117, %mul3A_118 : i32
        %get3A = arith.index_cast %mul3A_119 : i32 to index
        %get3A_120 = arith.constant 0 : index
        %get3A_121 = tpu.vector_load %arg10[%get3A, %get3A_120] {strides = array<i32>} : memref<128x128xf32, #tpu.memory_space<vmem>>, vector<1x16xf32>,
        %get3A_122 = vector.shape_cast %get3A_121 : vector<1x16xf32> to vector<16xf32>
        %add3A_123 = arith.constant 1 : i32
        %add3A_124 = arith.addi %mul3A_119, %add3A_123 : i32
        %get3A_125 = arith.index_cast %add3A_124 : i32 to index
        %get3A_126 = arith.constant 0 : index
        %get3A_127 = tpu.vector_load %arg10[%get3A_125, %get3A_126] {strides = array<i32>} : memref<128x128xf32, #tpu.memory_space<vmem>>, vector<1x16xf32>,
        %get3A_128 = vector.shape_cast %get3A_127 : vector<1x16xf32> to vector<16xf32>
        %max3A = arith.maximumf %get3A_122, %get3A_128 : vector<16xf32>
        %add3A_129 = arith.constant 2 : i32
        %add3A_130 = arith.addi %mul3A_119, %add3A_129 : i32
        %get3A_131 = arith.index_cast %add3A_130 : i32 to index
        %get3A_132 = arith.constant 0 : index
        %get3A_133 = tpu.vector_load %arg10[%get3A_131, %get3A_132] {strides = array<i32>} : memref<128x128xf32, #tpu.memory_space<vmem>>, vector<1x16xf32>,
        %get3A_134 = vector.shape_cast %get3A_133 : vector<1x16xf32> to vector<16xf32>
        %max3A_135 = arith.maximumf %max3A, %get3A_134 : vector<16xf32>
        %add3A_136 = arith.constant 3 : i32
        %add3A_137 = arith.addi %mul3A_119, %add3A_136 : i32
        %get3A_138 = arith.index_cast %add3A_137 : i32 to index
        %get3A_139 = arith.constant 0 : index
        %get3A_140 = tpu.vector_load %arg10[%get3A_138, %get3A_139] {strides = array<i32>} : memref<128x128xf32, #tpu.memory_space<vmem>>, vector<1x16xf32>,
        %get3A_141 = vector.shape_cast %get3A_140 : vector<1x16xf32> to vector<16xf32>
        %max3A_142 = arith.maximumf %max3A_135, %get3A_141 : vector<16xf32>
        %add3A_143 = arith.constant 4 : i32
        %add3A_144 = arith.addi %mul3A_119, %add3A_143 : i32
        %get3A_145 = arith.index_cast %add3A_144 : i32 to index
        %get3A_146 = arith.constant 0 : index
        %get3A_147 = tpu.vector_load %arg10[%get3A_145, %get3A_146] {strides = array<i32>} : memref<128x128xf32, #tpu.memory_space<vmem>>, vector<1x16xf32>,
        %get3A_148 = vector.shape_cast %get3A_147 : vector<1x16xf32> to vector<16xf32>
        %max3A_149 = arith.maximumf %max3A_142, %get3A_148 : vector<16xf32>
        %add3A_150 = arith.constant 5 : i32
        %add3A_151 = arith.addi %mul3A_119, %add3A_150 : i32
        %get3A_152 = arith.index_cast %add3A_151 : i32 to index
        %get3A_153 = arith.constant 0 : index
        %get3A_154 = tpu.vector_load %arg10[%get3A_152, %get3A_153] {strides = array<i32>} : memref<128x128xf32, #tpu.memory_space<vmem>>, vector<1x16xf32>,
        %get3A_155 = vector.shape_cast %get3A_154 : vector<1x16xf32> to vector<16xf32>
        %max3A_156 = arith.maximumf %max3A_149, %get3A_155 : vector<16xf32>
        %add3A_157 = arith.constant 6 : i32
        %add3A_158 = arith.addi %mul3A_119, %add3A_157 : i32
        %get3A_159 = arith.index_cast %add3A_158 : i32 to index
        %get3A_160 = arith.constant 0 : index
        %get3A_161 = tpu.vector_load %arg10[%get3A_159, %get3A_160] {strides = array<i32>} : memref<128x128xf32, #tpu.memory_space<vmem>>, vector<1x16xf32>,
        %get3A_162 = vector.shape_cast %get3A_161 : vector<1x16xf32> to vector<16xf32>
        %max3A_163 = arith.maximumf %max3A_156, %get3A_162 : vector<16xf32>
        %add3A_164 = arith.constant 7 : i32
        %add3A_165 = arith.addi %mul3A_119, %add3A_164 : i32
        %get3A_166 = arith.index_cast %add3A_165 : i32 to index
        %get3A_167 = arith.constant 0 : index
        %get3A_168 = tpu.vector_load %arg10[%get3A_166, %get3A_167] {strides = array<i32>} : memref<128x128xf32, #tpu.memory_space<vmem>>, vector<1x16xf32>,
        %get3A_169 = vector.shape_cast %get3A_168 : vector<1x16xf32> to vector<16xf32>
        %max3A_170 = arith.maximumf %max3A_163, %get3A_169 : vector<16xf32>
        %add3A_171 = arith.constant 8 : i32
        %add3A_172 = arith.addi %mul3A_119, %add3A_171 : i32
        %get3A_173 = arith.index_cast %add3A_172 : i32 to index
        %get3A_174 = arith.constant 0 : index
        %get3A_175 = tpu.vector_load %arg10[%get3A_173, %get3A_174] {strides = array<i32>} : memref<128x128xf32, #tpu.memory_space<vmem>>, vector<1x16xf32>,
        %get3A_176 = vector.shape_cast %get3A_175 : vector<1x16xf32> to vector<16xf32>
        %max3A_177 = arith.maximumf %max3A_170, %get3A_176 : vector<16xf32>
        %add3A_178 = arith.constant 9 : i32
        %add3A_179 = arith.addi %mul3A_119, %add3A_178 : i32
        %get3A_180 = arith.index_cast %add3A_179 : i32 to index
        %get3A_181 = arith.constant 0 : index
        %get3A_182 = tpu.vector_load %arg10[%get3A_180, %get3A_181] {strides = array<i32>} : memref<128x128xf32, #tpu.memory_space<vmem>>, vector<1x16xf32>,
        %get3A_183 = vector.shape_cast %get3A_182 : vector<1x16xf32> to vector<16xf32>
        %max3A_184 = arith.maximumf %max3A_177, %get3A_183 : vector<16xf32>
        %add3A_185 = arith.constant 10 : i32
        %add3A_186 = arith.addi %mul3A_119, %add3A_185 : i32
        %get3A_187 = arith.index_cast %add3A_186 : i32 to index
        %get3A_188 = arith.constant 0 : index
        %get3A_189 = tpu.vector_load %arg10[%get3A_187, %get3A_188] {strides = array<i32>} : memref<128x128xf32, #tpu.memory_space<vmem>>, vector<1x16xf32>,
        %get3A_190 = vector.shape_cast %get3A_189 : vector<1x16xf32> to vector<16xf32>
        %max3A_191 = arith.maximumf %max3A_184, %get3A_190 : vector<16xf32>
        %add3A_192 = arith.constant 11 : i32
        %add3A_193 = arith.addi %mul3A_119, %add3A_192 : i32
        %get3A_194 = arith.index_cast %add3A_193 : i32 to index
        %get3A_195 = arith.constant 0 : index
        %get3A_196 = tpu.vector_load %arg10[%get3A_194, %get3A_195] {strides = array<i32>} : memref<128x128xf32, #tpu.memory_space<vmem>>, vector<1x16xf32>,
        %get3A_197 = vector.shape_cast %get3A_196 : vector<1x16xf32> to vector<16xf32>
        %max3A_198 = arith.maximumf %max3A_191, %get3A_197 : vector<16xf32>
        %add3A_199 = arith.constant 12 : i32
        %add3A_200 = arith.addi %mul3A_119, %add3A_199 : i32
        %get3A_201 = arith.index_cast %add3A_200 : i32 to index
        %get3A_202 = arith.constant 0 : index
        %get3A_203 = tpu.vector_load %arg10[%get3A_201, %get3A_202] {strides = array<i32>} : memref<128x128xf32, #tpu.memory_space<vmem>>, vector<1x16xf32>,
        %get3A_204 = vector.shape_cast %get3A_203 : vector<1x16xf32> to vector<16xf32>
        %max3A_205 = arith.maximumf %max3A_198, %get3A_204 : vector<16xf32>
        %add3A_206 = arith.constant 13 : i32
        %add3A_207 = arith.addi %mul3A_119, %add3A_206 : i32
        %get3A_208 = arith.index_cast %add3A_207 : i32 to index
        %get3A_209 = arith.constant 0 : index
        %get3A_210 = tpu.vector_load %arg10[%get3A_208, %get3A_209] {strides = array<i32>} : memref<128x128xf32, #tpu.memory_space<vmem>>, vector<1x16xf32>,
        %get3A_211 = vector.shape_cast %get3A_210 : vector<1x16xf32> to vector<16xf32>
        %max3A_212 = arith.maximumf %max3A_205, %get3A_211 : vector<16xf32>
        %add3A_213 = arith.constant 14 : i32
        %add3A_214 = arith.addi %mul3A_119, %add3A_213 : i32
        %get3A_215 = arith.index_cast %add3A_214 : i32 to index
        %get3A_216 = arith.constant 0 : index
        %get3A_217 = tpu.vector_load %arg10[%get3A_215, %get3A_216] {strides = array<i32>} : memref<128x128xf32, #tpu.memory_space<vmem>>, vector<1x16xf32>,
        %get3A_218 = vector.shape_cast %get3A_217 : vector<1x16xf32> to vector<16xf32>
        %max3A_219 = arith.maximumf %max3A_212, %get3A_218 : vector<16xf32>
        %add3A_220 = arith.constant 15 : i32
        %add3A_221 = arith.addi %mul3A_119, %add3A_220 : i32
        %get3A_222 = arith.index_cast %add3A_221 : i32 to index
        %get3A_223 = arith.constant 0 : index
        %get3A_224 = tpu.vector_load %arg10[%get3A_222, %get3A_223] {strides = array<i32>} : memref<128x128xf32, #tpu.memory_space<vmem>>, vector<1x16xf32>,
        %get3A_225 = vector.shape_cast %get3A_224 : vector<1x16xf32> to vector<16xf32>
        %max3A_226 = arith.maximumf %max3A_219, %get3A_225 : vector<16xf32>
        %add3A_227 = arith.constant 16 : i32
        %add3A_228 = arith.addi %mul3A_119, %add3A_227 : i32
        %get3A_229 = arith.index_cast %add3A_228 : i32 to index
        %get3A_230 = arith.constant 0 : index
        %get3A_231 = tpu.vector_load %arg10[%get3A_229, %get3A_230] {strides = array<i32>} : memref<128x128xf32, #tpu.memory_space<vmem>>, vector<1x16xf32>,
        %get3A_232 = vector.shape_cast %get3A_231 : vector<1x16xf32> to vector<16xf32>
        %max3A_233 = arith.maximumf %max3A_226, %get3A_232 : vector<16xf32>
        %add3A_234 = arith.constant 17 : i32
        %add3A_235 = arith.addi %mul3A_119, %add3A_234 : i32
        %get3A_236 = arith.index_cast %add3A_235 : i32 to index
        %get3A_237 = arith.constant 0 : index
        %get3A_238 = tpu.vector_load %arg10[%get3A_236, %get3A_237] {strides = array<i32>} : memref<128x128xf32, #tpu.memory_space<vmem>>, vector<1x16xf32>,
        %get3A_239 = vector.shape_cast %get3A_238 : vector<1x16xf32> to vector<16xf32>
        %max3A_240 = arith.maximumf %max3A_233, %get3A_239 : vector<16xf32>
        %add3A_241 = arith.constant 18 : i32
        %add3A_242 = arith.addi %mul3A_119, %add3A_241 : i32
        %get3A_243 = arith.index_cast %add3A_242 : i32 to index
        %get3A_244 = arith.constant 0 : index
        %get3A_245 = tpu.vector_load %arg10[%get3A_243, %get3A_244] {strides = array<i32>} : memref<128x128xf32, #tpu.memory_space<vmem>>, vector<1x16xf32>,
        %get3A_246 = vector.shape_cast %get3A_245 : vector<1x16xf32> to vector<16xf32>
        %max3A_247 = arith.maximumf %max3A_240, %get3A_246 : vector<16xf32>
        %add3A_248 = arith.constant 19 : i32
        %add3A_249 = arith.addi %mul3A_119, %add3A_248 : i32
        %get3A_250 = arith.index_cast %add3A_249 : i32 to index
        %get3A_251 = arith.constant 0 : index
        %get3A_252 = tpu.vector_load %arg10[%get3A_250, %get3A_251] {strides = array<i32>} : memref<128x128xf32, #tpu.memory_space<vmem>>, vector<1x16xf32>,
        %get3A_253 = vector.shape_cast %get3A_252 : vector<1x16xf32> to vector<16xf32>
        %max3A_254 = arith.maximumf %max3A_247, %get3A_253 : vector<16xf32>
        %add3A_255 = arith.constant 20 : i32
        %add3A_256 = arith.addi %mul3A_119, %add3A_255 : i32
        %get3A_257 = arith.index_cast %add3A_256 : i32 to index
        %get3A_258 = arith.constant 0 : index
        %get3A_259 = tpu.vector_load %arg10[%get3A_257, %get3A_258] {strides = array<i32>} : memref<128x128xf32, #tpu.memory_space<vmem>>, vector<1x16xf32>,
        %get3A_260 = vector.shape_cast %get3A_259 : vector<1x16xf32> to vector<16xf32>
        %max3A_261 = arith.maximumf %max3A_254, %get3A_260 : vector<16xf32>
        %add3A_262 = arith.constant 21 : i32
        %add3A_263 = arith.addi %mul3A_119, %add3A_262 : i32
        %get3A_264 = arith.index_cast %add3A_263 : i32 to index
        %get3A_265 = arith.constant 0 : index
        %get3A_266 = tpu.vector_load %arg10[%get3A_264, %get3A_265] {strides = array<i32>} : memref<128x128xf32, #tpu.memory_space<vmem>>, vector<1x16xf32>,
        %get3A_267 = vector.shape_cast %get3A_266 : vector<1x16xf32> to vector<16xf32>
        %max3A_268 = arith.maximumf %max3A_261, %get3A_267 : vector<16xf32>
        %add3A_269 = arith.constant 22 : i32
        %add3A_270 = arith.addi %mul3A_119, %add3A_269 : i32
        %get3A_271 = arith.index_cast %add3A_270 : i32 to index
        %get3A_272 = arith.constant 0 : index
        %get3A_273 = tpu.vector_load %arg10[%get3A_271, %get3A_272] {strides = array<i32>} : memref<128x128xf32, #tpu.memory_space<vmem>>, vector<1x16xf32>,
        %get3A_274 = vector.shape_cast %get3A_273 : vector<1x16xf32> to vector<16xf32>
        %max3A_275 = arith.maximumf %max3A_268, %get3A_274 : vector<16xf32>
        %add3A_276 = arith.constant 23 : i32
        %add3A_277 = arith.addi %mul3A_119, %add3A_276 : i32
        %get3A_278 = arith.index_cast %add3A_277 : i32 to index
        %get3A_279 = arith.constant 0 : index
        %get3A_280 = tpu.vector_load %arg10[%get3A_278, %get3A_279] {strides = array<i32>} : memref<128x128xf32, #tpu.memory_space<vmem>>, vector<1x16xf32>,
        %get3A_281 = vector.shape_cast %get3A_280 : vector<1x16xf32> to vector<16xf32>
        %max3A_282 = arith.maximumf %max3A_275, %get3A_281 : vector<16xf32>
        %add3A_283 = arith.constant 24 : i32
        %add3A_284 = arith.addi %mul3A_119, %add3A_283 : i32
        %get3A_285 = arith.index_cast %add3A_284 : i32 to index
        %get3A_286 = arith.constant 0 : index
        %get3A_287 = tpu.vector_load %arg10[%get3A_285, %get3A_286] {strides = array<i32>} : memref<128x128xf32, #tpu.memory_space<vmem>>, vector<1x16xf32>,
        %get3A_288 = vector.shape_cast %get3A_287 : vector<1x16xf32> to vector<16xf32>
        %max3A_289 = arith.maximumf %max3A_282, %get3A_288 : vector<16xf32>
        %add3A_290 = arith.constant 25 : i32
        %add3A_291 = arith.addi %mul3A_119, %add3A_290 : i32
        %get3A_292 = arith.index_cast %add3A_291 : i32 to index
        %get3A_293 = arith.constant 0 : index
        %get3A_294 = tpu.vector_load %arg10[%get3A_292, %get3A_293] {strides = array<i32>} : memref<128x128xf32, #tpu.memory_space<vmem>>, vector<1x16xf32>,
        %get3A_295 = vector.shape_cast %get3A_294 : vector<1x16xf32> to vector<16xf32>
        %max3A_296 = arith.maximumf %max3A_289, %get3A_295 : vector<16xf32>
        %add3A_297 = arith.constant 26 : i32
        %add3A_298 = arith.addi %mul3A_119, %add3A_297 : i32
        %get3A_299 = arith.index_cast %add3A_298 : i32 to index
        %get3A_300 = arith.constant 0 : index
        %get3A_301 = tpu.vector_load %arg10[%get3A_299, %get3A_300] {strides = array<i32>} : memref<128x128xf32, #tpu.memory_space<vmem>>, vector<1x16xf32>,
        %get3A_302 = vector.shape_cast %get3A_301 : vector<1x16xf32> to vector<16xf32>
        %max3A_303 = arith.maximumf %max3A_296, %get3A_302 : vector<16xf32>
        %add3A_304 = arith.constant 27 : i32
        %add3A_305 = arith.addi %mul3A_119, %add3A_304 : i32
        %get3A_306 = arith.index_cast %add3A_305 : i32 to index
        %get3A_307 = arith.constant 0 : index
        %get3A_308 = tpu.vector_load %arg10[%get3A_306, %get3A_307] {strides = array<i32>} : memref<128x128xf32, #tpu.memory_space<vmem>>, vector<1x16xf32>,
        %get3A_309 = vector.shape_cast %get3A_308 : vector<1x16xf32> to vector<16xf32>
        %max3A_310 = arith.maximumf %max3A_303, %get3A_309 : vector<16xf32>
        %add3A_311 = arith.constant 28 : i32
        %add3A_312 = arith.addi %mul3A_119, %add3A_311 : i32
        %get3A_313 = arith.index_cast %add3A_312 : i32 to index
        %get3A_314 = arith.constant 0 : index
        %get3A_315 = tpu.vector_load %arg10[%get3A_313, %get3A_314] {strides = array<i32>} : memref<128x128xf32, #tpu.memory_space<vmem>>, vector<1x16xf32>,
        %get3A_316 = vector.shape_cast %get3A_315 : vector<1x16xf32> to vector<16xf32>
        %max3A_317 = arith.maximumf %max3A_310, %get3A_316 : vector<16xf32>
        %add3A_318 = arith.constant 29 : i32
        %add3A_319 = arith.addi %mul3A_119, %add3A_318 : i32
        %get3A_320 = arith.index_cast %add3A_319 : i32 to index
        %get3A_321 = arith.constant 0 : index
        %get3A_322 = tpu.vector_load %arg10[%get3A_320, %get3A_321] {strides = array<i32>} : memref<128x128xf32, #tpu.memory_space<vmem>>, vector<1x16xf32>,
        %get3A_323 = vector.shape_cast %get3A_322 : vector<1x16xf32> to vector<16xf32>
        %max3A_324 = arith.maximumf %max3A_317, %get3A_323 : vector<16xf32>
        %add3A_325 = arith.constant 30 : i32
        %add3A_326 = arith.addi %mul3A_119, %add3A_325 : i32
        %get3A_327 = arith.index_cast %add3A_326 : i32 to index
        %get3A_328 = arith.constant 0 : index
        %get3A_329 = tpu.vector_load %arg10[%get3A_327, %get3A_328] {strides = array<i32>} : memref<128x128xf32, #tpu.memory_space<vmem>>, vector<1x16xf32>,
        %get3A_330 = vector.shape_cast %get3A_329 : vector<1x16xf32> to vector<16xf32>
        %max3A_331 = arith.maximumf %max3A_324, %get3A_330 : vector<16xf32>
        %add3A_332 = arith.constant 31 : i32
        %add3A_333 = arith.addi %mul3A_119, %add3A_332 : i32
        %get3A_334 = arith.index_cast %add3A_333 : i32 to index
        %get3A_335 = arith.constant 0 : index
        %get3A_336 = tpu.vector_load %arg10[%get3A_334, %get3A_335] {strides = array<i32>} : memref<128x128xf32, #tpu.memory_space<vmem>>, vector<1x16xf32>,
        %get3A_337 = vector.shape_cast %get3A_336 : vector<1x16xf32> to vector<16xf32>
        %max3A_338 = arith.maximumf %max3A_331, %get3A_337 : vector<16xf32>
        %mul3A_339 = arith.constant 4 : i32
        %mul3A_340 = arith.muli %mul3A_65, %mul3A_339 : i32
        %add3A_341 = arith.addi %mul3A_340, %scan3A_117 : i32
        %swap3A = arith.index_cast %add3A_341 : i32 to index
        %swap3A_342 = arith.constant 0 : index
        %swap3A_343 = tpu.vector_load %arg13[%swap3A, %swap3A_342] {strides = array<i32>} : memref<192x128xf32, #tpu.memory_space<vmem>>, vector<1x16xf32>,
        %swap3A_344 = vector.shape_cast %swap3A_343 : vector<1x16xf32> to vector<16xf32>
        %swap3A_345 = vector.shape_cast %max3A_338 : vector<16xf32> to vector<1x16xf32>
        tpu.vector_store %arg13[%swap3A, %swap3A_342], %swap3A_345 {strides = array<i32>} : memref<192x128xf32, #tpu.memory_space<vmem>>, vector<1x16xf32>,
        %get3A_346 = arith.index_cast %mul3A_119 : i32 to index
        %get3A_347 = arith.constant 16 : index
        %get3A_348 = tpu.vector_load %arg10[%get3A_346, %get3A_347] {strides = array<i32>} : memref<128x128xf32, #tpu.memory_space<vmem>>, vector<1x16xf32>,
        %get3A_349 = vector.shape_cast %get3A_348 : vector<1x16xf32> to vector<16xf32>
        %add3A_350 = arith.constant 1 : i32
        %add3A_351 = arith.addi %mul3A_119, %add3A_350 : i32
        %get3A_352 = arith.index_cast %add3A_351 : i32 to index
        %get3A_353 = arith.constant 16 : index
        %get3A_354 = tpu.vector_load %arg10[%get3A_352, %get3A_353] {strides = array<i32>} : memref<128x128xf32, #tpu.memory_space<vmem>>, vector<1x16xf32>,
        %get3A_355 = vector.shape_cast %get3A_354 : vector<1x16xf32> to vector<16xf32>
        %max3A_356 = arith.maximumf %get3A_349, %get3A_355 : vector<16xf32>
        %add3A_357 = arith.constant 2 : i32
        %add3A_358 = arith.addi %mul3A_119, %add3A_357 : i32
        %get3A_359 = arith.index_cast %add3A_358 : i32 to index
        %get3A_360 = arith.constant 16 : index
        %get3A_361 = tpu.vector_load %arg10[%get3A_359, %get3A_360] {strides = array<i32>} : memref<128x128xf32, #tpu.memory_space<vmem>>, vector<1x16xf32>,
        %get3A_362 = vector.shape_cast %get3A_361 : vector<1x16xf32> to vector<16xf32>
        %max3A_363 = arith.maximumf %max3A_356, %get3A_362 : vector<16xf32>
        %add3A_364 = arith.constant 3 : i32
        %add3A_365 = arith.addi %mul3A_119, %add3A_364 : i32
        %get3A_366 = arith.index_cast %add3A_365 : i32 to index
        %get3A_367 = arith.constant 16 : index
        %get3A_368 = tpu.vector_load %arg10[%get3A_366, %get3A_367] {strides = array<i32>} : memref<128x128xf32, #tpu.memory_space<vmem>>, vector<1x16xf32>,
        %get3A_369 = vector.shape_cast %get3A_368 : vector<1x16xf32> to vector<16xf32>
        %max3A_370 = arith.maximumf %max3A_363, %get3A_369 : vector<16xf32>
        %add3A_371 = arith.constant 4 : i32
        %add3A_372 = arith.addi %mul3A_119, %add3A_371 : i32
        %get3A_373 = arith.index_cast %add3A_372 : i32 to index
        %get3A_374 = arith.constant 16 : index
        %get3A_375 = tpu.vector_load %arg10[%get3A_373, %get3A_374] {strides = array<i32>} : memref<128x128xf32, #tpu.memory_space<vmem>>, vector<1x16xf32>,
        %get3A_376 = vector.shape_cast %get3A_375 : vector<1x16xf32> to vector<16xf32>
        %max3A_377 = arith.maximumf %max3A_370, %get3A_376 : vector<16xf32>
        %add3A_378 = arith.constant 5 : i32
        %add3A_379 = arith.addi %mul3A_119, %add3A_378 : i32
        %get3A_380 = arith.index_cast %add3A_379 : i32 to index
        %get3A_381 = arith.constant 16 : index
        %get3A_382 = tpu.vector_load %arg10[%get3A_380, %get3A_381] {strides = array<i32>} : memref<128x128xf32, #tpu.memory_space<vmem>>, vector<1x16xf32>,
        %get3A_383 = vector.shape_cast %get3A_382 : vector<1x16xf32> to vector<16xf32>
        %max3A_384 = arith.maximumf %max3A_377, %get3A_383 : vector<16xf32>
        %add3A_385 = arith.constant 6 : i32
        %add3A_386 = arith.addi %mul3A_119, %add3A_385 : i32
        %get3A_387 = arith.index_cast %add3A_386 : i32 to index
        %get3A_388 = arith.constant 16 : index
        %get3A_389 = tpu.vector_load %arg10[%get3A_387, %get3A_388] {strides = array<i32>} : memref<128x128xf32, #tpu.memory_space<vmem>>, vector<1x16xf32>,
        %get3A_390 = vector.shape_cast %get3A_389 : vector<1x16xf32> to vector<16xf32>
        %max3A_391 = arith.maximumf %max3A_384, %get3A_390 : vector<16xf32>
        %add3A_392 = arith.constant 7 : i32
        %add3A_393 = arith.addi %mul3A_119, %add3A_392 : i32
        %get3A_394 = arith.index_cast %add3A_393 : i32 to index
        %get3A_395 = arith.constant 16 : index
        %get3A_396 = tpu.vector_load %arg10[%get3A_394, %get3A_395] {strides = array<i32>} : memref<128x128xf32, #tpu.memory_space<vmem>>, vector<1x16xf32>,
        %get3A_397 = vector.shape_cast %get3A_396 : vector<1x16xf32> to vector<16xf32>
        %max3A_398 = arith.maximumf %max3A_391, %get3A_397 : vector<16xf32>
        %add3A_399 = arith.constant 8 : i32
        %add3A_400 = arith.addi %mul3A_119, %add3A_399 : i32
        %get3A_401 = arith.index_cast %add3A_400 : i32 to index
        %get3A_402 = arith.constant 16 : index
        %get3A_403 = tpu.vector_load %arg10[%get3A_401, %get3A_402] {strides = array<i32>} : memref<128x128xf32, #tpu.memory_space<vmem>>, vector<1x16xf32>,
        %get3A_404 = vector.shape_cast %get3A_403 : vector<1x16xf32> to vector<16xf32>
        %max3A_405 = arith.maximumf %max3A_398, %get3A_404 : vector<16xf32>
        %add3A_406 = arith.constant 9 : i32
        %add3A_407 = arith.addi %mul3A_119, %add3A_406 : i32
        %get3A_408 = arith.index_cast %add3A_407 : i32 to index
        %get3A_409 = arith.constant 16 : index
        %get3A_410 = tpu.vector_load %arg10[%get3A_408, %get3A_409] {strides = array<i32>} : memref<128x128xf32, #tpu.memory_space<vmem>>, vector<1x16xf32>,
        %get3A_411 = vector.shape_cast %get3A_410 : vector<1x16xf32> to vector<16xf32>
        %max3A_412 = arith.maximumf %max3A_405, %get3A_411 : vector<16xf32>
        %add3A_413 = arith.constant 10 : i32
        %add3A_414 = arith.addi %mul3A_119, %add3A_413 : i32
        %get3A_415 = arith.index_cast %add3A_414 : i32 to index
        %get3A_416 = arith.constant 16 : index
        %get3A_417 = tpu.vector_load %arg10[%get3A_415, %get3A_416] {strides = array<i32>} : memref<128x128xf32, #tpu.memory_space<vmem>>, vector<1x16xf32>,
        %get3A_418 = vector.shape_cast %get3A_417 : vector<1x16xf32> to vector<16xf32>
        %max3A_419 = arith.maximumf %max3A_412, %get3A_418 : vector<16xf32>
        %add3A_420 = arith.constant 11 : i32
        %add3A_421 = arith.addi %mul3A_119, %add3A_420 : i32
        %get3A_422 = arith.index_cast %add3A_421 : i32 to index
        %get3A_423 = arith.constant 16 : index
        %get3A_424 = tpu.vector_load %arg10[%get3A_422, %get3A_423] {strides = array<i32>} : memref<128x128xf32, #tpu.memory_space<vmem>>, vector<1x16xf32>,
        %get3A_425 = vector.shape_cast %get3A_424 : vector<1x16xf32> to vector<16xf32>
        %max3A_426 = arith.maximumf %max3A_419, %get3A_425 : vector<16xf32>
        %add3A_427 = arith.constant 12 : i32
        %add3A_428 = arith.addi %mul3A_119, %add3A_427 : i32
        %get3A_429 = arith.index_cast %add3A_428 : i32 to index
        %get3A_430 = arith.constant 16 : index
        %get3A_431 = tpu.vector_load %arg10[%get3A_429, %get3A_430] {strides = array<i32>} : memref<128x128xf32, #tpu.memory_space<vmem>>, vector<1x16xf32>,
        %get3A_432 = vector.shape_cast %get3A_431 : vector<1x16xf32> to vector<16xf32>
        %max3A_433 = arith.maximumf %max3A_426, %get3A_432 : vector<16xf32>
        %add3A_434 = arith.constant 13 : i32
        %add3A_435 = arith.addi %mul3A_119, %add3A_434 : i32
        %get3A_436 = arith.index_cast %add3A_435 : i32 to index
        %get3A_437 = arith.constant 16 : index
        %get3A_438 = tpu.vector_load %arg10[%get3A_436, %get3A_437] {strides = array<i32>} : memref<128x128xf32, #tpu.memory_space<vmem>>, vector<1x16xf32>,
        %get3A_439 = vector.shape_cast %get3A_438 : vector<1x16xf32> to vector<16xf32>
        %max3A_440 = arith.maximumf %max3A_433, %get3A_439 : vector<16xf32>
        %add3A_441 = arith.constant 14 : i32
        %add3A_442 = arith.addi %mul3A_119, %add3A_441 : i32
        %get3A_443 = arith.index_cast %add3A_442 : i32 to index
        %get3A_444 = arith.constant 16 : index
        %get3A_445 = tpu.vector_load %arg10[%get3A_443, %get3A_444] {strides = array<i32>} : memref<128x128xf32, #tpu.memory_space<vmem>>, vector<1x16xf32>,
        %get3A_446 = vector.shape_cast %get3A_445 : vector<1x16xf32> to vector<16xf32>
        %max3A_447 = arith.maximumf %max3A_440, %get3A_446 : vector<16xf32>
        %add3A_448 = arith.constant 15 : i32
        %add3A_449 = arith.addi %mul3A_119, %add3A_448 : i32
        %get3A_450 = arith.index_cast %add3A_449 : i32 to index
        %get3A_451 = arith.constant 16 : index
        %get3A_452 = tpu.vector_load %arg10[%get3A_450, %get3A_451] {strides = array<i32>} : memref<128x128xf32, #tpu.memory_space<vmem>>, vector<1x16xf32>,
        %get3A_453 = vector.shape_cast %get3A_452 : vector<1x16xf32> to vector<16xf32>
        %max3A_454 = arith.maximumf %max3A_447, %get3A_453 : vector<16xf32>
        %add3A_455 = arith.constant 16 : i32
        %add3A_456 = arith.addi %mul3A_119, %add3A_455 : i32
        %get3A_457 = arith.index_cast %add3A_456 : i32 to index
        %get3A_458 = arith.constant 16 : index
        %get3A_459 = tpu.vector_load %arg10[%get3A_457, %get3A_458] {strides = array<i32>} : memref<128x128xf32, #tpu.memory_space<vmem>>, vector<1x16xf32>,
        %get3A_460 = vector.shape_cast %get3A_459 : vector<1x16xf32> to vector<16xf32>
        %max3A_461 = arith.maximumf %max3A_454, %get3A_460 : vector<16xf32>
        %add3A_462 = arith.constant 17 : i32
        %add3A_463 = arith.addi %mul3A_119, %add3A_462 : i32
        %get3A_464 = arith.index_cast %add3A_463 : i32 to index
        %get3A_465 = arith.constant 16 : index
        %get3A_466 = tpu.vector_load %arg10[%get3A_464, %get3A_465] {strides = array<i32>} : memref<128x128xf32, #tpu.memory_space<vmem>>, vector<1x16xf32>,
        %get3A_467 = vector.shape_cast %get3A_466 : vector<1x16xf32> to vector<16xf32>
        %max3A_468 = arith.maximumf %max3A_461, %get3A_467 : vector<16xf32>
        %add3A_469 = arith.constant 18 : i32
        %add3A_470 = arith.addi %mul3A_119, %add3A_469 : i32
        %get3A_471 = arith.index_cast %add3A_470 : i32 to index
        %get3A_472 = arith.constant 16 : index
        %get3A_473 = tpu.vector_load %arg10[%get3A_471, %get3A_472] {strides = array<i32>} : memref<128x128xf32, #tpu.memory_space<vmem>>, vector<1x16xf32>,
        %get3A_474 = vector.shape_cast %get3A_473 : vector<1x16xf32> to vector<16xf32>
        %max3A_475 = arith.maximumf %max3A_468, %get3A_474 : vector<16xf32>
        %add3A_476 = arith.constant 19 : i32
        %add3A_477 = arith.addi %mul3A_119, %add3A_476 : i32
        %get3A_478 = arith.index_cast %add3A_477 : i32 to index
        %get3A_479 = arith.constant 16 : index
        %get3A_480 = tpu.vector_load %arg10[%get3A_478, %get3A_479] {strides = array<i32>} : memref<128x128xf32, #tpu.memory_space<vmem>>, vector<1x16xf32>,
        %get3A_481 = vector.shape_cast %get3A_480 : vector<1x16xf32> to vector<16xf32>
        %max3A_482 = arith.maximumf %max3A_475, %get3A_481 : vector<16xf32>
        %add3A_483 = arith.constant 20 : i32
        %add3A_484 = arith.addi %mul3A_119, %add3A_483 : i32
        %get3A_485 = arith.index_cast %add3A_484 : i32 to index
        %get3A_486 = arith.constant 16 : index
        %get3A_487 = tpu.vector_load %arg10[%get3A_485, %get3A_486] {strides = array<i32>} : memref<128x128xf32, #tpu.memory_space<vmem>>, vector<1x16xf32>,
        %get3A_488 = vector.shape_cast %get3A_487 : vector<1x16xf32> to vector<16xf32>
        %max3A_489 = arith.maximumf %max3A_482, %get3A_488 : vector<16xf32>
        %add3A_490 = arith.constant 21 : i32
        %add3A_491 = arith.addi %mul3A_119, %add3A_490 : i32
        %get3A_492 = arith.index_cast %add3A_491 : i32 to index
        %get3A_493 = arith.constant 16 : index
        %get3A_494 = tpu.vector_load %arg10[%get3A_492, %get3A_493] {strides = array<i32>} : memref<128x128xf32, #tpu.memory_space<vmem>>, vector<1x16xf32>,
        %get3A_495 = vector.shape_cast %get3A_494 : vector<1x16xf32> to vector<16xf32>
        %max3A_496 = arith.maximumf %max3A_489, %get3A_495 : vector<16xf32>
        %add3A_497 = arith.constant 22 : i32
        %add3A_498 = arith.addi %mul3A_119, %add3A_497 : i32
        %get3A_499 = arith.index_cast %add3A_498 : i32 to index
        %get3A_500 = arith.constant 16 : index
        %get3A_501 = tpu.vector_load %arg10[%get3A_499, %get3A_500] {strides = array<i32>} : memref<128x128xf32, #tpu.memory_space<vmem>>, vector<1x16xf32>,
        %get3A_502 = vector.shape_cast %get3A_501 : vector<1x16xf32> to vector<16xf32>
        %max3A_503 = arith.maximumf %max3A_496, %get3A_502 : vector<16xf32>
        %add3A_504 = arith.constant 23 : i32
        %add3A_505 = arith.addi %mul3A_119, %add3A_504 : i32
        %get3A_506 = arith.index_cast %add3A_505 : i32 to index
        %get3A_507 = arith.constant 16 : index
        %get3A_508 = tpu.vector_load %arg10[%get3A_506, %get3A_507] {strides = array<i32>} : memref<128x128xf32, #tpu.memory_space<vmem>>, vector<1x16xf32>,
        %get3A_509 = vector.shape_cast %get3A_508 : vector<1x16xf32> to vector<16xf32>
        %max3A_510 = arith.maximumf %max3A_503, %get3A_509 : vector<16xf32>
        %add3A_511 = arith.constant 24 : i32
        %add3A_512 = arith.addi %mul3A_119, %add3A_511 : i32
        %get3A_513 = arith.index_cast %add3A_512 : i32 to index
        %get3A_514 = arith.constant 16 : index
        %get3A_515 = tpu.vector_load %arg10[%get3A_513, %get3A_514] {strides = array<i32>} : memref<128x128xf32, #tpu.memory_space<vmem>>, vector<1x16xf32>,
        %get3A_516 = vector.shape_cast %get3A_515 : vector<1x16xf32> to vector<16xf32>
        %max3A_517 = arith.maximumf %max3A_510, %get3A_516 : vector<16xf32>
        %add3A_518 = arith.constant 25 : i32
        %add3A_519 = arith.addi %mul3A_119, %add3A_518 : i32
        %get3A_520 = arith.index_cast %add3A_519 : i32 to index
        %get3A_521 = arith.constant 16 : index
        %get3A_522 = tpu.vector_load %arg10[%get3A_520, %get3A_521] {strides = array<i32>} : memref<128x128xf32, #tpu.memory_space<vmem>>, vector<1x16xf32>,
        %get3A_523 = vector.shape_cast %get3A_522 : vector<1x16xf32> to vector<16xf32>
        %max3A_524 = arith.maximumf %max3A_517, %get3A_523 : vector<16xf32>
        %add3A_525 = arith.constant 26 : i32
        %add3A_526 = arith.addi %mul3A_119, %add3A_525 : i32
        %get3A_527 = arith.index_cast %add3A_526 : i32 to index
        %get3A_528 = arith.constant 16 : index
        %get3A_529 = tpu.vector_load %arg10[%get3A_527, %get3A_528] {strides = array<i32>} : memref<128x128xf32, #tpu.memory_space<vmem>>, vector<1x16xf32>,
        %get3A_530 = vector.shape_cast %get3A_529 : vector<1x16xf32> to vector<16xf32>
        %max3A_531 = arith.maximumf %max3A_524, %get3A_530 : vector<16xf32>
        %add3A_532 = arith.constant 27 : i32
        %add3A_533 = arith.addi %mul3A_119, %add3A_532 : i32
        %get3A_534 = arith.index_cast %add3A_533 : i32 to index
        %get3A_535 = arith.constant 16 : index
        %get3A_536 = tpu.vector_load %arg10[%get3A_534, %get3A_535] {strides = array<i32>} : memref<128x128xf32, #tpu.memory_space<vmem>>, vector<1x16xf32>,
        %get3A_537 = vector.shape_cast %get3A_536 : vector<1x16xf32> to vector<16xf32>
        %max3A_538 = arith.maximumf %max3A_531, %get3A_537 : vector<16xf32>
        %add3A_539 = arith.constant 28 : i32
        %add3A_540 = arith.addi %mul3A_119, %add3A_539 : i32
        %get3A_541 = arith.index_cast %add3A_540 : i32 to index
        %get3A_542 = arith.constant 16 : index
        %get3A_543 = tpu.vector_load %arg10[%get3A_541, %get3A_542] {strides = array<i32>} : memref<128x128xf32, #tpu.memory_space<vmem>>, vector<1x16xf32>,
        %get3A_544 = vector.shape_cast %get3A_543 : vector<1x16xf32> to vector<16xf32>
        %max3A_545 = arith.maximumf %max3A_538, %get3A_544 : vector<16xf32>
        %add3A_546 = arith.constant 29 : i32
        %add3A_547 = arith.addi %mul3A_119, %add3A_546 : i32
        %get3A_548 = arith.index_cast %add3A_547 : i32 to index
        %get3A_549 = arith.constant 16 : index
        %get3A_550 = tpu.vector_load %arg10[%get3A_548, %get3A_549] {strides = array<i32>} : memref<128x128xf32, #tpu.memory_space<vmem>>, vector<1x16xf32>,
        %get3A_551 = vector.shape_cast %get3A_550 : vector<1x16xf32> to vector<16xf32>
        %max3A_552 = arith.maximumf %max3A_545, %get3A_551 : vector<16xf32>
        %add3A_553 = arith.constant 30 : i32
        %add3A_554 = arith.addi %mul3A_119, %add3A_553 : i32
        %get3A_555 = arith.index_cast %add3A_554 : i32 to index
        %get3A_556 = arith.constant 16 : index
        %get3A_557 = tpu.vector_load %arg10[%get3A_555, %get3A_556] {strides = array<i32>} : memref<128x128xf32, #tpu.memory_space<vmem>>, vector<1x16xf32>,
        %get3A_558 = vector.shape_cast %get3A_557 : vector<1x16xf32> to vector<16xf32>
        %max3A_559 = arith.maximumf %max3A_552, %get3A_558 : vector<16xf32>
        %add3A_560 = arith.constant 31 : i32
        %add3A_561 = arith.addi %mul3A_119, %add3A_560 : i32
        %get3A_562 = arith.index_cast %add3A_561 : i32 to index
        %get3A_563 = arith.constant 16 : index
        %get3A_564 = tpu.vector_load %arg10[%get3A_562, %get3A_563] {strides = array<i32>} : memref<128x128xf32, #tpu.memory_space<vmem>>, vector<1x16xf32>,
        %get3A_565 = vector.shape_cast %get3A_564 : vector<1x16xf32> to vector<16xf32>
        %max3A_566 = arith.maximumf %max3A_559, %get3A_565 : vector<16xf32>
        %mul3A_567 = arith.constant 4 : i32
        %mul3A_568 = arith.muli %mul3A_65, %mul3A_567 : i32
        %add3A_569 = arith.addi %mul3A_568, %scan3A_117 : i32
        %swap3A_570 = arith.index_cast %add3A_569 : i32 to index
        %swap3A_571 = arith.constant 16 : index
        %swap3A_572 = tpu.vector_load %arg13[%swap3A_570, %swap3A_571] {strides = array<i32>} : memref<192x128xf32, #tpu.memory_space<vmem>>, vector<1x16xf32>,
        %swap3A_573 = vector.shape_cast %swap3A_572 : vector<1x16xf32> to vector<16xf32>
        %swap3A_574 = vector.shape_cast %max3A_566 : vector<16xf32> to vector<1x16xf32>
        tpu.vector_store %arg13[%swap3A_570, %swap3A_571], %swap3A_574 {strides = array<i32>} : memref<192x128xf32, #tpu.memory_space<vmem>>, vector<1x16xf32>,
        %get3A_575 = arith.index_cast %mul3A_119 : i32 to index
        %get3A_576 = arith.constant 32 : index
        %get3A_577 = tpu.vector_load %arg10[%get3A_575, %get3A_576] {strides = array<i32>} : memref<128x128xf32, #tpu.memory_space<vmem>>, vector<1x16xf32>,
        %get3A_578 = vector.shape_cast %get3A_577 : vector<1x16xf32> to vector<16xf32>
        %add3A_579 = arith.constant 1 : i32
        %add3A_580 = arith.addi %mul3A_119, %add3A_579 : i32
        %get3A_581 = arith.index_cast %add3A_580 : i32 to index
        %get3A_582 = arith.constant 32 : index
        %get3A_583 = tpu.vector_load %arg10[%get3A_581, %get3A_582] {strides = array<i32>} : memref<128x128xf32, #tpu.memory_space<vmem>>, vector<1x16xf32>,
        %get3A_584 = vector.shape_cast %get3A_583 : vector<1x16xf32> to vector<16xf32>
        %max3A_585 = arith.maximumf %get3A_578, %get3A_584 : vector<16xf32>
        %add3A_586 = arith.constant 2 : i32
        %add3A_587 = arith.addi %mul3A_119, %add3A_586 : i32
        %get3A_588 = arith.index_cast %add3A_587 : i32 to index
        %get3A_589 = arith.constant 32 : index
        %get3A_590 = tpu.vector_load %arg10[%get3A_588, %get3A_589] {strides = array<i32>} : memref<128x128xf32, #tpu.memory_space<vmem>>, vector<1x16xf32>,
        %get3A_591 = vector.shape_cast %get3A_590 : vector<1x16xf32> to vector<16xf32>
        %max3A_592 = arith.maximumf %max3A_585, %get3A_591 : vector<16xf32>
        %add3A_593 = arith.constant 3 : i32
        %add3A_594 = arith.addi %mul3A_119, %add3A_593 : i32
        %get3A_595 = arith.index_cast %add3A_594 : i32 to index
        %get3A_596 = arith.constant 32 : index
        %get3A_597 = tpu.vector_load %arg10[%get3A_595, %get3A_596] {strides = array<i32>} : memref<128x128xf32, #tpu.memory_space<vmem>>, vector<1x16xf32>,
        %get3A_598 = vector.shape_cast %get3A_597 : vector<1x16xf32> to vector<16xf32>
        %max3A_599 = arith.maximumf %max3A_592, %get3A_598 : vector<16xf32>
        %add3A_600 = arith.constant 4 : i32
        %add3A_601 = arith.addi %mul3A_119, %add3A_600 : i32
        %get3A_602 = arith.index_cast %add3A_601 : i32 to index
        %get3A_603 = arith.constant 32 : index
        %get3A_604 = tpu.vector_load %arg10[%get3A_602, %get3A_603] {strides = array<i32>} : memref<128x128xf32, #tpu.memory_space<vmem>>, vector<1x16xf32>,
        %get3A_605 = vector.shape_cast %get3A_604 : vector<1x16xf32> to vector<16xf32>
        %max3A_606 = arith.maximumf %max3A_599, %get3A_605 : vector<16xf32>
        %add3A_607 = arith.constant 5 : i32
        %add3A_608 = arith.addi %mul3A_119, %add3A_607 : i32
        %get3A_609 = arith.index_cast %add3A_608 : i32 to index
        %get3A_610 = arith.constant 32 : index
        %get3A_611 = tpu.vector_load %arg10[%get3A_609, %get3A_610] {strides = array<i32>} : memref<128x128xf32, #tpu.memory_space<vmem>>, vector<1x16xf32>,
        %get3A_612 = vector.shape_cast %get3A_611 : vector<1x16xf32> to vector<16xf32>
        %max3A_613 = arith.maximumf %max3A_606, %get3A_612 : vector<16xf32>
        %add3A_614 = arith.constant 6 : i32
        %add3A_615 = arith.addi %mul3A_119, %add3A_614 : i32
        %get3A_616 = arith.index_cast %add3A_615 : i32 to index
        %get3A_617 = arith.constant 32 : index
        %get3A_618 = tpu.vector_load %arg10[%get3A_616, %get3A_617] {strides = array<i32>} : memref<128x128xf32, #tpu.memory_space<vmem>>, vector<1x16xf32>,
        %get3A_619 = vector.shape_cast %get3A_618 : vector<1x16xf32> to vector<16xf32>
        %max3A_620 = arith.maximumf %max3A_613, %get3A_619 : vector<16xf32>
        %add3A_621 = arith.constant 7 : i32
        %add3A_622 = arith.addi %mul3A_119, %add3A_621 : i32
        %get3A_623 = arith.index_cast %add3A_622 : i32 to index
        %get3A_624 = arith.constant 32 : index
        %get3A_625 = tpu.vector_load %arg10[%get3A_623, %get3A_624] {strides = array<i32>} : memref<128x128xf32, #tpu.memory_space<vmem>>, vector<1x16xf32>,
        %get3A_626 = vector.shape_cast %get3A_625 : vector<1x16xf32> to vector<16xf32>
        %max3A_627 = arith.maximumf %max3A_620, %get3A_626 : vector<16xf32>
        %add3A_628 = arith.constant 8 : i32
        %add3A_629 = arith.addi %mul3A_119, %add3A_628 : i32
        %get3A_630 = arith.index_cast %add3A_629 : i32 to index
        %get3A_631 = arith.constant 32 : index
        %get3A_632 = tpu.vector_load %arg10[%get3A_630, %get3A_631] {strides = array<i32>} : memref<128x128xf32, #tpu.memory_space<vmem>>, vector<1x16xf32>,
        %get3A_633 = vector.shape_cast %get3A_632 : vector<1x16xf32> to vector<16xf32>
        %max3A_634 = arith.maximumf %max3A_627, %get3A_633 : vector<16xf32>
        %add3A_635 = arith.constant 9 : i32
        %add3A_636 = arith.addi %mul3A_119, %add3A_635 : i32
        %get3A_637 = arith.index_cast %add3A_636 : i32 to index
        %get3A_638 = arith.constant 32 : index
        %get3A_639 = tpu.vector_load %arg10[%get3A_637, %get3A_638] {strides = array<i32>} : memref<128x128xf32, #tpu.memory_space<vmem>>, vector<1x16xf32>,
        %get3A_640 = vector.shape_cast %get3A_639 : vector<1x16xf32> to vector<16xf32>
        %max3A_641 = arith.maximumf %max3A_634, %get3A_640 : vector<16xf32>
        %add3A_642 = arith.constant 10 : i32
        %add3A_643 = arith.addi %mul3A_119, %add3A_642 : i32
        %get3A_644 = arith.index_cast %add3A_643 : i32 to index
        %get3A_645 = arith.constant 32 : index
        %get3A_646 = tpu.vector_load %arg10[%get3A_644, %get3A_645] {strides = array<i32>} : memref<128x128xf32, #tpu.memory_space<vmem>>, vector<1x16xf32>,
        %get3A_647 = vector.shape_cast %get3A_646 : vector<1x16xf32> to vector<16xf32>
        %max3A_648 = arith.maximumf %max3A_641, %get3A_647 : vector<16xf32>
        %add3A_649 = arith.constant 11 : i32
        %add3A_650 = arith.addi %mul3A_119, %add3A_649 : i32
        %get3A_651 = arith.index_cast %add3A_650 : i32 to index
        %get3A_652 = arith.constant 32 : index
        %get3A_653 = tpu.vector_load %arg10[%get3A_651, %get3A_652] {strides = array<i32>} : memref<128x128xf32, #tpu.memory_space<vmem>>, vector<1x16xf32>,
        %get3A_654 = vector.shape_cast %get3A_653 : vector<1x16xf32> to vector<16xf32>
        %max3A_655 = arith.maximumf %max3A_648, %get3A_654 : vector<16xf32>
        %add3A_656 = arith.constant 12 : i32
        %add3A_657 = arith.addi %mul3A_119, %add3A_656 : i32
        %get3A_658 = arith.index_cast %add3A_657 : i32 to index
        %get3A_659 = arith.constant 32 : index
        %get3A_660 = tpu.vector_load %arg10[%get3A_658, %get3A_659] {strides = array<i32>} : memref<128x128xf32, #tpu.memory_space<vmem>>, vector<1x16xf32>,
        %get3A_661 = vector.shape_cast %get3A_660 : vector<1x16xf32> to vector<16xf32>
        %max3A_662 = arith.maximumf %max3A_655, %get3A_661 : vector<16xf32>
        %add3A_663 = arith.constant 13 : i32
        %add3A_664 = arith.addi %mul3A_119, %add3A_663 : i32
        %get3A_665 = arith.index_cast %add3A_664 : i32 to index
        %get3A_666 = arith.constant 32 : index
        %get3A_667 = tpu.vector_load %arg10[%get3A_665, %get3A_666] {strides = array<i32>} : memref<128x128xf32, #tpu.memory_space<vmem>>, vector<1x16xf32>,
        %get3A_668 = vector.shape_cast %get3A_667 : vector<1x16xf32> to vector<16xf32>
        %max3A_669 = arith.maximumf %max3A_662, %get3A_668 : vector<16xf32>
        %add3A_670 = arith.constant 14 : i32
        %add3A_671 = arith.addi %mul3A_119, %add3A_670 : i32
        %get3A_672 = arith.index_cast %add3A_671 : i32 to index
        %get3A_673 = arith.constant 32 : index
        %get3A_674 = tpu.vector_load %arg10[%get3A_672, %get3A_673] {strides = array<i32>} : memref<128x128xf32, #tpu.memory_space<vmem>>, vector<1x16xf32>,
        %get3A_675 = vector.shape_cast %get3A_674 : vector<1x16xf32> to vector<16xf32>
        %max3A_676 = arith.maximumf %max3A_669, %get3A_675 : vector<16xf32>
        %add3A_677 = arith.constant 15 : i32
        %add3A_678 = arith.addi %mul3A_119, %add3A_677 : i32
        %get3A_679 = arith.index_cast %add3A_678 : i32 to index
        %get3A_680 = arith.constant 32 : index
        %get3A_681 = tpu.vector_load %arg10[%get3A_679, %get3A_680] {strides = array<i32>} : memref<128x128xf32, #tpu.memory_space<vmem>>, vector<1x16xf32>,
        %get3A_682 = vector.shape_cast %get3A_681 : vector<1x16xf32> to vector<16xf32>
        %max3A_683 = arith.maximumf %max3A_676, %get3A_682 : vector<16xf32>
        %add3A_684 = arith.constant 16 : i32
        %add3A_685 = arith.addi %mul3A_119, %add3A_684 : i32
        %get3A_686 = arith.index_cast %add3A_685 : i32 to index
        %get3A_687 = arith.constant 32 : index
        %get3A_688 = tpu.vector_load %arg10[%get3A_686, %get3A_687] {strides = array<i32>} : memref<128x128xf32, #tpu.memory_space<vmem>>, vector<1x16xf32>,
        %get3A_689 = vector.shape_cast %get3A_688 : vector<1x16xf32> to vector<16xf32>
        %max3A_690 = arith.maximumf %max3A_683, %get3A_689 : vector<16xf32>
        %add3A_691 = arith.constant 17 : i32
        %add3A_692 = arith.addi %mul3A_119, %add3A_691 : i32
        %get3A_693 = arith.index_cast %add3A_692 : i32 to index
        %get3A_694 = arith.constant 32 : index
        %get3A_695 = tpu.vector_load %arg10[%get3A_693, %get3A_694] {strides = array<i32>} : memref<128x128xf32, #tpu.memory_space<vmem>>, vector<1x16xf32>,
        %get3A_696 = vector.shape_cast %get3A_695 : vector<1x16xf32> to vector<16xf32>
        %max3A_697 = arith.maximumf %max3A_690, %get3A_696 : vector<16xf32>
        %add3A_698 = arith.constant 18 : i32
        %add3A_699 = arith.addi %mul3A_119, %add3A_698 : i32
        %get3A_700 = arith.index_cast %add3A_699 : i32 to index
        %get3A_701 = arith.constant 32 : index
        %get3A_702 = tpu.vector_load %arg10[%get3A_700, %get3A_701] {strides = array<i32>} : memref<128x128xf32, #tpu.memory_space<vmem>>, vector<1x16xf32>,
        %get3A_703 = vector.shape_cast %get3A_702 : vector<1x16xf32> to vector<16xf32>
        %max3A_704 = arith.maximumf %max3A_697, %get3A_703 : vector<16xf32>
        %add3A_705 = arith.constant 19 : i32
        %add3A_706 = arith.addi %mul3A_119, %add3A_705 : i32
        %get3A_707 = arith.index_cast %add3A_706 : i32 to index
        %get3A_708 = arith.constant 32 : index
        %get3A_709 = tpu.vector_load %arg10[%get3A_707, %get3A_708] {strides = array<i32>} : memref<128x128xf32, #tpu.memory_space<vmem>>, vector<1x16xf32>,
        %get3A_710 = vector.shape_cast %get3A_709 : vector<1x16xf32> to vector<16xf32>
        %max3A_711 = arith.maximumf %max3A_704, %get3A_710 : vector<16xf32>
        %add3A_712 = arith.constant 20 : i32
        %add3A_713 = arith.addi %mul3A_119, %add3A_712 : i32
        %get3A_714 = arith.index_cast %add3A_713 : i32 to index
        %get3A_715 = arith.constant 32 : index
        %get3A_716 = tpu.vector_load %arg10[%get3A_714, %get3A_715] {strides = array<i32>} : memref<128x128xf32, #tpu.memory_space<vmem>>, vector<1x16xf32>,
        %get3A_717 = vector.shape_cast %get3A_716 : vector<1x16xf32> to vector<16xf32>
        %max3A_718 = arith.maximumf %max3A_711, %get3A_717 : vector<16xf32>
        %add3A_719 = arith.constant 21 : i32
        %add3A_720 = arith.addi %mul3A_119, %add3A_719 : i32
        %get3A_721 = arith.index_cast %add3A_720 : i32 to index
        %get3A_722 = arith.constant 32 : index
        %get3A_723 = tpu.vector_load %arg10[%get3A_721, %get3A_722] {strides = array<i32>} : memref<128x128xf32, #tpu.memory_space<vmem>>, vector<1x16xf32>,
        %get3A_724 = vector.shape_cast %get3A_723 : vector<1x16xf32> to vector<16xf32>
        %max3A_725 = arith.maximumf %max3A_718, %get3A_724 : vector<16xf32>
        %add3A_726 = arith.constant 22 : i32
        %add3A_727 = arith.addi %mul3A_119, %add3A_726 : i32
        %get3A_728 = arith.index_cast %add3A_727 : i32 to index
        %get3A_729 = arith.constant 32 : index
        %get3A_730 = tpu.vector_load %arg10[%get3A_728, %get3A_729] {strides = array<i32>} : memref<128x128xf32, #tpu.memory_space<vmem>>, vector<1x16xf32>,
        %get3A_731 = vector.shape_cast %get3A_730 : vector<1x16xf32> to vector<16xf32>
        %max3A_732 = arith.maximumf %max3A_725, %get3A_731 : vector<16xf32>
        %add3A_733 = arith.constant 23 : i32
        %add3A_734 = arith.addi %mul3A_119, %add3A_733 : i32
        %get3A_735 = arith.index_cast %add3A_734 : i32 to index
        %get3A_736 = arith.constant 32 : index
        %get3A_737 = tpu.vector_load %arg10[%get3A_735, %get3A_736] {strides = array<i32>} : memref<128x128xf32, #tpu.memory_space<vmem>>, vector<1x16xf32>,
        %get3A_738 = vector.shape_cast %get3A_737 : vector<1x16xf32> to vector<16xf32>
        %max3A_739 = arith.maximumf %max3A_732, %get3A_738 : vector<16xf32>
        %add3A_740 = arith.constant 24 : i32
        %add3A_741 = arith.addi %mul3A_119, %add3A_740 : i32
        %get3A_742 = arith.index_cast %add3A_741 : i32 to index
        %get3A_743 = arith.constant 32 : index
        %get3A_744 = tpu.vector_load %arg10[%get3A_742, %get3A_743] {strides = array<i32>} : memref<128x128xf32, #tpu.memory_space<vmem>>, vector<1x16xf32>,
        %get3A_745 = vector.shape_cast %get3A_744 : vector<1x16xf32> to vector<16xf32>
        %max3A_746 = arith.maximumf %max3A_739, %get3A_745 : vector<16xf32>
        %add3A_747 = arith.constant 25 : i32
        %add3A_748 = arith.addi %mul3A_119, %add3A_747 : i32
        %get3A_749 = arith.index_cast %add3A_748 : i32 to index
        %get3A_750 = arith.constant 32 : index
        %get3A_751 = tpu.vector_load %arg10[%get3A_749, %get3A_750] {strides = array<i32>} : memref<128x128xf32, #tpu.memory_space<vmem>>, vector<1x16xf32>,
        %get3A_752 = vector.shape_cast %get3A_751 : vector<1x16xf32> to vector<16xf32>
        %max3A_753 = arith.maximumf %max3A_746, %get3A_752 : vector<16xf32>
        %add3A_754 = arith.constant 26 : i32
        %add3A_755 = arith.addi %mul3A_119, %add3A_754 : i32
        %get3A_756 = arith.index_cast %add3A_755 : i32 to index
        %get3A_757 = arith.constant 32 : index
        %get3A_758 = tpu.vector_load %arg10[%get3A_756, %get3A_757] {strides = array<i32>} : memref<128x128xf32, #tpu.memory_space<vmem>>, vector<1x16xf32>,
        %get3A_759 = vector.shape_cast %get3A_758 : vector<1x16xf32> to vector<16xf32>
        %max3A_760 = arith.maximumf %max3A_753, %get3A_759 : vector<16xf32>
        %add3A_761 = arith.constant 27 : i32
        %add3A_762 = arith.addi %mul3A_119, %add3A_761 : i32
        %get3A_763 = arith.index_cast %add3A_762 : i32 to index
        %get3A_764 = arith.constant 32 : index
        %get3A_765 = tpu.vector_load %arg10[%get3A_763, %get3A_764] {strides = array<i32>} : memref<128x128xf32, #tpu.memory_space<vmem>>, vector<1x16xf32>,
        %get3A_766 = vector.shape_cast %get3A_765 : vector<1x16xf32> to vector<16xf32>
        %max3A_767 = arith.maximumf %max3A_760, %get3A_766 : vector<16xf32>
        %add3A_768 = arith.constant 28 : i32
        %add3A_769 = arith.addi %mul3A_119, %add3A_768 : i32
        %get3A_770 = arith.index_cast %add3A_769 : i32 to index
        %get3A_771 = arith.constant 32 : index
        %get3A_772 = tpu.vector_load %arg10[%get3A_770, %get3A_771] {strides = array<i32>} : memref<128x128xf32, #tpu.memory_space<vmem>>, vector<1x16xf32>,
        %get3A_773 = vector.shape_cast %get3A_772 : vector<1x16xf32> to vector<16xf32>
        %max3A_774 = arith.maximumf %max3A_767, %get3A_773 : vector<16xf32>
        %add3A_775 = arith.constant 29 : i32
        %add3A_776 = arith.addi %mul3A_119, %add3A_775 : i32
        %get3A_777 = arith.index_cast %add3A_776 : i32 to index
        %get3A_778 = arith.constant 32 : index
        %get3A_779 = tpu.vector_load %arg10[%get3A_777, %get3A_778] {strides = array<i32>} : memref<128x128xf32, #tpu.memory_space<vmem>>, vector<1x16xf32>,
        %get3A_780 = vector.shape_cast %get3A_779 : vector<1x16xf32> to vector<16xf32>
        %max3A_781 = arith.maximumf %max3A_774, %get3A_780 : vector<16xf32>
        %add3A_782 = arith.constant 30 : i32
        %add3A_783 = arith.addi %mul3A_119, %add3A_782 : i32
        %get3A_784 = arith.index_cast %add3A_783 : i32 to index
        %get3A_785 = arith.constant 32 : index
        %get3A_786 = tpu.vector_load %arg10[%get3A_784, %get3A_785] {strides = array<i32>} : memref<128x128xf32, #tpu.memory_space<vmem>>, vector<1x16xf32>,
        %get3A_787 = vector.shape_cast %get3A_786 : vector<1x16xf32> to vector<16xf32>
        %max3A_788 = arith.maximumf %max3A_781, %get3A_787 : vector<16xf32>
        %add3A_789 = arith.constant 31 : i32
        %add3A_790 = arith.addi %mul3A_119, %add3A_789 : i32
        %get3A_791 = arith.index_cast %add3A_790 : i32 to index
        %get3A_792 = arith.constant 32 : index
        %get3A_793 = tpu.vector_load %arg10[%get3A_791, %get3A_792] {strides = array<i32>} : memref<128x128xf32, #tpu.memory_space<vmem>>, vector<1x16xf32>,
        %get3A_794 = vector.shape_cast %get3A_793 : vector<1x16xf32> to vector<16xf32>
        %max3A_795 = arith.maximumf %max3A_788, %get3A_794 : vector<16xf32>
        %mul3A_796 = arith.constant 4 : i32
        %mul3A_797 = arith.muli %mul3A_65, %mul3A_796 : i32
        %add3A_798 = arith.addi %mul3A_797, %scan3A_117 : i32
        %swap3A_799 = arith.index_cast %add3A_798 : i32 to index
        %swap3A_800 = arith.constant 32 : index
        %swap3A_801 = tpu.vector_load %arg13[%swap3A_799, %swap3A_800] {strides = array<i32>} : memref<192x128xf32, #tpu.memory_space<vmem>>, vector<1x16xf32>,
        %swap3A_802 = vector.shape_cast %swap3A_801 : vector<1x16xf32> to vector<16xf32>
        %swap3A_803 = vector.shape_cast %max3A_795 : vector<16xf32> to vector<1x16xf32>
        tpu.vector_store %arg13[%swap3A_799, %swap3A_800], %swap3A_803 {strides = array<i32>} : memref<192x128xf32, #tpu.memory_space<vmem>>, vector<1x16xf32>,
        %get3A_804 = arith.index_cast %mul3A_119 : i32 to index
        %get3A_805 = arith.constant 48 : index
        %get3A_806 = tpu.vector_load %arg10[%get3A_804, %get3A_805] {strides = array<i32>} : memref<128x128xf32, #tpu.memory_space<vmem>>, vector<1x16xf32>,
        %get3A_807 = vector.shape_cast %get3A_806 : vector<1x16xf32> to vector<16xf32>
        %add3A_808 = arith.constant 1 : i32
        %add3A_809 = arith.addi %mul3A_119, %add3A_808 : i32
        %get3A_810 = arith.index_cast %add3A_809 : i32 to index
        %get3A_811 = arith.constant 48 : index
        %get3A_812 = tpu.vector_load %arg10[%get3A_810, %get3A_811] {strides = array<i32>} : memref<128x128xf32, #tpu.memory_space<vmem>>, vector<1x16xf32>,
        %get3A_813 = vector.shape_cast %get3A_812 : vector<1x16xf32> to vector<16xf32>
        %max3A_814 = arith.maximumf %get3A_807, %get3A_813 : vector<16xf32>
        %add3A_815 = arith.constant 2 : i32
        %add3A_816 = arith.addi %mul3A_119, %add3A_815 : i32
        %get3A_817 = arith.index_cast %add3A_816 : i32 to index
        %get3A_818 = arith.constant 48 : index
        %get3A_819 = tpu.vector_load %arg10[%get3A_817, %get3A_818] {strides = array<i32>} : memref<128x128xf32, #tpu.memory_space<vmem>>, vector<1x16xf32>,
        %get3A_820 = vector.shape_cast %get3A_819 : vector<1x16xf32> to vector<16xf32>
        %max3A_821 = arith.maximumf %max3A_814, %get3A_820 : vector<16xf32>
        %add3A_822 = arith.constant 3 : i32
        %add3A_823 = arith.addi %mul3A_119, %add3A_822 : i32
        %get3A_824 = arith.index_cast %add3A_823 : i32 to index
        %get3A_825 = arith.constant 48 : index
        %get3A_826 = tpu.vector_load %arg10[%get3A_824, %get3A_825] {strides = array<i32>} : memref<128x128xf32, #tpu.memory_space<vmem>>, vector<1x16xf32>,
        %get3A_827 = vector.shape_cast %get3A_826 : vector<1x16xf32> to vector<16xf32>
        %max3A_828 = arith.maximumf %max3A_821, %get3A_827 : vector<16xf32>
        %add3A_829 = arith.constant 4 : i32
        %add3A_830 = arith.addi %mul3A_119, %add3A_829 : i32
        %get3A_831 = arith.index_cast %add3A_830 : i32 to index
        %get3A_832 = arith.constant 48 : index
        %get3A_833 = tpu.vector_load %arg10[%get3A_831, %get3A_832] {strides = array<i32>} : memref<128x128xf32, #tpu.memory_space<vmem>>, vector<1x16xf32>,
        %get3A_834 = vector.shape_cast %get3A_833 : vector<1x16xf32> to vector<16xf32>
        %max3A_835 = arith.maximumf %max3A_828, %get3A_834 : vector<16xf32>
        %add3A_836 = arith.constant 5 : i32
        %add3A_837 = arith.addi %mul3A_119, %add3A_836 : i32
        %get3A_838 = arith.index_cast %add3A_837 : i32 to index
        %get3A_839 = arith.constant 48 : index
        %get3A_840 = tpu.vector_load %arg10[%get3A_838, %get3A_839] {strides = array<i32>} : memref<128x128xf32, #tpu.memory_space<vmem>>, vector<1x16xf32>,
        %get3A_841 = vector.shape_cast %get3A_840 : vector<1x16xf32> to vector<16xf32>
        %max3A_842 = arith.maximumf %max3A_835, %get3A_841 : vector<16xf32>
        %add3A_843 = arith.constant 6 : i32
        %add3A_844 = arith.addi %mul3A_119, %add3A_843 : i32
        %get3A_845 = arith.index_cast %add3A_844 : i32 to index
        %get3A_846 = arith.constant 48 : index
        %get3A_847 = tpu.vector_load %arg10[%get3A_845, %get3A_846] {strides = array<i32>} : memref<128x128xf32, #tpu.memory_space<vmem>>, vector<1x16xf32>,
        %get3A_848 = vector.shape_cast %get3A_847 : vector<1x16xf32> to vector<16xf32>
        %max3A_849 = arith.maximumf %max3A_842, %get3A_848 : vector<16xf32>
        %add3A_850 = arith.constant 7 : i32
        %add3A_851 = arith.addi %mul3A_119, %add3A_850 : i32
        %get3A_852 = arith.index_cast %add3A_851 : i32 to index
        %get3A_853 = arith.constant 48 : index
        %get3A_854 = tpu.vector_load %arg10[%get3A_852, %get3A_853] {strides = array<i32>} : memref<128x128xf32, #tpu.memory_space<vmem>>, vector<1x16xf32>,
        %get3A_855 = vector.shape_cast %get3A_854 : vector<1x16xf32> to vector<16xf32>
        %max3A_856 = arith.maximumf %max3A_849, %get3A_855 : vector<16xf32>
        %add3A_857 = arith.constant 8 : i32
        %add3A_858 = arith.addi %mul3A_119, %add3A_857 : i32
        %get3A_859 = arith.index_cast %add3A_858 : i32 to index
        %get3A_860 = arith.constant 48 : index
        %get3A_861 = tpu.vector_load %arg10[%get3A_859, %get3A_860] {strides = array<i32>} : memref<128x128xf32, #tpu.memory_space<vmem>>, vector<1x16xf32>,
        %get3A_862 = vector.shape_cast %get3A_861 : vector<1x16xf32> to vector<16xf32>
        %max3A_863 = arith.maximumf %max3A_856, %get3A_862 : vector<16xf32>
        %add3A_864 = arith.constant 9 : i32
        %add3A_865 = arith.addi %mul3A_119, %add3A_864 : i32
        %get3A_866 = arith.index_cast %add3A_865 : i32 to index
        %get3A_867 = arith.constant 48 : index
        %get3A_868 = tpu.vector_load %arg10[%get3A_866, %get3A_867] {strides = array<i32>} : memref<128x128xf32, #tpu.memory_space<vmem>>, vector<1x16xf32>,
        %get3A_869 = vector.shape_cast %get3A_868 : vector<1x16xf32> to vector<16xf32>
        %max3A_870 = arith.maximumf %max3A_863, %get3A_869 : vector<16xf32>
        %add3A_871 = arith.constant 10 : i32
        %add3A_872 = arith.addi %mul3A_119, %add3A_871 : i32
        %get3A_873 = arith.index_cast %add3A_872 : i32 to index
        %get3A_874 = arith.constant 48 : index
        %get3A_875 = tpu.vector_load %arg10[%get3A_873, %get3A_874] {strides = array<i32>} : memref<128x128xf32, #tpu.memory_space<vmem>>, vector<1x16xf32>,
        %get3A_876 = vector.shape_cast %get3A_875 : vector<1x16xf32> to vector<16xf32>
        %max3A_877 = arith.maximumf %max3A_870, %get3A_876 : vector<16xf32>
        %add3A_878 = arith.constant 11 : i32
        %add3A_879 = arith.addi %mul3A_119, %add3A_878 : i32
        %get3A_880 = arith.index_cast %add3A_879 : i32 to index
        %get3A_881 = arith.constant 48 : index
        %get3A_882 = tpu.vector_load %arg10[%get3A_880, %get3A_881] {strides = array<i32>} : memref<128x128xf32, #tpu.memory_space<vmem>>, vector<1x16xf32>,
        %get3A_883 = vector.shape_cast %get3A_882 : vector<1x16xf32> to vector<16xf32>
        %max3A_884 = arith.maximumf %max3A_877, %get3A_883 : vector<16xf32>
        %add3A_885 = arith.constant 12 : i32
        %add3A_886 = arith.addi %mul3A_119, %add3A_885 : i32
        %get3A_887 = arith.index_cast %add3A_886 : i32 to index
        %get3A_888 = arith.constant 48 : index
        %get3A_889 = tpu.vector_load %arg10[%get3A_887, %get3A_888] {strides = array<i32>} : memref<128x128xf32, #tpu.memory_space<vmem>>, vector<1x16xf32>,
        %get3A_890 = vector.shape_cast %get3A_889 : vector<1x16xf32> to vector<16xf32>
        %max3A_891 = arith.maximumf %max3A_884, %get3A_890 : vector<16xf32>
        %add3A_892 = arith.constant 13 : i32
        %add3A_893 = arith.addi %mul3A_119, %add3A_892 : i32
        %get3A_894 = arith.index_cast %add3A_893 : i32 to index
        %get3A_895 = arith.constant 48 : index
        %get3A_896 = tpu.vector_load %arg10[%get3A_894, %get3A_895] {strides = array<i32>} : memref<128x128xf32, #tpu.memory_space<vmem>>, vector<1x16xf32>,
        %get3A_897 = vector.shape_cast %get3A_896 : vector<1x16xf32> to vector<16xf32>
        %max3A_898 = arith.maximumf %max3A_891, %get3A_897 : vector<16xf32>
        %add3A_899 = arith.constant 14 : i32
        %add3A_900 = arith.addi %mul3A_119, %add3A_899 : i32
        %get3A_901 = arith.index_cast %add3A_900 : i32 to index
        %get3A_902 = arith.constant 48 : index
        %get3A_903 = tpu.vector_load %arg10[%get3A_901, %get3A_902] {strides = array<i32>} : memref<128x128xf32, #tpu.memory_space<vmem>>, vector<1x16xf32>,
        %get3A_904 = vector.shape_cast %get3A_903 : vector<1x16xf32> to vector<16xf32>
        %max3A_905 = arith.maximumf %max3A_898, %get3A_904 : vector<16xf32>
        %add3A_906 = arith.constant 15 : i32
        %add3A_907 = arith.addi %mul3A_119, %add3A_906 : i32
        %get3A_908 = arith.index_cast %add3A_907 : i32 to index
        %get3A_909 = arith.constant 48 : index
        %get3A_910 = tpu.vector_load %arg10[%get3A_908, %get3A_909] {strides = array<i32>} : memref<128x128xf32, #tpu.memory_space<vmem>>, vector<1x16xf32>,
        %get3A_911 = vector.shape_cast %get3A_910 : vector<1x16xf32> to vector<16xf32>
        %max3A_912 = arith.maximumf %max3A_905, %get3A_911 : vector<16xf32>
        %add3A_913 = arith.constant 16 : i32
        %add3A_914 = arith.addi %mul3A_119, %add3A_913 : i32
        %get3A_915 = arith.index_cast %add3A_914 : i32 to index
        %get3A_916 = arith.constant 48 : index
        %get3A_917 = tpu.vector_load %arg10[%get3A_915, %get3A_916] {strides = array<i32>} : memref<128x128xf32, #tpu.memory_space<vmem>>, vector<1x16xf32>,
        %get3A_918 = vector.shape_cast %get3A_917 : vector<1x16xf32> to vector<16xf32>
        %max3A_919 = arith.maximumf %max3A_912, %get3A_918 : vector<16xf32>
        %add3A_920 = arith.constant 17 : i32
        %add3A_921 = arith.addi %mul3A_119, %add3A_920 : i32
        %get3A_922 = arith.index_cast %add3A_921 : i32 to index
        %get3A_923 = arith.constant 48 : index
        %get3A_924 = tpu.vector_load %arg10[%get3A_922, %get3A_923] {strides = array<i32>} : memref<128x128xf32, #tpu.memory_space<vmem>>, vector<1x16xf32>,
        %get3A_925 = vector.shape_cast %get3A_924 : vector<1x16xf32> to vector<16xf32>
        %max3A_926 = arith.maximumf %max3A_919, %get3A_925 : vector<16xf32>
        %add3A_927 = arith.constant 18 : i32
        %add3A_928 = arith.addi %mul3A_119, %add3A_927 : i32
        %get3A_929 = arith.index_cast %add3A_928 : i32 to index
        %get3A_930 = arith.constant 48 : index
        %get3A_931 = tpu.vector_load %arg10[%get3A_929, %get3A_930] {strides = array<i32>} : memref<128x128xf32, #tpu.memory_space<vmem>>, vector<1x16xf32>,
        %get3A_932 = vector.shape_cast %get3A_931 : vector<1x16xf32> to vector<16xf32>
        %max3A_933 = arith.maximumf %max3A_926, %get3A_932 : vector<16xf32>
        %add3A_934 = arith.constant 19 : i32
        %add3A_935 = arith.addi %mul3A_119, %add3A_934 : i32
        %get3A_936 = arith.index_cast %add3A_935 : i32 to index
        %get3A_937 = arith.constant 48 : index
        %get3A_938 = tpu.vector_load %arg10[%get3A_936, %get3A_937] {strides = array<i32>} : memref<128x128xf32, #tpu.memory_space<vmem>>, vector<1x16xf32>,
        %get3A_939 = vector.shape_cast %get3A_938 : vector<1x16xf32> to vector<16xf32>
        %max3A_940 = arith.maximumf %max3A_933, %get3A_939 : vector<16xf32>
        %add3A_941 = arith.constant 20 : i32
        %add3A_942 = arith.addi %mul3A_119, %add3A_941 : i32
        %get3A_943 = arith.index_cast %add3A_942 : i32 to index
        %get3A_944 = arith.constant 48 : index
        %get3A_945 = tpu.vector_load %arg10[%get3A_943, %get3A_944] {strides = array<i32>} : memref<128x128xf32, #tpu.memory_space<vmem>>, vector<1x16xf32>,
        %get3A_946 = vector.shape_cast %get3A_945 : vector<1x16xf32> to vector<16xf32>
        %max3A_947 = arith.maximumf %max3A_940, %get3A_946 : vector<16xf32>
        %add3A_948 = arith.constant 21 : i32
        %add3A_949 = arith.addi %mul3A_119, %add3A_948 : i32
        %get3A_950 = arith.index_cast %add3A_949 : i32 to index
        %get3A_951 = arith.constant 48 : index
        %get3A_952 = tpu.vector_load %arg10[%get3A_950, %get3A_951] {strides = array<i32>} : memref<128x128xf32, #tpu.memory_space<vmem>>, vector<1x16xf32>,
        %get3A_953 = vector.shape_cast %get3A_952 : vector<1x16xf32> to vector<16xf32>
        %max3A_954 = arith.maximumf %max3A_947, %get3A_953 : vector<16xf32>
        %add3A_955 = arith.constant 22 : i32
        %add3A_956 = arith.addi %mul3A_119, %add3A_955 : i32
        %get3A_957 = arith.index_cast %add3A_956 : i32 to index
        %get3A_958 = arith.constant 48 : index
        %get3A_959 = tpu.vector_load %arg10[%get3A_957, %get3A_958] {strides = array<i32>} : memref<128x128xf32, #tpu.memory_space<vmem>>, vector<1x16xf32>,
        %get3A_960 = vector.shape_cast %get3A_959 : vector<1x16xf32> to vector<16xf32>
        %max3A_961 = arith.maximumf %max3A_954, %get3A_960 : vector<16xf32>
        %add3A_962 = arith.constant 23 : i32
        %add3A_963 = arith.addi %mul3A_119, %add3A_962 : i32
        %get3A_964 = arith.index_cast %add3A_963 : i32 to index
        %get3A_965 = arith.constant 48 : index
        %get3A_966 = tpu.vector_load %arg10[%get3A_964, %get3A_965] {strides = array<i32>} : memref<128x128xf32, #tpu.memory_space<vmem>>, vector<1x16xf32>,
        %get3A_967 = vector.shape_cast %get3A_966 : vector<1x16xf32> to vector<16xf32>
        %max3A_968 = arith.maximumf %max3A_961, %get3A_967 : vector<16xf32>
        %add3A_969 = arith.constant 24 : i32
        %add3A_970 = arith.addi %mul3A_119, %add3A_969 : i32
        %get3A_971 = arith.index_cast %add3A_970 : i32 to index
        %get3A_972 = arith.constant 48 : index
        %get3A_973 = tpu.vector_load %arg10[%get3A_971, %get3A_972] {strides = array<i32>} : memref<128x128xf32, #tpu.memory_space<vmem>>, vector<1x16xf32>,
        %get3A_974 = vector.shape_cast %get3A_973 : vector<1x16xf32> to vector<16xf32>
        %max3A_975 = arith.maximumf %max3A_968, %get3A_974 : vector<16xf32>
        %add3A_976 = arith.constant 25 : i32
        %add3A_977 = arith.addi %mul3A_119, %add3A_976 : i32
        %get3A_978 = arith.index_cast %add3A_977 : i32 to index
        %get3A_979 = arith.constant 48 : index
        %get3A_980 = tpu.vector_load %arg10[%get3A_978, %get3A_979] {strides = array<i32>} : memref<128x128xf32, #tpu.memory_space<vmem>>, vector<1x16xf32>,
        %get3A_981 = vector.shape_cast %get3A_980 : vector<1x16xf32> to vector<16xf32>
        %max3A_982 = arith.maximumf %max3A_975, %get3A_981 : vector<16xf32>
        %add3A_983 = arith.constant 26 : i32
        %add3A_984 = arith.addi %mul3A_119, %add3A_983 : i32
        %get3A_985 = arith.index_cast %add3A_984 : i32 to index
        %get3A_986 = arith.constant 48 : index
        %get3A_987 = tpu.vector_load %arg10[%get3A_985, %get3A_986] {strides = array<i32>} : memref<128x128xf32, #tpu.memory_space<vmem>>, vector<1x16xf32>,
        %get3A_988 = vector.shape_cast %get3A_987 : vector<1x16xf32> to vector<16xf32>
        %max3A_989 = arith.maximumf %max3A_982, %get3A_988 : vector<16xf32>
        %add3A_990 = arith.constant 27 : i32
        %add3A_991 = arith.addi %mul3A_119, %add3A_990 : i32
        %get3A_992 = arith.index_cast %add3A_991 : i32 to index
        %get3A_993 = arith.constant 48 : index
        %get3A_994 = tpu.vector_load %arg10[%get3A_992, %get3A_993] {strides = array<i32>} : memref<128x128xf32, #tpu.memory_space<vmem>>, vector<1x16xf32>,
        %get3A_995 = vector.shape_cast %get3A_994 : vector<1x16xf32> to vector<16xf32>
        %max3A_996 = arith.maximumf %max3A_989, %get3A_995 : vector<16xf32>
        %add3A_997 = arith.constant 28 : i32
        %add3A_998 = arith.addi %mul3A_119, %add3A_997 : i32
        %get3A_999 = arith.index_cast %add3A_998 : i32 to index
        %get3A_1000 = arith.constant 48 : index
        %get3A_1001 = tpu.vector_load %arg10[%get3A_999, %get3A_1000] {strides = array<i32>} : memref<128x128xf32, #tpu.memory_space<vmem>>, vector<1x16xf32>,
        %get3A_1002 = vector.shape_cast %get3A_1001 : vector<1x16xf32> to vector<16xf32>
        %max3A_1003 = arith.maximumf %max3A_996, %get3A_1002 : vector<16xf32>
        %add3A_1004 = arith.constant 29 : i32
        %add3A_1005 = arith.addi %mul3A_119, %add3A_1004 : i32
        %get3A_1006 = arith.index_cast %add3A_1005 : i32 to index
        %get3A_1007 = arith.constant 48 : index
        %get3A_1008 = tpu.vector_load %arg10[%get3A_1006, %get3A_1007] {strides = array<i32>} : memref<128x128xf32, #tpu.memory_space<vmem>>, vector<1x16xf32>,
        %get3A_1009 = vector.shape_cast %get3A_1008 : vector<1x16xf32> to vector<16xf32>
        %max3A_1010 = arith.maximumf %max3A_1003, %get3A_1009 : vector<16xf32>
        %add3A_1011 = arith.constant 30 : i32
        %add3A_1012 = arith.addi %mul3A_119, %add3A_1011 : i32
        %get3A_1013 = arith.index_cast %add3A_1012 : i32 to index
        %get3A_1014 = arith.constant 48 : index
        %get3A_1015 = tpu.vector_load %arg10[%get3A_1013, %get3A_1014] {strides = array<i32>} : memref<128x128xf32, #tpu.memory_space<vmem>>, vector<1x16xf32>,
        %get3A_1016 = vector.shape_cast %get3A_1015 : vector<1x16xf32> to vector<16xf32>
        %max3A_1017 = arith.maximumf %max3A_1010, %get3A_1016 : vector<16xf32>
        %add3A_1018 = arith.constant 31 : i32
        %add3A_1019 = arith.addi %mul3A_119, %add3A_1018 : i32
        %get3A_1020 = arith.index_cast %add3A_1019 : i32 to index
        %get3A_1021 = arith.constant 48 : index
        %get3A_1022 = tpu.vector_load %arg10[%get3A_1020, %get3A_1021] {strides = array<i32>} : memref<128x128xf32, #tpu.memory_space<vmem>>, vector<1x16xf32>,
        %get3A_1023 = vector.shape_cast %get3A_1022 : vector<1x16xf32> to vector<16xf32>
        %max3A_1024 = arith.maximumf %max3A_1017, %get3A_1023 : vector<16xf32>
        %mul3A_1025 = arith.constant 4 : i32
        %mul3A_1026 = arith.muli %mul3A_65, %mul3A_1025 : i32
        %add3A_1027 = arith.addi %mul3A_1026, %scan3A_117 : i32
        %swap3A_1028 = arith.index_cast %add3A_1027 : i32 to index
        %swap3A_1029 = arith.constant 48 : index
        %swap3A_1030 = tpu.vector_load %arg13[%swap3A_1028, %swap3A_1029] {strides = array<i32>} : memref<192x128xf32, #tpu.memory_space<vmem>>, vector<1x16xf32>,
        %swap3A_1031 = vector.shape_cast %swap3A_1030 : vector<1x16xf32> to vector<16xf32>
        %swap3A_1032 = vector.shape_cast %max3A_1024 : vector<16xf32> to vector<1x16xf32>
        tpu.vector_store %arg13[%swap3A_1028, %swap3A_1029], %swap3A_1032 {strides = array<i32>} : memref<192x128xf32, #tpu.memory_space<vmem>>, vector<1x16xf32>,
        %get3A_1033 = arith.index_cast %mul3A_119 : i32 to index
        %get3A_1034 = arith.constant 64 : index
        %get3A_1035 = tpu.vector_load %arg10[%get3A_1033, %get3A_1034] {strides = array<i32>} : memref<128x128xf32, #tpu.memory_space<vmem>>, vector<1x16xf32>,
        %get3A_1036 = vector.shape_cast %get3A_1035 : vector<1x16xf32> to vector<16xf32>
        %add3A_1037 = arith.constant 1 : i32
        %add3A_1038 = arith.addi %mul3A_119, %add3A_1037 : i32
        %get3A_1039 = arith.index_cast %add3A_1038 : i32 to index
        %get3A_1040 = arith.constant 64 : index
        %get3A_1041 = tpu.vector_load %arg10[%get3A_1039, %get3A_1040] {strides = array<i32>} : memref<128x128xf32, #tpu.memory_space<vmem>>, vector<1x16xf32>,
        %get3A_1042 = vector.shape_cast %get3A_1041 : vector<1x16xf32> to vector<16xf32>
        %max3A_1043 = arith.maximumf %get3A_1036, %get3A_1042 : vector<16xf32>
        %add3A_1044 = arith.constant 2 : i32
        %add3A_1045 = arith.addi %mul3A_119, %add3A_1044 : i32
        %get3A_1046 = arith.index_cast %add3A_1045 : i32 to index
        %get3A_1047 = arith.constant 64 : index
        %get3A_1048 = tpu.vector_load %arg10[%get3A_1046, %get3A_1047] {strides = array<i32>} : memref<128x128xf32, #tpu.memory_space<vmem>>, vector<1x16xf32>,
        %get3A_1049 = vector.shape_cast %get3A_1048 : vector<1x16xf32> to vector<16xf32>
        %max3A_1050 = arith.maximumf %max3A_1043, %get3A_1049 : vector<16xf32>
        %add3A_1051 = arith.constant 3 : i32
        %add3A_1052 = arith.addi %mul3A_119, %add3A_1051 : i32
        %get3A_1053 = arith.index_cast %add3A_1052 : i32 to index
        %get3A_1054 = arith.constant 64 : index
        %get3A_1055 = tpu.vector_load %arg10[%get3A_1053, %get3A_1054] {strides = array<i32>} : memref<128x128xf32, #tpu.memory_space<vmem>>, vector<1x16xf32>,
        %get3A_1056 = vector.shape_cast %get3A_1055 : vector<1x16xf32> to vector<16xf32>
        %max3A_1057 = arith.maximumf %max3A_1050, %get3A_1056 : vector<16xf32>
        %add3A_1058 = arith.constant 4 : i32
        %add3A_1059 = arith.addi %mul3A_119, %add3A_1058 : i32
        %get3A_1060 = arith.index_cast %add3A_1059 : i32 to index
        %get3A_1061 = arith.constant 64 : index
        %get3A_1062 = tpu.vector_load %arg10[%get3A_1060, %get3A_1061] {strides = array<i32>} : memref<128x128xf32, #tpu.memory_space<vmem>>, vector<1x16xf32>,
        %get3A_1063 = vector.shape_cast %get3A_1062 : vector<1x16xf32> to vector<16xf32>
        %max3A_1064 = arith.maximumf %max3A_1057, %get3A_1063 : vector<16xf32>
        %add3A_1065 = arith.constant 5 : i32
        %add3A_1066 = arith.addi %mul3A_119, %add3A_1065 : i32
        %get3A_1067 = arith.index_cast %add3A_1066 : i32 to index
        %get3A_1068 = arith.constant 64 : index
        %get3A_1069 = tpu.vector_load %arg10[%get3A_1067, %get3A_1068] {strides = array<i32>} : memref<128x128xf32, #tpu.memory_space<vmem>>, vector<1x16xf32>,
        %get3A_1070 = vector.shape_cast %get3A_1069 : vector<1x16xf32> to vector<16xf32>
        %max3A_1071 = arith.maximumf %max3A_1064, %get3A_1070 : vector<16xf32>
        %add3A_1072 = arith.constant 6 : i32
        %add3A_1073 = arith.addi %mul3A_119, %add3A_1072 : i32
        %get3A_1074 = arith.index_cast %add3A_1073 : i32 to index
        %get3A_1075 = arith.constant 64 : index
        %get3A_1076 = tpu.vector_load %arg10[%get3A_1074, %get3A_1075] {strides = array<i32>} : memref<128x128xf32, #tpu.memory_space<vmem>>, vector<1x16xf32>,
        %get3A_1077 = vector.shape_cast %get3A_1076 : vector<1x16xf32> to vector<16xf32>
        %max3A_1078 = arith.maximumf %max3A_1071, %get3A_1077 : vector<16xf32>
        %add3A_1079 = arith.constant 7 : i32
        %add3A_1080 = arith.addi %mul3A_119, %add3A_1079 : i32
        %get3A_1081 = arith.index_cast %add3A_1080 : i32 to index
        %get3A_1082 = arith.constant 64 : index
        %get3A_1083 = tpu.vector_load %arg10[%get3A_1081, %get3A_1082] {strides = array<i32>} : memref<128x128xf32, #tpu.memory_space<vmem>>, vector<1x16xf32>,
        %get3A_1084 = vector.shape_cast %get3A_1083 : vector<1x16xf32> to vector<16xf32>
        %max3A_1085 = arith.maximumf %max3A_1078, %get3A_1084 : vector<16xf32>
        %add3A_1086 = arith.constant 8 : i32
        %add3A_1087 = arith.addi %mul3A_119, %add3A_1086 : i32
        %get3A_1088 = arith.index_cast %add3A_1087 : i32 to index
        %get3A_1089 = arith.constant 64 : index
        %get3A_1090 = tpu.vector_load %arg10[%get3A_1088, %get3A_1089] {strides = array<i32>} : memref<128x128xf32, #tpu.memory_space<vmem>>, vector<1x16xf32>,
        %get3A_1091 = vector.shape_cast %get3A_1090 : vector<1x16xf32> to vector<16xf32>
        %max3A_1092 = arith.maximumf %max3A_1085, %get3A_1091 : vector<16xf32>
        %add3A_1093 = arith.constant 9 : i32
        %add3A_1094 = arith.addi %mul3A_119, %add3A_1093 : i32
        %get3A_1095 = arith.index_cast %add3A_1094 : i32 to index
        %get3A_1096 = arith.constant 64 : index
        %get3A_1097 = tpu.vector_load %arg10[%get3A_1095, %get3A_1096] {strides = array<i32>} : memref<128x128xf32, #tpu.memory_space<vmem>>, vector<1x16xf32>,
        %get3A_1098 = vector.shape_cast %get3A_1097 : vector<1x16xf32> to vector<16xf32>
        %max3A_1099 = arith.maximumf %max3A_1092, %get3A_1098 : vector<16xf32>
        %add3A_1100 = arith.constant 10 : i32
        %add3A_1101 = arith.addi %mul3A_119, %add3A_1100 : i32
        %get3A_1102 = arith.index_cast %add3A_1101 : i32 to index
        %get3A_1103 = arith.constant 64 : index
        %get3A_1104 = tpu.vector_load %arg10[%get3A_1102, %get3A_1103] {strides = array<i32>} : memref<128x128xf32, #tpu.memory_space<vmem>>, vector<1x16xf32>,
        %get3A_1105 = vector.shape_cast %get3A_1104 : vector<1x16xf32> to vector<16xf32>
        %max3A_1106 = arith.maximumf %max3A_1099, %get3A_1105 : vector<16xf32>
        %add3A_1107 = arith.constant 11 : i32
        %add3A_1108 = arith.addi %mul3A_119, %add3A_1107 : i32
        %get3A_1109 = arith.index_cast %add3A_1108 : i32 to index
        %get3A_1110 = arith.constant 64 : index
        %get3A_1111 = tpu.vector_load %arg10[%get3A_1109, %get3A_1110] {strides = array<i32>} : memref<128x128xf32, #tpu.memory_space<vmem>>, vector<1x16xf32>,
        %get3A_1112 = vector.shape_cast %get3A_1111 : vector<1x16xf32> to vector<16xf32>
        %max3A_1113 = arith.maximumf %max3A_1106, %get3A_1112 : vector<16xf32>
        %add3A_1114 = arith.constant 12 : i32
        %add3A_1115 = arith.addi %mul3A_119, %add3A_1114 : i32
        %get3A_1116 = arith.index_cast %add3A_1115 : i32 to index
        %get3A_1117 = arith.constant 64 : index
        %get3A_1118 = tpu.vector_load %arg10[%get3A_1116, %get3A_1117] {strides = array<i32>} : memref<128x128xf32, #tpu.memory_space<vmem>>, vector<1x16xf32>,
        %get3A_1119 = vector.shape_cast %get3A_1118 : vector<1x16xf32> to vector<16xf32>
        %max3A_1120 = arith.maximumf %max3A_1113, %get3A_1119 : vector<16xf32>
        %add3A_1121 = arith.constant 13 : i32
        %add3A_1122 = arith.addi %mul3A_119, %add3A_1121 : i32
        %get3A_1123 = arith.index_cast %add3A_1122 : i32 to index
        %get3A_1124 = arith.constant 64 : index
        %get3A_1125 = tpu.vector_load %arg10[%get3A_1123, %get3A_1124] {strides = array<i32>} : memref<128x128xf32, #tpu.memory_space<vmem>>, vector<1x16xf32>,
        %get3A_1126 = vector.shape_cast %get3A_1125 : vector<1x16xf32> to vector<16xf32>
        %max3A_1127 = arith.maximumf %max3A_1120, %get3A_1126 : vector<16xf32>
        %add3A_1128 = arith.constant 14 : i32
        %add3A_1129 = arith.addi %mul3A_119, %add3A_1128 : i32
        %get3A_1130 = arith.index_cast %add3A_1129 : i32 to index
        %get3A_1131 = arith.constant 64 : index
        %get3A_1132 = tpu.vector_load %arg10[%get3A_1130, %get3A_1131] {strides = array<i32>} : memref<128x128xf32, #tpu.memory_space<vmem>>, vector<1x16xf32>,
        %get3A_1133 = vector.shape_cast %get3A_1132 : vector<1x16xf32> to vector<16xf32>
        %max3A_1134 = arith.maximumf %max3A_1127, %get3A_1133 : vector<16xf32>
        %add3A_1135 = arith.constant 15 : i32
        %add3A_1136 = arith.addi %mul3A_119, %add3A_1135 : i32
        %get3A_1137 = arith.index_cast %add3A_1136 : i32 to index
        %get3A_1138 = arith.constant 64 : index
        %get3A_1139 = tpu.vector_load %arg10[%get3A_1137, %get3A_1138] {strides = array<i32>} : memref<128x128xf32, #tpu.memory_space<vmem>>, vector<1x16xf32>,
        %get3A_1140 = vector.shape_cast %get3A_1139 : vector<1x16xf32> to vector<16xf32>
        %max3A_1141 = arith.maximumf %max3A_1134, %get3A_1140 : vector<16xf32>
        %add3A_1142 = arith.constant 16 : i32
        %add3A_1143 = arith.addi %mul3A_119, %add3A_1142 : i32
        %get3A_1144 = arith.index_cast %add3A_1143 : i32 to index
        %get3A_1145 = arith.constant 64 : index
        %get3A_1146 = tpu.vector_load %arg10[%get3A_1144, %get3A_1145] {strides = array<i32>} : memref<128x128xf32, #tpu.memory_space<vmem>>, vector<1x16xf32>,
        %get3A_1147 = vector.shape_cast %get3A_1146 : vector<1x16xf32> to vector<16xf32>
        %max3A_1148 = arith.maximumf %max3A_1141, %get3A_1147 : vector<16xf32>
        %add3A_1149 = arith.constant 17 : i32
        %add3A_1150 = arith.addi %mul3A_119, %add3A_1149 : i32
        %get3A_1151 = arith.index_cast %add3A_1150 : i32 to index
        %get3A_1152 = arith.constant 64 : index
        %get3A_1153 = tpu.vector_load %arg10[%get3A_1151, %get3A_1152] {strides = array<i32>} : memref<128x128xf32, #tpu.memory_space<vmem>>, vector<1x16xf32>,
        %get3A_1154 = vector.shape_cast %get3A_1153 : vector<1x16xf32> to vector<16xf32>
        %max3A_1155 = arith.maximumf %max3A_1148, %get3A_1154 : vector<16xf32>
        %add3A_1156 = arith.constant 18 : i32
        %add3A_1157 = arith.addi %mul3A_119, %add3A_1156 : i32
        %get3A_1158 = arith.index_cast %add3A_1157 : i32 to index
        %get3A_1159 = arith.constant 64 : index
        %get3A_1160 = tpu.vector_load %arg10[%get3A_1158, %get3A_1159] {strides = array<i32>} : memref<128x128xf32, #tpu.memory_space<vmem>>, vector<1x16xf32>,
        %get3A_1161 = vector.shape_cast %get3A_1160 : vector<1x16xf32> to vector<16xf32>
        %max3A_1162 = arith.maximumf %max3A_1155, %get3A_1161 : vector<16xf32>
        %add3A_1163 = arith.constant 19 : i32
        %add3A_1164 = arith.addi %mul3A_119, %add3A_1163 : i32
        %get3A_1165 = arith.index_cast %add3A_1164 : i32 to index
        %get3A_1166 = arith.constant 64 : index
        %get3A_1167 = tpu.vector_load %arg10[%get3A_1165, %get3A_1166] {strides = array<i32>} : memref<128x128xf32, #tpu.memory_space<vmem>>, vector<1x16xf32>,
        %get3A_1168 = vector.shape_cast %get3A_1167 : vector<1x16xf32> to vector<16xf32>
        %max3A_1169 = arith.maximumf %max3A_1162, %get3A_1168 : vector<16xf32>
        %add3A_1170 = arith.constant 20 : i32
        %add3A_1171 = arith.addi %mul3A_119, %add3A_1170 : i32
        %get3A_1172 = arith.index_cast %add3A_1171 : i32 to index
        %get3A_1173 = arith.constant 64 : index
        %get3A_1174 = tpu.vector_load %arg10[%get3A_1172, %get3A_1173] {strides = array<i32>} : memref<128x128xf32, #tpu.memory_space<vmem>>, vector<1x16xf32>,
        %get3A_1175 = vector.shape_cast %get3A_1174 : vector<1x16xf32> to vector<16xf32>
        %max3A_1176 = arith.maximumf %max3A_1169, %get3A_1175 : vector<16xf32>
        %add3A_1177 = arith.constant 21 : i32
        %add3A_1178 = arith.addi %mul3A_119, %add3A_1177 : i32
        %get3A_1179 = arith.index_cast %add3A_1178 : i32 to index
        %get3A_1180 = arith.constant 64 : index
        %get3A_1181 = tpu.vector_load %arg10[%get3A_1179, %get3A_1180] {strides = array<i32>} : memref<128x128xf32, #tpu.memory_space<vmem>>, vector<1x16xf32>,
        %get3A_1182 = vector.shape_cast %get3A_1181 : vector<1x16xf32> to vector<16xf32>
        %max3A_1183 = arith.maximumf %max3A_1176, %get3A_1182 : vector<16xf32>
        %add3A_1184 = arith.constant 22 : i32
        %add3A_1185 = arith.addi %mul3A_119, %add3A_1184 : i32
        %get3A_1186 = arith.index_cast %add3A_1185 : i32 to index
        %get3A_1187 = arith.constant 64 : index
        %get3A_1188 = tpu.vector_load %arg10[%get3A_1186, %get3A_1187] {strides = array<i32>} : memref<128x128xf32, #tpu.memory_space<vmem>>, vector<1x16xf32>,
        %get3A_1189 = vector.shape_cast %get3A_1188 : vector<1x16xf32> to vector<16xf32>
        %max3A_1190 = arith.maximumf %max3A_1183, %get3A_1189 : vector<16xf32>
        %add3A_1191 = arith.constant 23 : i32
        %add3A_1192 = arith.addi %mul3A_119, %add3A_1191 : i32
        %get3A_1193 = arith.index_cast %add3A_1192 : i32 to index
        %get3A_1194 = arith.constant 64 : index
        %get3A_1195 = tpu.vector_load %arg10[%get3A_1193, %get3A_1194] {strides = array<i32>} : memref<128x128xf32, #tpu.memory_space<vmem>>, vector<1x16xf32>,
        %get3A_1196 = vector.shape_cast %get3A_1195 : vector<1x16xf32> to vector<16xf32>
        %max3A_1197 = arith.maximumf %max3A_1190, %get3A_1196 : vector<16xf32>
        %add3A_1198 = arith.constant 24 : i32
        %add3A_1199 = arith.addi %mul3A_119, %add3A_1198 : i32
        %get3A_1200 = arith.index_cast %add3A_1199 : i32 to index
        %get3A_1201 = arith.constant 64 : index
        %get3A_1202 = tpu.vector_load %arg10[%get3A_1200, %get3A_1201] {strides = array<i32>} : memref<128x128xf32, #tpu.memory_space<vmem>>, vector<1x16xf32>,
        %get3A_1203 = vector.shape_cast %get3A_1202 : vector<1x16xf32> to vector<16xf32>
        %max3A_1204 = arith.maximumf %max3A_1197, %get3A_1203 : vector<16xf32>
        %add3A_1205 = arith.constant 25 : i32
        %add3A_1206 = arith.addi %mul3A_119, %add3A_1205 : i32
        %get3A_1207 = arith.index_cast %add3A_1206 : i32 to index
        %get3A_1208 = arith.constant 64 : index
        %get3A_1209 = tpu.vector_load %arg10[%get3A_1207, %get3A_1208] {strides = array<i32>} : memref<128x128xf32, #tpu.memory_space<vmem>>, vector<1x16xf32>,
        %get3A_1210 = vector.shape_cast %get3A_1209 : vector<1x16xf32> to vector<16xf32>
        %max3A_1211 = arith.maximumf %max3A_1204, %get3A_1210 : vector<16xf32>
        %add3A_1212 = arith.constant 26 : i32
        %add3A_1213 = arith.addi %mul3A_119, %add3A_1212 : i32
        %get3A_1214 = arith.index_cast %add3A_1213 : i32 to index
        %get3A_1215 = arith.constant 64 : index
        %get3A_1216 = tpu.vector_load %arg10[%get3A_1214, %get3A_1215] {strides = array<i32>} : memref<128x128xf32, #tpu.memory_space<vmem>>, vector<1x16xf32>,
        %get3A_1217 = vector.shape_cast %get3A_1216 : vector<1x16xf32> to vector<16xf32>
        %max3A_1218 = arith.maximumf %max3A_1211, %get3A_1217 : vector<16xf32>
        %add3A_1219 = arith.constant 27 : i32
        %add3A_1220 = arith.addi %mul3A_119, %add3A_1219 : i32
        %get3A_1221 = arith.index_cast %add3A_1220 : i32 to index
        %get3A_1222 = arith.constant 64 : index
        %get3A_1223 = tpu.vector_load %arg10[%get3A_1221, %get3A_1222] {strides = array<i32>} : memref<128x128xf32, #tpu.memory_space<vmem>>, vector<1x16xf32>,
        %get3A_1224 = vector.shape_cast %get3A_1223 : vector<1x16xf32> to vector<16xf32>
        %max3A_1225 = arith.maximumf %max3A_1218, %get3A_1224 : vector<16xf32>
        %add3A_1226 = arith.constant 28 : i32
        %add3A_1227 = arith.addi %mul3A_119, %add3A_1226 : i32
        %get3A_1228 = arith.index_cast %add3A_1227 : i32 to index
        %get3A_1229 = arith.constant 64 : index
        %get3A_1230 = tpu.vector_load %arg10[%get3A_1228, %get3A_1229] {strides = array<i32>} : memref<128x128xf32, #tpu.memory_space<vmem>>, vector<1x16xf32>,
        %get3A_1231 = vector.shape_cast %get3A_1230 : vector<1x16xf32> to vector<16xf32>
        %max3A_1232 = arith.maximumf %max3A_1225, %get3A_1231 : vector<16xf32>
        %add3A_1233 = arith.constant 29 : i32
        %add3A_1234 = arith.addi %mul3A_119, %add3A_1233 : i32
        %get3A_1235 = arith.index_cast %add3A_1234 : i32 to index
        %get3A_1236 = arith.constant 64 : index
        %get3A_1237 = tpu.vector_load %arg10[%get3A_1235, %get3A_1236] {strides = array<i32>} : memref<128x128xf32, #tpu.memory_space<vmem>>, vector<1x16xf32>,
        %get3A_1238 = vector.shape_cast %get3A_1237 : vector<1x16xf32> to vector<16xf32>
        %max3A_1239 = arith.maximumf %max3A_1232, %get3A_1238 : vector<16xf32>
        %add3A_1240 = arith.constant 30 : i32
        %add3A_1241 = arith.addi %mul3A_119, %add3A_1240 : i32
        %get3A_1242 = arith.index_cast %add3A_1241 : i32 to index
        %get3A_1243 = arith.constant 64 : index
        %get3A_1244 = tpu.vector_load %arg10[%get3A_1242, %get3A_1243] {strides = array<i32>} : memref<128x128xf32, #tpu.memory_space<vmem>>, vector<1x16xf32>,
        %get3A_1245 = vector.shape_cast %get3A_1244 : vector<1x16xf32> to vector<16xf32>
        %max3A_1246 = arith.maximumf %max3A_1239, %get3A_1245 : vector<16xf32>
        %add3A_1247 = arith.constant 31 : i32
        %add3A_1248 = arith.addi %mul3A_119, %add3A_1247 : i32
        %get3A_1249 = arith.index_cast %add3A_1248 : i32 to index
        %get3A_1250 = arith.constant 64 : index
        %get3A_1251 = tpu.vector_load %arg10[%get3A_1249, %get3A_1250] {strides = array<i32>} : memref<128x128xf32, #tpu.memory_space<vmem>>, vector<1x16xf32>,
        %get3A_1252 = vector.shape_cast %get3A_1251 : vector<1x16xf32> to vector<16xf32>
        %max3A_1253 = arith.maximumf %max3A_1246, %get3A_1252 : vector<16xf32>
        %mul3A_1254 = arith.constant 4 : i32
        %mul3A_1255 = arith.muli %mul3A_65, %mul3A_1254 : i32
        %add3A_1256 = arith.addi %mul3A_1255, %scan3A_117 : i32
        %swap3A_1257 = arith.index_cast %add3A_1256 : i32 to index
        %swap3A_1258 = arith.constant 64 : index
        %swap3A_1259 = tpu.vector_load %arg13[%swap3A_1257, %swap3A_1258] {strides = array<i32>} : memref<192x128xf32, #tpu.memory_space<vmem>>, vector<1x16xf32>,
        %swap3A_1260 = vector.shape_cast %swap3A_1259 : vector<1x16xf32> to vector<16xf32>
        %swap3A_1261 = vector.shape_cast %max3A_1253 : vector<16xf32> to vector<1x16xf32>
        tpu.vector_store %arg13[%swap3A_1257, %swap3A_1258], %swap3A_1261 {strides = array<i32>} : memref<192x128xf32, #tpu.memory_space<vmem>>, vector<1x16xf32>,
        %get3A_1262 = arith.index_cast %mul3A_119 : i32 to index
        %get3A_1263 = arith.constant 80 : index
        %get3A_1264 = tpu.vector_load %arg10[%get3A_1262, %get3A_1263] {strides = array<i32>} : memref<128x128xf32, #tpu.memory_space<vmem>>, vector<1x16xf32>,
        %get3A_1265 = vector.shape_cast %get3A_1264 : vector<1x16xf32> to vector<16xf32>
        %add3A_1266 = arith.constant 1 : i32
        %add3A_1267 = arith.addi %mul3A_119, %add3A_1266 : i32
        %get3A_1268 = arith.index_cast %add3A_1267 : i32 to index
        %get3A_1269 = arith.constant 80 : index
        %get3A_1270 = tpu.vector_load %arg10[%get3A_1268, %get3A_1269] {strides = array<i32>} : memref<128x128xf32, #tpu.memory_space<vmem>>, vector<1x16xf32>,
        %get3A_1271 = vector.shape_cast %get3A_1270 : vector<1x16xf32> to vector<16xf32>
        %max3A_1272 = arith.maximumf %get3A_1265, %get3A_1271 : vector<16xf32>
        %add3A_1273 = arith.constant 2 : i32
        %add3A_1274 = arith.addi %mul3A_119, %add3A_1273 : i32
        %get3A_1275 = arith.index_cast %add3A_1274 : i32 to index
        %get3A_1276 = arith.constant 80 : index
        %get3A_1277 = tpu.vector_load %arg10[%get3A_1275, %get3A_1276] {strides = array<i32>} : memref<128x128xf32, #tpu.memory_space<vmem>>, vector<1x16xf32>,
        %get3A_1278 = vector.shape_cast %get3A_1277 : vector<1x16xf32> to vector<16xf32>
        %max3A_1279 = arith.maximumf %max3A_1272, %get3A_1278 : vector<16xf32>
        %add3A_1280 = arith.constant 3 : i32
        %add3A_1281 = arith.addi %mul3A_119, %add3A_1280 : i32
        %get3A_1282 = arith.index_cast %add3A_1281 : i32 to index
        %get3A_1283 = arith.constant 80 : index
        %get3A_1284 = tpu.vector_load %arg10[%get3A_1282, %get3A_1283] {strides = array<i32>} : memref<128x128xf32, #tpu.memory_space<vmem>>, vector<1x16xf32>,
        %get3A_1285 = vector.shape_cast %get3A_1284 : vector<1x16xf32> to vector<16xf32>
        %max3A_1286 = arith.maximumf %max3A_1279, %get3A_1285 : vector<16xf32>
        %add3A_1287 = arith.constant 4 : i32
        %add3A_1288 = arith.addi %mul3A_119, %add3A_1287 : i32
        %get3A_1289 = arith.index_cast %add3A_1288 : i32 to index
        %get3A_1290 = arith.constant 80 : index
        %get3A_1291 = tpu.vector_load %arg10[%get3A_1289, %get3A_1290] {strides = array<i32>} : memref<128x128xf32, #tpu.memory_space<vmem>>, vector<1x16xf32>,
        %get3A_1292 = vector.shape_cast %get3A_1291 : vector<1x16xf32> to vector<16xf32>
        %max3A_1293 = arith.maximumf %max3A_1286, %get3A_1292 : vector<16xf32>
        %add3A_1294 = arith.constant 5 : i32
        %add3A_1295 = arith.addi %mul3A_119, %add3A_1294 : i32
        %get3A_1296 = arith.index_cast %add3A_1295 : i32 to index
        %get3A_1297 = arith.constant 80 : index
        %get3A_1298 = tpu.vector_load %arg10[%get3A_1296, %get3A_1297] {strides = array<i32>} : memref<128x128xf32, #tpu.memory_space<vmem>>, vector<1x16xf32>,
        %get3A_1299 = vector.shape_cast %get3A_1298 : vector<1x16xf32> to vector<16xf32>
        %max3A_1300 = arith.maximumf %max3A_1293, %get3A_1299 : vector<16xf32>
        %add3A_1301 = arith.constant 6 : i32
        %add3A_1302 = arith.addi %mul3A_119, %add3A_1301 : i32
        %get3A_1303 = arith.index_cast %add3A_1302 : i32 to index
        %get3A_1304 = arith.constant 80 : index
        %get3A_1305 = tpu.vector_load %arg10[%get3A_1303, %get3A_1304] {strides = array<i32>} : memref<128x128xf32, #tpu.memory_space<vmem>>, vector<1x16xf32>,
        %get3A_1306 = vector.shape_cast %get3A_1305 : vector<1x16xf32> to vector<16xf32>
        %max3A_1307 = arith.maximumf %max3A_1300, %get3A_1306 : vector<16xf32>
        %add3A_1308 = arith.constant 7 : i32
        %add3A_1309 = arith.addi %mul3A_119, %add3A_1308 : i32
        %get3A_1310 = arith.index_cast %add3A_1309 : i32 to index
        %get3A_1311 = arith.constant 80 : index
        %get3A_1312 = tpu.vector_load %arg10[%get3A_1310, %get3A_1311] {strides = array<i32>} : memref<128x128xf32, #tpu.memory_space<vmem>>, vector<1x16xf32>,
        %get3A_1313 = vector.shape_cast %get3A_1312 : vector<1x16xf32> to vector<16xf32>
        %max3A_1314 = arith.maximumf %max3A_1307, %get3A_1313 : vector<16xf32>
        %add3A_1315 = arith.constant 8 : i32
        %add3A_1316 = arith.addi %mul3A_119, %add3A_1315 : i32
        %get3A_1317 = arith.index_cast %add3A_1316 : i32 to index
        %get3A_1318 = arith.constant 80 : index
        %get3A_1319 = tpu.vector_load %arg10[%get3A_1317, %get3A_1318] {strides = array<i32>} : memref<128x128xf32, #tpu.memory_space<vmem>>, vector<1x16xf32>,
        %get3A_1320 = vector.shape_cast %get3A_1319 : vector<1x16xf32> to vector<16xf32>
        %max3A_1321 = arith.maximumf %max3A_1314, %get3A_1320 : vector<16xf32>
        %add3A_1322 = arith.constant 9 : i32
        %add3A_1323 = arith.addi %mul3A_119, %add3A_1322 : i32
        %get3A_1324 = arith.index_cast %add3A_1323 : i32 to index
        %get3A_1325 = arith.constant 80 : index
        %get3A_1326 = tpu.vector_load %arg10[%get3A_1324, %get3A_1325] {strides = array<i32>} : memref<128x128xf32, #tpu.memory_space<vmem>>, vector<1x16xf32>,
        %get3A_1327 = vector.shape_cast %get3A_1326 : vector<1x16xf32> to vector<16xf32>
        %max3A_1328 = arith.maximumf %max3A_1321, %get3A_1327 : vector<16xf32>
        %add3A_1329 = arith.constant 10 : i32
        %add3A_1330 = arith.addi %mul3A_119, %add3A_1329 : i32
        %get3A_1331 = arith.index_cast %add3A_1330 : i32 to index
        %get3A_1332 = arith.constant 80 : index
        %get3A_1333 = tpu.vector_load %arg10[%get3A_1331, %get3A_1332] {strides = array<i32>} : memref<128x128xf32, #tpu.memory_space<vmem>>, vector<1x16xf32>,
        %get3A_1334 = vector.shape_cast %get3A_1333 : vector<1x16xf32> to vector<16xf32>
        %max3A_1335 = arith.maximumf %max3A_1328, %get3A_1334 : vector<16xf32>
        %add3A_1336 = arith.constant 11 : i32
        %add3A_1337 = arith.addi %mul3A_119, %add3A_1336 : i32
        %get3A_1338 = arith.index_cast %add3A_1337 : i32 to index
        %get3A_1339 = arith.constant 80 : index
        %get3A_1340 = tpu.vector_load %arg10[%get3A_1338, %get3A_1339] {strides = array<i32>} : memref<128x128xf32, #tpu.memory_space<vmem>>, vector<1x16xf32>,
        %get3A_1341 = vector.shape_cast %get3A_1340 : vector<1x16xf32> to vector<16xf32>
        %max3A_1342 = arith.maximumf %max3A_1335, %get3A_1341 : vector<16xf32>
        %add3A_1343 = arith.constant 12 : i32
        %add3A_1344 = arith.addi %mul3A_119, %add3A_1343 : i32
        %get3A_1345 = arith.index_cast %add3A_1344 : i32 to index
        %get3A_1346 = arith.constant 80 : index
        %get3A_1347 = tpu.vector_load %arg10[%get3A_1345, %get3A_1346] {strides = array<i32>} : memref<128x128xf32, #tpu.memory_space<vmem>>, vector<1x16xf32>,
        %get3A_1348 = vector.shape_cast %get3A_1347 : vector<1x16xf32> to vector<16xf32>
        %max3A_1349 = arith.maximumf %max3A_1342, %get3A_1348 : vector<16xf32>
        %add3A_1350 = arith.constant 13 : i32
        %add3A_1351 = arith.addi %mul3A_119, %add3A_1350 : i32
        %get3A_1352 = arith.index_cast %add3A_1351 : i32 to index
        %get3A_1353 = arith.constant 80 : index
        %get3A_1354 = tpu.vector_load %arg10[%get3A_1352, %get3A_1353] {strides = array<i32>} : memref<128x128xf32, #tpu.memory_space<vmem>>, vector<1x16xf32>,
        %get3A_1355 = vector.shape_cast %get3A_1354 : vector<1x16xf32> to vector<16xf32>
        %max3A_1356 = arith.maximumf %max3A_1349, %get3A_1355 : vector<16xf32>
        %add3A_1357 = arith.constant 14 : i32
        %add3A_1358 = arith.addi %mul3A_119, %add3A_1357 : i32
        %get3A_1359 = arith.index_cast %add3A_1358 : i32 to index
        %get3A_1360 = arith.constant 80 : index
        %get3A_1361 = tpu.vector_load %arg10[%get3A_1359, %get3A_1360] {strides = array<i32>} : memref<128x128xf32, #tpu.memory_space<vmem>>, vector<1x16xf32>,
        %get3A_1362 = vector.shape_cast %get3A_1361 : vector<1x16xf32> to vector<16xf32>
        %max3A_1363 = arith.maximumf %max3A_1356, %get3A_1362 : vector<16xf32>
        %add3A_1364 = arith.constant 15 : i32
        %add3A_1365 = arith.addi %mul3A_119, %add3A_1364 : i32
        %get3A_1366 = arith.index_cast %add3A_1365 : i32 to index
        %get3A_1367 = arith.constant 80 : index
        %get3A_1368 = tpu.vector_load %arg10[%get3A_1366, %get3A_1367] {strides = array<i32>} : memref<128x128xf32, #tpu.memory_space<vmem>>, vector<1x16xf32>,
        %get3A_1369 = vector.shape_cast %get3A_1368 : vector<1x16xf32> to vector<16xf32>
        %max3A_1370 = arith.maximumf %max3A_1363, %get3A_1369 : vector<16xf32>
        %add3A_1371 = arith.constant 16 : i32
        %add3A_1372 = arith.addi %mul3A_119, %add3A_1371 : i32
        %get3A_1373 = arith.index_cast %add3A_1372 : i32 to index
        %get3A_1374 = arith.constant 80 : index
        %get3A_1375 = tpu.vector_load %arg10[%get3A_1373, %get3A_1374] {strides = array<i32>} : memref<128x128xf32, #tpu.memory_space<vmem>>, vector<1x16xf32>,
        %get3A_1376 = vector.shape_cast %get3A_1375 : vector<1x16xf32> to vector<16xf32>
        %max3A_1377 = arith.maximumf %max3A_1370, %get3A_1376 : vector<16xf32>
        %add3A_1378 = arith.constant 17 : i32
        %add3A_1379 = arith.addi %mul3A_119, %add3A_1378 : i32
        %get3A_1380 = arith.index_cast %add3A_1379 : i32 to index
        %get3A_1381 = arith.constant 80 : index
        %get3A_1382 = tpu.vector_load %arg10[%get3A_1380, %get3A_1381] {strides = array<i32>} : memref<128x128xf32, #tpu.memory_space<vmem>>, vector<1x16xf32>,
        %get3A_1383 = vector.shape_cast %get3A_1382 : vector<1x16xf32> to vector<16xf32>
        %max3A_1384 = arith.maximumf %max3A_1377, %get3A_1383 : vector<16xf32>
        %add3A_1385 = arith.constant 18 : i32
        %add3A_1386 = arith.addi %mul3A_119, %add3A_1385 : i32
        %get3A_1387 = arith.index_cast %add3A_1386 : i32 to index
        %get3A_1388 = arith.constant 80 : index
        %get3A_1389 = tpu.vector_load %arg10[%get3A_1387, %get3A_1388] {strides = array<i32>} : memref<128x128xf32, #tpu.memory_space<vmem>>, vector<1x16xf32>,
        %get3A_1390 = vector.shape_cast %get3A_1389 : vector<1x16xf32> to vector<16xf32>
        %max3A_1391 = arith.maximumf %max3A_1384, %get3A_1390 : vector<16xf32>
        %add3A_1392 = arith.constant 19 : i32
        %add3A_1393 = arith.addi %mul3A_119, %add3A_1392 : i32
        %get3A_1394 = arith.index_cast %add3A_1393 : i32 to index
        %get3A_1395 = arith.constant 80 : index
        %get3A_1396 = tpu.vector_load %arg10[%get3A_1394, %get3A_1395] {strides = array<i32>} : memref<128x128xf32, #tpu.memory_space<vmem>>, vector<1x16xf32>,
        %get3A_1397 = vector.shape_cast %get3A_1396 : vector<1x16xf32> to vector<16xf32>
        %max3A_1398 = arith.maximumf %max3A_1391, %get3A_1397 : vector<16xf32>
        %add3A_1399 = arith.constant 20 : i32
        %add3A_1400 = arith.addi %mul3A_119, %add3A_1399 : i32
        %get3A_1401 = arith.index_cast %add3A_1400 : i32 to index
        %get3A_1402 = arith.constant 80 : index
        %get3A_1403 = tpu.vector_load %arg10[%get3A_1401, %get3A_1402] {strides = array<i32>} : memref<128x128xf32, #tpu.memory_space<vmem>>, vector<1x16xf32>,
        %get3A_1404 = vector.shape_cast %get3A_1403 : vector<1x16xf32> to vector<16xf32>
        %max3A_1405 = arith.maximumf %max3A_1398, %get3A_1404 : vector<16xf32>
        %add3A_1406 = arith.constant 21 : i32
        %add3A_1407 = arith.addi %mul3A_119, %add3A_1406 : i32
        %get3A_1408 = arith.index_cast %add3A_1407 : i32 to index
        %get3A_1409 = arith.constant 80 : index
        %get3A_1410 = tpu.vector_load %arg10[%get3A_1408, %get3A_1409] {strides = array<i32>} : memref<128x128xf32, #tpu.memory_space<vmem>>, vector<1x16xf32>,
        %get3A_1411 = vector.shape_cast %get3A_1410 : vector<1x16xf32> to vector<16xf32>
        %max3A_1412 = arith.maximumf %max3A_1405, %get3A_1411 : vector<16xf32>
        %add3A_1413 = arith.constant 22 : i32
        %add3A_1414 = arith.addi %mul3A_119, %add3A_1413 : i32
        %get3A_1415 = arith.index_cast %add3A_1414 : i32 to index
        %get3A_1416 = arith.constant 80 : index
        %get3A_1417 = tpu.vector_load %arg10[%get3A_1415, %get3A_1416] {strides = array<i32>} : memref<128x128xf32, #tpu.memory_space<vmem>>, vector<1x16xf32>,
        %get3A_1418 = vector.shape_cast %get3A_1417 : vector<1x16xf32> to vector<16xf32>
        %max3A_1419 = arith.maximumf %max3A_1412, %get3A_1418 : vector<16xf32>
        %add3A_1420 = arith.constant 23 : i32
        %add3A_1421 = arith.addi %mul3A_119, %add3A_1420 : i32
        %get3A_1422 = arith.index_cast %add3A_1421 : i32 to index
        %get3A_1423 = arith.constant 80 : index
        %get3A_1424 = tpu.vector_load %arg10[%get3A_1422, %get3A_1423] {strides = array<i32>} : memref<128x128xf32, #tpu.memory_space<vmem>>, vector<1x16xf32>,
        %get3A_1425 = vector.shape_cast %get3A_1424 : vector<1x16xf32> to vector<16xf32>
        %max3A_1426 = arith.maximumf %max3A_1419, %get3A_1425 : vector<16xf32>
        %add3A_1427 = arith.constant 24 : i32
        %add3A_1428 = arith.addi %mul3A_119, %add3A_1427 : i32
        %get3A_1429 = arith.index_cast %add3A_1428 : i32 to index
        %get3A_1430 = arith.constant 80 : index
        %get3A_1431 = tpu.vector_load %arg10[%get3A_1429, %get3A_1430] {strides = array<i32>} : memref<128x128xf32, #tpu.memory_space<vmem>>, vector<1x16xf32>,
        %get3A_1432 = vector.shape_cast %get3A_1431 : vector<1x16xf32> to vector<16xf32>
        %max3A_1433 = arith.maximumf %max3A_1426, %get3A_1432 : vector<16xf32>
        %add3A_1434 = arith.constant 25 : i32
        %add3A_1435 = arith.addi %mul3A_119, %add3A_1434 : i32
        %get3A_1436 = arith.index_cast %add3A_1435 : i32 to index
        %get3A_1437 = arith.constant 80 : index
        %get3A_1438 = tpu.vector_load %arg10[%get3A_1436, %get3A_1437] {strides = array<i32>} : memref<128x128xf32, #tpu.memory_space<vmem>>, vector<1x16xf32>,
        %get3A_1439 = vector.shape_cast %get3A_1438 : vector<1x16xf32> to vector<16xf32>
        %max3A_1440 = arith.maximumf %max3A_1433, %get3A_1439 : vector<16xf32>
        %add3A_1441 = arith.constant 26 : i32
        %add3A_1442 = arith.addi %mul3A_119, %add3A_1441 : i32
        %get3A_1443 = arith.index_cast %add3A_1442 : i32 to index
        %get3A_1444 = arith.constant 80 : index
        %get3A_1445 = tpu.vector_load %arg10[%get3A_1443, %get3A_1444] {strides = array<i32>} : memref<128x128xf32, #tpu.memory_space<vmem>>, vector<1x16xf32>,
        %get3A_1446 = vector.shape_cast %get3A_1445 : vector<1x16xf32> to vector<16xf32>
        %max3A_1447 = arith.maximumf %max3A_1440, %get3A_1446 : vector<16xf32>
        %add3A_1448 = arith.constant 27 : i32
        %add3A_1449 = arith.addi %mul3A_119, %add3A_1448 : i32
        %get3A_1450 = arith.index_cast %add3A_1449 : i32 to index
        %get3A_1451 = arith.constant 80 : index
        %get3A_1452 = tpu.vector_load %arg10[%get3A_1450, %get3A_1451] {strides = array<i32>} : memref<128x128xf32, #tpu.memory_space<vmem>>, vector<1x16xf32>,
        %get3A_1453 = vector.shape_cast %get3A_1452 : vector<1x16xf32> to vector<16xf32>
        %max3A_1454 = arith.maximumf %max3A_1447, %get3A_1453 : vector<16xf32>
        %add3A_1455 = arith.constant 28 : i32
        %add3A_1456 = arith.addi %mul3A_119, %add3A_1455 : i32
        %get3A_1457 = arith.index_cast %add3A_1456 : i32 to index
        %get3A_1458 = arith.constant 80 : index
        %get3A_1459 = tpu.vector_load %arg10[%get3A_1457, %get3A_1458] {strides = array<i32>} : memref<128x128xf32, #tpu.memory_space<vmem>>, vector<1x16xf32>,
        %get3A_1460 = vector.shape_cast %get3A_1459 : vector<1x16xf32> to vector<16xf32>
        %max3A_1461 = arith.maximumf %max3A_1454, %get3A_1460 : vector<16xf32>
        %add3A_1462 = arith.constant 29 : i32
        %add3A_1463 = arith.addi %mul3A_119, %add3A_1462 : i32
        %get3A_1464 = arith.index_cast %add3A_1463 : i32 to index
        %get3A_1465 = arith.constant 80 : index
        %get3A_1466 = tpu.vector_load %arg10[%get3A_1464, %get3A_1465] {strides = array<i32>} : memref<128x128xf32, #tpu.memory_space<vmem>>, vector<1x16xf32>,
        %get3A_1467 = vector.shape_cast %get3A_1466 : vector<1x16xf32> to vector<16xf32>
        %max3A_1468 = arith.maximumf %max3A_1461, %get3A_1467 : vector<16xf32>
        %add3A_1469 = arith.constant 30 : i32
        %add3A_1470 = arith.addi %mul3A_119, %add3A_1469 : i32
        %get3A_1471 = arith.index_cast %add3A_1470 : i32 to index
        %get3A_1472 = arith.constant 80 : index
        %get3A_1473 = tpu.vector_load %arg10[%get3A_1471, %get3A_1472] {strides = array<i32>} : memref<128x128xf32, #tpu.memory_space<vmem>>, vector<1x16xf32>,
        %get3A_1474 = vector.shape_cast %get3A_1473 : vector<1x16xf32> to vector<16xf32>
        %max3A_1475 = arith.maximumf %max3A_1468, %get3A_1474 : vector<16xf32>
        %add3A_1476 = arith.constant 31 : i32
        %add3A_1477 = arith.addi %mul3A_119, %add3A_1476 : i32
        %get3A_1478 = arith.index_cast %add3A_1477 : i32 to index
        %get3A_1479 = arith.constant 80 : index
        %get3A_1480 = tpu.vector_load %arg10[%get3A_1478, %get3A_1479] {strides = array<i32>} : memref<128x128xf32, #tpu.memory_space<vmem>>, vector<1x16xf32>,
        %get3A_1481 = vector.shape_cast %get3A_1480 : vector<1x16xf32> to vector<16xf32>
        %max3A_1482 = arith.maximumf %max3A_1475, %get3A_1481 : vector<16xf32>
        %mul3A_1483 = arith.constant 4 : i32
        %mul3A_1484 = arith.muli %mul3A_65, %mul3A_1483 : i32
        %add3A_1485 = arith.addi %mul3A_1484, %scan3A_117 : i32
        %swap3A_1486 = arith.index_cast %add3A_1485 : i32 to index
        %swap3A_1487 = arith.constant 80 : index
        %swap3A_1488 = tpu.vector_load %arg13[%swap3A_1486, %swap3A_1487] {strides = array<i32>} : memref<192x128xf32, #tpu.memory_space<vmem>>, vector<1x16xf32>,
        %swap3A_1489 = vector.shape_cast %swap3A_1488 : vector<1x16xf32> to vector<16xf32>
        %swap3A_1490 = vector.shape_cast %max3A_1482 : vector<16xf32> to vector<1x16xf32>
        tpu.vector_store %arg13[%swap3A_1486, %swap3A_1487], %swap3A_1490 {strides = array<i32>} : memref<192x128xf32, #tpu.memory_space<vmem>>, vector<1x16xf32>,
        %get3A_1491 = arith.index_cast %mul3A_119 : i32 to index
        %get3A_1492 = arith.constant 96 : index
        %get3A_1493 = tpu.vector_load %arg10[%get3A_1491, %get3A_1492] {strides = array<i32>} : memref<128x128xf32, #tpu.memory_space<vmem>>, vector<1x16xf32>,
        %get3A_1494 = vector.shape_cast %get3A_1493 : vector<1x16xf32> to vector<16xf32>
        %add3A_1495 = arith.constant 1 : i32
        %add3A_1496 = arith.addi %mul3A_119, %add3A_1495 : i32
        %get3A_1497 = arith.index_cast %add3A_1496 : i32 to index
        %get3A_1498 = arith.constant 96 : index
        %get3A_1499 = tpu.vector_load %arg10[%get3A_1497, %get3A_1498] {strides = array<i32>} : memref<128x128xf32, #tpu.memory_space<vmem>>, vector<1x16xf32>,
        %get3A_1500 = vector.shape_cast %get3A_1499 : vector<1x16xf32> to vector<16xf32>
        %max3A_1501 = arith.maximumf %get3A_1494, %get3A_1500 : vector<16xf32>
        %add3A_1502 = arith.constant 2 : i32
        %add3A_1503 = arith.addi %mul3A_119, %add3A_1502 : i32
        %get3A_1504 = arith.index_cast %add3A_1503 : i32 to index
        %get3A_1505 = arith.constant 96 : index
        %get3A_1506 = tpu.vector_load %arg10[%get3A_1504, %get3A_1505] {strides = array<i32>} : memref<128x128xf32, #tpu.memory_space<vmem>>, vector<1x16xf32>,
        %get3A_1507 = vector.shape_cast %get3A_1506 : vector<1x16xf32> to vector<16xf32>
        %max3A_1508 = arith.maximumf %max3A_1501, %get3A_1507 : vector<16xf32>
        %add3A_1509 = arith.constant 3 : i32
        %add3A_1510 = arith.addi %mul3A_119, %add3A_1509 : i32
        %get3A_1511 = arith.index_cast %add3A_1510 : i32 to index
        %get3A_1512 = arith.constant 96 : index
        %get3A_1513 = tpu.vector_load %arg10[%get3A_1511, %get3A_1512] {strides = array<i32>} : memref<128x128xf32, #tpu.memory_space<vmem>>, vector<1x16xf32>,
        %get3A_1514 = vector.shape_cast %get3A_1513 : vector<1x16xf32> to vector<16xf32>
        %max3A_1515 = arith.maximumf %max3A_1508, %get3A_1514 : vector<16xf32>
        %add3A_1516 = arith.constant 4 : i32
        %add3A_1517 = arith.addi %mul3A_119, %add3A_1516 : i32
        %get3A_1518 = arith.index_cast %add3A_1517 : i32 to index
        %get3A_1519 = arith.constant 96 : index
        %get3A_1520 = tpu.vector_load %arg10[%get3A_1518, %get3A_1519] {strides = array<i32>} : memref<128x128xf32, #tpu.memory_space<vmem>>, vector<1x16xf32>,
        %get3A_1521 = vector.shape_cast %get3A_1520 : vector<1x16xf32> to vector<16xf32>
        %max3A_1522 = arith.maximumf %max3A_1515, %get3A_1521 : vector<16xf32>
        %add3A_1523 = arith.constant 5 : i32
        %add3A_1524 = arith.addi %mul3A_119, %add3A_1523 : i32
        %get3A_1525 = arith.index_cast %add3A_1524 : i32 to index
        %get3A_1526 = arith.constant 96 : index
        %get3A_1527 = tpu.vector_load %arg10[%get3A_1525, %get3A_1526] {strides = array<i32>} : memref<128x128xf32, #tpu.memory_space<vmem>>, vector<1x16xf32>,
        %get3A_1528 = vector.shape_cast %get3A_1527 : vector<1x16xf32> to vector<16xf32>
        %max3A_1529 = arith.maximumf %max3A_1522, %get3A_1528 : vector<16xf32>
        %add3A_1530 = arith.constant 6 : i32
        %add3A_1531 = arith.addi %mul3A_119, %add3A_1530 : i32
        %get3A_1532 = arith.index_cast %add3A_1531 : i32 to index
        %get3A_1533 = arith.constant 96 : index
        %get3A_1534 = tpu.vector_load %arg10[%get3A_1532, %get3A_1533] {strides = array<i32>} : memref<128x128xf32, #tpu.memory_space<vmem>>, vector<1x16xf32>,
        %get3A_1535 = vector.shape_cast %get3A_1534 : vector<1x16xf32> to vector<16xf32>
        %max3A_1536 = arith.maximumf %max3A_1529, %get3A_1535 : vector<16xf32>
        %add3A_1537 = arith.constant 7 : i32
        %add3A_1538 = arith.addi %mul3A_119, %add3A_1537 : i32
        %get3A_1539 = arith.index_cast %add3A_1538 : i32 to index
        %get3A_1540 = arith.constant 96 : index
        %get3A_1541 = tpu.vector_load %arg10[%get3A_1539, %get3A_1540] {strides = array<i32>} : memref<128x128xf32, #tpu.memory_space<vmem>>, vector<1x16xf32>,
        %get3A_1542 = vector.shape_cast %get3A_1541 : vector<1x16xf32> to vector<16xf32>
        %max3A_1543 = arith.maximumf %max3A_1536, %get3A_1542 : vector<16xf32>
        %add3A_1544 = arith.constant 8 : i32
        %add3A_1545 = arith.addi %mul3A_119, %add3A_1544 : i32
        %get3A_1546 = arith.index_cast %add3A_1545 : i32 to index
        %get3A_1547 = arith.constant 96 : index
        %get3A_1548 = tpu.vector_load %arg10[%get3A_1546, %get3A_1547] {strides = array<i32>} : memref<128x128xf32, #tpu.memory_space<vmem>>, vector<1x16xf32>,
        %get3A_1549 = vector.shape_cast %get3A_1548 : vector<1x16xf32> to vector<16xf32>
        %max3A_1550 = arith.maximumf %max3A_1543, %get3A_1549 : vector<16xf32>
        %add3A_1551 = arith.constant 9 : i32
        %add3A_1552 = arith.addi %mul3A_119, %add3A_1551 : i32
        %get3A_1553 = arith.index_cast %add3A_1552 : i32 to index
        %get3A_1554 = arith.constant 96 : index
        %get3A_1555 = tpu.vector_load %arg10[%get3A_1553, %get3A_1554] {strides = array<i32>} : memref<128x128xf32, #tpu.memory_space<vmem>>, vector<1x16xf32>,
        %get3A_1556 = vector.shape_cast %get3A_1555 : vector<1x16xf32> to vector<16xf32>
        %max3A_1557 = arith.maximumf %max3A_1550, %get3A_1556 : vector<16xf32>
        %add3A_1558 = arith.constant 10 : i32
        %add3A_1559 = arith.addi %mul3A_119, %add3A_1558 : i32
        %get3A_1560 = arith.index_cast %add3A_1559 : i32 to index
        %get3A_1561 = arith.constant 96 : index
        %get3A_1562 = tpu.vector_load %arg10[%get3A_1560, %get3A_1561] {strides = array<i32>} : memref<128x128xf32, #tpu.memory_space<vmem>>, vector<1x16xf32>,
        %get3A_1563 = vector.shape_cast %get3A_1562 : vector<1x16xf32> to vector<16xf32>
        %max3A_1564 = arith.maximumf %max3A_1557, %get3A_1563 : vector<16xf32>
        %add3A_1565 = arith.constant 11 : i32
        %add3A_1566 = arith.addi %mul3A_119, %add3A_1565 : i32
        %get3A_1567 = arith.index_cast %add3A_1566 : i32 to index
        %get3A_1568 = arith.constant 96 : index
        %get3A_1569 = tpu.vector_load %arg10[%get3A_1567, %get3A_1568] {strides = array<i32>} : memref<128x128xf32, #tpu.memory_space<vmem>>, vector<1x16xf32>,
        %get3A_1570 = vector.shape_cast %get3A_1569 : vector<1x16xf32> to vector<16xf32>
        %max3A_1571 = arith.maximumf %max3A_1564, %get3A_1570 : vector<16xf32>
        %add3A_1572 = arith.constant 12 : i32
        %add3A_1573 = arith.addi %mul3A_119, %add3A_1572 : i32
        %get3A_1574 = arith.index_cast %add3A_1573 : i32 to index
        %get3A_1575 = arith.constant 96 : index
        %get3A_1576 = tpu.vector_load %arg10[%get3A_1574, %get3A_1575] {strides = array<i32>} : memref<128x128xf32, #tpu.memory_space<vmem>>, vector<1x16xf32>,
        %get3A_1577 = vector.shape_cast %get3A_1576 : vector<1x16xf32> to vector<16xf32>
        %max3A_1578 = arith.maximumf %max3A_1571, %get3A_1577 : vector<16xf32>
        %add3A_1579 = arith.constant 13 : i32
        %add3A_1580 = arith.addi %mul3A_119, %add3A_1579 : i32
        %get3A_1581 = arith.index_cast %add3A_1580 : i32 to index
        %get3A_1582 = arith.constant 96 : index
        %get3A_1583 = tpu.vector_load %arg10[%get3A_1581, %get3A_1582] {strides = array<i32>} : memref<128x128xf32, #tpu.memory_space<vmem>>, vector<1x16xf32>,
        %get3A_1584 = vector.shape_cast %get3A_1583 : vector<1x16xf32> to vector<16xf32>
        %max3A_1585 = arith.maximumf %max3A_1578, %get3A_1584 : vector<16xf32>
        %add3A_1586 = arith.constant 14 : i32
        %add3A_1587 = arith.addi %mul3A_119, %add3A_1586 : i32
        %get3A_1588 = arith.index_cast %add3A_1587 : i32 to index
        %get3A_1589 = arith.constant 96 : index
        %get3A_1590 = tpu.vector_load %arg10[%get3A_1588, %get3A_1589] {strides = array<i32>} : memref<128x128xf32, #tpu.memory_space<vmem>>, vector<1x16xf32>,
        %get3A_1591 = vector.shape_cast %get3A_1590 : vector<1x16xf32> to vector<16xf32>
        %max3A_1592 = arith.maximumf %max3A_1585, %get3A_1591 : vector<16xf32>
        %add3A_1593 = arith.constant 15 : i32
        %add3A_1594 = arith.addi %mul3A_119, %add3A_1593 : i32
        %get3A_1595 = arith.index_cast %add3A_1594 : i32 to index
        %get3A_1596 = arith.constant 96 : index
        %get3A_1597 = tpu.vector_load %arg10[%get3A_1595, %get3A_1596] {strides = array<i32>} : memref<128x128xf32, #tpu.memory_space<vmem>>, vector<1x16xf32>,
        %get3A_1598 = vector.shape_cast %get3A_1597 : vector<1x16xf32> to vector<16xf32>
        %max3A_1599 = arith.maximumf %max3A_1592, %get3A_1598 : vector<16xf32>
        %add3A_1600 = arith.constant 16 : i32
        %add3A_1601 = arith.addi %mul3A_119, %add3A_1600 : i32
        %get3A_1602 = arith.index_cast %add3A_1601 : i32 to index
        %get3A_1603 = arith.constant 96 : index
        %get3A_1604 = tpu.vector_load %arg10[%get3A_1602, %get3A_1603] {strides = array<i32>} : memref<128x128xf32, #tpu.memory_space<vmem>>, vector<1x16xf32>,
        %get3A_1605 = vector.shape_cast %get3A_1604 : vector<1x16xf32> to vector<16xf32>
        %max3A_1606 = arith.maximumf %max3A_1599, %get3A_1605 : vector<16xf32>
        %add3A_1607 = arith.constant 17 : i32
        %add3A_1608 = arith.addi %mul3A_119, %add3A_1607 : i32
        %get3A_1609 = arith.index_cast %add3A_1608 : i32 to index
        %get3A_1610 = arith.constant 96 : index
        %get3A_1611 = tpu.vector_load %arg10[%get3A_1609, %get3A_1610] {strides = array<i32>} : memref<128x128xf32, #tpu.memory_space<vmem>>, vector<1x16xf32>,
        %get3A_1612 = vector.shape_cast %get3A_1611 : vector<1x16xf32> to vector<16xf32>
        %max3A_1613 = arith.maximumf %max3A_1606, %get3A_1612 : vector<16xf32>
        %add3A_1614 = arith.constant 18 : i32
        %add3A_1615 = arith.addi %mul3A_119, %add3A_1614 : i32
        %get3A_1616 = arith.index_cast %add3A_1615 : i32 to index
        %get3A_1617 = arith.constant 96 : index
        %get3A_1618 = tpu.vector_load %arg10[%get3A_1616, %get3A_1617] {strides = array<i32>} : memref<128x128xf32, #tpu.memory_space<vmem>>, vector<1x16xf32>,
        %get3A_1619 = vector.shape_cast %get3A_1618 : vector<1x16xf32> to vector<16xf32>
        %max3A_1620 = arith.maximumf %max3A_1613, %get3A_1619 : vector<16xf32>
        %add3A_1621 = arith.constant 19 : i32
        %add3A_1622 = arith.addi %mul3A_119, %add3A_1621 : i32
        %get3A_1623 = arith.index_cast %add3A_1622 : i32 to index
        %get3A_1624 = arith.constant 96 : index
        %get3A_1625 = tpu.vector_load %arg10[%get3A_1623, %get3A_1624] {strides = array<i32>} : memref<128x128xf32, #tpu.memory_space<vmem>>, vector<1x16xf32>,
        %get3A_1626 = vector.shape_cast %get3A_1625 : vector<1x16xf32> to vector<16xf32>
        %max3A_1627 = arith.maximumf %max3A_1620, %get3A_1626 : vector<16xf32>
        %add3A_1628 = arith.constant 20 : i32
        %add3A_1629 = arith.addi %mul3A_119, %add3A_1628 : i32
        %get3A_1630 = arith.index_cast %add3A_1629 : i32 to index
        %get3A_1631 = arith.constant 96 : index
        %get3A_1632 = tpu.vector_load %arg10[%get3A_1630, %get3A_1631] {strides = array<i32>} : memref<128x128xf32, #tpu.memory_space<vmem>>, vector<1x16xf32>,
        %get3A_1633 = vector.shape_cast %get3A_1632 : vector<1x16xf32> to vector<16xf32>
        %max3A_1634 = arith.maximumf %max3A_1627, %get3A_1633 : vector<16xf32>
        %add3A_1635 = arith.constant 21 : i32
        %add3A_1636 = arith.addi %mul3A_119, %add3A_1635 : i32
        %get3A_1637 = arith.index_cast %add3A_1636 : i32 to index
        %get3A_1638 = arith.constant 96 : index
        %get3A_1639 = tpu.vector_load %arg10[%get3A_1637, %get3A_1638] {strides = array<i32>} : memref<128x128xf32, #tpu.memory_space<vmem>>, vector<1x16xf32>,
        %get3A_1640 = vector.shape_cast %get3A_1639 : vector<1x16xf32> to vector<16xf32>
        %max3A_1641 = arith.maximumf %max3A_1634, %get3A_1640 : vector<16xf32>
        %add3A_1642 = arith.constant 22 : i32
        %add3A_1643 = arith.addi %mul3A_119, %add3A_1642 : i32
        %get3A_1644 = arith.index_cast %add3A_1643 : i32 to index
        %get3A_1645 = arith.constant 96 : index
        %get3A_1646 = tpu.vector_load %arg10[%get3A_1644, %get3A_1645] {strides = array<i32>} : memref<128x128xf32, #tpu.memory_space<vmem>>, vector<1x16xf32>,
        %get3A_1647 = vector.shape_cast %get3A_1646 : vector<1x16xf32> to vector<16xf32>
        %max3A_1648 = arith.maximumf %max3A_1641, %get3A_1647 : vector<16xf32>
        %add3A_1649 = arith.constant 23 : i32
        %add3A_1650 = arith.addi %mul3A_119, %add3A_1649 : i32
        %get3A_1651 = arith.index_cast %add3A_1650 : i32 to index
        %get3A_1652 = arith.constant 96 : index
        %get3A_1653 = tpu.vector_load %arg10[%get3A_1651, %get3A_1652] {strides = array<i32>} : memref<128x128xf32, #tpu.memory_space<vmem>>, vector<1x16xf32>,
        %get3A_1654 = vector.shape_cast %get3A_1653 : vector<1x16xf32> to vector<16xf32>
        %max3A_1655 = arith.maximumf %max3A_1648, %get3A_1654 : vector<16xf32>
        %add3A_1656 = arith.constant 24 : i32
        %add3A_1657 = arith.addi %mul3A_119, %add3A_1656 : i32
        %get3A_1658 = arith.index_cast %add3A_1657 : i32 to index
        %get3A_1659 = arith.constant 96 : index
        %get3A_1660 = tpu.vector_load %arg10[%get3A_1658, %get3A_1659] {strides = array<i32>} : memref<128x128xf32, #tpu.memory_space<vmem>>, vector<1x16xf32>,
        %get3A_1661 = vector.shape_cast %get3A_1660 : vector<1x16xf32> to vector<16xf32>
        %max3A_1662 = arith.maximumf %max3A_1655, %get3A_1661 : vector<16xf32>
        %add3A_1663 = arith.constant 25 : i32
        %add3A_1664 = arith.addi %mul3A_119, %add3A_1663 : i32
        %get3A_1665 = arith.index_cast %add3A_1664 : i32 to index
        %get3A_1666 = arith.constant 96 : index
        %get3A_1667 = tpu.vector_load %arg10[%get3A_1665, %get3A_1666] {strides = array<i32>} : memref<128x128xf32, #tpu.memory_space<vmem>>, vector<1x16xf32>,
        %get3A_1668 = vector.shape_cast %get3A_1667 : vector<1x16xf32> to vector<16xf32>
        %max3A_1669 = arith.maximumf %max3A_1662, %get3A_1668 : vector<16xf32>
        %add3A_1670 = arith.constant 26 : i32
        %add3A_1671 = arith.addi %mul3A_119, %add3A_1670 : i32
        %get3A_1672 = arith.index_cast %add3A_1671 : i32 to index
        %get3A_1673 = arith.constant 96 : index
        %get3A_1674 = tpu.vector_load %arg10[%get3A_1672, %get3A_1673] {strides = array<i32>} : memref<128x128xf32, #tpu.memory_space<vmem>>, vector<1x16xf32>,
        %get3A_1675 = vector.shape_cast %get3A_1674 : vector<1x16xf32> to vector<16xf32>
        %max3A_1676 = arith.maximumf %max3A_1669, %get3A_1675 : vector<16xf32>
        %add3A_1677 = arith.constant 27 : i32
        %add3A_1678 = arith.addi %mul3A_119, %add3A_1677 : i32
        %get3A_1679 = arith.index_cast %add3A_1678 : i32 to index
        %get3A_1680 = arith.constant 96 : index
        %get3A_1681 = tpu.vector_load %arg10[%get3A_1679, %get3A_1680] {strides = array<i32>} : memref<128x128xf32, #tpu.memory_space<vmem>>, vector<1x16xf32>,
        %get3A_1682 = vector.shape_cast %get3A_1681 : vector<1x16xf32> to vector<16xf32>
        %max3A_1683 = arith.maximumf %max3A_1676, %get3A_1682 : vector<16xf32>
        %add3A_1684 = arith.constant 28 : i32
        %add3A_1685 = arith.addi %mul3A_119, %add3A_1684 : i32
        %get3A_1686 = arith.index_cast %add3A_1685 : i32 to index
        %get3A_1687 = arith.constant 96 : index
        %get3A_1688 = tpu.vector_load %arg10[%get3A_1686, %get3A_1687] {strides = array<i32>} : memref<128x128xf32, #tpu.memory_space<vmem>>, vector<1x16xf32>,
        %get3A_1689 = vector.shape_cast %get3A_1688 : vector<1x16xf32> to vector<16xf32>
        %max3A_1690 = arith.maximumf %max3A_1683, %get3A_1689 : vector<16xf32>
        %add3A_1691 = arith.constant 29 : i32
        %add3A_1692 = arith.addi %mul3A_119, %add3A_1691 : i32
        %get3A_1693 = arith.index_cast %add3A_1692 : i32 to index
        %get3A_1694 = arith.constant 96 : index
        %get3A_1695 = tpu.vector_load %arg10[%get3A_1693, %get3A_1694] {strides = array<i32>} : memref<128x128xf32, #tpu.memory_space<vmem>>, vector<1x16xf32>,
        %get3A_1696 = vector.shape_cast %get3A_1695 : vector<1x16xf32> to vector<16xf32>
        %max3A_1697 = arith.maximumf %max3A_1690, %get3A_1696 : vector<16xf32>
        %add3A_1698 = arith.constant 30 : i32
        %add3A_1699 = arith.addi %mul3A_119, %add3A_1698 : i32
        %get3A_1700 = arith.index_cast %add3A_1699 : i32 to index
        %get3A_1701 = arith.constant 96 : index
        %get3A_1702 = tpu.vector_load %arg10[%get3A_1700, %get3A_1701] {strides = array<i32>} : memref<128x128xf32, #tpu.memory_space<vmem>>, vector<1x16xf32>,
        %get3A_1703 = vector.shape_cast %get3A_1702 : vector<1x16xf32> to vector<16xf32>
        %max3A_1704 = arith.maximumf %max3A_1697, %get3A_1703 : vector<16xf32>
        %add3A_1705 = arith.constant 31 : i32
        %add3A_1706 = arith.addi %mul3A_119, %add3A_1705 : i32
        %get3A_1707 = arith.index_cast %add3A_1706 : i32 to index
        %get3A_1708 = arith.constant 96 : index
        %get3A_1709 = tpu.vector_load %arg10[%get3A_1707, %get3A_1708] {strides = array<i32>} : memref<128x128xf32, #tpu.memory_space<vmem>>, vector<1x16xf32>,
        %get3A_1710 = vector.shape_cast %get3A_1709 : vector<1x16xf32> to vector<16xf32>
        %max3A_1711 = arith.maximumf %max3A_1704, %get3A_1710 : vector<16xf32>
        %mul3A_1712 = arith.constant 4 : i32
        %mul3A_1713 = arith.muli %mul3A_65, %mul3A_1712 : i32
        %add3A_1714 = arith.addi %mul3A_1713, %scan3A_117 : i32
        %swap3A_1715 = arith.index_cast %add3A_1714 : i32 to index
        %swap3A_1716 = arith.constant 96 : index
        %swap3A_1717 = tpu.vector_load %arg13[%swap3A_1715, %swap3A_1716] {strides = array<i32>} : memref<192x128xf32, #tpu.memory_space<vmem>>, vector<1x16xf32>,
        %swap3A_1718 = vector.shape_cast %swap3A_1717 : vector<1x16xf32> to vector<16xf32>
        %swap3A_1719 = vector.shape_cast %max3A_1711 : vector<16xf32> to vector<1x16xf32>
        tpu.vector_store %arg13[%swap3A_1715, %swap3A_1716], %swap3A_1719 {strides = array<i32>} : memref<192x128xf32, #tpu.memory_space<vmem>>, vector<1x16xf32>,
        %get3A_1720 = arith.index_cast %mul3A_119 : i32 to index
        %get3A_1721 = arith.constant 112 : index
        %get3A_1722 = tpu.vector_load %arg10[%get3A_1720, %get3A_1721] {strides = array<i32>} : memref<128x128xf32, #tpu.memory_space<vmem>>, vector<1x16xf32>,
        %get3A_1723 = vector.shape_cast %get3A_1722 : vector<1x16xf32> to vector<16xf32>
        %add3A_1724 = arith.constant 1 : i32
        %add3A_1725 = arith.addi %mul3A_119, %add3A_1724 : i32
        %get3A_1726 = arith.index_cast %add3A_1725 : i32 to index
        %get3A_1727 = arith.constant 112 : index
        %get3A_1728 = tpu.vector_load %arg10[%get3A_1726, %get3A_1727] {strides = array<i32>} : memref<128x128xf32, #tpu.memory_space<vmem>>, vector<1x16xf32>,
        %get3A_1729 = vector.shape_cast %get3A_1728 : vector<1x16xf32> to vector<16xf32>
        %max3A_1730 = arith.maximumf %get3A_1723, %get3A_1729 : vector<16xf32>
        %add3A_1731 = arith.constant 2 : i32
        %add3A_1732 = arith.addi %mul3A_119, %add3A_1731 : i32
        %get3A_1733 = arith.index_cast %add3A_1732 : i32 to index
        %get3A_1734 = arith.constant 112 : index
        %get3A_1735 = tpu.vector_load %arg10[%get3A_1733, %get3A_1734] {strides = array<i32>} : memref<128x128xf32, #tpu.memory_space<vmem>>, vector<1x16xf32>,
        %get3A_1736 = vector.shape_cast %get3A_1735 : vector<1x16xf32> to vector<16xf32>
        %max3A_1737 = arith.maximumf %max3A_1730, %get3A_1736 : vector<16xf32>
        %add3A_1738 = arith.constant 3 : i32
        %add3A_1739 = arith.addi %mul3A_119, %add3A_1738 : i32
        %get3A_1740 = arith.index_cast %add3A_1739 : i32 to index
        %get3A_1741 = arith.constant 112 : index
        %get3A_1742 = tpu.vector_load %arg10[%get3A_1740, %get3A_1741] {strides = array<i32>} : memref<128x128xf32, #tpu.memory_space<vmem>>, vector<1x16xf32>,
        %get3A_1743 = vector.shape_cast %get3A_1742 : vector<1x16xf32> to vector<16xf32>
        %max3A_1744 = arith.maximumf %max3A_1737, %get3A_1743 : vector<16xf32>
        %add3A_1745 = arith.constant 4 : i32
        %add3A_1746 = arith.addi %mul3A_119, %add3A_1745 : i32
        %get3A_1747 = arith.index_cast %add3A_1746 : i32 to index
        %get3A_1748 = arith.constant 112 : index
        %get3A_1749 = tpu.vector_load %arg10[%get3A_1747, %get3A_1748] {strides = array<i32>} : memref<128x128xf32, #tpu.memory_space<vmem>>, vector<1x16xf32>,
        %get3A_1750 = vector.shape_cast %get3A_1749 : vector<1x16xf32> to vector<16xf32>
        %max3A_1751 = arith.maximumf %max3A_1744, %get3A_1750 : vector<16xf32>
        %add3A_1752 = arith.constant 5 : i32
        %add3A_1753 = arith.addi %mul3A_119, %add3A_1752 : i32
        %get3A_1754 = arith.index_cast %add3A_1753 : i32 to index
        %get3A_1755 = arith.constant 112 : index
        %get3A_1756 = tpu.vector_load %arg10[%get3A_1754, %get3A_1755] {strides = array<i32>} : memref<128x128xf32, #tpu.memory_space<vmem>>, vector<1x16xf32>,
        %get3A_1757 = vector.shape_cast %get3A_1756 : vector<1x16xf32> to vector<16xf32>
        %max3A_1758 = arith.maximumf %max3A_1751, %get3A_1757 : vector<16xf32>
        %add3A_1759 = arith.constant 6 : i32
        %add3A_1760 = arith.addi %mul3A_119, %add3A_1759 : i32
        %get3A_1761 = arith.index_cast %add3A_1760 : i32 to index
        %get3A_1762 = arith.constant 112 : index
        %get3A_1763 = tpu.vector_load %arg10[%get3A_1761, %get3A_1762] {strides = array<i32>} : memref<128x128xf32, #tpu.memory_space<vmem>>, vector<1x16xf32>,
        %get3A_1764 = vector.shape_cast %get3A_1763 : vector<1x16xf32> to vector<16xf32>
        %max3A_1765 = arith.maximumf %max3A_1758, %get3A_1764 : vector<16xf32>
        %add3A_1766 = arith.constant 7 : i32
        %add3A_1767 = arith.addi %mul3A_119, %add3A_1766 : i32
        %get3A_1768 = arith.index_cast %add3A_1767 : i32 to index
        %get3A_1769 = arith.constant 112 : index
        %get3A_1770 = tpu.vector_load %arg10[%get3A_1768, %get3A_1769] {strides = array<i32>} : memref<128x128xf32, #tpu.memory_space<vmem>>, vector<1x16xf32>,
        %get3A_1771 = vector.shape_cast %get3A_1770 : vector<1x16xf32> to vector<16xf32>
        %max3A_1772 = arith.maximumf %max3A_1765, %get3A_1771 : vector<16xf32>
        %add3A_1773 = arith.constant 8 : i32
        %add3A_1774 = arith.addi %mul3A_119, %add3A_1773 : i32
        %get3A_1775 = arith.index_cast %add3A_1774 : i32 to index
        %get3A_1776 = arith.constant 112 : index
        %get3A_1777 = tpu.vector_load %arg10[%get3A_1775, %get3A_1776] {strides = array<i32>} : memref<128x128xf32, #tpu.memory_space<vmem>>, vector<1x16xf32>,
        %get3A_1778 = vector.shape_cast %get3A_1777 : vector<1x16xf32> to vector<16xf32>
        %max3A_1779 = arith.maximumf %max3A_1772, %get3A_1778 : vector<16xf32>
        %add3A_1780 = arith.constant 9 : i32
        %add3A_1781 = arith.addi %mul3A_119, %add3A_1780 : i32
        %get3A_1782 = arith.index_cast %add3A_1781 : i32 to index
        %get3A_1783 = arith.constant 112 : index
        %get3A_1784 = tpu.vector_load %arg10[%get3A_1782, %get3A_1783] {strides = array<i32>} : memref<128x128xf32, #tpu.memory_space<vmem>>, vector<1x16xf32>,
        %get3A_1785 = vector.shape_cast %get3A_1784 : vector<1x16xf32> to vector<16xf32>
        %max3A_1786 = arith.maximumf %max3A_1779, %get3A_1785 : vector<16xf32>
        %add3A_1787 = arith.constant 10 : i32
        %add3A_1788 = arith.addi %mul3A_119, %add3A_1787 : i32
        %get3A_1789 = arith.index_cast %add3A_1788 : i32 to index
        %get3A_1790 = arith.constant 112 : index
        %get3A_1791 = tpu.vector_load %arg10[%get3A_1789, %get3A_1790] {strides = array<i32>} : memref<128x128xf32, #tpu.memory_space<vmem>>, vector<1x16xf32>,
        %get3A_1792 = vector.shape_cast %get3A_1791 : vector<1x16xf32> to vector<16xf32>
        %max3A_1793 = arith.maximumf %max3A_1786, %get3A_1792 : vector<16xf32>
        %add3A_1794 = arith.constant 11 : i32
        %add3A_1795 = arith.addi %mul3A_119, %add3A_1794 : i32
        %get3A_1796 = arith.index_cast %add3A_1795 : i32 to index
        %get3A_1797 = arith.constant 112 : index
        %get3A_1798 = tpu.vector_load %arg10[%get3A_1796, %get3A_1797] {strides = array<i32>} : memref<128x128xf32, #tpu.memory_space<vmem>>, vector<1x16xf32>,
        %get3A_1799 = vector.shape_cast %get3A_1798 : vector<1x16xf32> to vector<16xf32>
        %max3A_1800 = arith.maximumf %max3A_1793, %get3A_1799 : vector<16xf32>
        %add3A_1801 = arith.constant 12 : i32
        %add3A_1802 = arith.addi %mul3A_119, %add3A_1801 : i32
        %get3A_1803 = arith.index_cast %add3A_1802 : i32 to index
        %get3A_1804 = arith.constant 112 : index
        %get3A_1805 = tpu.vector_load %arg10[%get3A_1803, %get3A_1804] {strides = array<i32>} : memref<128x128xf32, #tpu.memory_space<vmem>>, vector<1x16xf32>,
        %get3A_1806 = vector.shape_cast %get3A_1805 : vector<1x16xf32> to vector<16xf32>
        %max3A_1807 = arith.maximumf %max3A_1800, %get3A_1806 : vector<16xf32>
        %add3A_1808 = arith.constant 13 : i32
        %add3A_1809 = arith.addi %mul3A_119, %add3A_1808 : i32
        %get3A_1810 = arith.index_cast %add3A_1809 : i32 to index
        %get3A_1811 = arith.constant 112 : index
        %get3A_1812 = tpu.vector_load %arg10[%get3A_1810, %get3A_1811] {strides = array<i32>} : memref<128x128xf32, #tpu.memory_space<vmem>>, vector<1x16xf32>,
        %get3A_1813 = vector.shape_cast %get3A_1812 : vector<1x16xf32> to vector<16xf32>
        %max3A_1814 = arith.maximumf %max3A_1807, %get3A_1813 : vector<16xf32>
        %add3A_1815 = arith.constant 14 : i32
        %add3A_1816 = arith.addi %mul3A_119, %add3A_1815 : i32
        %get3A_1817 = arith.index_cast %add3A_1816 : i32 to index
        %get3A_1818 = arith.constant 112 : index
        %get3A_1819 = tpu.vector_load %arg10[%get3A_1817, %get3A_1818] {strides = array<i32>} : memref<128x128xf32, #tpu.memory_space<vmem>>, vector<1x16xf32>,
        %get3A_1820 = vector.shape_cast %get3A_1819 : vector<1x16xf32> to vector<16xf32>
        %max3A_1821 = arith.maximumf %max3A_1814, %get3A_1820 : vector<16xf32>
        %add3A_1822 = arith.constant 15 : i32
        %add3A_1823 = arith.addi %mul3A_119, %add3A_1822 : i32
        %get3A_1824 = arith.index_cast %add3A_1823 : i32 to index
        %get3A_1825 = arith.constant 112 : index
        %get3A_1826 = tpu.vector_load %arg10[%get3A_1824, %get3A_1825] {strides = array<i32>} : memref<128x128xf32, #tpu.memory_space<vmem>>, vector<1x16xf32>,
        %get3A_1827 = vector.shape_cast %get3A_1826 : vector<1x16xf32> to vector<16xf32>
        %max3A_1828 = arith.maximumf %max3A_1821, %get3A_1827 : vector<16xf32>
        %add3A_1829 = arith.constant 16 : i32
        %add3A_1830 = arith.addi %mul3A_119, %add3A_1829 : i32
        %get3A_1831 = arith.index_cast %add3A_1830 : i32 to index
        %get3A_1832 = arith.constant 112 : index
        %get3A_1833 = tpu.vector_load %arg10[%get3A_1831, %get3A_1832] {strides = array<i32>} : memref<128x128xf32, #tpu.memory_space<vmem>>, vector<1x16xf32>,
        %get3A_1834 = vector.shape_cast %get3A_1833 : vector<1x16xf32> to vector<16xf32>
        %max3A_1835 = arith.maximumf %max3A_1828, %get3A_1834 : vector<16xf32>
        %add3A_1836 = arith.constant 17 : i32
        %add3A_1837 = arith.addi %mul3A_119, %add3A_1836 : i32
        %get3A_1838 = arith.index_cast %add3A_1837 : i32 to index
        %get3A_1839 = arith.constant 112 : index
        %get3A_1840 = tpu.vector_load %arg10[%get3A_1838, %get3A_1839] {strides = array<i32>} : memref<128x128xf32, #tpu.memory_space<vmem>>, vector<1x16xf32>,
        %get3A_1841 = vector.shape_cast %get3A_1840 : vector<1x16xf32> to vector<16xf32>
        %max3A_1842 = arith.maximumf %max3A_1835, %get3A_1841 : vector<16xf32>
        %add3A_1843 = arith.constant 18 : i32
        %add3A_1844 = arith.addi %mul3A_119, %add3A_1843 : i32
        %get3A_1845 = arith.index_cast %add3A_1844 : i32 to index
        %get3A_1846 = arith.constant 112 : index
        %get3A_1847 = tpu.vector_load %arg10[%get3A_1845, %get3A_1846] {strides = array<i32>} : memref<128x128xf32, #tpu.memory_space<vmem>>, vector<1x16xf32>,
        %get3A_1848 = vector.shape_cast %get3A_1847 : vector<1x16xf32> to vector<16xf32>
        %max3A_1849 = arith.maximumf %max3A_1842, %get3A_1848 : vector<16xf32>
        %add3A_1850 = arith.constant 19 : i32
        %add3A_1851 = arith.addi %mul3A_119, %add3A_1850 : i32
        %get3A_1852 = arith.index_cast %add3A_1851 : i32 to index
        %get3A_1853 = arith.constant 112 : index
        %get3A_1854 = tpu.vector_load %arg10[%get3A_1852, %get3A_1853] {strides = array<i32>} : memref<128x128xf32, #tpu.memory_space<vmem>>, vector<1x16xf32>,
        %get3A_1855 = vector.shape_cast %get3A_1854 : vector<1x16xf32> to vector<16xf32>
        %max3A_1856 = arith.maximumf %max3A_1849, %get3A_1855 : vector<16xf32>
        %add3A_1857 = arith.constant 20 : i32
        %add3A_1858 = arith.addi %mul3A_119, %add3A_1857 : i32
        %get3A_1859 = arith.index_cast %add3A_1858 : i32 to index
        %get3A_1860 = arith.constant 112 : index
        %get3A_1861 = tpu.vector_load %arg10[%get3A_1859, %get3A_1860] {strides = array<i32>} : memref<128x128xf32, #tpu.memory_space<vmem>>, vector<1x16xf32>,
        %get3A_1862 = vector.shape_cast %get3A_1861 : vector<1x16xf32> to vector<16xf32>
        %max3A_1863 = arith.maximumf %max3A_1856, %get3A_1862 : vector<16xf32>
        %add3A_1864 = arith.constant 21 : i32
        %add3A_1865 = arith.addi %mul3A_119, %add3A_1864 : i32
        %get3A_1866 = arith.index_cast %add3A_1865 : i32 to index
        %get3A_1867 = arith.constant 112 : index
        %get3A_1868 = tpu.vector_load %arg10[%get3A_1866, %get3A_1867] {strides = array<i32>} : memref<128x128xf32, #tpu.memory_space<vmem>>, vector<1x16xf32>,
        %get3A_1869 = vector.shape_cast %get3A_1868 : vector<1x16xf32> to vector<16xf32>
        %max3A_1870 = arith.maximumf %max3A_1863, %get3A_1869 : vector<16xf32>
        %add3A_1871 = arith.constant 22 : i32
        %add3A_1872 = arith.addi %mul3A_119, %add3A_1871 : i32
        %get3A_1873 = arith.index_cast %add3A_1872 : i32 to index
        %get3A_1874 = arith.constant 112 : index
        %get3A_1875 = tpu.vector_load %arg10[%get3A_1873, %get3A_1874] {strides = array<i32>} : memref<128x128xf32, #tpu.memory_space<vmem>>, vector<1x16xf32>,
        %get3A_1876 = vector.shape_cast %get3A_1875 : vector<1x16xf32> to vector<16xf32>
        %max3A_1877 = arith.maximumf %max3A_1870, %get3A_1876 : vector<16xf32>
        %add3A_1878 = arith.constant 23 : i32
        %add3A_1879 = arith.addi %mul3A_119, %add3A_1878 : i32
        %get3A_1880 = arith.index_cast %add3A_1879 : i32 to index
        %get3A_1881 = arith.constant 112 : index
        %get3A_1882 = tpu.vector_load %arg10[%get3A_1880, %get3A_1881] {strides = array<i32>} : memref<128x128xf32, #tpu.memory_space<vmem>>, vector<1x16xf32>,
        %get3A_1883 = vector.shape_cast %get3A_1882 : vector<1x16xf32> to vector<16xf32>
        %max3A_1884 = arith.maximumf %max3A_1877, %get3A_1883 : vector<16xf32>
        %add3A_1885 = arith.constant 24 : i32
        %add3A_1886 = arith.addi %mul3A_119, %add3A_1885 : i32
        %get3A_1887 = arith.index_cast %add3A_1886 : i32 to index
        %get3A_1888 = arith.constant 112 : index
        %get3A_1889 = tpu.vector_load %arg10[%get3A_1887, %get3A_1888] {strides = array<i32>} : memref<128x128xf32, #tpu.memory_space<vmem>>, vector<1x16xf32>,
        %get3A_1890 = vector.shape_cast %get3A_1889 : vector<1x16xf32> to vector<16xf32>
        %max3A_1891 = arith.maximumf %max3A_1884, %get3A_1890 : vector<16xf32>
        %add3A_1892 = arith.constant 25 : i32
        %add3A_1893 = arith.addi %mul3A_119, %add3A_1892 : i32
        %get3A_1894 = arith.index_cast %add3A_1893 : i32 to index
        %get3A_1895 = arith.constant 112 : index
        %get3A_1896 = tpu.vector_load %arg10[%get3A_1894, %get3A_1895] {strides = array<i32>} : memref<128x128xf32, #tpu.memory_space<vmem>>, vector<1x16xf32>,
        %get3A_1897 = vector.shape_cast %get3A_1896 : vector<1x16xf32> to vector<16xf32>
        %max3A_1898 = arith.maximumf %max3A_1891, %get3A_1897 : vector<16xf32>
        %add3A_1899 = arith.constant 26 : i32
        %add3A_1900 = arith.addi %mul3A_119, %add3A_1899 : i32
        %get3A_1901 = arith.index_cast %add3A_1900 : i32 to index
        %get3A_1902 = arith.constant 112 : index
        %get3A_1903 = tpu.vector_load %arg10[%get3A_1901, %get3A_1902] {strides = array<i32>} : memref<128x128xf32, #tpu.memory_space<vmem>>, vector<1x16xf32>,
        %get3A_1904 = vector.shape_cast %get3A_1903 : vector<1x16xf32> to vector<16xf32>
        %max3A_1905 = arith.maximumf %max3A_1898, %get3A_1904 : vector<16xf32>
        %add3A_1906 = arith.constant 27 : i32
        %add3A_1907 = arith.addi %mul3A_119, %add3A_1906 : i32
        %get3A_1908 = arith.index_cast %add3A_1907 : i32 to index
        %get3A_1909 = arith.constant 112 : index
        %get3A_1910 = tpu.vector_load %arg10[%get3A_1908, %get3A_1909] {strides = array<i32>} : memref<128x128xf32, #tpu.memory_space<vmem>>, vector<1x16xf32>,
        %get3A_1911 = vector.shape_cast %get3A_1910 : vector<1x16xf32> to vector<16xf32>
        %max3A_1912 = arith.maximumf %max3A_1905, %get3A_1911 : vector<16xf32>
        %add3A_1913 = arith.constant 28 : i32
        %add3A_1914 = arith.addi %mul3A_119, %add3A_1913 : i32
        %get3A_1915 = arith.index_cast %add3A_1914 : i32 to index
        %get3A_1916 = arith.constant 112 : index
        %get3A_1917 = tpu.vector_load %arg10[%get3A_1915, %get3A_1916] {strides = array<i32>} : memref<128x128xf32, #tpu.memory_space<vmem>>, vector<1x16xf32>,
        %get3A_1918 = vector.shape_cast %get3A_1917 : vector<1x16xf32> to vector<16xf32>
        %max3A_1919 = arith.maximumf %max3A_1912, %get3A_1918 : vector<16xf32>
        %add3A_1920 = arith.constant 29 : i32
        %add3A_1921 = arith.addi %mul3A_119, %add3A_1920 : i32
        %get3A_1922 = arith.index_cast %add3A_1921 : i32 to index
        %get3A_1923 = arith.constant 112 : index
        %get3A_1924 = tpu.vector_load %arg10[%get3A_1922, %get3A_1923] {strides = array<i32>} : memref<128x128xf32, #tpu.memory_space<vmem>>, vector<1x16xf32>,
        %get3A_1925 = vector.shape_cast %get3A_1924 : vector<1x16xf32> to vector<16xf32>
        %max3A_1926 = arith.maximumf %max3A_1919, %get3A_1925 : vector<16xf32>
        %add3A_1927 = arith.constant 30 : i32
        %add3A_1928 = arith.addi %mul3A_119, %add3A_1927 : i32
        %get3A_1929 = arith.index_cast %add3A_1928 : i32 to index
        %get3A_1930 = arith.constant 112 : index
        %get3A_1931 = tpu.vector_load %arg10[%get3A_1929, %get3A_1930] {strides = array<i32>} : memref<128x128xf32, #tpu.memory_space<vmem>>, vector<1x16xf32>,
        %get3A_1932 = vector.shape_cast %get3A_1931 : vector<1x16xf32> to vector<16xf32>
        %max3A_1933 = arith.maximumf %max3A_1926, %get3A_1932 : vector<16xf32>
        %add3A_1934 = arith.constant 31 : i32
        %add3A_1935 = arith.addi %mul3A_119, %add3A_1934 : i32
        %get3A_1936 = arith.index_cast %add3A_1935 : i32 to index
        %get3A_1937 = arith.constant 112 : index
        %get3A_1938 = tpu.vector_load %arg10[%get3A_1936, %get3A_1937] {strides = array<i32>} : memref<128x128xf32, #tpu.memory_space<vmem>>, vector<1x16xf32>,
        %get3A_1939 = vector.shape_cast %get3A_1938 : vector<1x16xf32> to vector<16xf32>
        %max3A_1940 = arith.maximumf %max3A_1933, %get3A_1939 : vector<16xf32>
        %mul3A_1941 = arith.constant 4 : i32
        %mul3A_1942 = arith.muli %mul3A_65, %mul3A_1941 : i32
        %add3A_1943 = arith.addi %mul3A_1942, %scan3A_117 : i32
        %swap3A_1944 = arith.index_cast %add3A_1943 : i32 to index
        %swap3A_1945 = arith.constant 112 : index
        %swap3A_1946 = tpu.vector_load %arg13[%swap3A_1944, %swap3A_1945] {strides = array<i32>} : memref<192x128xf32, #tpu.memory_space<vmem>>, vector<1x16xf32>,
        %swap3A_1947 = vector.shape_cast %swap3A_1946 : vector<1x16xf32> to vector<16xf32>
        %swap3A_1948 = vector.shape_cast %max3A_1940 : vector<16xf32> to vector<1x16xf32>
        tpu.vector_store %arg13[%swap3A_1944, %swap3A_1945], %swap3A_1948 {strides = array<i32>} : memref<192x128xf32, #tpu.memory_space<vmem>>, vector<1x16xf32>,
      }
      %scan3A_86 = arith.constant 4 : i32
      %lt3A = arith.constant 23 : i32
      %lt3A_87 = arith.cmpi slt, %scan3A_63, %lt3A : i32
      %convert_element_type3A = arith.extui %lt3A_87 : i1 to i32
      %cond3A = arith.constant 0 : i32
      %cond3A_88 = arith.cmpi ne, %convert_element_type3A, %cond3A : i32
      scf.if %cond3A_88 {
        %add3A_117 = arith.constant 2 : i32
        %add3A_118 = arith.addi %mul3A_65, %add3A_117 : i32
        %dma_start3A_119 = arith.constant 0 : i32
        %dma_start3A_120 = tpu.memref_slice %arg8[%add3A_118, %dma_start3A_119] : memref<48x128xi32, #tpu.memory_space<vmem>> -> memref<1x128xi32, #tpu.memory_space<vmem>>
        %dma_start3A_121 = tpu.memref_squeeze %dma_start3A_120 : memref<1x128xi32, #tpu.memory_space<vmem>> -> memref<128xi32, #tpu.memory_space<vmem>>
        %dma_start3A_122 = arith.constant 0 : i32
        %dma_start3A_123 = arith.constant 0 : i32
        %dma_start3A_124 = tpu.memref_slice %arg2[%dma_start3A_122, %dma_start3A_123] : memref<10000x128xf32, #tpu.memory_space<hbm>> -> memref<10000x128xf32, #tpu.memory_space<hbm>>
        tpu.enqueue_indirect_dma source(%dma_start3A_124 : memref<10000x128xf32, #tpu.memory_space<hbm>>) target(%arg10 : memref<128x128xf32, #tpu.memory_space<vmem>>) offsets(%dma_start3A_121 : memref<128xi32, #tpu.memory_space<vmem>>) semaphore(%arg14 : memref<!tpu.dma_semaphore, #tpu.memory_space<semaphore_mem>>)
      } else {
      }
      %dma_wait3A_89 = arith.constant 0 : i32
      %dma_wait3A_90 = arith.constant 0 : i32
      %dma_wait3A_91 = tpu.memref_slice %arg8[%dma_wait3A_89, %dma_wait3A_90] : memref<48x128xi32, #tpu.memory_space<vmem>> -> memref<1x128xi32, #tpu.memory_space<vmem>>
      %dma_wait3A_92 = tpu.memref_squeeze %dma_wait3A_91 : memref<1x128xi32, #tpu.memory_space<vmem>> -> memref<128xi32, #tpu.memory_space<vmem>>
      %dma_wait3A_93 = arith.constant 0 : i32
      %dma_wait3A_94 = arith.constant 0 : i32
      %dma_wait3A_95 = tpu.memref_slice %arg2[%dma_wait3A_93, %dma_wait3A_94] : memref<10000x128xf32, #tpu.memory_space<hbm>> -> memref<10000x128xf32, #tpu.memory_space<hbm>>
      tpu.wait_indirect_dma semaphore(%arg15 : memref<!tpu.dma_semaphore, #tpu.memory_space<semaphore_mem>>) src(%dma_wait3A_95 : memref<10000x128xf32, #tpu.memory_space<hbm>>) dst(%arg11 : memref<128x128xf32, #tpu.memory_space<vmem>>)
      %add3A_96 = arith.constant 1 : i32
      %add3A_97 = arith.addi %mul3A_65, %add3A_96 : i32
      %scan3A_98 = arith.constant 0 : i32
      %scan3A_99 = arith.constant 0 : i32
      %scan3A_100 = arith.constant 4 : i32
      %scan3A_101 = arith.addi %scan3A_99, %scan3A_100 : i32
      %scan3A_102 = arith.constant 1 : i32
      scf.for %scan3A_117 = %scan3A_99 to %scan3A_101 step %scan3A_102  : i32 {
        %mul3A_118 = arith.constant 32 : i32
        %mul3A_119 = arith.muli %scan3A_117, %mul3A_118 : i32
        %get3A = arith.index_cast %mul3A_119 : i32 to index
        %get3A_120 = arith.constant 0 : index
        %get3A_121 = tpu.vector_load %arg11[%get3A, %get3A_120] {strides = array<i32>} : memref<128x128xf32, #tpu.memory_space<vmem>>, vector<1x16xf32>,
        %get3A_122 = vector.shape_cast %get3A_121 : vector<1x16xf32> to vector<16xf32>
        %add3A_123 = arith.constant 1 : i32
        %add3A_124 = arith.addi %mul3A_119, %add3A_123 : i32
        %get3A_125 = arith.index_cast %add3A_124 : i32 to index
        %get3A_126 = arith.constant 0 : index
        %get3A_127 = tpu.vector_load %arg11[%get3A_125, %get3A_126] {strides = array<i32>} : memref<128x128xf32, #tpu.memory_space<vmem>>, vector<1x16xf32>,
        %get3A_128 = vector.shape_cast %get3A_127 : vector<1x16xf32> to vector<16xf32>
        %max3A = arith.maximumf %get3A_122, %get3A_128 : vector<16xf32>
        %add3A_129 = arith.constant 2 : i32
        %add3A_130 = arith.addi %mul3A_119, %add3A_129 : i32
        %get3A_131 = arith.index_cast %add3A_130 : i32 to index
        %get3A_132 = arith.constant 0 : index
        %get3A_133 = tpu.vector_load %arg11[%get3A_131, %get3A_132] {strides = array<i32>} : memref<128x128xf32, #tpu.memory_space<vmem>>, vector<1x16xf32>,
        %get3A_134 = vector.shape_cast %get3A_133 : vector<1x16xf32> to vector<16xf32>
        %max3A_135 = arith.maximumf %max3A, %get3A_134 : vector<16xf32>
        %add3A_136 = arith.constant 3 : i32
        %add3A_137 = arith.addi %mul3A_119, %add3A_136 : i32
        %get3A_138 = arith.index_cast %add3A_137 : i32 to index
        %get3A_139 = arith.constant 0 : index
        %get3A_140 = tpu.vector_load %arg11[%get3A_138, %get3A_139] {strides = array<i32>} : memref<128x128xf32, #tpu.memory_space<vmem>>, vector<1x16xf32>,
        %get3A_141 = vector.shape_cast %get3A_140 : vector<1x16xf32> to vector<16xf32>
        %max3A_142 = arith.maximumf %max3A_135, %get3A_141 : vector<16xf32>
        %add3A_143 = arith.constant 4 : i32
        %add3A_144 = arith.addi %mul3A_119, %add3A_143 : i32
        %get3A_145 = arith.index_cast %add3A_144 : i32 to index
        %get3A_146 = arith.constant 0 : index
        %get3A_147 = tpu.vector_load %arg11[%get3A_145, %get3A_146] {strides = array<i32>} : memref<128x128xf32, #tpu.memory_space<vmem>>, vector<1x16xf32>,
        %get3A_148 = vector.shape_cast %get3A_147 : vector<1x16xf32> to vector<16xf32>
        %max3A_149 = arith.maximumf %max3A_142, %get3A_148 : vector<16xf32>
        %add3A_150 = arith.constant 5 : i32
        %add3A_151 = arith.addi %mul3A_119, %add3A_150 : i32
        %get3A_152 = arith.index_cast %add3A_151 : i32 to index
        %get3A_153 = arith.constant 0 : index
        %get3A_154 = tpu.vector_load %arg11[%get3A_152, %get3A_153] {strides = array<i32>} : memref<128x128xf32, #tpu.memory_space<vmem>>, vector<1x16xf32>,
        %get3A_155 = vector.shape_cast %get3A_154 : vector<1x16xf32> to vector<16xf32>
        %max3A_156 = arith.maximumf %max3A_149, %get3A_155 : vector<16xf32>
        %add3A_157 = arith.constant 6 : i32
        %add3A_158 = arith.addi %mul3A_119, %add3A_157 : i32
        %get3A_159 = arith.index_cast %add3A_158 : i32 to index
        %get3A_160 = arith.constant 0 : index
        %get3A_161 = tpu.vector_load %arg11[%get3A_159, %get3A_160] {strides = array<i32>} : memref<128x128xf32, #tpu.memory_space<vmem>>, vector<1x16xf32>,
        %get3A_162 = vector.shape_cast %get3A_161 : vector<1x16xf32> to vector<16xf32>
        %max3A_163 = arith.maximumf %max3A_156, %get3A_162 : vector<16xf32>
        %add3A_164 = arith.constant 7 : i32
        %add3A_165 = arith.addi %mul3A_119, %add3A_164 : i32
        %get3A_166 = arith.index_cast %add3A_165 : i32 to index
        %get3A_167 = arith.constant 0 : index
        %get3A_168 = tpu.vector_load %arg11[%get3A_166, %get3A_167] {strides = array<i32>} : memref<128x128xf32, #tpu.memory_space<vmem>>, vector<1x16xf32>,
        %get3A_169 = vector.shape_cast %get3A_168 : vector<1x16xf32> to vector<16xf32>
        %max3A_170 = arith.maximumf %max3A_163, %get3A_169 : vector<16xf32>
        %add3A_171 = arith.constant 8 : i32
        %add3A_172 = arith.addi %mul3A_119, %add3A_171 : i32
        %get3A_173 = arith.index_cast %add3A_172 : i32 to index
        %get3A_174 = arith.constant 0 : index
        %get3A_175 = tpu.vector_load %arg11[%get3A_173, %get3A_174] {strides = array<i32>} : memref<128x128xf32, #tpu.memory_space<vmem>>, vector<1x16xf32>,
        %get3A_176 = vector.shape_cast %get3A_175 : vector<1x16xf32> to vector<16xf32>
        %max3A_177 = arith.maximumf %max3A_170, %get3A_176 : vector<16xf32>
        %add3A_178 = arith.constant 9 : i32
        %add3A_179 = arith.addi %mul3A_119, %add3A_178 : i32
        %get3A_180 = arith.index_cast %add3A_179 : i32 to index
        %get3A_181 = arith.constant 0 : index
        %get3A_182 = tpu.vector_load %arg11[%get3A_180, %get3A_181] {strides = array<i32>} : memref<128x128xf32, #tpu.memory_space<vmem>>, vector<1x16xf32>,
        %get3A_183 = vector.shape_cast %get3A_182 : vector<1x16xf32> to vector<16xf32>
        %max3A_184 = arith.maximumf %max3A_177, %get3A_183 : vector<16xf32>
        %add3A_185 = arith.constant 10 : i32
        %add3A_186 = arith.addi %mul3A_119, %add3A_185 : i32
        %get3A_187 = arith.index_cast %add3A_186 : i32 to index
        %get3A_188 = arith.constant 0 : index
        %get3A_189 = tpu.vector_load %arg11[%get3A_187, %get3A_188] {strides = array<i32>} : memref<128x128xf32, #tpu.memory_space<vmem>>, vector<1x16xf32>,
        %get3A_190 = vector.shape_cast %get3A_189 : vector<1x16xf32> to vector<16xf32>
        %max3A_191 = arith.maximumf %max3A_184, %get3A_190 : vector<16xf32>
        %add3A_192 = arith.constant 11 : i32
        %add3A_193 = arith.addi %mul3A_119, %add3A_192 : i32
        %get3A_194 = arith.index_cast %add3A_193 : i32 to index
        %get3A_195 = arith.constant 0 : index
        %get3A_196 = tpu.vector_load %arg11[%get3A_194, %get3A_195] {strides = array<i32>} : memref<128x128xf32, #tpu.memory_space<vmem>>, vector<1x16xf32>,
        %get3A_197 = vector.shape_cast %get3A_196 : vector<1x16xf32> to vector<16xf32>
        %max3A_198 = arith.maximumf %max3A_191, %get3A_197 : vector<16xf32>
        %add3A_199 = arith.constant 12 : i32
        %add3A_200 = arith.addi %mul3A_119, %add3A_199 : i32
        %get3A_201 = arith.index_cast %add3A_200 : i32 to index
        %get3A_202 = arith.constant 0 : index
        %get3A_203 = tpu.vector_load %arg11[%get3A_201, %get3A_202] {strides = array<i32>} : memref<128x128xf32, #tpu.memory_space<vmem>>, vector<1x16xf32>,
        %get3A_204 = vector.shape_cast %get3A_203 : vector<1x16xf32> to vector<16xf32>
        %max3A_205 = arith.maximumf %max3A_198, %get3A_204 : vector<16xf32>
        %add3A_206 = arith.constant 13 : i32
        %add3A_207 = arith.addi %mul3A_119, %add3A_206 : i32
        %get3A_208 = arith.index_cast %add3A_207 : i32 to index
        %get3A_209 = arith.constant 0 : index
        %get3A_210 = tpu.vector_load %arg11[%get3A_208, %get3A_209] {strides = array<i32>} : memref<128x128xf32, #tpu.memory_space<vmem>>, vector<1x16xf32>,
        %get3A_211 = vector.shape_cast %get3A_210 : vector<1x16xf32> to vector<16xf32>
        %max3A_212 = arith.maximumf %max3A_205, %get3A_211 : vector<16xf32>
        %add3A_213 = arith.constant 14 : i32
        %add3A_214 = arith.addi %mul3A_119, %add3A_213 : i32
        %get3A_215 = arith.index_cast %add3A_214 : i32 to index
        %get3A_216 = arith.constant 0 : index
        %get3A_217 = tpu.vector_load %arg11[%get3A_215, %get3A_216] {strides = array<i32>} : memref<128x128xf32, #tpu.memory_space<vmem>>, vector<1x16xf32>,
        %get3A_218 = vector.shape_cast %get3A_217 : vector<1x16xf32> to vector<16xf32>
        %max3A_219 = arith.maximumf %max3A_212, %get3A_218 : vector<16xf32>
        %add3A_220 = arith.constant 15 : i32
        %add3A_221 = arith.addi %mul3A_119, %add3A_220 : i32
        %get3A_222 = arith.index_cast %add3A_221 : i32 to index
        %get3A_223 = arith.constant 0 : index
        %get3A_224 = tpu.vector_load %arg11[%get3A_222, %get3A_223] {strides = array<i32>} : memref<128x128xf32, #tpu.memory_space<vmem>>, vector<1x16xf32>,
        %get3A_225 = vector.shape_cast %get3A_224 : vector<1x16xf32> to vector<16xf32>
        %max3A_226 = arith.maximumf %max3A_219, %get3A_225 : vector<16xf32>
        %add3A_227 = arith.constant 16 : i32
        %add3A_228 = arith.addi %mul3A_119, %add3A_227 : i32
        %get3A_229 = arith.index_cast %add3A_228 : i32 to index
        %get3A_230 = arith.constant 0 : index
        %get3A_231 = tpu.vector_load %arg11[%get3A_229, %get3A_230] {strides = array<i32>} : memref<128x128xf32, #tpu.memory_space<vmem>>, vector<1x16xf32>,
        %get3A_232 = vector.shape_cast %get3A_231 : vector<1x16xf32> to vector<16xf32>
        %max3A_233 = arith.maximumf %max3A_226, %get3A_232 : vector<16xf32>
        %add3A_234 = arith.constant 17 : i32
        %add3A_235 = arith.addi %mul3A_119, %add3A_234 : i32
        %get3A_236 = arith.index_cast %add3A_235 : i32 to index
        %get3A_237 = arith.constant 0 : index
        %get3A_238 = tpu.vector_load %arg11[%get3A_236, %get3A_237] {strides = array<i32>} : memref<128x128xf32, #tpu.memory_space<vmem>>, vector<1x16xf32>,
        %get3A_239 = vector.shape_cast %get3A_238 : vector<1x16xf32> to vector<16xf32>
        %max3A_240 = arith.maximumf %max3A_233, %get3A_239 : vector<16xf32>
        %add3A_241 = arith.constant 18 : i32
        %add3A_242 = arith.addi %mul3A_119, %add3A_241 : i32
        %get3A_243 = arith.index_cast %add3A_242 : i32 to index
        %get3A_244 = arith.constant 0 : index
        %get3A_245 = tpu.vector_load %arg11[%get3A_243, %get3A_244] {strides = array<i32>} : memref<128x128xf32, #tpu.memory_space<vmem>>, vector<1x16xf32>,
        %get3A_246 = vector.shape_cast %get3A_245 : vector<1x16xf32> to vector<16xf32>
        %max3A_247 = arith.maximumf %max3A_240, %get3A_246 : vector<16xf32>
        %add3A_248 = arith.constant 19 : i32
        %add3A_249 = arith.addi %mul3A_119, %add3A_248 : i32
        %get3A_250 = arith.index_cast %add3A_249 : i32 to index
        %get3A_251 = arith.constant 0 : index
        %get3A_252 = tpu.vector_load %arg11[%get3A_250, %get3A_251] {strides = array<i32>} : memref<128x128xf32, #tpu.memory_space<vmem>>, vector<1x16xf32>,
        %get3A_253 = vector.shape_cast %get3A_252 : vector<1x16xf32> to vector<16xf32>
        %max3A_254 = arith.maximumf %max3A_247, %get3A_253 : vector<16xf32>
        %add3A_255 = arith.constant 20 : i32
        %add3A_256 = arith.addi %mul3A_119, %add3A_255 : i32
        %get3A_257 = arith.index_cast %add3A_256 : i32 to index
        %get3A_258 = arith.constant 0 : index
        %get3A_259 = tpu.vector_load %arg11[%get3A_257, %get3A_258] {strides = array<i32>} : memref<128x128xf32, #tpu.memory_space<vmem>>, vector<1x16xf32>,
        %get3A_260 = vector.shape_cast %get3A_259 : vector<1x16xf32> to vector<16xf32>
        %max3A_261 = arith.maximumf %max3A_254, %get3A_260 : vector<16xf32>
        %add3A_262 = arith.constant 21 : i32
        %add3A_263 = arith.addi %mul3A_119, %add3A_262 : i32
        %get3A_264 = arith.index_cast %add3A_263 : i32 to index
        %get3A_265 = arith.constant 0 : index
        %get3A_266 = tpu.vector_load %arg11[%get3A_264, %get3A_265] {strides = array<i32>} : memref<128x128xf32, #tpu.memory_space<vmem>>, vector<1x16xf32>,
        %get3A_267 = vector.shape_cast %get3A_266 : vector<1x16xf32> to vector<16xf32>
        %max3A_268 = arith.maximumf %max3A_261, %get3A_267 : vector<16xf32>
        %add3A_269 = arith.constant 22 : i32
        %add3A_270 = arith.addi %mul3A_119, %add3A_269 : i32
        %get3A_271 = arith.index_cast %add3A_270 : i32 to index
        %get3A_272 = arith.constant 0 : index
        %get3A_273 = tpu.vector_load %arg11[%get3A_271, %get3A_272] {strides = array<i32>} : memref<128x128xf32, #tpu.memory_space<vmem>>, vector<1x16xf32>,
        %get3A_274 = vector.shape_cast %get3A_273 : vector<1x16xf32> to vector<16xf32>
        %max3A_275 = arith.maximumf %max3A_268, %get3A_274 : vector<16xf32>
        %add3A_276 = arith.constant 23 : i32
        %add3A_277 = arith.addi %mul3A_119, %add3A_276 : i32
        %get3A_278 = arith.index_cast %add3A_277 : i32 to index
        %get3A_279 = arith.constant 0 : index
        %get3A_280 = tpu.vector_load %arg11[%get3A_278, %get3A_279] {strides = array<i32>} : memref<128x128xf32, #tpu.memory_space<vmem>>, vector<1x16xf32>,
        %get3A_281 = vector.shape_cast %get3A_280 : vector<1x16xf32> to vector<16xf32>
        %max3A_282 = arith.maximumf %max3A_275, %get3A_281 : vector<16xf32>
        %add3A_283 = arith.constant 24 : i32
        %add3A_284 = arith.addi %mul3A_119, %add3A_283 : i32
        %get3A_285 = arith.index_cast %add3A_284 : i32 to index
        %get3A_286 = arith.constant 0 : index
        %get3A_287 = tpu.vector_load %arg11[%get3A_285, %get3A_286] {strides = array<i32>} : memref<128x128xf32, #tpu.memory_space<vmem>>, vector<1x16xf32>,
        %get3A_288 = vector.shape_cast %get3A_287 : vector<1x16xf32> to vector<16xf32>
        %max3A_289 = arith.maximumf %max3A_282, %get3A_288 : vector<16xf32>
        %add3A_290 = arith.constant 25 : i32
        %add3A_291 = arith.addi %mul3A_119, %add3A_290 : i32
        %get3A_292 = arith.index_cast %add3A_291 : i32 to index
        %get3A_293 = arith.constant 0 : index
        %get3A_294 = tpu.vector_load %arg11[%get3A_292, %get3A_293] {strides = array<i32>} : memref<128x128xf32, #tpu.memory_space<vmem>>, vector<1x16xf32>,
        %get3A_295 = vector.shape_cast %get3A_294 : vector<1x16xf32> to vector<16xf32>
        %max3A_296 = arith.maximumf %max3A_289, %get3A_295 : vector<16xf32>
        %add3A_297 = arith.constant 26 : i32
        %add3A_298 = arith.addi %mul3A_119, %add3A_297 : i32
        %get3A_299 = arith.index_cast %add3A_298 : i32 to index
        %get3A_300 = arith.constant 0 : index
        %get3A_301 = tpu.vector_load %arg11[%get3A_299, %get3A_300] {strides = array<i32>} : memref<128x128xf32, #tpu.memory_space<vmem>>, vector<1x16xf32>,
        %get3A_302 = vector.shape_cast %get3A_301 : vector<1x16xf32> to vector<16xf32>
        %max3A_303 = arith.maximumf %max3A_296, %get3A_302 : vector<16xf32>
        %add3A_304 = arith.constant 27 : i32
        %add3A_305 = arith.addi %mul3A_119, %add3A_304 : i32
        %get3A_306 = arith.index_cast %add3A_305 : i32 to index
        %get3A_307 = arith.constant 0 : index
        %get3A_308 = tpu.vector_load %arg11[%get3A_306, %get3A_307] {strides = array<i32>} : memref<128x128xf32, #tpu.memory_space<vmem>>, vector<1x16xf32>,
        %get3A_309 = vector.shape_cast %get3A_308 : vector<1x16xf32> to vector<16xf32>
        %max3A_310 = arith.maximumf %max3A_303, %get3A_309 : vector<16xf32>
        %add3A_311 = arith.constant 28 : i32
        %add3A_312 = arith.addi %mul3A_119, %add3A_311 : i32
        %get3A_313 = arith.index_cast %add3A_312 : i32 to index
        %get3A_314 = arith.constant 0 : index
        %get3A_315 = tpu.vector_load %arg11[%get3A_313, %get3A_314] {strides = array<i32>} : memref<128x128xf32, #tpu.memory_space<vmem>>, vector<1x16xf32>,
        %get3A_316 = vector.shape_cast %get3A_315 : vector<1x16xf32> to vector<16xf32>
        %max3A_317 = arith.maximumf %max3A_310, %get3A_316 : vector<16xf32>
        %add3A_318 = arith.constant 29 : i32
        %add3A_319 = arith.addi %mul3A_119, %add3A_318 : i32
        %get3A_320 = arith.index_cast %add3A_319 : i32 to index
        %get3A_321 = arith.constant 0 : index
        %get3A_322 = tpu.vector_load %arg11[%get3A_320, %get3A_321] {strides = array<i32>} : memref<128x128xf32, #tpu.memory_space<vmem>>, vector<1x16xf32>,
        %get3A_323 = vector.shape_cast %get3A_322 : vector<1x16xf32> to vector<16xf32>
        %max3A_324 = arith.maximumf %max3A_317, %get3A_323 : vector<16xf32>
        %add3A_325 = arith.constant 30 : i32
        %add3A_326 = arith.addi %mul3A_119, %add3A_325 : i32
        %get3A_327 = arith.index_cast %add3A_326 : i32 to index
        %get3A_328 = arith.constant 0 : index
        %get3A_329 = tpu.vector_load %arg11[%get3A_327, %get3A_328] {strides = array<i32>} : memref<128x128xf32, #tpu.memory_space<vmem>>, vector<1x16xf32>,
        %get3A_330 = vector.shape_cast %get3A_329 : vector<1x16xf32> to vector<16xf32>
        %max3A_331 = arith.maximumf %max3A_324, %get3A_330 : vector<16xf32>
        %add3A_332 = arith.constant 31 : i32
        %add3A_333 = arith.addi %mul3A_119, %add3A_332 : i32
        %get3A_334 = arith.index_cast %add3A_333 : i32 to index
        %get3A_335 = arith.constant 0 : index
        %get3A_336 = tpu.vector_load %arg11[%get3A_334, %get3A_335] {strides = array<i32>} : memref<128x128xf32, #tpu.memory_space<vmem>>, vector<1x16xf32>,
        %get3A_337 = vector.shape_cast %get3A_336 : vector<1x16xf32> to vector<16xf32>
        %max3A_338 = arith.maximumf %max3A_331, %get3A_337 : vector<16xf32>
        %mul3A_339 = arith.constant 4 : i32
        %mul3A_340 = arith.muli %add3A_97, %mul3A_339 : i32
        %add3A_341 = arith.addi %mul3A_340, %scan3A_117 : i32
        %swap3A = arith.index_cast %add3A_341 : i32 to index
        %swap3A_342 = arith.constant 0 : index
        %swap3A_343 = tpu.vector_load %arg13[%swap3A, %swap3A_342] {strides = array<i32>} : memref<192x128xf32, #tpu.memory_space<vmem>>, vector<1x16xf32>,
        %swap3A_344 = vector.shape_cast %swap3A_343 : vector<1x16xf32> to vector<16xf32>
        %swap3A_345 = vector.shape_cast %max3A_338 : vector<16xf32> to vector<1x16xf32>
        tpu.vector_store %arg13[%swap3A, %swap3A_342], %swap3A_345 {strides = array<i32>} : memref<192x128xf32, #tpu.memory_space<vmem>>, vector<1x16xf32>,
        %get3A_346 = arith.index_cast %mul3A_119 : i32 to index
        %get3A_347 = arith.constant 16 : index
        %get3A_348 = tpu.vector_load %arg11[%get3A_346, %get3A_347] {strides = array<i32>} : memref<128x128xf32, #tpu.memory_space<vmem>>, vector<1x16xf32>,
        %get3A_349 = vector.shape_cast %get3A_348 : vector<1x16xf32> to vector<16xf32>
        %add3A_350 = arith.constant 1 : i32
        %add3A_351 = arith.addi %mul3A_119, %add3A_350 : i32
        %get3A_352 = arith.index_cast %add3A_351 : i32 to index
        %get3A_353 = arith.constant 16 : index
        %get3A_354 = tpu.vector_load %arg11[%get3A_352, %get3A_353] {strides = array<i32>} : memref<128x128xf32, #tpu.memory_space<vmem>>, vector<1x16xf32>,
        %get3A_355 = vector.shape_cast %get3A_354 : vector<1x16xf32> to vector<16xf32>
        %max3A_356 = arith.maximumf %get3A_349, %get3A_355 : vector<16xf32>
        %add3A_357 = arith.constant 2 : i32
        %add3A_358 = arith.addi %mul3A_119, %add3A_357 : i32
        %get3A_359 = arith.index_cast %add3A_358 : i32 to index
        %get3A_360 = arith.constant 16 : index
        %get3A_361 = tpu.vector_load %arg11[%get3A_359, %get3A_360] {strides = array<i32>} : memref<128x128xf32, #tpu.memory_space<vmem>>, vector<1x16xf32>,
        %get3A_362 = vector.shape_cast %get3A_361 : vector<1x16xf32> to vector<16xf32>
        %max3A_363 = arith.maximumf %max3A_356, %get3A_362 : vector<16xf32>
        %add3A_364 = arith.constant 3 : i32
        %add3A_365 = arith.addi %mul3A_119, %add3A_364 : i32
        %get3A_366 = arith.index_cast %add3A_365 : i32 to index
        %get3A_367 = arith.constant 16 : index
        %get3A_368 = tpu.vector_load %arg11[%get3A_366, %get3A_367] {strides = array<i32>} : memref<128x128xf32, #tpu.memory_space<vmem>>, vector<1x16xf32>,
        %get3A_369 = vector.shape_cast %get3A_368 : vector<1x16xf32> to vector<16xf32>
        %max3A_370 = arith.maximumf %max3A_363, %get3A_369 : vector<16xf32>
        %add3A_371 = arith.constant 4 : i32
        %add3A_372 = arith.addi %mul3A_119, %add3A_371 : i32
        %get3A_373 = arith.index_cast %add3A_372 : i32 to index
        %get3A_374 = arith.constant 16 : index
        %get3A_375 = tpu.vector_load %arg11[%get3A_373, %get3A_374] {strides = array<i32>} : memref<128x128xf32, #tpu.memory_space<vmem>>, vector<1x16xf32>,
        %get3A_376 = vector.shape_cast %get3A_375 : vector<1x16xf32> to vector<16xf32>
        %max3A_377 = arith.maximumf %max3A_370, %get3A_376 : vector<16xf32>
        %add3A_378 = arith.constant 5 : i32
        %add3A_379 = arith.addi %mul3A_119, %add3A_378 : i32
        %get3A_380 = arith.index_cast %add3A_379 : i32 to index
        %get3A_381 = arith.constant 16 : index
        %get3A_382 = tpu.vector_load %arg11[%get3A_380, %get3A_381] {strides = array<i32>} : memref<128x128xf32, #tpu.memory_space<vmem>>, vector<1x16xf32>,
        %get3A_383 = vector.shape_cast %get3A_382 : vector<1x16xf32> to vector<16xf32>
        %max3A_384 = arith.maximumf %max3A_377, %get3A_383 : vector<16xf32>
        %add3A_385 = arith.constant 6 : i32
        %add3A_386 = arith.addi %mul3A_119, %add3A_385 : i32
        %get3A_387 = arith.index_cast %add3A_386 : i32 to index
        %get3A_388 = arith.constant 16 : index
        %get3A_389 = tpu.vector_load %arg11[%get3A_387, %get3A_388] {strides = array<i32>} : memref<128x128xf32, #tpu.memory_space<vmem>>, vector<1x16xf32>,
        %get3A_390 = vector.shape_cast %get3A_389 : vector<1x16xf32> to vector<16xf32>
        %max3A_391 = arith.maximumf %max3A_384, %get3A_390 : vector<16xf32>
        %add3A_392 = arith.constant 7 : i32
        %add3A_393 = arith.addi %mul3A_119, %add3A_392 : i32
        %get3A_394 = arith.index_cast %add3A_393 : i32 to index
        %get3A_395 = arith.constant 16 : index
        %get3A_396 = tpu.vector_load %arg11[%get3A_394, %get3A_395] {strides = array<i32>} : memref<128x128xf32, #tpu.memory_space<vmem>>, vector<1x16xf32>,
        %get3A_397 = vector.shape_cast %get3A_396 : vector<1x16xf32> to vector<16xf32>
        %max3A_398 = arith.maximumf %max3A_391, %get3A_397 : vector<16xf32>
        %add3A_399 = arith.constant 8 : i32
        %add3A_400 = arith.addi %mul3A_119, %add3A_399 : i32
        %get3A_401 = arith.index_cast %add3A_400 : i32 to index
        %get3A_402 = arith.constant 16 : index
        %get3A_403 = tpu.vector_load %arg11[%get3A_401, %get3A_402] {strides = array<i32>} : memref<128x128xf32, #tpu.memory_space<vmem>>, vector<1x16xf32>,
        %get3A_404 = vector.shape_cast %get3A_403 : vector<1x16xf32> to vector<16xf32>
        %max3A_405 = arith.maximumf %max3A_398, %get3A_404 : vector<16xf32>
        %add3A_406 = arith.constant 9 : i32
        %add3A_407 = arith.addi %mul3A_119, %add3A_406 : i32
        %get3A_408 = arith.index_cast %add3A_407 : i32 to index
        %get3A_409 = arith.constant 16 : index
        %get3A_410 = tpu.vector_load %arg11[%get3A_408, %get3A_409] {strides = array<i32>} : memref<128x128xf32, #tpu.memory_space<vmem>>, vector<1x16xf32>,
        %get3A_411 = vector.shape_cast %get3A_410 : vector<1x16xf32> to vector<16xf32>
        %max3A_412 = arith.maximumf %max3A_405, %get3A_411 : vector<16xf32>
        %add3A_413 = arith.constant 10 : i32
        %add3A_414 = arith.addi %mul3A_119, %add3A_413 : i32
        %get3A_415 = arith.index_cast %add3A_414 : i32 to index
        %get3A_416 = arith.constant 16 : index
        %get3A_417 = tpu.vector_load %arg11[%get3A_415, %get3A_416] {strides = array<i32>} : memref<128x128xf32, #tpu.memory_space<vmem>>, vector<1x16xf32>,
        %get3A_418 = vector.shape_cast %get3A_417 : vector<1x16xf32> to vector<16xf32>
        %max3A_419 = arith.maximumf %max3A_412, %get3A_418 : vector<16xf32>
        %add3A_420 = arith.constant 11 : i32
        %add3A_421 = arith.addi %mul3A_119, %add3A_420 : i32
        %get3A_422 = arith.index_cast %add3A_421 : i32 to index
        %get3A_423 = arith.constant 16 : index
        %get3A_424 = tpu.vector_load %arg11[%get3A_422, %get3A_423] {strides = array<i32>} : memref<128x128xf32, #tpu.memory_space<vmem>>, vector<1x16xf32>,
        %get3A_425 = vector.shape_cast %get3A_424 : vector<1x16xf32> to vector<16xf32>
        %max3A_426 = arith.maximumf %max3A_419, %get3A_425 : vector<16xf32>
        %add3A_427 = arith.constant 12 : i32
        %add3A_428 = arith.addi %mul3A_119, %add3A_427 : i32
        %get3A_429 = arith.index_cast %add3A_428 : i32 to index
        %get3A_430 = arith.constant 16 : index
        %get3A_431 = tpu.vector_load %arg11[%get3A_429, %get3A_430] {strides = array<i32>} : memref<128x128xf32, #tpu.memory_space<vmem>>, vector<1x16xf32>,
        %get3A_432 = vector.shape_cast %get3A_431 : vector<1x16xf32> to vector<16xf32>
        %max3A_433 = arith.maximumf %max3A_426, %get3A_432 : vector<16xf32>
        %add3A_434 = arith.constant 13 : i32
        %add3A_435 = arith.addi %mul3A_119, %add3A_434 : i32
        %get3A_436 = arith.index_cast %add3A_435 : i32 to index
        %get3A_437 = arith.constant 16 : index
        %get3A_438 = tpu.vector_load %arg11[%get3A_436, %get3A_437] {strides = array<i32>} : memref<128x128xf32, #tpu.memory_space<vmem>>, vector<1x16xf32>,
        %get3A_439 = vector.shape_cast %get3A_438 : vector<1x16xf32> to vector<16xf32>
        %max3A_440 = arith.maximumf %max3A_433, %get3A_439 : vector<16xf32>
        %add3A_441 = arith.constant 14 : i32
        %add3A_442 = arith.addi %mul3A_119, %add3A_441 : i32
        %get3A_443 = arith.index_cast %add3A_442 : i32 to index
        %get3A_444 = arith.constant 16 : index
        %get3A_445 = tpu.vector_load %arg11[%get3A_443, %get3A_444] {strides = array<i32>} : memref<128x128xf32, #tpu.memory_space<vmem>>, vector<1x16xf32>,
        %get3A_446 = vector.shape_cast %get3A_445 : vector<1x16xf32> to vector<16xf32>
        %max3A_447 = arith.maximumf %max3A_440, %get3A_446 : vector<16xf32>
        %add3A_448 = arith.constant 15 : i32
        %add3A_449 = arith.addi %mul3A_119, %add3A_448 : i32
        %get3A_450 = arith.index_cast %add3A_449 : i32 to index
        %get3A_451 = arith.constant 16 : index
        %get3A_452 = tpu.vector_load %arg11[%get3A_450, %get3A_451] {strides = array<i32>} : memref<128x128xf32, #tpu.memory_space<vmem>>, vector<1x16xf32>,
        %get3A_453 = vector.shape_cast %get3A_452 : vector<1x16xf32> to vector<16xf32>
        %max3A_454 = arith.maximumf %max3A_447, %get3A_453 : vector<16xf32>
        %add3A_455 = arith.constant 16 : i32
        %add3A_456 = arith.addi %mul3A_119, %add3A_455 : i32
        %get3A_457 = arith.index_cast %add3A_456 : i32 to index
        %get3A_458 = arith.constant 16 : index
        %get3A_459 = tpu.vector_load %arg11[%get3A_457, %get3A_458] {strides = array<i32>} : memref<128x128xf32, #tpu.memory_space<vmem>>, vector<1x16xf32>,
        %get3A_460 = vector.shape_cast %get3A_459 : vector<1x16xf32> to vector<16xf32>
        %max3A_461 = arith.maximumf %max3A_454, %get3A_460 : vector<16xf32>
        %add3A_462 = arith.constant 17 : i32
        %add3A_463 = arith.addi %mul3A_119, %add3A_462 : i32
        %get3A_464 = arith.index_cast %add3A_463 : i32 to index
        %get3A_465 = arith.constant 16 : index
        %get3A_466 = tpu.vector_load %arg11[%get3A_464, %get3A_465] {strides = array<i32>} : memref<128x128xf32, #tpu.memory_space<vmem>>, vector<1x16xf32>,
        %get3A_467 = vector.shape_cast %get3A_466 : vector<1x16xf32> to vector<16xf32>
        %max3A_468 = arith.maximumf %max3A_461, %get3A_467 : vector<16xf32>
        %add3A_469 = arith.constant 18 : i32
        %add3A_470 = arith.addi %mul3A_119, %add3A_469 : i32
        %get3A_471 = arith.index_cast %add3A_470 : i32 to index
        %get3A_472 = arith.constant 16 : index
        %get3A_473 = tpu.vector_load %arg11[%get3A_471, %get3A_472] {strides = array<i32>} : memref<128x128xf32, #tpu.memory_space<vmem>>, vector<1x16xf32>,
        %get3A_474 = vector.shape_cast %get3A_473 : vector<1x16xf32> to vector<16xf32>
        %max3A_475 = arith.maximumf %max3A_468, %get3A_474 : vector<16xf32>
        %add3A_476 = arith.constant 19 : i32
        %add3A_477 = arith.addi %mul3A_119, %add3A_476 : i32
        %get3A_478 = arith.index_cast %add3A_477 : i32 to index
        %get3A_479 = arith.constant 16 : index
        %get3A_480 = tpu.vector_load %arg11[%get3A_478, %get3A_479] {strides = array<i32>} : memref<128x128xf32, #tpu.memory_space<vmem>>, vector<1x16xf32>,
        %get3A_481 = vector.shape_cast %get3A_480 : vector<1x16xf32> to vector<16xf32>
        %max3A_482 = arith.maximumf %max3A_475, %get3A_481 : vector<16xf32>
        %add3A_483 = arith.constant 20 : i32
        %add3A_484 = arith.addi %mul3A_119, %add3A_483 : i32
        %get3A_485 = arith.index_cast %add3A_484 : i32 to index
        %get3A_486 = arith.constant 16 : index
        %get3A_487 = tpu.vector_load %arg11[%get3A_485, %get3A_486] {strides = array<i32>} : memref<128x128xf32, #tpu.memory_space<vmem>>, vector<1x16xf32>,
        %get3A_488 = vector.shape_cast %get3A_487 : vector<1x16xf32> to vector<16xf32>
        %max3A_489 = arith.maximumf %max3A_482, %get3A_488 : vector<16xf32>
        %add3A_490 = arith.constant 21 : i32
        %add3A_491 = arith.addi %mul3A_119, %add3A_490 : i32
        %get3A_492 = arith.index_cast %add3A_491 : i32 to index
        %get3A_493 = arith.constant 16 : index
        %get3A_494 = tpu.vector_load %arg11[%get3A_492, %get3A_493] {strides = array<i32>} : memref<128x128xf32, #tpu.memory_space<vmem>>, vector<1x16xf32>,
        %get3A_495 = vector.shape_cast %get3A_494 : vector<1x16xf32> to vector<16xf32>
        %max3A_496 = arith.maximumf %max3A_489, %get3A_495 : vector<16xf32>
        %add3A_497 = arith.constant 22 : i32
        %add3A_498 = arith.addi %mul3A_119, %add3A_497 : i32
        %get3A_499 = arith.index_cast %add3A_498 : i32 to index
        %get3A_500 = arith.constant 16 : index
        %get3A_501 = tpu.vector_load %arg11[%get3A_499, %get3A_500] {strides = array<i32>} : memref<128x128xf32, #tpu.memory_space<vmem>>, vector<1x16xf32>,
        %get3A_502 = vector.shape_cast %get3A_501 : vector<1x16xf32> to vector<16xf32>
        %max3A_503 = arith.maximumf %max3A_496, %get3A_502 : vector<16xf32>
        %add3A_504 = arith.constant 23 : i32
        %add3A_505 = arith.addi %mul3A_119, %add3A_504 : i32
        %get3A_506 = arith.index_cast %add3A_505 : i32 to index
        %get3A_507 = arith.constant 16 : index
        %get3A_508 = tpu.vector_load %arg11[%get3A_506, %get3A_507] {strides = array<i32>} : memref<128x128xf32, #tpu.memory_space<vmem>>, vector<1x16xf32>,
        %get3A_509 = vector.shape_cast %get3A_508 : vector<1x16xf32> to vector<16xf32>
        %max3A_510 = arith.maximumf %max3A_503, %get3A_509 : vector<16xf32>
        %add3A_511 = arith.constant 24 : i32
        %add3A_512 = arith.addi %mul3A_119, %add3A_511 : i32
        %get3A_513 = arith.index_cast %add3A_512 : i32 to index
        %get3A_514 = arith.constant 16 : index
        %get3A_515 = tpu.vector_load %arg11[%get3A_513, %get3A_514] {strides = array<i32>} : memref<128x128xf32, #tpu.memory_space<vmem>>, vector<1x16xf32>,
        %get3A_516 = vector.shape_cast %get3A_515 : vector<1x16xf32> to vector<16xf32>
        %max3A_517 = arith.maximumf %max3A_510, %get3A_516 : vector<16xf32>
        %add3A_518 = arith.constant 25 : i32
        %add3A_519 = arith.addi %mul3A_119, %add3A_518 : i32
        %get3A_520 = arith.index_cast %add3A_519 : i32 to index
        %get3A_521 = arith.constant 16 : index
        %get3A_522 = tpu.vector_load %arg11[%get3A_520, %get3A_521] {strides = array<i32>} : memref<128x128xf32, #tpu.memory_space<vmem>>, vector<1x16xf32>,
        %get3A_523 = vector.shape_cast %get3A_522 : vector<1x16xf32> to vector<16xf32>
        %max3A_524 = arith.maximumf %max3A_517, %get3A_523 : vector<16xf32>
        %add3A_525 = arith.constant 26 : i32
        %add3A_526 = arith.addi %mul3A_119, %add3A_525 : i32
        %get3A_527 = arith.index_cast %add3A_526 : i32 to index
        %get3A_528 = arith.constant 16 : index
        %get3A_529 = tpu.vector_load %arg11[%get3A_527, %get3A_528] {strides = array<i32>} : memref<128x128xf32, #tpu.memory_space<vmem>>, vector<1x16xf32>,
        %get3A_530 = vector.shape_cast %get3A_529 : vector<1x16xf32> to vector<16xf32>
        %max3A_531 = arith.maximumf %max3A_524, %get3A_530 : vector<16xf32>
        %add3A_532 = arith.constant 27 : i32
        %add3A_533 = arith.addi %mul3A_119, %add3A_532 : i32
        %get3A_534 = arith.index_cast %add3A_533 : i32 to index
        %get3A_535 = arith.constant 16 : index
        %get3A_536 = tpu.vector_load %arg11[%get3A_534, %get3A_535] {strides = array<i32>} : memref<128x128xf32, #tpu.memory_space<vmem>>, vector<1x16xf32>,
        %get3A_537 = vector.shape_cast %get3A_536 : vector<1x16xf32> to vector<16xf32>
        %max3A_538 = arith.maximumf %max3A_531, %get3A_537 : vector<16xf32>
        %add3A_539 = arith.constant 28 : i32
        %add3A_540 = arith.addi %mul3A_119, %add3A_539 : i32
        %get3A_541 = arith.index_cast %add3A_540 : i32 to index
        %get3A_542 = arith.constant 16 : index
        %get3A_543 = tpu.vector_load %arg11[%get3A_541, %get3A_542] {strides = array<i32>} : memref<128x128xf32, #tpu.memory_space<vmem>>, vector<1x16xf32>,
        %get3A_544 = vector.shape_cast %get3A_543 : vector<1x16xf32> to vector<16xf32>
        %max3A_545 = arith.maximumf %max3A_538, %get3A_544 : vector<16xf32>
        %add3A_546 = arith.constant 29 : i32
        %add3A_547 = arith.addi %mul3A_119, %add3A_546 : i32
        %get3A_548 = arith.index_cast %add3A_547 : i32 to index
        %get3A_549 = arith.constant 16 : index
        %get3A_550 = tpu.vector_load %arg11[%get3A_548, %get3A_549] {strides = array<i32>} : memref<128x128xf32, #tpu.memory_space<vmem>>, vector<1x16xf32>,
        %get3A_551 = vector.shape_cast %get3A_550 : vector<1x16xf32> to vector<16xf32>
        %max3A_552 = arith.maximumf %max3A_545, %get3A_551 : vector<16xf32>
        %add3A_553 = arith.constant 30 : i32
        %add3A_554 = arith.addi %mul3A_119, %add3A_553 : i32
        %get3A_555 = arith.index_cast %add3A_554 : i32 to index
        %get3A_556 = arith.constant 16 : index
        %get3A_557 = tpu.vector_load %arg11[%get3A_555, %get3A_556] {strides = array<i32>} : memref<128x128xf32, #tpu.memory_space<vmem>>, vector<1x16xf32>,
        %get3A_558 = vector.shape_cast %get3A_557 : vector<1x16xf32> to vector<16xf32>
        %max3A_559 = arith.maximumf %max3A_552, %get3A_558 : vector<16xf32>
        %add3A_560 = arith.constant 31 : i32
        %add3A_561 = arith.addi %mul3A_119, %add3A_560 : i32
        %get3A_562 = arith.index_cast %add3A_561 : i32 to index
        %get3A_563 = arith.constant 16 : index
        %get3A_564 = tpu.vector_load %arg11[%get3A_562, %get3A_563] {strides = array<i32>} : memref<128x128xf32, #tpu.memory_space<vmem>>, vector<1x16xf32>,
        %get3A_565 = vector.shape_cast %get3A_564 : vector<1x16xf32> to vector<16xf32>
        %max3A_566 = arith.maximumf %max3A_559, %get3A_565 : vector<16xf32>
        %mul3A_567 = arith.constant 4 : i32
        %mul3A_568 = arith.muli %add3A_97, %mul3A_567 : i32
        %add3A_569 = arith.addi %mul3A_568, %scan3A_117 : i32
        %swap3A_570 = arith.index_cast %add3A_569 : i32 to index
        %swap3A_571 = arith.constant 16 : index
        %swap3A_572 = tpu.vector_load %arg13[%swap3A_570, %swap3A_571] {strides = array<i32>} : memref<192x128xf32, #tpu.memory_space<vmem>>, vector<1x16xf32>,
        %swap3A_573 = vector.shape_cast %swap3A_572 : vector<1x16xf32> to vector<16xf32>
        %swap3A_574 = vector.shape_cast %max3A_566 : vector<16xf32> to vector<1x16xf32>
        tpu.vector_store %arg13[%swap3A_570, %swap3A_571], %swap3A_574 {strides = array<i32>} : memref<192x128xf32, #tpu.memory_space<vmem>>, vector<1x16xf32>,
        %get3A_575 = arith.index_cast %mul3A_119 : i32 to index
        %get3A_576 = arith.constant 32 : index
        %get3A_577 = tpu.vector_load %arg11[%get3A_575, %get3A_576] {strides = array<i32>} : memref<128x128xf32, #tpu.memory_space<vmem>>, vector<1x16xf32>,
        %get3A_578 = vector.shape_cast %get3A_577 : vector<1x16xf32> to vector<16xf32>
        %add3A_579 = arith.constant 1 : i32
        %add3A_580 = arith.addi %mul3A_119, %add3A_579 : i32
        %get3A_581 = arith.index_cast %add3A_580 : i32 to index
        %get3A_582 = arith.constant 32 : index
        %get3A_583 = tpu.vector_load %arg11[%get3A_581, %get3A_582] {strides = array<i32>} : memref<128x128xf32, #tpu.memory_space<vmem>>, vector<1x16xf32>,
        %get3A_584 = vector.shape_cast %get3A_583 : vector<1x16xf32> to vector<16xf32>
        %max3A_585 = arith.maximumf %get3A_578, %get3A_584 : vector<16xf32>
        %add3A_586 = arith.constant 2 : i32
        %add3A_587 = arith.addi %mul3A_119, %add3A_586 : i32
        %get3A_588 = arith.index_cast %add3A_587 : i32 to index
        %get3A_589 = arith.constant 32 : index
        %get3A_590 = tpu.vector_load %arg11[%get3A_588, %get3A_589] {strides = array<i32>} : memref<128x128xf32, #tpu.memory_space<vmem>>, vector<1x16xf32>,
        %get3A_591 = vector.shape_cast %get3A_590 : vector<1x16xf32> to vector<16xf32>
        %max3A_592 = arith.maximumf %max3A_585, %get3A_591 : vector<16xf32>
        %add3A_593 = arith.constant 3 : i32
        %add3A_594 = arith.addi %mul3A_119, %add3A_593 : i32
        %get3A_595 = arith.index_cast %add3A_594 : i32 to index
        %get3A_596 = arith.constant 32 : index
        %get3A_597 = tpu.vector_load %arg11[%get3A_595, %get3A_596] {strides = array<i32>} : memref<128x128xf32, #tpu.memory_space<vmem>>, vector<1x16xf32>,
        %get3A_598 = vector.shape_cast %get3A_597 : vector<1x16xf32> to vector<16xf32>
        %max3A_599 = arith.maximumf %max3A_592, %get3A_598 : vector<16xf32>
        %add3A_600 = arith.constant 4 : i32
        %add3A_601 = arith.addi %mul3A_119, %add3A_600 : i32
        %get3A_602 = arith.index_cast %add3A_601 : i32 to index
        %get3A_603 = arith.constant 32 : index
        %get3A_604 = tpu.vector_load %arg11[%get3A_602, %get3A_603] {strides = array<i32>} : memref<128x128xf32, #tpu.memory_space<vmem>>, vector<1x16xf32>,
        %get3A_605 = vector.shape_cast %get3A_604 : vector<1x16xf32> to vector<16xf32>
        %max3A_606 = arith.maximumf %max3A_599, %get3A_605 : vector<16xf32>
        %add3A_607 = arith.constant 5 : i32
        %add3A_608 = arith.addi %mul3A_119, %add3A_607 : i32
        %get3A_609 = arith.index_cast %add3A_608 : i32 to index
        %get3A_610 = arith.constant 32 : index
        %get3A_611 = tpu.vector_load %arg11[%get3A_609, %get3A_610] {strides = array<i32>} : memref<128x128xf32, #tpu.memory_space<vmem>>, vector<1x16xf32>,
        %get3A_612 = vector.shape_cast %get3A_611 : vector<1x16xf32> to vector<16xf32>
        %max3A_613 = arith.maximumf %max3A_606, %get3A_612 : vector<16xf32>
        %add3A_614 = arith.constant 6 : i32
        %add3A_615 = arith.addi %mul3A_119, %add3A_614 : i32
        %get3A_616 = arith.index_cast %add3A_615 : i32 to index
        %get3A_617 = arith.constant 32 : index
        %get3A_618 = tpu.vector_load %arg11[%get3A_616, %get3A_617] {strides = array<i32>} : memref<128x128xf32, #tpu.memory_space<vmem>>, vector<1x16xf32>,
        %get3A_619 = vector.shape_cast %get3A_618 : vector<1x16xf32> to vector<16xf32>
        %max3A_620 = arith.maximumf %max3A_613, %get3A_619 : vector<16xf32>
        %add3A_621 = arith.constant 7 : i32
        %add3A_622 = arith.addi %mul3A_119, %add3A_621 : i32
        %get3A_623 = arith.index_cast %add3A_622 : i32 to index
        %get3A_624 = arith.constant 32 : index
        %get3A_625 = tpu.vector_load %arg11[%get3A_623, %get3A_624] {strides = array<i32>} : memref<128x128xf32, #tpu.memory_space<vmem>>, vector<1x16xf32>,
        %get3A_626 = vector.shape_cast %get3A_625 : vector<1x16xf32> to vector<16xf32>
        %max3A_627 = arith.maximumf %max3A_620, %get3A_626 : vector<16xf32>
        %add3A_628 = arith.constant 8 : i32
        %add3A_629 = arith.addi %mul3A_119, %add3A_628 : i32
        %get3A_630 = arith.index_cast %add3A_629 : i32 to index
        %get3A_631 = arith.constant 32 : index
        %get3A_632 = tpu.vector_load %arg11[%get3A_630, %get3A_631] {strides = array<i32>} : memref<128x128xf32, #tpu.memory_space<vmem>>, vector<1x16xf32>,
        %get3A_633 = vector.shape_cast %get3A_632 : vector<1x16xf32> to vector<16xf32>
        %max3A_634 = arith.maximumf %max3A_627, %get3A_633 : vector<16xf32>
        %add3A_635 = arith.constant 9 : i32
        %add3A_636 = arith.addi %mul3A_119, %add3A_635 : i32
        %get3A_637 = arith.index_cast %add3A_636 : i32 to index
        %get3A_638 = arith.constant 32 : index
        %get3A_639 = tpu.vector_load %arg11[%get3A_637, %get3A_638] {strides = array<i32>} : memref<128x128xf32, #tpu.memory_space<vmem>>, vector<1x16xf32>,
        %get3A_640 = vector.shape_cast %get3A_639 : vector<1x16xf32> to vector<16xf32>
        %max3A_641 = arith.maximumf %max3A_634, %get3A_640 : vector<16xf32>
        %add3A_642 = arith.constant 10 : i32
        %add3A_643 = arith.addi %mul3A_119, %add3A_642 : i32
        %get3A_644 = arith.index_cast %add3A_643 : i32 to index
        %get3A_645 = arith.constant 32 : index
        %get3A_646 = tpu.vector_load %arg11[%get3A_644, %get3A_645] {strides = array<i32>} : memref<128x128xf32, #tpu.memory_space<vmem>>, vector<1x16xf32>,
        %get3A_647 = vector.shape_cast %get3A_646 : vector<1x16xf32> to vector<16xf32>
        %max3A_648 = arith.maximumf %max3A_641, %get3A_647 : vector<16xf32>
        %add3A_649 = arith.constant 11 : i32
        %add3A_650 = arith.addi %mul3A_119, %add3A_649 : i32
        %get3A_651 = arith.index_cast %add3A_650 : i32 to index
        %get3A_652 = arith.constant 32 : index
        %get3A_653 = tpu.vector_load %arg11[%get3A_651, %get3A_652] {strides = array<i32>} : memref<128x128xf32, #tpu.memory_space<vmem>>, vector<1x16xf32>,
        %get3A_654 = vector.shape_cast %get3A_653 : vector<1x16xf32> to vector<16xf32>
        %max3A_655 = arith.maximumf %max3A_648, %get3A_654 : vector<16xf32>
        %add3A_656 = arith.constant 12 : i32
        %add3A_657 = arith.addi %mul3A_119, %add3A_656 : i32
        %get3A_658 = arith.index_cast %add3A_657 : i32 to index
        %get3A_659 = arith.constant 32 : index
        %get3A_660 = tpu.vector_load %arg11[%get3A_658, %get3A_659] {strides = array<i32>} : memref<128x128xf32, #tpu.memory_space<vmem>>, vector<1x16xf32>,
        %get3A_661 = vector.shape_cast %get3A_660 : vector<1x16xf32> to vector<16xf32>
        %max3A_662 = arith.maximumf %max3A_655, %get3A_661 : vector<16xf32>
        %add3A_663 = arith.constant 13 : i32
        %add3A_664 = arith.addi %mul3A_119, %add3A_663 : i32
        %get3A_665 = arith.index_cast %add3A_664 : i32 to index
        %get3A_666 = arith.constant 32 : index
        %get3A_667 = tpu.vector_load %arg11[%get3A_665, %get3A_666] {strides = array<i32>} : memref<128x128xf32, #tpu.memory_space<vmem>>, vector<1x16xf32>,
        %get3A_668 = vector.shape_cast %get3A_667 : vector<1x16xf32> to vector<16xf32>
        %max3A_669 = arith.maximumf %max3A_662, %get3A_668 : vector<16xf32>
        %add3A_670 = arith.constant 14 : i32
        %add3A_671 = arith.addi %mul3A_119, %add3A_670 : i32
        %get3A_672 = arith.index_cast %add3A_671 : i32 to index
        %get3A_673 = arith.constant 32 : index
        %get3A_674 = tpu.vector_load %arg11[%get3A_672, %get3A_673] {strides = array<i32>} : memref<128x128xf32, #tpu.memory_space<vmem>>, vector<1x16xf32>,
        %get3A_675 = vector.shape_cast %get3A_674 : vector<1x16xf32> to vector<16xf32>
        %max3A_676 = arith.maximumf %max3A_669, %get3A_675 : vector<16xf32>
        %add3A_677 = arith.constant 15 : i32
        %add3A_678 = arith.addi %mul3A_119, %add3A_677 : i32
        %get3A_679 = arith.index_cast %add3A_678 : i32 to index
        %get3A_680 = arith.constant 32 : index
        %get3A_681 = tpu.vector_load %arg11[%get3A_679, %get3A_680] {strides = array<i32>} : memref<128x128xf32, #tpu.memory_space<vmem>>, vector<1x16xf32>,
        %get3A_682 = vector.shape_cast %get3A_681 : vector<1x16xf32> to vector<16xf32>
        %max3A_683 = arith.maximumf %max3A_676, %get3A_682 : vector<16xf32>
        %add3A_684 = arith.constant 16 : i32
        %add3A_685 = arith.addi %mul3A_119, %add3A_684 : i32
        %get3A_686 = arith.index_cast %add3A_685 : i32 to index
        %get3A_687 = arith.constant 32 : index
        %get3A_688 = tpu.vector_load %arg11[%get3A_686, %get3A_687] {strides = array<i32>} : memref<128x128xf32, #tpu.memory_space<vmem>>, vector<1x16xf32>,
        %get3A_689 = vector.shape_cast %get3A_688 : vector<1x16xf32> to vector<16xf32>
        %max3A_690 = arith.maximumf %max3A_683, %get3A_689 : vector<16xf32>
        %add3A_691 = arith.constant 17 : i32
        %add3A_692 = arith.addi %mul3A_119, %add3A_691 : i32
        %get3A_693 = arith.index_cast %add3A_692 : i32 to index
        %get3A_694 = arith.constant 32 : index
        %get3A_695 = tpu.vector_load %arg11[%get3A_693, %get3A_694] {strides = array<i32>} : memref<128x128xf32, #tpu.memory_space<vmem>>, vector<1x16xf32>,
        %get3A_696 = vector.shape_cast %get3A_695 : vector<1x16xf32> to vector<16xf32>
        %max3A_697 = arith.maximumf %max3A_690, %get3A_696 : vector<16xf32>
        %add3A_698 = arith.constant 18 : i32
        %add3A_699 = arith.addi %mul3A_119, %add3A_698 : i32
        %get3A_700 = arith.index_cast %add3A_699 : i32 to index
        %get3A_701 = arith.constant 32 : index
        %get3A_702 = tpu.vector_load %arg11[%get3A_700, %get3A_701] {strides = array<i32>} : memref<128x128xf32, #tpu.memory_space<vmem>>, vector<1x16xf32>,
        %get3A_703 = vector.shape_cast %get3A_702 : vector<1x16xf32> to vector<16xf32>
        %max3A_704 = arith.maximumf %max3A_697, %get3A_703 : vector<16xf32>
        %add3A_705 = arith.constant 19 : i32
        %add3A_706 = arith.addi %mul3A_119, %add3A_705 : i32
        %get3A_707 = arith.index_cast %add3A_706 : i32 to index
        %get3A_708 = arith.constant 32 : index
        %get3A_709 = tpu.vector_load %arg11[%get3A_707, %get3A_708] {strides = array<i32>} : memref<128x128xf32, #tpu.memory_space<vmem>>, vector<1x16xf32>,
        %get3A_710 = vector.shape_cast %get3A_709 : vector<1x16xf32> to vector<16xf32>
        %max3A_711 = arith.maximumf %max3A_704, %get3A_710 : vector<16xf32>
        %add3A_712 = arith.constant 20 : i32
        %add3A_713 = arith.addi %mul3A_119, %add3A_712 : i32
        %get3A_714 = arith.index_cast %add3A_713 : i32 to index
        %get3A_715 = arith.constant 32 : index
        %get3A_716 = tpu.vector_load %arg11[%get3A_714, %get3A_715] {strides = array<i32>} : memref<128x128xf32, #tpu.memory_space<vmem>>, vector<1x16xf32>,
        %get3A_717 = vector.shape_cast %get3A_716 : vector<1x16xf32> to vector<16xf32>
        %max3A_718 = arith.maximumf %max3A_711, %get3A_717 : vector<16xf32>
        %add3A_719 = arith.constant 21 : i32
        %add3A_720 = arith.addi %mul3A_119, %add3A_719 : i32
        %get3A_721 = arith.index_cast %add3A_720 : i32 to index
        %get3A_722 = arith.constant 32 : index
        %get3A_723 = tpu.vector_load %arg11[%get3A_721, %get3A_722] {strides = array<i32>} : memref<128x128xf32, #tpu.memory_space<vmem>>, vector<1x16xf32>,
        %get3A_724 = vector.shape_cast %get3A_723 : vector<1x16xf32> to vector<16xf32>
        %max3A_725 = arith.maximumf %max3A_718, %get3A_724 : vector<16xf32>
        %add3A_726 = arith.constant 22 : i32
        %add3A_727 = arith.addi %mul3A_119, %add3A_726 : i32
        %get3A_728 = arith.index_cast %add3A_727 : i32 to index
        %get3A_729 = arith.constant 32 : index
        %get3A_730 = tpu.vector_load %arg11[%get3A_728, %get3A_729] {strides = array<i32>} : memref<128x128xf32, #tpu.memory_space<vmem>>, vector<1x16xf32>,
        %get3A_731 = vector.shape_cast %get3A_730 : vector<1x16xf32> to vector<16xf32>
        %max3A_732 = arith.maximumf %max3A_725, %get3A_731 : vector<16xf32>
        %add3A_733 = arith.constant 23 : i32
        %add3A_734 = arith.addi %mul3A_119, %add3A_733 : i32
        %get3A_735 = arith.index_cast %add3A_734 : i32 to index
        %get3A_736 = arith.constant 32 : index
        %get3A_737 = tpu.vector_load %arg11[%get3A_735, %get3A_736] {strides = array<i32>} : memref<128x128xf32, #tpu.memory_space<vmem>>, vector<1x16xf32>,
        %get3A_738 = vector.shape_cast %get3A_737 : vector<1x16xf32> to vector<16xf32>
        %max3A_739 = arith.maximumf %max3A_732, %get3A_738 : vector<16xf32>
        %add3A_740 = arith.constant 24 : i32
        %add3A_741 = arith.addi %mul3A_119, %add3A_740 : i32
        %get3A_742 = arith.index_cast %add3A_741 : i32 to index
        %get3A_743 = arith.constant 32 : index
        %get3A_744 = tpu.vector_load %arg11[%get3A_742, %get3A_743] {strides = array<i32>} : memref<128x128xf32, #tpu.memory_space<vmem>>, vector<1x16xf32>,
        %get3A_745 = vector.shape_cast %get3A_744 : vector<1x16xf32> to vector<16xf32>
        %max3A_746 = arith.maximumf %max3A_739, %get3A_745 : vector<16xf32>
        %add3A_747 = arith.constant 25 : i32
        %add3A_748 = arith.addi %mul3A_119, %add3A_747 : i32
        %get3A_749 = arith.index_cast %add3A_748 : i32 to index
        %get3A_750 = arith.constant 32 : index
        %get3A_751 = tpu.vector_load %arg11[%get3A_749, %get3A_750] {strides = array<i32>} : memref<128x128xf32, #tpu.memory_space<vmem>>, vector<1x16xf32>,
        %get3A_752 = vector.shape_cast %get3A_751 : vector<1x16xf32> to vector<16xf32>
        %max3A_753 = arith.maximumf %max3A_746, %get3A_752 : vector<16xf32>
        %add3A_754 = arith.constant 26 : i32
        %add3A_755 = arith.addi %mul3A_119, %add3A_754 : i32
        %get3A_756 = arith.index_cast %add3A_755 : i32 to index
        %get3A_757 = arith.constant 32 : index
        %get3A_758 = tpu.vector_load %arg11[%get3A_756, %get3A_757] {strides = array<i32>} : memref<128x128xf32, #tpu.memory_space<vmem>>, vector<1x16xf32>,
        %get3A_759 = vector.shape_cast %get3A_758 : vector<1x16xf32> to vector<16xf32>
        %max3A_760 = arith.maximumf %max3A_753, %get3A_759 : vector<16xf32>
        %add3A_761 = arith.constant 27 : i32
        %add3A_762 = arith.addi %mul3A_119, %add3A_761 : i32
        %get3A_763 = arith.index_cast %add3A_762 : i32 to index
        %get3A_764 = arith.constant 32 : index
        %get3A_765 = tpu.vector_load %arg11[%get3A_763, %get3A_764] {strides = array<i32>} : memref<128x128xf32, #tpu.memory_space<vmem>>, vector<1x16xf32>,
        %get3A_766 = vector.shape_cast %get3A_765 : vector<1x16xf32> to vector<16xf32>
        %max3A_767 = arith.maximumf %max3A_760, %get3A_766 : vector<16xf32>
        %add3A_768 = arith.constant 28 : i32
        %add3A_769 = arith.addi %mul3A_119, %add3A_768 : i32
        %get3A_770 = arith.index_cast %add3A_769 : i32 to index
        %get3A_771 = arith.constant 32 : index
        %get3A_772 = tpu.vector_load %arg11[%get3A_770, %get3A_771] {strides = array<i32>} : memref<128x128xf32, #tpu.memory_space<vmem>>, vector<1x16xf32>,
        %get3A_773 = vector.shape_cast %get3A_772 : vector<1x16xf32> to vector<16xf32>
        %max3A_774 = arith.maximumf %max3A_767, %get3A_773 : vector<16xf32>
        %add3A_775 = arith.constant 29 : i32
        %add3A_776 = arith.addi %mul3A_119, %add3A_775 : i32
        %get3A_777 = arith.index_cast %add3A_776 : i32 to index
        %get3A_778 = arith.constant 32 : index
        %get3A_779 = tpu.vector_load %arg11[%get3A_777, %get3A_778] {strides = array<i32>} : memref<128x128xf32, #tpu.memory_space<vmem>>, vector<1x16xf32>,
        %get3A_780 = vector.shape_cast %get3A_779 : vector<1x16xf32> to vector<16xf32>
        %max3A_781 = arith.maximumf %max3A_774, %get3A_780 : vector<16xf32>
        %add3A_782 = arith.constant 30 : i32
        %add3A_783 = arith.addi %mul3A_119, %add3A_782 : i32
        %get3A_784 = arith.index_cast %add3A_783 : i32 to index
        %get3A_785 = arith.constant 32 : index
        %get3A_786 = tpu.vector_load %arg11[%get3A_784, %get3A_785] {strides = array<i32>} : memref<128x128xf32, #tpu.memory_space<vmem>>, vector<1x16xf32>,
        %get3A_787 = vector.shape_cast %get3A_786 : vector<1x16xf32> to vector<16xf32>
        %max3A_788 = arith.maximumf %max3A_781, %get3A_787 : vector<16xf32>
        %add3A_789 = arith.constant 31 : i32
        %add3A_790 = arith.addi %mul3A_119, %add3A_789 : i32
        %get3A_791 = arith.index_cast %add3A_790 : i32 to index
        %get3A_792 = arith.constant 32 : index
        %get3A_793 = tpu.vector_load %arg11[%get3A_791, %get3A_792] {strides = array<i32>} : memref<128x128xf32, #tpu.memory_space<vmem>>, vector<1x16xf32>,
        %get3A_794 = vector.shape_cast %get3A_793 : vector<1x16xf32> to vector<16xf32>
        %max3A_795 = arith.maximumf %max3A_788, %get3A_794 : vector<16xf32>
        %mul3A_796 = arith.constant 4 : i32
        %mul3A_797 = arith.muli %add3A_97, %mul3A_796 : i32
        %add3A_798 = arith.addi %mul3A_797, %scan3A_117 : i32
        %swap3A_799 = arith.index_cast %add3A_798 : i32 to index
        %swap3A_800 = arith.constant 32 : index
        %swap3A_801 = tpu.vector_load %arg13[%swap3A_799, %swap3A_800] {strides = array<i32>} : memref<192x128xf32, #tpu.memory_space<vmem>>, vector<1x16xf32>,
        %swap3A_802 = vector.shape_cast %swap3A_801 : vector<1x16xf32> to vector<16xf32>
        %swap3A_803 = vector.shape_cast %max3A_795 : vector<16xf32> to vector<1x16xf32>
        tpu.vector_store %arg13[%swap3A_799, %swap3A_800], %swap3A_803 {strides = array<i32>} : memref<192x128xf32, #tpu.memory_space<vmem>>, vector<1x16xf32>,
        %get3A_804 = arith.index_cast %mul3A_119 : i32 to index
        %get3A_805 = arith.constant 48 : index
        %get3A_806 = tpu.vector_load %arg11[%get3A_804, %get3A_805] {strides = array<i32>} : memref<128x128xf32, #tpu.memory_space<vmem>>, vector<1x16xf32>,
        %get3A_807 = vector.shape_cast %get3A_806 : vector<1x16xf32> to vector<16xf32>
        %add3A_808 = arith.constant 1 : i32
        %add3A_809 = arith.addi %mul3A_119, %add3A_808 : i32
        %get3A_810 = arith.index_cast %add3A_809 : i32 to index
        %get3A_811 = arith.constant 48 : index
        %get3A_812 = tpu.vector_load %arg11[%get3A_810, %get3A_811] {strides = array<i32>} : memref<128x128xf32, #tpu.memory_space<vmem>>, vector<1x16xf32>,
        %get3A_813 = vector.shape_cast %get3A_812 : vector<1x16xf32> to vector<16xf32>
        %max3A_814 = arith.maximumf %get3A_807, %get3A_813 : vector<16xf32>
        %add3A_815 = arith.constant 2 : i32
        %add3A_816 = arith.addi %mul3A_119, %add3A_815 : i32
        %get3A_817 = arith.index_cast %add3A_816 : i32 to index
        %get3A_818 = arith.constant 48 : index
        %get3A_819 = tpu.vector_load %arg11[%get3A_817, %get3A_818] {strides = array<i32>} : memref<128x128xf32, #tpu.memory_space<vmem>>, vector<1x16xf32>,
        %get3A_820 = vector.shape_cast %get3A_819 : vector<1x16xf32> to vector<16xf32>
        %max3A_821 = arith.maximumf %max3A_814, %get3A_820 : vector<16xf32>
        %add3A_822 = arith.constant 3 : i32
        %add3A_823 = arith.addi %mul3A_119, %add3A_822 : i32
        %get3A_824 = arith.index_cast %add3A_823 : i32 to index
        %get3A_825 = arith.constant 48 : index
        %get3A_826 = tpu.vector_load %arg11[%get3A_824, %get3A_825] {strides = array<i32>} : memref<128x128xf32, #tpu.memory_space<vmem>>, vector<1x16xf32>,
        %get3A_827 = vector.shape_cast %get3A_826 : vector<1x16xf32> to vector<16xf32>
        %max3A_828 = arith.maximumf %max3A_821, %get3A_827 : vector<16xf32>
        %add3A_829 = arith.constant 4 : i32
        %add3A_830 = arith.addi %mul3A_119, %add3A_829 : i32
        %get3A_831 = arith.index_cast %add3A_830 : i32 to index
        %get3A_832 = arith.constant 48 : index
        %get3A_833 = tpu.vector_load %arg11[%get3A_831, %get3A_832] {strides = array<i32>} : memref<128x128xf32, #tpu.memory_space<vmem>>, vector<1x16xf32>,
        %get3A_834 = vector.shape_cast %get3A_833 : vector<1x16xf32> to vector<16xf32>
        %max3A_835 = arith.maximumf %max3A_828, %get3A_834 : vector<16xf32>
        %add3A_836 = arith.constant 5 : i32
        %add3A_837 = arith.addi %mul3A_119, %add3A_836 : i32
        %get3A_838 = arith.index_cast %add3A_837 : i32 to index
        %get3A_839 = arith.constant 48 : index
        %get3A_840 = tpu.vector_load %arg11[%get3A_838, %get3A_839] {strides = array<i32>} : memref<128x128xf32, #tpu.memory_space<vmem>>, vector<1x16xf32>,
        %get3A_841 = vector.shape_cast %get3A_840 : vector<1x16xf32> to vector<16xf32>
        %max3A_842 = arith.maximumf %max3A_835, %get3A_841 : vector<16xf32>
        %add3A_843 = arith.constant 6 : i32
        %add3A_844 = arith.addi %mul3A_119, %add3A_843 : i32
        %get3A_845 = arith.index_cast %add3A_844 : i32 to index
        %get3A_846 = arith.constant 48 : index
        %get3A_847 = tpu.vector_load %arg11[%get3A_845, %get3A_846] {strides = array<i32>} : memref<128x128xf32, #tpu.memory_space<vmem>>, vector<1x16xf32>,
        %get3A_848 = vector.shape_cast %get3A_847 : vector<1x16xf32> to vector<16xf32>
        %max3A_849 = arith.maximumf %max3A_842, %get3A_848 : vector<16xf32>
        %add3A_850 = arith.constant 7 : i32
        %add3A_851 = arith.addi %mul3A_119, %add3A_850 : i32
        %get3A_852 = arith.index_cast %add3A_851 : i32 to index
        %get3A_853 = arith.constant 48 : index
        %get3A_854 = tpu.vector_load %arg11[%get3A_852, %get3A_853] {strides = array<i32>} : memref<128x128xf32, #tpu.memory_space<vmem>>, vector<1x16xf32>,
        %get3A_855 = vector.shape_cast %get3A_854 : vector<1x16xf32> to vector<16xf32>
        %max3A_856 = arith.maximumf %max3A_849, %get3A_855 : vector<16xf32>
        %add3A_857 = arith.constant 8 : i32
        %add3A_858 = arith.addi %mul3A_119, %add3A_857 : i32
        %get3A_859 = arith.index_cast %add3A_858 : i32 to index
        %get3A_860 = arith.constant 48 : index
        %get3A_861 = tpu.vector_load %arg11[%get3A_859, %get3A_860] {strides = array<i32>} : memref<128x128xf32, #tpu.memory_space<vmem>>, vector<1x16xf32>,
        %get3A_862 = vector.shape_cast %get3A_861 : vector<1x16xf32> to vector<16xf32>
        %max3A_863 = arith.maximumf %max3A_856, %get3A_862 : vector<16xf32>
        %add3A_864 = arith.constant 9 : i32
        %add3A_865 = arith.addi %mul3A_119, %add3A_864 : i32
        %get3A_866 = arith.index_cast %add3A_865 : i32 to index
        %get3A_867 = arith.constant 48 : index
        %get3A_868 = tpu.vector_load %arg11[%get3A_866, %get3A_867] {strides = array<i32>} : memref<128x128xf32, #tpu.memory_space<vmem>>, vector<1x16xf32>,
        %get3A_869 = vector.shape_cast %get3A_868 : vector<1x16xf32> to vector<16xf32>
        %max3A_870 = arith.maximumf %max3A_863, %get3A_869 : vector<16xf32>
        %add3A_871 = arith.constant 10 : i32
        %add3A_872 = arith.addi %mul3A_119, %add3A_871 : i32
        %get3A_873 = arith.index_cast %add3A_872 : i32 to index
        %get3A_874 = arith.constant 48 : index
        %get3A_875 = tpu.vector_load %arg11[%get3A_873, %get3A_874] {strides = array<i32>} : memref<128x128xf32, #tpu.memory_space<vmem>>, vector<1x16xf32>,
        %get3A_876 = vector.shape_cast %get3A_875 : vector<1x16xf32> to vector<16xf32>
        %max3A_877 = arith.maximumf %max3A_870, %get3A_876 : vector<16xf32>
        %add3A_878 = arith.constant 11 : i32
        %add3A_879 = arith.addi %mul3A_119, %add3A_878 : i32
        %get3A_880 = arith.index_cast %add3A_879 : i32 to index
        %get3A_881 = arith.constant 48 : index
        %get3A_882 = tpu.vector_load %arg11[%get3A_880, %get3A_881] {strides = array<i32>} : memref<128x128xf32, #tpu.memory_space<vmem>>, vector<1x16xf32>,
        %get3A_883 = vector.shape_cast %get3A_882 : vector<1x16xf32> to vector<16xf32>
        %max3A_884 = arith.maximumf %max3A_877, %get3A_883 : vector<16xf32>
        %add3A_885 = arith.constant 12 : i32
        %add3A_886 = arith.addi %mul3A_119, %add3A_885 : i32
        %get3A_887 = arith.index_cast %add3A_886 : i32 to index
        %get3A_888 = arith.constant 48 : index
        %get3A_889 = tpu.vector_load %arg11[%get3A_887, %get3A_888] {strides = array<i32>} : memref<128x128xf32, #tpu.memory_space<vmem>>, vector<1x16xf32>,
        %get3A_890 = vector.shape_cast %get3A_889 : vector<1x16xf32> to vector<16xf32>
        %max3A_891 = arith.maximumf %max3A_884, %get3A_890 : vector<16xf32>
        %add3A_892 = arith.constant 13 : i32
        %add3A_893 = arith.addi %mul3A_119, %add3A_892 : i32
        %get3A_894 = arith.index_cast %add3A_893 : i32 to index
        %get3A_895 = arith.constant 48 : index
        %get3A_896 = tpu.vector_load %arg11[%get3A_894, %get3A_895] {strides = array<i32>} : memref<128x128xf32, #tpu.memory_space<vmem>>, vector<1x16xf32>,
        %get3A_897 = vector.shape_cast %get3A_896 : vector<1x16xf32> to vector<16xf32>
        %max3A_898 = arith.maximumf %max3A_891, %get3A_897 : vector<16xf32>
        %add3A_899 = arith.constant 14 : i32
        %add3A_900 = arith.addi %mul3A_119, %add3A_899 : i32
        %get3A_901 = arith.index_cast %add3A_900 : i32 to index
        %get3A_902 = arith.constant 48 : index
        %get3A_903 = tpu.vector_load %arg11[%get3A_901, %get3A_902] {strides = array<i32>} : memref<128x128xf32, #tpu.memory_space<vmem>>, vector<1x16xf32>,
        %get3A_904 = vector.shape_cast %get3A_903 : vector<1x16xf32> to vector<16xf32>
        %max3A_905 = arith.maximumf %max3A_898, %get3A_904 : vector<16xf32>
        %add3A_906 = arith.constant 15 : i32
        %add3A_907 = arith.addi %mul3A_119, %add3A_906 : i32
        %get3A_908 = arith.index_cast %add3A_907 : i32 to index
        %get3A_909 = arith.constant 48 : index
        %get3A_910 = tpu.vector_load %arg11[%get3A_908, %get3A_909] {strides = array<i32>} : memref<128x128xf32, #tpu.memory_space<vmem>>, vector<1x16xf32>,
        %get3A_911 = vector.shape_cast %get3A_910 : vector<1x16xf32> to vector<16xf32>
        %max3A_912 = arith.maximumf %max3A_905, %get3A_911 : vector<16xf32>
        %add3A_913 = arith.constant 16 : i32
        %add3A_914 = arith.addi %mul3A_119, %add3A_913 : i32
        %get3A_915 = arith.index_cast %add3A_914 : i32 to index
        %get3A_916 = arith.constant 48 : index
        %get3A_917 = tpu.vector_load %arg11[%get3A_915, %get3A_916] {strides = array<i32>} : memref<128x128xf32, #tpu.memory_space<vmem>>, vector<1x16xf32>,
        %get3A_918 = vector.shape_cast %get3A_917 : vector<1x16xf32> to vector<16xf32>
        %max3A_919 = arith.maximumf %max3A_912, %get3A_918 : vector<16xf32>
        %add3A_920 = arith.constant 17 : i32
        %add3A_921 = arith.addi %mul3A_119, %add3A_920 : i32
        %get3A_922 = arith.index_cast %add3A_921 : i32 to index
        %get3A_923 = arith.constant 48 : index
        %get3A_924 = tpu.vector_load %arg11[%get3A_922, %get3A_923] {strides = array<i32>} : memref<128x128xf32, #tpu.memory_space<vmem>>, vector<1x16xf32>,
        %get3A_925 = vector.shape_cast %get3A_924 : vector<1x16xf32> to vector<16xf32>
        %max3A_926 = arith.maximumf %max3A_919, %get3A_925 : vector<16xf32>
        %add3A_927 = arith.constant 18 : i32
        %add3A_928 = arith.addi %mul3A_119, %add3A_927 : i32
        %get3A_929 = arith.index_cast %add3A_928 : i32 to index
        %get3A_930 = arith.constant 48 : index
        %get3A_931 = tpu.vector_load %arg11[%get3A_929, %get3A_930] {strides = array<i32>} : memref<128x128xf32, #tpu.memory_space<vmem>>, vector<1x16xf32>,
        %get3A_932 = vector.shape_cast %get3A_931 : vector<1x16xf32> to vector<16xf32>
        %max3A_933 = arith.maximumf %max3A_926, %get3A_932 : vector<16xf32>
        %add3A_934 = arith.constant 19 : i32
        %add3A_935 = arith.addi %mul3A_119, %add3A_934 : i32
        %get3A_936 = arith.index_cast %add3A_935 : i32 to index
        %get3A_937 = arith.constant 48 : index
        %get3A_938 = tpu.vector_load %arg11[%get3A_936, %get3A_937] {strides = array<i32>} : memref<128x128xf32, #tpu.memory_space<vmem>>, vector<1x16xf32>,
        %get3A_939 = vector.shape_cast %get3A_938 : vector<1x16xf32> to vector<16xf32>
        %max3A_940 = arith.maximumf %max3A_933, %get3A_939 : vector<16xf32>
        %add3A_941 = arith.constant 20 : i32
        %add3A_942 = arith.addi %mul3A_119, %add3A_941 : i32
        %get3A_943 = arith.index_cast %add3A_942 : i32 to index
        %get3A_944 = arith.constant 48 : index
        %get3A_945 = tpu.vector_load %arg11[%get3A_943, %get3A_944] {strides = array<i32>} : memref<128x128xf32, #tpu.memory_space<vmem>>, vector<1x16xf32>,
        %get3A_946 = vector.shape_cast %get3A_945 : vector<1x16xf32> to vector<16xf32>
        %max3A_947 = arith.maximumf %max3A_940, %get3A_946 : vector<16xf32>
        %add3A_948 = arith.constant 21 : i32
        %add3A_949 = arith.addi %mul3A_119, %add3A_948 : i32
        %get3A_950 = arith.index_cast %add3A_949 : i32 to index
        %get3A_951 = arith.constant 48 : index
        %get3A_952 = tpu.vector_load %arg11[%get3A_950, %get3A_951] {strides = array<i32>} : memref<128x128xf32, #tpu.memory_space<vmem>>, vector<1x16xf32>,
        %get3A_953 = vector.shape_cast %get3A_952 : vector<1x16xf32> to vector<16xf32>
        %max3A_954 = arith.maximumf %max3A_947, %get3A_953 : vector<16xf32>
        %add3A_955 = arith.constant 22 : i32
        %add3A_956 = arith.addi %mul3A_119, %add3A_955 : i32
        %get3A_957 = arith.index_cast %add3A_956 : i32 to index
        %get3A_958 = arith.constant 48 : index
        %get3A_959 = tpu.vector_load %arg11[%get3A_957, %get3A_958] {strides = array<i32>} : memref<128x128xf32, #tpu.memory_space<vmem>>, vector<1x16xf32>,
        %get3A_960 = vector.shape_cast %get3A_959 : vector<1x16xf32> to vector<16xf32>
        %max3A_961 = arith.maximumf %max3A_954, %get3A_960 : vector<16xf32>
        %add3A_962 = arith.constant 23 : i32
        %add3A_963 = arith.addi %mul3A_119, %add3A_962 : i32
        %get3A_964 = arith.index_cast %add3A_963 : i32 to index
        %get3A_965 = arith.constant 48 : index
        %get3A_966 = tpu.vector_load %arg11[%get3A_964, %get3A_965] {strides = array<i32>} : memref<128x128xf32, #tpu.memory_space<vmem>>, vector<1x16xf32>,
        %get3A_967 = vector.shape_cast %get3A_966 : vector<1x16xf32> to vector<16xf32>
        %max3A_968 = arith.maximumf %max3A_961, %get3A_967 : vector<16xf32>
        %add3A_969 = arith.constant 24 : i32
        %add3A_970 = arith.addi %mul3A_119, %add3A_969 : i32
        %get3A_971 = arith.index_cast %add3A_970 : i32 to index
        %get3A_972 = arith.constant 48 : index
        %get3A_973 = tpu.vector_load %arg11[%get3A_971, %get3A_972] {strides = array<i32>} : memref<128x128xf32, #tpu.memory_space<vmem>>, vector<1x16xf32>,
        %get3A_974 = vector.shape_cast %get3A_973 : vector<1x16xf32> to vector<16xf32>
        %max3A_975 = arith.maximumf %max3A_968, %get3A_974 : vector<16xf32>
        %add3A_976 = arith.constant 25 : i32
        %add3A_977 = arith.addi %mul3A_119, %add3A_976 : i32
        %get3A_978 = arith.index_cast %add3A_977 : i32 to index
        %get3A_979 = arith.constant 48 : index
        %get3A_980 = tpu.vector_load %arg11[%get3A_978, %get3A_979] {strides = array<i32>} : memref<128x128xf32, #tpu.memory_space<vmem>>, vector<1x16xf32>,
        %get3A_981 = vector.shape_cast %get3A_980 : vector<1x16xf32> to vector<16xf32>
        %max3A_982 = arith.maximumf %max3A_975, %get3A_981 : vector<16xf32>
        %add3A_983 = arith.constant 26 : i32
        %add3A_984 = arith.addi %mul3A_119, %add3A_983 : i32
        %get3A_985 = arith.index_cast %add3A_984 : i32 to index
        %get3A_986 = arith.constant 48 : index
        %get3A_987 = tpu.vector_load %arg11[%get3A_985, %get3A_986] {strides = array<i32>} : memref<128x128xf32, #tpu.memory_space<vmem>>, vector<1x16xf32>,
        %get3A_988 = vector.shape_cast %get3A_987 : vector<1x16xf32> to vector<16xf32>
        %max3A_989 = arith.maximumf %max3A_982, %get3A_988 : vector<16xf32>
        %add3A_990 = arith.constant 27 : i32
        %add3A_991 = arith.addi %mul3A_119, %add3A_990 : i32
        %get3A_992 = arith.index_cast %add3A_991 : i32 to index
        %get3A_993 = arith.constant 48 : index
        %get3A_994 = tpu.vector_load %arg11[%get3A_992, %get3A_993] {strides = array<i32>} : memref<128x128xf32, #tpu.memory_space<vmem>>, vector<1x16xf32>,
        %get3A_995 = vector.shape_cast %get3A_994 : vector<1x16xf32> to vector<16xf32>
        %max3A_996 = arith.maximumf %max3A_989, %get3A_995 : vector<16xf32>
        %add3A_997 = arith.constant 28 : i32
        %add3A_998 = arith.addi %mul3A_119, %add3A_997 : i32
        %get3A_999 = arith.index_cast %add3A_998 : i32 to index
        %get3A_1000 = arith.constant 48 : index
        %get3A_1001 = tpu.vector_load %arg11[%get3A_999, %get3A_1000] {strides = array<i32>} : memref<128x128xf32, #tpu.memory_space<vmem>>, vector<1x16xf32>,
        %get3A_1002 = vector.shape_cast %get3A_1001 : vector<1x16xf32> to vector<16xf32>
        %max3A_1003 = arith.maximumf %max3A_996, %get3A_1002 : vector<16xf32>
        %add3A_1004 = arith.constant 29 : i32
        %add3A_1005 = arith.addi %mul3A_119, %add3A_1004 : i32
        %get3A_1006 = arith.index_cast %add3A_1005 : i32 to index
        %get3A_1007 = arith.constant 48 : index
        %get3A_1008 = tpu.vector_load %arg11[%get3A_1006, %get3A_1007] {strides = array<i32>} : memref<128x128xf32, #tpu.memory_space<vmem>>, vector<1x16xf32>,
        %get3A_1009 = vector.shape_cast %get3A_1008 : vector<1x16xf32> to vector<16xf32>
        %max3A_1010 = arith.maximumf %max3A_1003, %get3A_1009 : vector<16xf32>
        %add3A_1011 = arith.constant 30 : i32
        %add3A_1012 = arith.addi %mul3A_119, %add3A_1011 : i32
        %get3A_1013 = arith.index_cast %add3A_1012 : i32 to index
        %get3A_1014 = arith.constant 48 : index
        %get3A_1015 = tpu.vector_load %arg11[%get3A_1013, %get3A_1014] {strides = array<i32>} : memref<128x128xf32, #tpu.memory_space<vmem>>, vector<1x16xf32>,
        %get3A_1016 = vector.shape_cast %get3A_1015 : vector<1x16xf32> to vector<16xf32>
        %max3A_1017 = arith.maximumf %max3A_1010, %get3A_1016 : vector<16xf32>
        %add3A_1018 = arith.constant 31 : i32
        %add3A_1019 = arith.addi %mul3A_119, %add3A_1018 : i32
        %get3A_1020 = arith.index_cast %add3A_1019 : i32 to index
        %get3A_1021 = arith.constant 48 : index
        %get3A_1022 = tpu.vector_load %arg11[%get3A_1020, %get3A_1021] {strides = array<i32>} : memref<128x128xf32, #tpu.memory_space<vmem>>, vector<1x16xf32>,
        %get3A_1023 = vector.shape_cast %get3A_1022 : vector<1x16xf32> to vector<16xf32>
        %max3A_1024 = arith.maximumf %max3A_1017, %get3A_1023 : vector<16xf32>
        %mul3A_1025 = arith.constant 4 : i32
        %mul3A_1026 = arith.muli %add3A_97, %mul3A_1025 : i32
        %add3A_1027 = arith.addi %mul3A_1026, %scan3A_117 : i32
        %swap3A_1028 = arith.index_cast %add3A_1027 : i32 to index
        %swap3A_1029 = arith.constant 48 : index
        %swap3A_1030 = tpu.vector_load %arg13[%swap3A_1028, %swap3A_1029] {strides = array<i32>} : memref<192x128xf32, #tpu.memory_space<vmem>>, vector<1x16xf32>,
        %swap3A_1031 = vector.shape_cast %swap3A_1030 : vector<1x16xf32> to vector<16xf32>
        %swap3A_1032 = vector.shape_cast %max3A_1024 : vector<16xf32> to vector<1x16xf32>
        tpu.vector_store %arg13[%swap3A_1028, %swap3A_1029], %swap3A_1032 {strides = array<i32>} : memref<192x128xf32, #tpu.memory_space<vmem>>, vector<1x16xf32>,
        %get3A_1033 = arith.index_cast %mul3A_119 : i32 to index
        %get3A_1034 = arith.constant 64 : index
        %get3A_1035 = tpu.vector_load %arg11[%get3A_1033, %get3A_1034] {strides = array<i32>} : memref<128x128xf32, #tpu.memory_space<vmem>>, vector<1x16xf32>,
        %get3A_1036 = vector.shape_cast %get3A_1035 : vector<1x16xf32> to vector<16xf32>
        %add3A_1037 = arith.constant 1 : i32
        %add3A_1038 = arith.addi %mul3A_119, %add3A_1037 : i32
        %get3A_1039 = arith.index_cast %add3A_1038 : i32 to index
        %get3A_1040 = arith.constant 64 : index
        %get3A_1041 = tpu.vector_load %arg11[%get3A_1039, %get3A_1040] {strides = array<i32>} : memref<128x128xf32, #tpu.memory_space<vmem>>, vector<1x16xf32>,
        %get3A_1042 = vector.shape_cast %get3A_1041 : vector<1x16xf32> to vector<16xf32>
        %max3A_1043 = arith.maximumf %get3A_1036, %get3A_1042 : vector<16xf32>
        %add3A_1044 = arith.constant 2 : i32
        %add3A_1045 = arith.addi %mul3A_119, %add3A_1044 : i32
        %get3A_1046 = arith.index_cast %add3A_1045 : i32 to index
        %get3A_1047 = arith.constant 64 : index
        %get3A_1048 = tpu.vector_load %arg11[%get3A_1046, %get3A_1047] {strides = array<i32>} : memref<128x128xf32, #tpu.memory_space<vmem>>, vector<1x16xf32>,
        %get3A_1049 = vector.shape_cast %get3A_1048 : vector<1x16xf32> to vector<16xf32>
        %max3A_1050 = arith.maximumf %max3A_1043, %get3A_1049 : vector<16xf32>
        %add3A_1051 = arith.constant 3 : i32
        %add3A_1052 = arith.addi %mul3A_119, %add3A_1051 : i32
        %get3A_1053 = arith.index_cast %add3A_1052 : i32 to index
        %get3A_1054 = arith.constant 64 : index
        %get3A_1055 = tpu.vector_load %arg11[%get3A_1053, %get3A_1054] {strides = array<i32>} : memref<128x128xf32, #tpu.memory_space<vmem>>, vector<1x16xf32>,
        %get3A_1056 = vector.shape_cast %get3A_1055 : vector<1x16xf32> to vector<16xf32>
        %max3A_1057 = arith.maximumf %max3A_1050, %get3A_1056 : vector<16xf32>
        %add3A_1058 = arith.constant 4 : i32
        %add3A_1059 = arith.addi %mul3A_119, %add3A_1058 : i32
        %get3A_1060 = arith.index_cast %add3A_1059 : i32 to index
        %get3A_1061 = arith.constant 64 : index
        %get3A_1062 = tpu.vector_load %arg11[%get3A_1060, %get3A_1061] {strides = array<i32>} : memref<128x128xf32, #tpu.memory_space<vmem>>, vector<1x16xf32>,
        %get3A_1063 = vector.shape_cast %get3A_1062 : vector<1x16xf32> to vector<16xf32>
        %max3A_1064 = arith.maximumf %max3A_1057, %get3A_1063 : vector<16xf32>
        %add3A_1065 = arith.constant 5 : i32
        %add3A_1066 = arith.addi %mul3A_119, %add3A_1065 : i32
        %get3A_1067 = arith.index_cast %add3A_1066 : i32 to index
        %get3A_1068 = arith.constant 64 : index
        %get3A_1069 = tpu.vector_load %arg11[%get3A_1067, %get3A_1068] {strides = array<i32>} : memref<128x128xf32, #tpu.memory_space<vmem>>, vector<1x16xf32>,
        %get3A_1070 = vector.shape_cast %get3A_1069 : vector<1x16xf32> to vector<16xf32>
        %max3A_1071 = arith.maximumf %max3A_1064, %get3A_1070 : vector<16xf32>
        %add3A_1072 = arith.constant 6 : i32
        %add3A_1073 = arith.addi %mul3A_119, %add3A_1072 : i32
        %get3A_1074 = arith.index_cast %add3A_1073 : i32 to index
        %get3A_1075 = arith.constant 64 : index
        %get3A_1076 = tpu.vector_load %arg11[%get3A_1074, %get3A_1075] {strides = array<i32>} : memref<128x128xf32, #tpu.memory_space<vmem>>, vector<1x16xf32>,
        %get3A_1077 = vector.shape_cast %get3A_1076 : vector<1x16xf32> to vector<16xf32>
        %max3A_1078 = arith.maximumf %max3A_1071, %get3A_1077 : vector<16xf32>
        %add3A_1079 = arith.constant 7 : i32
        %add3A_1080 = arith.addi %mul3A_119, %add3A_1079 : i32
        %get3A_1081 = arith.index_cast %add3A_1080 : i32 to index
        %get3A_1082 = arith.constant 64 : index
        %get3A_1083 = tpu.vector_load %arg11[%get3A_1081, %get3A_1082] {strides = array<i32>} : memref<128x128xf32, #tpu.memory_space<vmem>>, vector<1x16xf32>,
        %get3A_1084 = vector.shape_cast %get3A_1083 : vector<1x16xf32> to vector<16xf32>
        %max3A_1085 = arith.maximumf %max3A_1078, %get3A_1084 : vector<16xf32>
        %add3A_1086 = arith.constant 8 : i32
        %add3A_1087 = arith.addi %mul3A_119, %add3A_1086 : i32
        %get3A_1088 = arith.index_cast %add3A_1087 : i32 to index
        %get3A_1089 = arith.constant 64 : index
        %get3A_1090 = tpu.vector_load %arg11[%get3A_1088, %get3A_1089] {strides = array<i32>} : memref<128x128xf32, #tpu.memory_space<vmem>>, vector<1x16xf32>,
        %get3A_1091 = vector.shape_cast %get3A_1090 : vector<1x16xf32> to vector<16xf32>
        %max3A_1092 = arith.maximumf %max3A_1085, %get3A_1091 : vector<16xf32>
        %add3A_1093 = arith.constant 9 : i32
        %add3A_1094 = arith.addi %mul3A_119, %add3A_1093 : i32
        %get3A_1095 = arith.index_cast %add3A_1094 : i32 to index
        %get3A_1096 = arith.constant 64 : index
        %get3A_1097 = tpu.vector_load %arg11[%get3A_1095, %get3A_1096] {strides = array<i32>} : memref<128x128xf32, #tpu.memory_space<vmem>>, vector<1x16xf32>,
        %get3A_1098 = vector.shape_cast %get3A_1097 : vector<1x16xf32> to vector<16xf32>
        %max3A_1099 = arith.maximumf %max3A_1092, %get3A_1098 : vector<16xf32>
        %add3A_1100 = arith.constant 10 : i32
        %add3A_1101 = arith.addi %mul3A_119, %add3A_1100 : i32
        %get3A_1102 = arith.index_cast %add3A_1101 : i32 to index
        %get3A_1103 = arith.constant 64 : index
        %get3A_1104 = tpu.vector_load %arg11[%get3A_1102, %get3A_1103] {strides = array<i32>} : memref<128x128xf32, #tpu.memory_space<vmem>>, vector<1x16xf32>,
        %get3A_1105 = vector.shape_cast %get3A_1104 : vector<1x16xf32> to vector<16xf32>
        %max3A_1106 = arith.maximumf %max3A_1099, %get3A_1105 : vector<16xf32>
        %add3A_1107 = arith.constant 11 : i32
        %add3A_1108 = arith.addi %mul3A_119, %add3A_1107 : i32
        %get3A_1109 = arith.index_cast %add3A_1108 : i32 to index
        %get3A_1110 = arith.constant 64 : index
        %get3A_1111 = tpu.vector_load %arg11[%get3A_1109, %get3A_1110] {strides = array<i32>} : memref<128x128xf32, #tpu.memory_space<vmem>>, vector<1x16xf32>,
        %get3A_1112 = vector.shape_cast %get3A_1111 : vector<1x16xf32> to vector<16xf32>
        %max3A_1113 = arith.maximumf %max3A_1106, %get3A_1112 : vector<16xf32>
        %add3A_1114 = arith.constant 12 : i32
        %add3A_1115 = arith.addi %mul3A_119, %add3A_1114 : i32
        %get3A_1116 = arith.index_cast %add3A_1115 : i32 to index
        %get3A_1117 = arith.constant 64 : index
        %get3A_1118 = tpu.vector_load %arg11[%get3A_1116, %get3A_1117] {strides = array<i32>} : memref<128x128xf32, #tpu.memory_space<vmem>>, vector<1x16xf32>,
        %get3A_1119 = vector.shape_cast %get3A_1118 : vector<1x16xf32> to vector<16xf32>
        %max3A_1120 = arith.maximumf %max3A_1113, %get3A_1119 : vector<16xf32>
        %add3A_1121 = arith.constant 13 : i32
        %add3A_1122 = arith.addi %mul3A_119, %add3A_1121 : i32
        %get3A_1123 = arith.index_cast %add3A_1122 : i32 to index
        %get3A_1124 = arith.constant 64 : index
        %get3A_1125 = tpu.vector_load %arg11[%get3A_1123, %get3A_1124] {strides = array<i32>} : memref<128x128xf32, #tpu.memory_space<vmem>>, vector<1x16xf32>,
        %get3A_1126 = vector.shape_cast %get3A_1125 : vector<1x16xf32> to vector<16xf32>
        %max3A_1127 = arith.maximumf %max3A_1120, %get3A_1126 : vector<16xf32>
        %add3A_1128 = arith.constant 14 : i32
        %add3A_1129 = arith.addi %mul3A_119, %add3A_1128 : i32
        %get3A_1130 = arith.index_cast %add3A_1129 : i32 to index
        %get3A_1131 = arith.constant 64 : index
        %get3A_1132 = tpu.vector_load %arg11[%get3A_1130, %get3A_1131] {strides = array<i32>} : memref<128x128xf32, #tpu.memory_space<vmem>>, vector<1x16xf32>,
        %get3A_1133 = vector.shape_cast %get3A_1132 : vector<1x16xf32> to vector<16xf32>
        %max3A_1134 = arith.maximumf %max3A_1127, %get3A_1133 : vector<16xf32>
        %add3A_1135 = arith.constant 15 : i32
        %add3A_1136 = arith.addi %mul3A_119, %add3A_1135 : i32
        %get3A_1137 = arith.index_cast %add3A_1136 : i32 to index
        %get3A_1138 = arith.constant 64 : index
        %get3A_1139 = tpu.vector_load %arg11[%get3A_1137, %get3A_1138] {strides = array<i32>} : memref<128x128xf32, #tpu.memory_space<vmem>>, vector<1x16xf32>,
        %get3A_1140 = vector.shape_cast %get3A_1139 : vector<1x16xf32> to vector<16xf32>
        %max3A_1141 = arith.maximumf %max3A_1134, %get3A_1140 : vector<16xf32>
        %add3A_1142 = arith.constant 16 : i32
        %add3A_1143 = arith.addi %mul3A_119, %add3A_1142 : i32
        %get3A_1144 = arith.index_cast %add3A_1143 : i32 to index
        %get3A_1145 = arith.constant 64 : index
        %get3A_1146 = tpu.vector_load %arg11[%get3A_1144, %get3A_1145] {strides = array<i32>} : memref<128x128xf32, #tpu.memory_space<vmem>>, vector<1x16xf32>,
        %get3A_1147 = vector.shape_cast %get3A_1146 : vector<1x16xf32> to vector<16xf32>
        %max3A_1148 = arith.maximumf %max3A_1141, %get3A_1147 : vector<16xf32>
        %add3A_1149 = arith.constant 17 : i32
        %add3A_1150 = arith.addi %mul3A_119, %add3A_1149 : i32
        %get3A_1151 = arith.index_cast %add3A_1150 : i32 to index
        %get3A_1152 = arith.constant 64 : index
        %get3A_1153 = tpu.vector_load %arg11[%get3A_1151, %get3A_1152] {strides = array<i32>} : memref<128x128xf32, #tpu.memory_space<vmem>>, vector<1x16xf32>,
        %get3A_1154 = vector.shape_cast %get3A_1153 : vector<1x16xf32> to vector<16xf32>
        %max3A_1155 = arith.maximumf %max3A_1148, %get3A_1154 : vector<16xf32>
        %add3A_1156 = arith.constant 18 : i32
        %add3A_1157 = arith.addi %mul3A_119, %add3A_1156 : i32
        %get3A_1158 = arith.index_cast %add3A_1157 : i32 to index
        %get3A_1159 = arith.constant 64 : index
        %get3A_1160 = tpu.vector_load %arg11[%get3A_1158, %get3A_1159] {strides = array<i32>} : memref<128x128xf32, #tpu.memory_space<vmem>>, vector<1x16xf32>,
        %get3A_1161 = vector.shape_cast %get3A_1160 : vector<1x16xf32> to vector<16xf32>
        %max3A_1162 = arith.maximumf %max3A_1155, %get3A_1161 : vector<16xf32>
        %add3A_1163 = arith.constant 19 : i32
        %add3A_1164 = arith.addi %mul3A_119, %add3A_1163 : i32
        %get3A_1165 = arith.index_cast %add3A_1164 : i32 to index
        %get3A_1166 = arith.constant 64 : index
        %get3A_1167 = tpu.vector_load %arg11[%get3A_1165, %get3A_1166] {strides = array<i32>} : memref<128x128xf32, #tpu.memory_space<vmem>>, vector<1x16xf32>,
        %get3A_1168 = vector.shape_cast %get3A_1167 : vector<1x16xf32> to vector<16xf32>
        %max3A_1169 = arith.maximumf %max3A_1162, %get3A_1168 : vector<16xf32>
        %add3A_1170 = arith.constant 20 : i32
        %add3A_1171 = arith.addi %mul3A_119, %add3A_1170 : i32
        %get3A_1172 = arith.index_cast %add3A_1171 : i32 to index
        %get3A_1173 = arith.constant 64 : index
        %get3A_1174 = tpu.vector_load %arg11[%get3A_1172, %get3A_1173] {strides = array<i32>} : memref<128x128xf32, #tpu.memory_space<vmem>>, vector<1x16xf32>,
        %get3A_1175 = vector.shape_cast %get3A_1174 : vector<1x16xf32> to vector<16xf32>
        %max3A_1176 = arith.maximumf %max3A_1169, %get3A_1175 : vector<16xf32>
        %add3A_1177 = arith.constant 21 : i32
        %add3A_1178 = arith.addi %mul3A_119, %add3A_1177 : i32
        %get3A_1179 = arith.index_cast %add3A_1178 : i32 to index
        %get3A_1180 = arith.constant 64 : index
        %get3A_1181 = tpu.vector_load %arg11[%get3A_1179, %get3A_1180] {strides = array<i32>} : memref<128x128xf32, #tpu.memory_space<vmem>>, vector<1x16xf32>,
        %get3A_1182 = vector.shape_cast %get3A_1181 : vector<1x16xf32> to vector<16xf32>
        %max3A_1183 = arith.maximumf %max3A_1176, %get3A_1182 : vector<16xf32>
        %add3A_1184 = arith.constant 22 : i32
        %add3A_1185 = arith.addi %mul3A_119, %add3A_1184 : i32
        %get3A_1186 = arith.index_cast %add3A_1185 : i32 to index
        %get3A_1187 = arith.constant 64 : index
        %get3A_1188 = tpu.vector_load %arg11[%get3A_1186, %get3A_1187] {strides = array<i32>} : memref<128x128xf32, #tpu.memory_space<vmem>>, vector<1x16xf32>,
        %get3A_1189 = vector.shape_cast %get3A_1188 : vector<1x16xf32> to vector<16xf32>
        %max3A_1190 = arith.maximumf %max3A_1183, %get3A_1189 : vector<16xf32>
        %add3A_1191 = arith.constant 23 : i32
        %add3A_1192 = arith.addi %mul3A_119, %add3A_1191 : i32
        %get3A_1193 = arith.index_cast %add3A_1192 : i32 to index
        %get3A_1194 = arith.constant 64 : index
        %get3A_1195 = tpu.vector_load %arg11[%get3A_1193, %get3A_1194] {strides = array<i32>} : memref<128x128xf32, #tpu.memory_space<vmem>>, vector<1x16xf32>,
        %get3A_1196 = vector.shape_cast %get3A_1195 : vector<1x16xf32> to vector<16xf32>
        %max3A_1197 = arith.maximumf %max3A_1190, %get3A_1196 : vector<16xf32>
        %add3A_1198 = arith.constant 24 : i32
        %add3A_1199 = arith.addi %mul3A_119, %add3A_1198 : i32
        %get3A_1200 = arith.index_cast %add3A_1199 : i32 to index
        %get3A_1201 = arith.constant 64 : index
        %get3A_1202 = tpu.vector_load %arg11[%get3A_1200, %get3A_1201] {strides = array<i32>} : memref<128x128xf32, #tpu.memory_space<vmem>>, vector<1x16xf32>,
        %get3A_1203 = vector.shape_cast %get3A_1202 : vector<1x16xf32> to vector<16xf32>
        %max3A_1204 = arith.maximumf %max3A_1197, %get3A_1203 : vector<16xf32>
        %add3A_1205 = arith.constant 25 : i32
        %add3A_1206 = arith.addi %mul3A_119, %add3A_1205 : i32
        %get3A_1207 = arith.index_cast %add3A_1206 : i32 to index
        %get3A_1208 = arith.constant 64 : index
        %get3A_1209 = tpu.vector_load %arg11[%get3A_1207, %get3A_1208] {strides = array<i32>} : memref<128x128xf32, #tpu.memory_space<vmem>>, vector<1x16xf32>,
        %get3A_1210 = vector.shape_cast %get3A_1209 : vector<1x16xf32> to vector<16xf32>
        %max3A_1211 = arith.maximumf %max3A_1204, %get3A_1210 : vector<16xf32>
        %add3A_1212 = arith.constant 26 : i32
        %add3A_1213 = arith.addi %mul3A_119, %add3A_1212 : i32
        %get3A_1214 = arith.index_cast %add3A_1213 : i32 to index
        %get3A_1215 = arith.constant 64 : index
        %get3A_1216 = tpu.vector_load %arg11[%get3A_1214, %get3A_1215] {strides = array<i32>} : memref<128x128xf32, #tpu.memory_space<vmem>>, vector<1x16xf32>,
        %get3A_1217 = vector.shape_cast %get3A_1216 : vector<1x16xf32> to vector<16xf32>
        %max3A_1218 = arith.maximumf %max3A_1211, %get3A_1217 : vector<16xf32>
        %add3A_1219 = arith.constant 27 : i32
        %add3A_1220 = arith.addi %mul3A_119, %add3A_1219 : i32
        %get3A_1221 = arith.index_cast %add3A_1220 : i32 to index
        %get3A_1222 = arith.constant 64 : index
        %get3A_1223 = tpu.vector_load %arg11[%get3A_1221, %get3A_1222] {strides = array<i32>} : memref<128x128xf32, #tpu.memory_space<vmem>>, vector<1x16xf32>,
        %get3A_1224 = vector.shape_cast %get3A_1223 : vector<1x16xf32> to vector<16xf32>
        %max3A_1225 = arith.maximumf %max3A_1218, %get3A_1224 : vector<16xf32>
        %add3A_1226 = arith.constant 28 : i32
        %add3A_1227 = arith.addi %mul3A_119, %add3A_1226 : i32
        %get3A_1228 = arith.index_cast %add3A_1227 : i32 to index
        %get3A_1229 = arith.constant 64 : index
        %get3A_1230 = tpu.vector_load %arg11[%get3A_1228, %get3A_1229] {strides = array<i32>} : memref<128x128xf32, #tpu.memory_space<vmem>>, vector<1x16xf32>,
        %get3A_1231 = vector.shape_cast %get3A_1230 : vector<1x16xf32> to vector<16xf32>
        %max3A_1232 = arith.maximumf %max3A_1225, %get3A_1231 : vector<16xf32>
        %add3A_1233 = arith.constant 29 : i32
        %add3A_1234 = arith.addi %mul3A_119, %add3A_1233 : i32
        %get3A_1235 = arith.index_cast %add3A_1234 : i32 to index
        %get3A_1236 = arith.constant 64 : index
        %get3A_1237 = tpu.vector_load %arg11[%get3A_1235, %get3A_1236] {strides = array<i32>} : memref<128x128xf32, #tpu.memory_space<vmem>>, vector<1x16xf32>,
        %get3A_1238 = vector.shape_cast %get3A_1237 : vector<1x16xf32> to vector<16xf32>
        %max3A_1239 = arith.maximumf %max3A_1232, %get3A_1238 : vector<16xf32>
        %add3A_1240 = arith.constant 30 : i32
        %add3A_1241 = arith.addi %mul3A_119, %add3A_1240 : i32
        %get3A_1242 = arith.index_cast %add3A_1241 : i32 to index
        %get3A_1243 = arith.constant 64 : index
        %get3A_1244 = tpu.vector_load %arg11[%get3A_1242, %get3A_1243] {strides = array<i32>} : memref<128x128xf32, #tpu.memory_space<vmem>>, vector<1x16xf32>,
        %get3A_1245 = vector.shape_cast %get3A_1244 : vector<1x16xf32> to vector<16xf32>
        %max3A_1246 = arith.maximumf %max3A_1239, %get3A_1245 : vector<16xf32>
        %add3A_1247 = arith.constant 31 : i32
        %add3A_1248 = arith.addi %mul3A_119, %add3A_1247 : i32
        %get3A_1249 = arith.index_cast %add3A_1248 : i32 to index
        %get3A_1250 = arith.constant 64 : index
        %get3A_1251 = tpu.vector_load %arg11[%get3A_1249, %get3A_1250] {strides = array<i32>} : memref<128x128xf32, #tpu.memory_space<vmem>>, vector<1x16xf32>,
        %get3A_1252 = vector.shape_cast %get3A_1251 : vector<1x16xf32> to vector<16xf32>
        %max3A_1253 = arith.maximumf %max3A_1246, %get3A_1252 : vector<16xf32>
        %mul3A_1254 = arith.constant 4 : i32
        %mul3A_1255 = arith.muli %add3A_97, %mul3A_1254 : i32
        %add3A_1256 = arith.addi %mul3A_1255, %scan3A_117 : i32
        %swap3A_1257 = arith.index_cast %add3A_1256 : i32 to index
        %swap3A_1258 = arith.constant 64 : index
        %swap3A_1259 = tpu.vector_load %arg13[%swap3A_1257, %swap3A_1258] {strides = array<i32>} : memref<192x128xf32, #tpu.memory_space<vmem>>, vector<1x16xf32>,
        %swap3A_1260 = vector.shape_cast %swap3A_1259 : vector<1x16xf32> to vector<16xf32>
        %swap3A_1261 = vector.shape_cast %max3A_1253 : vector<16xf32> to vector<1x16xf32>
        tpu.vector_store %arg13[%swap3A_1257, %swap3A_1258], %swap3A_1261 {strides = array<i32>} : memref<192x128xf32, #tpu.memory_space<vmem>>, vector<1x16xf32>,
        %get3A_1262 = arith.index_cast %mul3A_119 : i32 to index
        %get3A_1263 = arith.constant 80 : index
        %get3A_1264 = tpu.vector_load %arg11[%get3A_1262, %get3A_1263] {strides = array<i32>} : memref<128x128xf32, #tpu.memory_space<vmem>>, vector<1x16xf32>,
        %get3A_1265 = vector.shape_cast %get3A_1264 : vector<1x16xf32> to vector<16xf32>
        %add3A_1266 = arith.constant 1 : i32
        %add3A_1267 = arith.addi %mul3A_119, %add3A_1266 : i32
        %get3A_1268 = arith.index_cast %add3A_1267 : i32 to index
        %get3A_1269 = arith.constant 80 : index
        %get3A_1270 = tpu.vector_load %arg11[%get3A_1268, %get3A_1269] {strides = array<i32>} : memref<128x128xf32, #tpu.memory_space<vmem>>, vector<1x16xf32>,
        %get3A_1271 = vector.shape_cast %get3A_1270 : vector<1x16xf32> to vector<16xf32>
        %max3A_1272 = arith.maximumf %get3A_1265, %get3A_1271 : vector<16xf32>
        %add3A_1273 = arith.constant 2 : i32
        %add3A_1274 = arith.addi %mul3A_119, %add3A_1273 : i32
        %get3A_1275 = arith.index_cast %add3A_1274 : i32 to index
        %get3A_1276 = arith.constant 80 : index
        %get3A_1277 = tpu.vector_load %arg11[%get3A_1275, %get3A_1276] {strides = array<i32>} : memref<128x128xf32, #tpu.memory_space<vmem>>, vector<1x16xf32>,
        %get3A_1278 = vector.shape_cast %get3A_1277 : vector<1x16xf32> to vector<16xf32>
        %max3A_1279 = arith.maximumf %max3A_1272, %get3A_1278 : vector<16xf32>
        %add3A_1280 = arith.constant 3 : i32
        %add3A_1281 = arith.addi %mul3A_119, %add3A_1280 : i32
        %get3A_1282 = arith.index_cast %add3A_1281 : i32 to index
        %get3A_1283 = arith.constant 80 : index
        %get3A_1284 = tpu.vector_load %arg11[%get3A_1282, %get3A_1283] {strides = array<i32>} : memref<128x128xf32, #tpu.memory_space<vmem>>, vector<1x16xf32>,
        %get3A_1285 = vector.shape_cast %get3A_1284 : vector<1x16xf32> to vector<16xf32>
        %max3A_1286 = arith.maximumf %max3A_1279, %get3A_1285 : vector<16xf32>
        %add3A_1287 = arith.constant 4 : i32
        %add3A_1288 = arith.addi %mul3A_119, %add3A_1287 : i32
        %get3A_1289 = arith.index_cast %add3A_1288 : i32 to index
        %get3A_1290 = arith.constant 80 : index
        %get3A_1291 = tpu.vector_load %arg11[%get3A_1289, %get3A_1290] {strides = array<i32>} : memref<128x128xf32, #tpu.memory_space<vmem>>, vector<1x16xf32>,
        %get3A_1292 = vector.shape_cast %get3A_1291 : vector<1x16xf32> to vector<16xf32>
        %max3A_1293 = arith.maximumf %max3A_1286, %get3A_1292 : vector<16xf32>
        %add3A_1294 = arith.constant 5 : i32
        %add3A_1295 = arith.addi %mul3A_119, %add3A_1294 : i32
        %get3A_1296 = arith.index_cast %add3A_1295 : i32 to index
        %get3A_1297 = arith.constant 80 : index
        %get3A_1298 = tpu.vector_load %arg11[%get3A_1296, %get3A_1297] {strides = array<i32>} : memref<128x128xf32, #tpu.memory_space<vmem>>, vector<1x16xf32>,
        %get3A_1299 = vector.shape_cast %get3A_1298 : vector<1x16xf32> to vector<16xf32>
        %max3A_1300 = arith.maximumf %max3A_1293, %get3A_1299 : vector<16xf32>
        %add3A_1301 = arith.constant 6 : i32
        %add3A_1302 = arith.addi %mul3A_119, %add3A_1301 : i32
        %get3A_1303 = arith.index_cast %add3A_1302 : i32 to index
        %get3A_1304 = arith.constant 80 : index
        %get3A_1305 = tpu.vector_load %arg11[%get3A_1303, %get3A_1304] {strides = array<i32>} : memref<128x128xf32, #tpu.memory_space<vmem>>, vector<1x16xf32>,
        %get3A_1306 = vector.shape_cast %get3A_1305 : vector<1x16xf32> to vector<16xf32>
        %max3A_1307 = arith.maximumf %max3A_1300, %get3A_1306 : vector<16xf32>
        %add3A_1308 = arith.constant 7 : i32
        %add3A_1309 = arith.addi %mul3A_119, %add3A_1308 : i32
        %get3A_1310 = arith.index_cast %add3A_1309 : i32 to index
        %get3A_1311 = arith.constant 80 : index
        %get3A_1312 = tpu.vector_load %arg11[%get3A_1310, %get3A_1311] {strides = array<i32>} : memref<128x128xf32, #tpu.memory_space<vmem>>, vector<1x16xf32>,
        %get3A_1313 = vector.shape_cast %get3A_1312 : vector<1x16xf32> to vector<16xf32>
        %max3A_1314 = arith.maximumf %max3A_1307, %get3A_1313 : vector<16xf32>
        %add3A_1315 = arith.constant 8 : i32
        %add3A_1316 = arith.addi %mul3A_119, %add3A_1315 : i32
        %get3A_1317 = arith.index_cast %add3A_1316 : i32 to index
        %get3A_1318 = arith.constant 80 : index
        %get3A_1319 = tpu.vector_load %arg11[%get3A_1317, %get3A_1318] {strides = array<i32>} : memref<128x128xf32, #tpu.memory_space<vmem>>, vector<1x16xf32>,
        %get3A_1320 = vector.shape_cast %get3A_1319 : vector<1x16xf32> to vector<16xf32>
        %max3A_1321 = arith.maximumf %max3A_1314, %get3A_1320 : vector<16xf32>
        %add3A_1322 = arith.constant 9 : i32
        %add3A_1323 = arith.addi %mul3A_119, %add3A_1322 : i32
        %get3A_1324 = arith.index_cast %add3A_1323 : i32 to index
        %get3A_1325 = arith.constant 80 : index
        %get3A_1326 = tpu.vector_load %arg11[%get3A_1324, %get3A_1325] {strides = array<i32>} : memref<128x128xf32, #tpu.memory_space<vmem>>, vector<1x16xf32>,
        %get3A_1327 = vector.shape_cast %get3A_1326 : vector<1x16xf32> to vector<16xf32>
        %max3A_1328 = arith.maximumf %max3A_1321, %get3A_1327 : vector<16xf32>
        %add3A_1329 = arith.constant 10 : i32
        %add3A_1330 = arith.addi %mul3A_119, %add3A_1329 : i32
        %get3A_1331 = arith.index_cast %add3A_1330 : i32 to index
        %get3A_1332 = arith.constant 80 : index
        %get3A_1333 = tpu.vector_load %arg11[%get3A_1331, %get3A_1332] {strides = array<i32>} : memref<128x128xf32, #tpu.memory_space<vmem>>, vector<1x16xf32>,
        %get3A_1334 = vector.shape_cast %get3A_1333 : vector<1x16xf32> to vector<16xf32>
        %max3A_1335 = arith.maximumf %max3A_1328, %get3A_1334 : vector<16xf32>
        %add3A_1336 = arith.constant 11 : i32
        %add3A_1337 = arith.addi %mul3A_119, %add3A_1336 : i32
        %get3A_1338 = arith.index_cast %add3A_1337 : i32 to index
        %get3A_1339 = arith.constant 80 : index
        %get3A_1340 = tpu.vector_load %arg11[%get3A_1338, %get3A_1339] {strides = array<i32>} : memref<128x128xf32, #tpu.memory_space<vmem>>, vector<1x16xf32>,
        %get3A_1341 = vector.shape_cast %get3A_1340 : vector<1x16xf32> to vector<16xf32>
        %max3A_1342 = arith.maximumf %max3A_1335, %get3A_1341 : vector<16xf32>
        %add3A_1343 = arith.constant 12 : i32
        %add3A_1344 = arith.addi %mul3A_119, %add3A_1343 : i32
        %get3A_1345 = arith.index_cast %add3A_1344 : i32 to index
        %get3A_1346 = arith.constant 80 : index
        %get3A_1347 = tpu.vector_load %arg11[%get3A_1345, %get3A_1346] {strides = array<i32>} : memref<128x128xf32, #tpu.memory_space<vmem>>, vector<1x16xf32>,
        %get3A_1348 = vector.shape_cast %get3A_1347 : vector<1x16xf32> to vector<16xf32>
        %max3A_1349 = arith.maximumf %max3A_1342, %get3A_1348 : vector<16xf32>
        %add3A_1350 = arith.constant 13 : i32
        %add3A_1351 = arith.addi %mul3A_119, %add3A_1350 : i32
        %get3A_1352 = arith.index_cast %add3A_1351 : i32 to index
        %get3A_1353 = arith.constant 80 : index
        %get3A_1354 = tpu.vector_load %arg11[%get3A_1352, %get3A_1353] {strides = array<i32>} : memref<128x128xf32, #tpu.memory_space<vmem>>, vector<1x16xf32>,
        %get3A_1355 = vector.shape_cast %get3A_1354 : vector<1x16xf32> to vector<16xf32>
        %max3A_1356 = arith.maximumf %max3A_1349, %get3A_1355 : vector<16xf32>
        %add3A_1357 = arith.constant 14 : i32
        %add3A_1358 = arith.addi %mul3A_119, %add3A_1357 : i32
        %get3A_1359 = arith.index_cast %add3A_1358 : i32 to index
        %get3A_1360 = arith.constant 80 : index
        %get3A_1361 = tpu.vector_load %arg11[%get3A_1359, %get3A_1360] {strides = array<i32>} : memref<128x128xf32, #tpu.memory_space<vmem>>, vector<1x16xf32>,
        %get3A_1362 = vector.shape_cast %get3A_1361 : vector<1x16xf32> to vector<16xf32>
        %max3A_1363 = arith.maximumf %max3A_1356, %get3A_1362 : vector<16xf32>
        %add3A_1364 = arith.constant 15 : i32
        %add3A_1365 = arith.addi %mul3A_119, %add3A_1364 : i32
        %get3A_1366 = arith.index_cast %add3A_1365 : i32 to index
        %get3A_1367 = arith.constant 80 : index
        %get3A_1368 = tpu.vector_load %arg11[%get3A_1366, %get3A_1367] {strides = array<i32>} : memref<128x128xf32, #tpu.memory_space<vmem>>, vector<1x16xf32>,
        %get3A_1369 = vector.shape_cast %get3A_1368 : vector<1x16xf32> to vector<16xf32>
        %max3A_1370 = arith.maximumf %max3A_1363, %get3A_1369 : vector<16xf32>
        %add3A_1371 = arith.constant 16 : i32
        %add3A_1372 = arith.addi %mul3A_119, %add3A_1371 : i32
        %get3A_1373 = arith.index_cast %add3A_1372 : i32 to index
        %get3A_1374 = arith.constant 80 : index
        %get3A_1375 = tpu.vector_load %arg11[%get3A_1373, %get3A_1374] {strides = array<i32>} : memref<128x128xf32, #tpu.memory_space<vmem>>, vector<1x16xf32>,
        %get3A_1376 = vector.shape_cast %get3A_1375 : vector<1x16xf32> to vector<16xf32>
        %max3A_1377 = arith.maximumf %max3A_1370, %get3A_1376 : vector<16xf32>
        %add3A_1378 = arith.constant 17 : i32
        %add3A_1379 = arith.addi %mul3A_119, %add3A_1378 : i32
        %get3A_1380 = arith.index_cast %add3A_1379 : i32 to index
        %get3A_1381 = arith.constant 80 : index
        %get3A_1382 = tpu.vector_load %arg11[%get3A_1380, %get3A_1381] {strides = array<i32>} : memref<128x128xf32, #tpu.memory_space<vmem>>, vector<1x16xf32>,
        %get3A_1383 = vector.shape_cast %get3A_1382 : vector<1x16xf32> to vector<16xf32>
        %max3A_1384 = arith.maximumf %max3A_1377, %get3A_1383 : vector<16xf32>
        %add3A_1385 = arith.constant 18 : i32
        %add3A_1386 = arith.addi %mul3A_119, %add3A_1385 : i32
        %get3A_1387 = arith.index_cast %add3A_1386 : i32 to index
        %get3A_1388 = arith.constant 80 : index
        %get3A_1389 = tpu.vector_load %arg11[%get3A_1387, %get3A_1388] {strides = array<i32>} : memref<128x128xf32, #tpu.memory_space<vmem>>, vector<1x16xf32>,
        %get3A_1390 = vector.shape_cast %get3A_1389 : vector<1x16xf32> to vector<16xf32>
        %max3A_1391 = arith.maximumf %max3A_1384, %get3A_1390 : vector<16xf32>
        %add3A_1392 = arith.constant 19 : i32
        %add3A_1393 = arith.addi %mul3A_119, %add3A_1392 : i32
        %get3A_1394 = arith.index_cast %add3A_1393 : i32 to index
        %get3A_1395 = arith.constant 80 : index
        %get3A_1396 = tpu.vector_load %arg11[%get3A_1394, %get3A_1395] {strides = array<i32>} : memref<128x128xf32, #tpu.memory_space<vmem>>, vector<1x16xf32>,
        %get3A_1397 = vector.shape_cast %get3A_1396 : vector<1x16xf32> to vector<16xf32>
        %max3A_1398 = arith.maximumf %max3A_1391, %get3A_1397 : vector<16xf32>
        %add3A_1399 = arith.constant 20 : i32
        %add3A_1400 = arith.addi %mul3A_119, %add3A_1399 : i32
        %get3A_1401 = arith.index_cast %add3A_1400 : i32 to index
        %get3A_1402 = arith.constant 80 : index
        %get3A_1403 = tpu.vector_load %arg11[%get3A_1401, %get3A_1402] {strides = array<i32>} : memref<128x128xf32, #tpu.memory_space<vmem>>, vector<1x16xf32>,
        %get3A_1404 = vector.shape_cast %get3A_1403 : vector<1x16xf32> to vector<16xf32>
        %max3A_1405 = arith.maximumf %max3A_1398, %get3A_1404 : vector<16xf32>
        %add3A_1406 = arith.constant 21 : i32
        %add3A_1407 = arith.addi %mul3A_119, %add3A_1406 : i32
        %get3A_1408 = arith.index_cast %add3A_1407 : i32 to index
        %get3A_1409 = arith.constant 80 : index
        %get3A_1410 = tpu.vector_load %arg11[%get3A_1408, %get3A_1409] {strides = array<i32>} : memref<128x128xf32, #tpu.memory_space<vmem>>, vector<1x16xf32>,
        %get3A_1411 = vector.shape_cast %get3A_1410 : vector<1x16xf32> to vector<16xf32>
        %max3A_1412 = arith.maximumf %max3A_1405, %get3A_1411 : vector<16xf32>
        %add3A_1413 = arith.constant 22 : i32
        %add3A_1414 = arith.addi %mul3A_119, %add3A_1413 : i32
        %get3A_1415 = arith.index_cast %add3A_1414 : i32 to index
        %get3A_1416 = arith.constant 80 : index
        %get3A_1417 = tpu.vector_load %arg11[%get3A_1415, %get3A_1416] {strides = array<i32>} : memref<128x128xf32, #tpu.memory_space<vmem>>, vector<1x16xf32>,
        %get3A_1418 = vector.shape_cast %get3A_1417 : vector<1x16xf32> to vector<16xf32>
        %max3A_1419 = arith.maximumf %max3A_1412, %get3A_1418 : vector<16xf32>
        %add3A_1420 = arith.constant 23 : i32
        %add3A_1421 = arith.addi %mul3A_119, %add3A_1420 : i32
        %get3A_1422 = arith.index_cast %add3A_1421 : i32 to index
        %get3A_1423 = arith.constant 80 : index
        %get3A_1424 = tpu.vector_load %arg11[%get3A_1422, %get3A_1423] {strides = array<i32>} : memref<128x128xf32, #tpu.memory_space<vmem>>, vector<1x16xf32>,
        %get3A_1425 = vector.shape_cast %get3A_1424 : vector<1x16xf32> to vector<16xf32>
        %max3A_1426 = arith.maximumf %max3A_1419, %get3A_1425 : vector<16xf32>
        %add3A_1427 = arith.constant 24 : i32
        %add3A_1428 = arith.addi %mul3A_119, %add3A_1427 : i32
        %get3A_1429 = arith.index_cast %add3A_1428 : i32 to index
        %get3A_1430 = arith.constant 80 : index
        %get3A_1431 = tpu.vector_load %arg11[%get3A_1429, %get3A_1430] {strides = array<i32>} : memref<128x128xf32, #tpu.memory_space<vmem>>, vector<1x16xf32>,
        %get3A_1432 = vector.shape_cast %get3A_1431 : vector<1x16xf32> to vector<16xf32>
        %max3A_1433 = arith.maximumf %max3A_1426, %get3A_1432 : vector<16xf32>
        %add3A_1434 = arith.constant 25 : i32
        %add3A_1435 = arith.addi %mul3A_119, %add3A_1434 : i32
        %get3A_1436 = arith.index_cast %add3A_1435 : i32 to index
        %get3A_1437 = arith.constant 80 : index
        %get3A_1438 = tpu.vector_load %arg11[%get3A_1436, %get3A_1437] {strides = array<i32>} : memref<128x128xf32, #tpu.memory_space<vmem>>, vector<1x16xf32>,
        %get3A_1439 = vector.shape_cast %get3A_1438 : vector<1x16xf32> to vector<16xf32>
        %max3A_1440 = arith.maximumf %max3A_1433, %get3A_1439 : vector<16xf32>
        %add3A_1441 = arith.constant 26 : i32
        %add3A_1442 = arith.addi %mul3A_119, %add3A_1441 : i32
        %get3A_1443 = arith.index_cast %add3A_1442 : i32 to index
        %get3A_1444 = arith.constant 80 : index
        %get3A_1445 = tpu.vector_load %arg11[%get3A_1443, %get3A_1444] {strides = array<i32>} : memref<128x128xf32, #tpu.memory_space<vmem>>, vector<1x16xf32>,
        %get3A_1446 = vector.shape_cast %get3A_1445 : vector<1x16xf32> to vector<16xf32>
        %max3A_1447 = arith.maximumf %max3A_1440, %get3A_1446 : vector<16xf32>
        %add3A_1448 = arith.constant 27 : i32
        %add3A_1449 = arith.addi %mul3A_119, %add3A_1448 : i32
        %get3A_1450 = arith.index_cast %add3A_1449 : i32 to index
        %get3A_1451 = arith.constant 80 : index
        %get3A_1452 = tpu.vector_load %arg11[%get3A_1450, %get3A_1451] {strides = array<i32>} : memref<128x128xf32, #tpu.memory_space<vmem>>, vector<1x16xf32>,
        %get3A_1453 = vector.shape_cast %get3A_1452 : vector<1x16xf32> to vector<16xf32>
        %max3A_1454 = arith.maximumf %max3A_1447, %get3A_1453 : vector<16xf32>
        %add3A_1455 = arith.constant 28 : i32
        %add3A_1456 = arith.addi %mul3A_119, %add3A_1455 : i32
        %get3A_1457 = arith.index_cast %add3A_1456 : i32 to index
        %get3A_1458 = arith.constant 80 : index
        %get3A_1459 = tpu.vector_load %arg11[%get3A_1457, %get3A_1458] {strides = array<i32>} : memref<128x128xf32, #tpu.memory_space<vmem>>, vector<1x16xf32>,
        %get3A_1460 = vector.shape_cast %get3A_1459 : vector<1x16xf32> to vector<16xf32>
        %max3A_1461 = arith.maximumf %max3A_1454, %get3A_1460 : vector<16xf32>
        %add3A_1462 = arith.constant 29 : i32
        %add3A_1463 = arith.addi %mul3A_119, %add3A_1462 : i32
        %get3A_1464 = arith.index_cast %add3A_1463 : i32 to index
        %get3A_1465 = arith.constant 80 : index
        %get3A_1466 = tpu.vector_load %arg11[%get3A_1464, %get3A_1465] {strides = array<i32>} : memref<128x128xf32, #tpu.memory_space<vmem>>, vector<1x16xf32>,
        %get3A_1467 = vector.shape_cast %get3A_1466 : vector<1x16xf32> to vector<16xf32>
        %max3A_1468 = arith.maximumf %max3A_1461, %get3A_1467 : vector<16xf32>
        %add3A_1469 = arith.constant 30 : i32
        %add3A_1470 = arith.addi %mul3A_119, %add3A_1469 : i32
        %get3A_1471 = arith.index_cast %add3A_1470 : i32 to index
        %get3A_1472 = arith.constant 80 : index
        %get3A_1473 = tpu.vector_load %arg11[%get3A_1471, %get3A_1472] {strides = array<i32>} : memref<128x128xf32, #tpu.memory_space<vmem>>, vector<1x16xf32>,
        %get3A_1474 = vector.shape_cast %get3A_1473 : vector<1x16xf32> to vector<16xf32>
        %max3A_1475 = arith.maximumf %max3A_1468, %get3A_1474 : vector<16xf32>
        %add3A_1476 = arith.constant 31 : i32
        %add3A_1477 = arith.addi %mul3A_119, %add3A_1476 : i32
        %get3A_1478 = arith.index_cast %add3A_1477 : i32 to index
        %get3A_1479 = arith.constant 80 : index
        %get3A_1480 = tpu.vector_load %arg11[%get3A_1478, %get3A_1479] {strides = array<i32>} : memref<128x128xf32, #tpu.memory_space<vmem>>, vector<1x16xf32>,
        %get3A_1481 = vector.shape_cast %get3A_1480 : vector<1x16xf32> to vector<16xf32>
        %max3A_1482 = arith.maximumf %max3A_1475, %get3A_1481 : vector<16xf32>
        %mul3A_1483 = arith.constant 4 : i32
        %mul3A_1484 = arith.muli %add3A_97, %mul3A_1483 : i32
        %add3A_1485 = arith.addi %mul3A_1484, %scan3A_117 : i32
        %swap3A_1486 = arith.index_cast %add3A_1485 : i32 to index
        %swap3A_1487 = arith.constant 80 : index
        %swap3A_1488 = tpu.vector_load %arg13[%swap3A_1486, %swap3A_1487] {strides = array<i32>} : memref<192x128xf32, #tpu.memory_space<vmem>>, vector<1x16xf32>,
        %swap3A_1489 = vector.shape_cast %swap3A_1488 : vector<1x16xf32> to vector<16xf32>
        %swap3A_1490 = vector.shape_cast %max3A_1482 : vector<16xf32> to vector<1x16xf32>
        tpu.vector_store %arg13[%swap3A_1486, %swap3A_1487], %swap3A_1490 {strides = array<i32>} : memref<192x128xf32, #tpu.memory_space<vmem>>, vector<1x16xf32>,
        %get3A_1491 = arith.index_cast %mul3A_119 : i32 to index
        %get3A_1492 = arith.constant 96 : index
        %get3A_1493 = tpu.vector_load %arg11[%get3A_1491, %get3A_1492] {strides = array<i32>} : memref<128x128xf32, #tpu.memory_space<vmem>>, vector<1x16xf32>,
        %get3A_1494 = vector.shape_cast %get3A_1493 : vector<1x16xf32> to vector<16xf32>
        %add3A_1495 = arith.constant 1 : i32
        %add3A_1496 = arith.addi %mul3A_119, %add3A_1495 : i32
        %get3A_1497 = arith.index_cast %add3A_1496 : i32 to index
        %get3A_1498 = arith.constant 96 : index
        %get3A_1499 = tpu.vector_load %arg11[%get3A_1497, %get3A_1498] {strides = array<i32>} : memref<128x128xf32, #tpu.memory_space<vmem>>, vector<1x16xf32>,
        %get3A_1500 = vector.shape_cast %get3A_1499 : vector<1x16xf32> to vector<16xf32>
        %max3A_1501 = arith.maximumf %get3A_1494, %get3A_1500 : vector<16xf32>
        %add3A_1502 = arith.constant 2 : i32
        %add3A_1503 = arith.addi %mul3A_119, %add3A_1502 : i32
        %get3A_1504 = arith.index_cast %add3A_1503 : i32 to index
        %get3A_1505 = arith.constant 96 : index
        %get3A_1506 = tpu.vector_load %arg11[%get3A_1504, %get3A_1505] {strides = array<i32>} : memref<128x128xf32, #tpu.memory_space<vmem>>, vector<1x16xf32>,
        %get3A_1507 = vector.shape_cast %get3A_1506 : vector<1x16xf32> to vector<16xf32>
        %max3A_1508 = arith.maximumf %max3A_1501, %get3A_1507 : vector<16xf32>
        %add3A_1509 = arith.constant 3 : i32
        %add3A_1510 = arith.addi %mul3A_119, %add3A_1509 : i32
        %get3A_1511 = arith.index_cast %add3A_1510 : i32 to index
        %get3A_1512 = arith.constant 96 : index
        %get3A_1513 = tpu.vector_load %arg11[%get3A_1511, %get3A_1512] {strides = array<i32>} : memref<128x128xf32, #tpu.memory_space<vmem>>, vector<1x16xf32>,
        %get3A_1514 = vector.shape_cast %get3A_1513 : vector<1x16xf32> to vector<16xf32>
        %max3A_1515 = arith.maximumf %max3A_1508, %get3A_1514 : vector<16xf32>
        %add3A_1516 = arith.constant 4 : i32
        %add3A_1517 = arith.addi %mul3A_119, %add3A_1516 : i32
        %get3A_1518 = arith.index_cast %add3A_1517 : i32 to index
        %get3A_1519 = arith.constant 96 : index
        %get3A_1520 = tpu.vector_load %arg11[%get3A_1518, %get3A_1519] {strides = array<i32>} : memref<128x128xf32, #tpu.memory_space<vmem>>, vector<1x16xf32>,
        %get3A_1521 = vector.shape_cast %get3A_1520 : vector<1x16xf32> to vector<16xf32>
        %max3A_1522 = arith.maximumf %max3A_1515, %get3A_1521 : vector<16xf32>
        %add3A_1523 = arith.constant 5 : i32
        %add3A_1524 = arith.addi %mul3A_119, %add3A_1523 : i32
        %get3A_1525 = arith.index_cast %add3A_1524 : i32 to index
        %get3A_1526 = arith.constant 96 : index
        %get3A_1527 = tpu.vector_load %arg11[%get3A_1525, %get3A_1526] {strides = array<i32>} : memref<128x128xf32, #tpu.memory_space<vmem>>, vector<1x16xf32>,
        %get3A_1528 = vector.shape_cast %get3A_1527 : vector<1x16xf32> to vector<16xf32>
        %max3A_1529 = arith.maximumf %max3A_1522, %get3A_1528 : vector<16xf32>
        %add3A_1530 = arith.constant 6 : i32
        %add3A_1531 = arith.addi %mul3A_119, %add3A_1530 : i32
        %get3A_1532 = arith.index_cast %add3A_1531 : i32 to index
        %get3A_1533 = arith.constant 96 : index
        %get3A_1534 = tpu.vector_load %arg11[%get3A_1532, %get3A_1533] {strides = array<i32>} : memref<128x128xf32, #tpu.memory_space<vmem>>, vector<1x16xf32>,
        %get3A_1535 = vector.shape_cast %get3A_1534 : vector<1x16xf32> to vector<16xf32>
        %max3A_1536 = arith.maximumf %max3A_1529, %get3A_1535 : vector<16xf32>
        %add3A_1537 = arith.constant 7 : i32
        %add3A_1538 = arith.addi %mul3A_119, %add3A_1537 : i32
        %get3A_1539 = arith.index_cast %add3A_1538 : i32 to index
        %get3A_1540 = arith.constant 96 : index
        %get3A_1541 = tpu.vector_load %arg11[%get3A_1539, %get3A_1540] {strides = array<i32>} : memref<128x128xf32, #tpu.memory_space<vmem>>, vector<1x16xf32>,
        %get3A_1542 = vector.shape_cast %get3A_1541 : vector<1x16xf32> to vector<16xf32>
        %max3A_1543 = arith.maximumf %max3A_1536, %get3A_1542 : vector<16xf32>
        %add3A_1544 = arith.constant 8 : i32
        %add3A_1545 = arith.addi %mul3A_119, %add3A_1544 : i32
        %get3A_1546 = arith.index_cast %add3A_1545 : i32 to index
        %get3A_1547 = arith.constant 96 : index
        %get3A_1548 = tpu.vector_load %arg11[%get3A_1546, %get3A_1547] {strides = array<i32>} : memref<128x128xf32, #tpu.memory_space<vmem>>, vector<1x16xf32>,
        %get3A_1549 = vector.shape_cast %get3A_1548 : vector<1x16xf32> to vector<16xf32>
        %max3A_1550 = arith.maximumf %max3A_1543, %get3A_1549 : vector<16xf32>
        %add3A_1551 = arith.constant 9 : i32
        %add3A_1552 = arith.addi %mul3A_119, %add3A_1551 : i32
        %get3A_1553 = arith.index_cast %add3A_1552 : i32 to index
        %get3A_1554 = arith.constant 96 : index
        %get3A_1555 = tpu.vector_load %arg11[%get3A_1553, %get3A_1554] {strides = array<i32>} : memref<128x128xf32, #tpu.memory_space<vmem>>, vector<1x16xf32>,
        %get3A_1556 = vector.shape_cast %get3A_1555 : vector<1x16xf32> to vector<16xf32>
        %max3A_1557 = arith.maximumf %max3A_1550, %get3A_1556 : vector<16xf32>
        %add3A_1558 = arith.constant 10 : i32
        %add3A_1559 = arith.addi %mul3A_119, %add3A_1558 : i32
        %get3A_1560 = arith.index_cast %add3A_1559 : i32 to index
        %get3A_1561 = arith.constant 96 : index
        %get3A_1562 = tpu.vector_load %arg11[%get3A_1560, %get3A_1561] {strides = array<i32>} : memref<128x128xf32, #tpu.memory_space<vmem>>, vector<1x16xf32>,
        %get3A_1563 = vector.shape_cast %get3A_1562 : vector<1x16xf32> to vector<16xf32>
        %max3A_1564 = arith.maximumf %max3A_1557, %get3A_1563 : vector<16xf32>
        %add3A_1565 = arith.constant 11 : i32
        %add3A_1566 = arith.addi %mul3A_119, %add3A_1565 : i32
        %get3A_1567 = arith.index_cast %add3A_1566 : i32 to index
        %get3A_1568 = arith.constant 96 : index
        %get3A_1569 = tpu.vector_load %arg11[%get3A_1567, %get3A_1568] {strides = array<i32>} : memref<128x128xf32, #tpu.memory_space<vmem>>, vector<1x16xf32>,
        %get3A_1570 = vector.shape_cast %get3A_1569 : vector<1x16xf32> to vector<16xf32>
        %max3A_1571 = arith.maximumf %max3A_1564, %get3A_1570 : vector<16xf32>
        %add3A_1572 = arith.constant 12 : i32
        %add3A_1573 = arith.addi %mul3A_119, %add3A_1572 : i32
        %get3A_1574 = arith.index_cast %add3A_1573 : i32 to index
        %get3A_1575 = arith.constant 96 : index
        %get3A_1576 = tpu.vector_load %arg11[%get3A_1574, %get3A_1575] {strides = array<i32>} : memref<128x128xf32, #tpu.memory_space<vmem>>, vector<1x16xf32>,
        %get3A_1577 = vector.shape_cast %get3A_1576 : vector<1x16xf32> to vector<16xf32>
        %max3A_1578 = arith.maximumf %max3A_1571, %get3A_1577 : vector<16xf32>
        %add3A_1579 = arith.constant 13 : i32
        %add3A_1580 = arith.addi %mul3A_119, %add3A_1579 : i32
        %get3A_1581 = arith.index_cast %add3A_1580 : i32 to index
        %get3A_1582 = arith.constant 96 : index
        %get3A_1583 = tpu.vector_load %arg11[%get3A_1581, %get3A_1582] {strides = array<i32>} : memref<128x128xf32, #tpu.memory_space<vmem>>, vector<1x16xf32>,
        %get3A_1584 = vector.shape_cast %get3A_1583 : vector<1x16xf32> to vector<16xf32>
        %max3A_1585 = arith.maximumf %max3A_1578, %get3A_1584 : vector<16xf32>
        %add3A_1586 = arith.constant 14 : i32
        %add3A_1587 = arith.addi %mul3A_119, %add3A_1586 : i32
        %get3A_1588 = arith.index_cast %add3A_1587 : i32 to index
        %get3A_1589 = arith.constant 96 : index
        %get3A_1590 = tpu.vector_load %arg11[%get3A_1588, %get3A_1589] {strides = array<i32>} : memref<128x128xf32, #tpu.memory_space<vmem>>, vector<1x16xf32>,
        %get3A_1591 = vector.shape_cast %get3A_1590 : vector<1x16xf32> to vector<16xf32>
        %max3A_1592 = arith.maximumf %max3A_1585, %get3A_1591 : vector<16xf32>
        %add3A_1593 = arith.constant 15 : i32
        %add3A_1594 = arith.addi %mul3A_119, %add3A_1593 : i32
        %get3A_1595 = arith.index_cast %add3A_1594 : i32 to index
        %get3A_1596 = arith.constant 96 : index
        %get3A_1597 = tpu.vector_load %arg11[%get3A_1595, %get3A_1596] {strides = array<i32>} : memref<128x128xf32, #tpu.memory_space<vmem>>, vector<1x16xf32>,
        %get3A_1598 = vector.shape_cast %get3A_1597 : vector<1x16xf32> to vector<16xf32>
        %max3A_1599 = arith.maximumf %max3A_1592, %get3A_1598 : vector<16xf32>
        %add3A_1600 = arith.constant 16 : i32
        %add3A_1601 = arith.addi %mul3A_119, %add3A_1600 : i32
        %get3A_1602 = arith.index_cast %add3A_1601 : i32 to index
        %get3A_1603 = arith.constant 96 : index
        %get3A_1604 = tpu.vector_load %arg11[%get3A_1602, %get3A_1603] {strides = array<i32>} : memref<128x128xf32, #tpu.memory_space<vmem>>, vector<1x16xf32>,
        %get3A_1605 = vector.shape_cast %get3A_1604 : vector<1x16xf32> to vector<16xf32>
        %max3A_1606 = arith.maximumf %max3A_1599, %get3A_1605 : vector<16xf32>
        %add3A_1607 = arith.constant 17 : i32
        %add3A_1608 = arith.addi %mul3A_119, %add3A_1607 : i32
        %get3A_1609 = arith.index_cast %add3A_1608 : i32 to index
        %get3A_1610 = arith.constant 96 : index
        %get3A_1611 = tpu.vector_load %arg11[%get3A_1609, %get3A_1610] {strides = array<i32>} : memref<128x128xf32, #tpu.memory_space<vmem>>, vector<1x16xf32>,
        %get3A_1612 = vector.shape_cast %get3A_1611 : vector<1x16xf32> to vector<16xf32>
        %max3A_1613 = arith.maximumf %max3A_1606, %get3A_1612 : vector<16xf32>
        %add3A_1614 = arith.constant 18 : i32
        %add3A_1615 = arith.addi %mul3A_119, %add3A_1614 : i32
        %get3A_1616 = arith.index_cast %add3A_1615 : i32 to index
        %get3A_1617 = arith.constant 96 : index
        %get3A_1618 = tpu.vector_load %arg11[%get3A_1616, %get3A_1617] {strides = array<i32>} : memref<128x128xf32, #tpu.memory_space<vmem>>, vector<1x16xf32>,
        %get3A_1619 = vector.shape_cast %get3A_1618 : vector<1x16xf32> to vector<16xf32>
        %max3A_1620 = arith.maximumf %max3A_1613, %get3A_1619 : vector<16xf32>
        %add3A_1621 = arith.constant 19 : i32
        %add3A_1622 = arith.addi %mul3A_119, %add3A_1621 : i32
        %get3A_1623 = arith.index_cast %add3A_1622 : i32 to index
        %get3A_1624 = arith.constant 96 : index
        %get3A_1625 = tpu.vector_load %arg11[%get3A_1623, %get3A_1624] {strides = array<i32>} : memref<128x128xf32, #tpu.memory_space<vmem>>, vector<1x16xf32>,
        %get3A_1626 = vector.shape_cast %get3A_1625 : vector<1x16xf32> to vector<16xf32>
        %max3A_1627 = arith.maximumf %max3A_1620, %get3A_1626 : vector<16xf32>
        %add3A_1628 = arith.constant 20 : i32
        %add3A_1629 = arith.addi %mul3A_119, %add3A_1628 : i32
        %get3A_1630 = arith.index_cast %add3A_1629 : i32 to index
        %get3A_1631 = arith.constant 96 : index
        %get3A_1632 = tpu.vector_load %arg11[%get3A_1630, %get3A_1631] {strides = array<i32>} : memref<128x128xf32, #tpu.memory_space<vmem>>, vector<1x16xf32>,
        %get3A_1633 = vector.shape_cast %get3A_1632 : vector<1x16xf32> to vector<16xf32>
        %max3A_1634 = arith.maximumf %max3A_1627, %get3A_1633 : vector<16xf32>
        %add3A_1635 = arith.constant 21 : i32
        %add3A_1636 = arith.addi %mul3A_119, %add3A_1635 : i32
        %get3A_1637 = arith.index_cast %add3A_1636 : i32 to index
        %get3A_1638 = arith.constant 96 : index
        %get3A_1639 = tpu.vector_load %arg11[%get3A_1637, %get3A_1638] {strides = array<i32>} : memref<128x128xf32, #tpu.memory_space<vmem>>, vector<1x16xf32>,
        %get3A_1640 = vector.shape_cast %get3A_1639 : vector<1x16xf32> to vector<16xf32>
        %max3A_1641 = arith.maximumf %max3A_1634, %get3A_1640 : vector<16xf32>
        %add3A_1642 = arith.constant 22 : i32
        %add3A_1643 = arith.addi %mul3A_119, %add3A_1642 : i32
        %get3A_1644 = arith.index_cast %add3A_1643 : i32 to index
        %get3A_1645 = arith.constant 96 : index
        %get3A_1646 = tpu.vector_load %arg11[%get3A_1644, %get3A_1645] {strides = array<i32>} : memref<128x128xf32, #tpu.memory_space<vmem>>, vector<1x16xf32>,
        %get3A_1647 = vector.shape_cast %get3A_1646 : vector<1x16xf32> to vector<16xf32>
        %max3A_1648 = arith.maximumf %max3A_1641, %get3A_1647 : vector<16xf32>
        %add3A_1649 = arith.constant 23 : i32
        %add3A_1650 = arith.addi %mul3A_119, %add3A_1649 : i32
        %get3A_1651 = arith.index_cast %add3A_1650 : i32 to index
        %get3A_1652 = arith.constant 96 : index
        %get3A_1653 = tpu.vector_load %arg11[%get3A_1651, %get3A_1652] {strides = array<i32>} : memref<128x128xf32, #tpu.memory_space<vmem>>, vector<1x16xf32>,
        %get3A_1654 = vector.shape_cast %get3A_1653 : vector<1x16xf32> to vector<16xf32>
        %max3A_1655 = arith.maximumf %max3A_1648, %get3A_1654 : vector<16xf32>
        %add3A_1656 = arith.constant 24 : i32
        %add3A_1657 = arith.addi %mul3A_119, %add3A_1656 : i32
        %get3A_1658 = arith.index_cast %add3A_1657 : i32 to index
        %get3A_1659 = arith.constant 96 : index
        %get3A_1660 = tpu.vector_load %arg11[%get3A_1658, %get3A_1659] {strides = array<i32>} : memref<128x128xf32, #tpu.memory_space<vmem>>, vector<1x16xf32>,
        %get3A_1661 = vector.shape_cast %get3A_1660 : vector<1x16xf32> to vector<16xf32>
        %max3A_1662 = arith.maximumf %max3A_1655, %get3A_1661 : vector<16xf32>
        %add3A_1663 = arith.constant 25 : i32
        %add3A_1664 = arith.addi %mul3A_119, %add3A_1663 : i32
        %get3A_1665 = arith.index_cast %add3A_1664 : i32 to index
        %get3A_1666 = arith.constant 96 : index
        %get3A_1667 = tpu.vector_load %arg11[%get3A_1665, %get3A_1666] {strides = array<i32>} : memref<128x128xf32, #tpu.memory_space<vmem>>, vector<1x16xf32>,
        %get3A_1668 = vector.shape_cast %get3A_1667 : vector<1x16xf32> to vector<16xf32>
        %max3A_1669 = arith.maximumf %max3A_1662, %get3A_1668 : vector<16xf32>
        %add3A_1670 = arith.constant 26 : i32
        %add3A_1671 = arith.addi %mul3A_119, %add3A_1670 : i32
        %get3A_1672 = arith.index_cast %add3A_1671 : i32 to index
        %get3A_1673 = arith.constant 96 : index
        %get3A_1674 = tpu.vector_load %arg11[%get3A_1672, %get3A_1673] {strides = array<i32>} : memref<128x128xf32, #tpu.memory_space<vmem>>, vector<1x16xf32>,
        %get3A_1675 = vector.shape_cast %get3A_1674 : vector<1x16xf32> to vector<16xf32>
        %max3A_1676 = arith.maximumf %max3A_1669, %get3A_1675 : vector<16xf32>
        %add3A_1677 = arith.constant 27 : i32
        %add3A_1678 = arith.addi %mul3A_119, %add3A_1677 : i32
        %get3A_1679 = arith.index_cast %add3A_1678 : i32 to index
        %get3A_1680 = arith.constant 96 : index
        %get3A_1681 = tpu.vector_load %arg11[%get3A_1679, %get3A_1680] {strides = array<i32>} : memref<128x128xf32, #tpu.memory_space<vmem>>, vector<1x16xf32>,
        %get3A_1682 = vector.shape_cast %get3A_1681 : vector<1x16xf32> to vector<16xf32>
        %max3A_1683 = arith.maximumf %max3A_1676, %get3A_1682 : vector<16xf32>
        %add3A_1684 = arith.constant 28 : i32
        %add3A_1685 = arith.addi %mul3A_119, %add3A_1684 : i32
        %get3A_1686 = arith.index_cast %add3A_1685 : i32 to index
        %get3A_1687 = arith.constant 96 : index
        %get3A_1688 = tpu.vector_load %arg11[%get3A_1686, %get3A_1687] {strides = array<i32>} : memref<128x128xf32, #tpu.memory_space<vmem>>, vector<1x16xf32>,
        %get3A_1689 = vector.shape_cast %get3A_1688 : vector<1x16xf32> to vector<16xf32>
        %max3A_1690 = arith.maximumf %max3A_1683, %get3A_1689 : vector<16xf32>
        %add3A_1691 = arith.constant 29 : i32
        %add3A_1692 = arith.addi %mul3A_119, %add3A_1691 : i32
        %get3A_1693 = arith.index_cast %add3A_1692 : i32 to index
        %get3A_1694 = arith.constant 96 : index
        %get3A_1695 = tpu.vector_load %arg11[%get3A_1693, %get3A_1694] {strides = array<i32>} : memref<128x128xf32, #tpu.memory_space<vmem>>, vector<1x16xf32>,
        %get3A_1696 = vector.shape_cast %get3A_1695 : vector<1x16xf32> to vector<16xf32>
        %max3A_1697 = arith.maximumf %max3A_1690, %get3A_1696 : vector<16xf32>
        %add3A_1698 = arith.constant 30 : i32
        %add3A_1699 = arith.addi %mul3A_119, %add3A_1698 : i32
        %get3A_1700 = arith.index_cast %add3A_1699 : i32 to index
        %get3A_1701 = arith.constant 96 : index
        %get3A_1702 = tpu.vector_load %arg11[%get3A_1700, %get3A_1701] {strides = array<i32>} : memref<128x128xf32, #tpu.memory_space<vmem>>, vector<1x16xf32>,
        %get3A_1703 = vector.shape_cast %get3A_1702 : vector<1x16xf32> to vector<16xf32>
        %max3A_1704 = arith.maximumf %max3A_1697, %get3A_1703 : vector<16xf32>
        %add3A_1705 = arith.constant 31 : i32
        %add3A_1706 = arith.addi %mul3A_119, %add3A_1705 : i32
        %get3A_1707 = arith.index_cast %add3A_1706 : i32 to index
        %get3A_1708 = arith.constant 96 : index
        %get3A_1709 = tpu.vector_load %arg11[%get3A_1707, %get3A_1708] {strides = array<i32>} : memref<128x128xf32, #tpu.memory_space<vmem>>, vector<1x16xf32>,
        %get3A_1710 = vector.shape_cast %get3A_1709 : vector<1x16xf32> to vector<16xf32>
        %max3A_1711 = arith.maximumf %max3A_1704, %get3A_1710 : vector<16xf32>
        %mul3A_1712 = arith.constant 4 : i32
        %mul3A_1713 = arith.muli %add3A_97, %mul3A_1712 : i32
        %add3A_1714 = arith.addi %mul3A_1713, %scan3A_117 : i32
        %swap3A_1715 = arith.index_cast %add3A_1714 : i32 to index
        %swap3A_1716 = arith.constant 96 : index
        %swap3A_1717 = tpu.vector_load %arg13[%swap3A_1715, %swap3A_1716] {strides = array<i32>} : memref<192x128xf32, #tpu.memory_space<vmem>>, vector<1x16xf32>,
        %swap3A_1718 = vector.shape_cast %swap3A_1717 : vector<1x16xf32> to vector<16xf32>
        %swap3A_1719 = vector.shape_cast %max3A_1711 : vector<16xf32> to vector<1x16xf32>
        tpu.vector_store %arg13[%swap3A_1715, %swap3A_1716], %swap3A_1719 {strides = array<i32>} : memref<192x128xf32, #tpu.memory_space<vmem>>, vector<1x16xf32>,
        %get3A_1720 = arith.index_cast %mul3A_119 : i32 to index
        %get3A_1721 = arith.constant 112 : index
        %get3A_1722 = tpu.vector_load %arg11[%get3A_1720, %get3A_1721] {strides = array<i32>} : memref<128x128xf32, #tpu.memory_space<vmem>>, vector<1x16xf32>,
        %get3A_1723 = vector.shape_cast %get3A_1722 : vector<1x16xf32> to vector<16xf32>
        %add3A_1724 = arith.constant 1 : i32
        %add3A_1725 = arith.addi %mul3A_119, %add3A_1724 : i32
        %get3A_1726 = arith.index_cast %add3A_1725 : i32 to index
        %get3A_1727 = arith.constant 112 : index
        %get3A_1728 = tpu.vector_load %arg11[%get3A_1726, %get3A_1727] {strides = array<i32>} : memref<128x128xf32, #tpu.memory_space<vmem>>, vector<1x16xf32>,
        %get3A_1729 = vector.shape_cast %get3A_1728 : vector<1x16xf32> to vector<16xf32>
        %max3A_1730 = arith.maximumf %get3A_1723, %get3A_1729 : vector<16xf32>
        %add3A_1731 = arith.constant 2 : i32
        %add3A_1732 = arith.addi %mul3A_119, %add3A_1731 : i32
        %get3A_1733 = arith.index_cast %add3A_1732 : i32 to index
        %get3A_1734 = arith.constant 112 : index
        %get3A_1735 = tpu.vector_load %arg11[%get3A_1733, %get3A_1734] {strides = array<i32>} : memref<128x128xf32, #tpu.memory_space<vmem>>, vector<1x16xf32>,
        %get3A_1736 = vector.shape_cast %get3A_1735 : vector<1x16xf32> to vector<16xf32>
        %max3A_1737 = arith.maximumf %max3A_1730, %get3A_1736 : vector<16xf32>
        %add3A_1738 = arith.constant 3 : i32
        %add3A_1739 = arith.addi %mul3A_119, %add3A_1738 : i32
        %get3A_1740 = arith.index_cast %add3A_1739 : i32 to index
        %get3A_1741 = arith.constant 112 : index
        %get3A_1742 = tpu.vector_load %arg11[%get3A_1740, %get3A_1741] {strides = array<i32>} : memref<128x128xf32, #tpu.memory_space<vmem>>, vector<1x16xf32>,
        %get3A_1743 = vector.shape_cast %get3A_1742 : vector<1x16xf32> to vector<16xf32>
        %max3A_1744 = arith.maximumf %max3A_1737, %get3A_1743 : vector<16xf32>
        %add3A_1745 = arith.constant 4 : i32
        %add3A_1746 = arith.addi %mul3A_119, %add3A_1745 : i32
        %get3A_1747 = arith.index_cast %add3A_1746 : i32 to index
        %get3A_1748 = arith.constant 112 : index
        %get3A_1749 = tpu.vector_load %arg11[%get3A_1747, %get3A_1748] {strides = array<i32>} : memref<128x128xf32, #tpu.memory_space<vmem>>, vector<1x16xf32>,
        %get3A_1750 = vector.shape_cast %get3A_1749 : vector<1x16xf32> to vector<16xf32>
        %max3A_1751 = arith.maximumf %max3A_1744, %get3A_1750 : vector<16xf32>
        %add3A_1752 = arith.constant 5 : i32
        %add3A_1753 = arith.addi %mul3A_119, %add3A_1752 : i32
        %get3A_1754 = arith.index_cast %add3A_1753 : i32 to index
        %get3A_1755 = arith.constant 112 : index
        %get3A_1756 = tpu.vector_load %arg11[%get3A_1754, %get3A_1755] {strides = array<i32>} : memref<128x128xf32, #tpu.memory_space<vmem>>, vector<1x16xf32>,
        %get3A_1757 = vector.shape_cast %get3A_1756 : vector<1x16xf32> to vector<16xf32>
        %max3A_1758 = arith.maximumf %max3A_1751, %get3A_1757 : vector<16xf32>
        %add3A_1759 = arith.constant 6 : i32
        %add3A_1760 = arith.addi %mul3A_119, %add3A_1759 : i32
        %get3A_1761 = arith.index_cast %add3A_1760 : i32 to index
        %get3A_1762 = arith.constant 112 : index
        %get3A_1763 = tpu.vector_load %arg11[%get3A_1761, %get3A_1762] {strides = array<i32>} : memref<128x128xf32, #tpu.memory_space<vmem>>, vector<1x16xf32>,
        %get3A_1764 = vector.shape_cast %get3A_1763 : vector<1x16xf32> to vector<16xf32>
        %max3A_1765 = arith.maximumf %max3A_1758, %get3A_1764 : vector<16xf32>
        %add3A_1766 = arith.constant 7 : i32
        %add3A_1767 = arith.addi %mul3A_119, %add3A_1766 : i32
        %get3A_1768 = arith.index_cast %add3A_1767 : i32 to index
        %get3A_1769 = arith.constant 112 : index
        %get3A_1770 = tpu.vector_load %arg11[%get3A_1768, %get3A_1769] {strides = array<i32>} : memref<128x128xf32, #tpu.memory_space<vmem>>, vector<1x16xf32>,
        %get3A_1771 = vector.shape_cast %get3A_1770 : vector<1x16xf32> to vector<16xf32>
        %max3A_1772 = arith.maximumf %max3A_1765, %get3A_1771 : vector<16xf32>
        %add3A_1773 = arith.constant 8 : i32
        %add3A_1774 = arith.addi %mul3A_119, %add3A_1773 : i32
        %get3A_1775 = arith.index_cast %add3A_1774 : i32 to index
        %get3A_1776 = arith.constant 112 : index
        %get3A_1777 = tpu.vector_load %arg11[%get3A_1775, %get3A_1776] {strides = array<i32>} : memref<128x128xf32, #tpu.memory_space<vmem>>, vector<1x16xf32>,
        %get3A_1778 = vector.shape_cast %get3A_1777 : vector<1x16xf32> to vector<16xf32>
        %max3A_1779 = arith.maximumf %max3A_1772, %get3A_1778 : vector<16xf32>
        %add3A_1780 = arith.constant 9 : i32
        %add3A_1781 = arith.addi %mul3A_119, %add3A_1780 : i32
        %get3A_1782 = arith.index_cast %add3A_1781 : i32 to index
        %get3A_1783 = arith.constant 112 : index
        %get3A_1784 = tpu.vector_load %arg11[%get3A_1782, %get3A_1783] {strides = array<i32>} : memref<128x128xf32, #tpu.memory_space<vmem>>, vector<1x16xf32>,
        %get3A_1785 = vector.shape_cast %get3A_1784 : vector<1x16xf32> to vector<16xf32>
        %max3A_1786 = arith.maximumf %max3A_1779, %get3A_1785 : vector<16xf32>
        %add3A_1787 = arith.constant 10 : i32
        %add3A_1788 = arith.addi %mul3A_119, %add3A_1787 : i32
        %get3A_1789 = arith.index_cast %add3A_1788 : i32 to index
        %get3A_1790 = arith.constant 112 : index
        %get3A_1791 = tpu.vector_load %arg11[%get3A_1789, %get3A_1790] {strides = array<i32>} : memref<128x128xf32, #tpu.memory_space<vmem>>, vector<1x16xf32>,
        %get3A_1792 = vector.shape_cast %get3A_1791 : vector<1x16xf32> to vector<16xf32>
        %max3A_1793 = arith.maximumf %max3A_1786, %get3A_1792 : vector<16xf32>
        %add3A_1794 = arith.constant 11 : i32
        %add3A_1795 = arith.addi %mul3A_119, %add3A_1794 : i32
        %get3A_1796 = arith.index_cast %add3A_1795 : i32 to index
        %get3A_1797 = arith.constant 112 : index
        %get3A_1798 = tpu.vector_load %arg11[%get3A_1796, %get3A_1797] {strides = array<i32>} : memref<128x128xf32, #tpu.memory_space<vmem>>, vector<1x16xf32>,
        %get3A_1799 = vector.shape_cast %get3A_1798 : vector<1x16xf32> to vector<16xf32>
        %max3A_1800 = arith.maximumf %max3A_1793, %get3A_1799 : vector<16xf32>
        %add3A_1801 = arith.constant 12 : i32
        %add3A_1802 = arith.addi %mul3A_119, %add3A_1801 : i32
        %get3A_1803 = arith.index_cast %add3A_1802 : i32 to index
        %get3A_1804 = arith.constant 112 : index
        %get3A_1805 = tpu.vector_load %arg11[%get3A_1803, %get3A_1804] {strides = array<i32>} : memref<128x128xf32, #tpu.memory_space<vmem>>, vector<1x16xf32>,
        %get3A_1806 = vector.shape_cast %get3A_1805 : vector<1x16xf32> to vector<16xf32>
        %max3A_1807 = arith.maximumf %max3A_1800, %get3A_1806 : vector<16xf32>
        %add3A_1808 = arith.constant 13 : i32
        %add3A_1809 = arith.addi %mul3A_119, %add3A_1808 : i32
        %get3A_1810 = arith.index_cast %add3A_1809 : i32 to index
        %get3A_1811 = arith.constant 112 : index
        %get3A_1812 = tpu.vector_load %arg11[%get3A_1810, %get3A_1811] {strides = array<i32>} : memref<128x128xf32, #tpu.memory_space<vmem>>, vector<1x16xf32>,
        %get3A_1813 = vector.shape_cast %get3A_1812 : vector<1x16xf32> to vector<16xf32>
        %max3A_1814 = arith.maximumf %max3A_1807, %get3A_1813 : vector<16xf32>
        %add3A_1815 = arith.constant 14 : i32
        %add3A_1816 = arith.addi %mul3A_119, %add3A_1815 : i32
        %get3A_1817 = arith.index_cast %add3A_1816 : i32 to index
        %get3A_1818 = arith.constant 112 : index
        %get3A_1819 = tpu.vector_load %arg11[%get3A_1817, %get3A_1818] {strides = array<i32>} : memref<128x128xf32, #tpu.memory_space<vmem>>, vector<1x16xf32>,
        %get3A_1820 = vector.shape_cast %get3A_1819 : vector<1x16xf32> to vector<16xf32>
        %max3A_1821 = arith.maximumf %max3A_1814, %get3A_1820 : vector<16xf32>
        %add3A_1822 = arith.constant 15 : i32
        %add3A_1823 = arith.addi %mul3A_119, %add3A_1822 : i32
        %get3A_1824 = arith.index_cast %add3A_1823 : i32 to index
        %get3A_1825 = arith.constant 112 : index
        %get3A_1826 = tpu.vector_load %arg11[%get3A_1824, %get3A_1825] {strides = array<i32>} : memref<128x128xf32, #tpu.memory_space<vmem>>, vector<1x16xf32>,
        %get3A_1827 = vector.shape_cast %get3A_1826 : vector<1x16xf32> to vector<16xf32>
        %max3A_1828 = arith.maximumf %max3A_1821, %get3A_1827 : vector<16xf32>
        %add3A_1829 = arith.constant 16 : i32
        %add3A_1830 = arith.addi %mul3A_119, %add3A_1829 : i32
        %get3A_1831 = arith.index_cast %add3A_1830 : i32 to index
        %get3A_1832 = arith.constant 112 : index
        %get3A_1833 = tpu.vector_load %arg11[%get3A_1831, %get3A_1832] {strides = array<i32>} : memref<128x128xf32, #tpu.memory_space<vmem>>, vector<1x16xf32>,
        %get3A_1834 = vector.shape_cast %get3A_1833 : vector<1x16xf32> to vector<16xf32>
        %max3A_1835 = arith.maximumf %max3A_1828, %get3A_1834 : vector<16xf32>
        %add3A_1836 = arith.constant 17 : i32
        %add3A_1837 = arith.addi %mul3A_119, %add3A_1836 : i32
        %get3A_1838 = arith.index_cast %add3A_1837 : i32 to index
        %get3A_1839 = arith.constant 112 : index
        %get3A_1840 = tpu.vector_load %arg11[%get3A_1838, %get3A_1839] {strides = array<i32>} : memref<128x128xf32, #tpu.memory_space<vmem>>, vector<1x16xf32>,
        %get3A_1841 = vector.shape_cast %get3A_1840 : vector<1x16xf32> to vector<16xf32>
        %max3A_1842 = arith.maximumf %max3A_1835, %get3A_1841 : vector<16xf32>
        %add3A_1843 = arith.constant 18 : i32
        %add3A_1844 = arith.addi %mul3A_119, %add3A_1843 : i32
        %get3A_1845 = arith.index_cast %add3A_1844 : i32 to index
        %get3A_1846 = arith.constant 112 : index
        %get3A_1847 = tpu.vector_load %arg11[%get3A_1845, %get3A_1846] {strides = array<i32>} : memref<128x128xf32, #tpu.memory_space<vmem>>, vector<1x16xf32>,
        %get3A_1848 = vector.shape_cast %get3A_1847 : vector<1x16xf32> to vector<16xf32>
        %max3A_1849 = arith.maximumf %max3A_1842, %get3A_1848 : vector<16xf32>
        %add3A_1850 = arith.constant 19 : i32
        %add3A_1851 = arith.addi %mul3A_119, %add3A_1850 : i32
        %get3A_1852 = arith.index_cast %add3A_1851 : i32 to index
        %get3A_1853 = arith.constant 112 : index
        %get3A_1854 = tpu.vector_load %arg11[%get3A_1852, %get3A_1853] {strides = array<i32>} : memref<128x128xf32, #tpu.memory_space<vmem>>, vector<1x16xf32>,
        %get3A_1855 = vector.shape_cast %get3A_1854 : vector<1x16xf32> to vector<16xf32>
        %max3A_1856 = arith.maximumf %max3A_1849, %get3A_1855 : vector<16xf32>
        %add3A_1857 = arith.constant 20 : i32
        %add3A_1858 = arith.addi %mul3A_119, %add3A_1857 : i32
        %get3A_1859 = arith.index_cast %add3A_1858 : i32 to index
        %get3A_1860 = arith.constant 112 : index
        %get3A_1861 = tpu.vector_load %arg11[%get3A_1859, %get3A_1860] {strides = array<i32>} : memref<128x128xf32, #tpu.memory_space<vmem>>, vector<1x16xf32>,
        %get3A_1862 = vector.shape_cast %get3A_1861 : vector<1x16xf32> to vector<16xf32>
        %max3A_1863 = arith.maximumf %max3A_1856, %get3A_1862 : vector<16xf32>
        %add3A_1864 = arith.constant 21 : i32
        %add3A_1865 = arith.addi %mul3A_119, %add3A_1864 : i32
        %get3A_1866 = arith.index_cast %add3A_1865 : i32 to index
        %get3A_1867 = arith.constant 112 : index
        %get3A_1868 = tpu.vector_load %arg11[%get3A_1866, %get3A_1867] {strides = array<i32>} : memref<128x128xf32, #tpu.memory_space<vmem>>, vector<1x16xf32>,
        %get3A_1869 = vector.shape_cast %get3A_1868 : vector<1x16xf32> to vector<16xf32>
        %max3A_1870 = arith.maximumf %max3A_1863, %get3A_1869 : vector<16xf32>
        %add3A_1871 = arith.constant 22 : i32
        %add3A_1872 = arith.addi %mul3A_119, %add3A_1871 : i32
        %get3A_1873 = arith.index_cast %add3A_1872 : i32 to index
        %get3A_1874 = arith.constant 112 : index
        %get3A_1875 = tpu.vector_load %arg11[%get3A_1873, %get3A_1874] {strides = array<i32>} : memref<128x128xf32, #tpu.memory_space<vmem>>, vector<1x16xf32>,
        %get3A_1876 = vector.shape_cast %get3A_1875 : vector<1x16xf32> to vector<16xf32>
        %max3A_1877 = arith.maximumf %max3A_1870, %get3A_1876 : vector<16xf32>
        %add3A_1878 = arith.constant 23 : i32
        %add3A_1879 = arith.addi %mul3A_119, %add3A_1878 : i32
        %get3A_1880 = arith.index_cast %add3A_1879 : i32 to index
        %get3A_1881 = arith.constant 112 : index
        %get3A_1882 = tpu.vector_load %arg11[%get3A_1880, %get3A_1881] {strides = array<i32>} : memref<128x128xf32, #tpu.memory_space<vmem>>, vector<1x16xf32>,
        %get3A_1883 = vector.shape_cast %get3A_1882 : vector<1x16xf32> to vector<16xf32>
        %max3A_1884 = arith.maximumf %max3A_1877, %get3A_1883 : vector<16xf32>
        %add3A_1885 = arith.constant 24 : i32
        %add3A_1886 = arith.addi %mul3A_119, %add3A_1885 : i32
        %get3A_1887 = arith.index_cast %add3A_1886 : i32 to index
        %get3A_1888 = arith.constant 112 : index
        %get3A_1889 = tpu.vector_load %arg11[%get3A_1887, %get3A_1888] {strides = array<i32>} : memref<128x128xf32, #tpu.memory_space<vmem>>, vector<1x16xf32>,
        %get3A_1890 = vector.shape_cast %get3A_1889 : vector<1x16xf32> to vector<16xf32>
        %max3A_1891 = arith.maximumf %max3A_1884, %get3A_1890 : vector<16xf32>
        %add3A_1892 = arith.constant 25 : i32
        %add3A_1893 = arith.addi %mul3A_119, %add3A_1892 : i32
        %get3A_1894 = arith.index_cast %add3A_1893 : i32 to index
        %get3A_1895 = arith.constant 112 : index
        %get3A_1896 = tpu.vector_load %arg11[%get3A_1894, %get3A_1895] {strides = array<i32>} : memref<128x128xf32, #tpu.memory_space<vmem>>, vector<1x16xf32>,
        %get3A_1897 = vector.shape_cast %get3A_1896 : vector<1x16xf32> to vector<16xf32>
        %max3A_1898 = arith.maximumf %max3A_1891, %get3A_1897 : vector<16xf32>
        %add3A_1899 = arith.constant 26 : i32
        %add3A_1900 = arith.addi %mul3A_119, %add3A_1899 : i32
        %get3A_1901 = arith.index_cast %add3A_1900 : i32 to index
        %get3A_1902 = arith.constant 112 : index
        %get3A_1903 = tpu.vector_load %arg11[%get3A_1901, %get3A_1902] {strides = array<i32>} : memref<128x128xf32, #tpu.memory_space<vmem>>, vector<1x16xf32>,
        %get3A_1904 = vector.shape_cast %get3A_1903 : vector<1x16xf32> to vector<16xf32>
        %max3A_1905 = arith.maximumf %max3A_1898, %get3A_1904 : vector<16xf32>
        %add3A_1906 = arith.constant 27 : i32
        %add3A_1907 = arith.addi %mul3A_119, %add3A_1906 : i32
        %get3A_1908 = arith.index_cast %add3A_1907 : i32 to index
        %get3A_1909 = arith.constant 112 : index
        %get3A_1910 = tpu.vector_load %arg11[%get3A_1908, %get3A_1909] {strides = array<i32>} : memref<128x128xf32, #tpu.memory_space<vmem>>, vector<1x16xf32>,
        %get3A_1911 = vector.shape_cast %get3A_1910 : vector<1x16xf32> to vector<16xf32>
        %max3A_1912 = arith.maximumf %max3A_1905, %get3A_1911 : vector<16xf32>
        %add3A_1913 = arith.constant 28 : i32
        %add3A_1914 = arith.addi %mul3A_119, %add3A_1913 : i32
        %get3A_1915 = arith.index_cast %add3A_1914 : i32 to index
        %get3A_1916 = arith.constant 112 : index
        %get3A_1917 = tpu.vector_load %arg11[%get3A_1915, %get3A_1916] {strides = array<i32>} : memref<128x128xf32, #tpu.memory_space<vmem>>, vector<1x16xf32>,
        %get3A_1918 = vector.shape_cast %get3A_1917 : vector<1x16xf32> to vector<16xf32>
        %max3A_1919 = arith.maximumf %max3A_1912, %get3A_1918 : vector<16xf32>
        %add3A_1920 = arith.constant 29 : i32
        %add3A_1921 = arith.addi %mul3A_119, %add3A_1920 : i32
        %get3A_1922 = arith.index_cast %add3A_1921 : i32 to index
        %get3A_1923 = arith.constant 112 : index
        %get3A_1924 = tpu.vector_load %arg11[%get3A_1922, %get3A_1923] {strides = array<i32>} : memref<128x128xf32, #tpu.memory_space<vmem>>, vector<1x16xf32>,
        %get3A_1925 = vector.shape_cast %get3A_1924 : vector<1x16xf32> to vector<16xf32>
        %max3A_1926 = arith.maximumf %max3A_1919, %get3A_1925 : vector<16xf32>
        %add3A_1927 = arith.constant 30 : i32
        %add3A_1928 = arith.addi %mul3A_119, %add3A_1927 : i32
        %get3A_1929 = arith.index_cast %add3A_1928 : i32 to index
        %get3A_1930 = arith.constant 112 : index
        %get3A_1931 = tpu.vector_load %arg11[%get3A_1929, %get3A_1930] {strides = array<i32>} : memref<128x128xf32, #tpu.memory_space<vmem>>, vector<1x16xf32>,
        %get3A_1932 = vector.shape_cast %get3A_1931 : vector<1x16xf32> to vector<16xf32>
        %max3A_1933 = arith.maximumf %max3A_1926, %get3A_1932 : vector<16xf32>
        %add3A_1934 = arith.constant 31 : i32
        %add3A_1935 = arith.addi %mul3A_119, %add3A_1934 : i32
        %get3A_1936 = arith.index_cast %add3A_1935 : i32 to index
        %get3A_1937 = arith.constant 112 : index
        %get3A_1938 = tpu.vector_load %arg11[%get3A_1936, %get3A_1937] {strides = array<i32>} : memref<128x128xf32, #tpu.memory_space<vmem>>, vector<1x16xf32>,
        %get3A_1939 = vector.shape_cast %get3A_1938 : vector<1x16xf32> to vector<16xf32>
        %max3A_1940 = arith.maximumf %max3A_1933, %get3A_1939 : vector<16xf32>
        %mul3A_1941 = arith.constant 4 : i32
        %mul3A_1942 = arith.muli %add3A_97, %mul3A_1941 : i32
        %add3A_1943 = arith.addi %mul3A_1942, %scan3A_117 : i32
        %swap3A_1944 = arith.index_cast %add3A_1943 : i32 to index
        %swap3A_1945 = arith.constant 112 : index
        %swap3A_1946 = tpu.vector_load %arg13[%swap3A_1944, %swap3A_1945] {strides = array<i32>} : memref<192x128xf32, #tpu.memory_space<vmem>>, vector<1x16xf32>,
        %swap3A_1947 = vector.shape_cast %swap3A_1946 : vector<1x16xf32> to vector<16xf32>
        %swap3A_1948 = vector.shape_cast %max3A_1940 : vector<16xf32> to vector<1x16xf32>
        tpu.vector_store %arg13[%swap3A_1944, %swap3A_1945], %swap3A_1948 {strides = array<i32>} : memref<192x128xf32, #tpu.memory_space<vmem>>, vector<1x16xf32>,
      }
      %scan3A_103 = arith.constant 4 : i32
      %mul3A_104 = arith.constant 8 : i32
      %mul3A_105 = arith.muli %mul3A_104, %scan3A_63 : i32
      %mul3A_106 = arith.constant 8 : i32
      %mul3A_107 = arith.muli %mul3A_106, %scan3A_63 : i32
      %add3A_108 = arith.addi %mul3A_4, %mul3A_107 : i32
      %dma_start3A_109 = arith.constant 0 : i32
      %dma_start3A_110 = tpu.memref_slice %arg13[%mul3A_105, %dma_start3A_109] : memref<192x128xf32, #tpu.memory_space<vmem>> -> memref<8x128xf32, #tpu.memory_space<vmem>>
      %dma_start3A_111 = arith.constant 0 : i32
      %dma_start3A_112 = tpu.memref_slice %arg6[%add3A_108, %dma_start3A_111] : memref<6144x128xf32, #tpu.memory_space<hbm>> -> memref<8x128xf32, #tpu.memory_space<hbm>>
      %dma_start3A_113 = arith.constant 0 : i32
      %dma_start3A_114 = tpu.memref_slice %arg6[%add3A_108, %dma_start3A_113] : memref<6144x128xf32, #tpu.memory_space<hbm>> -> memref<8x128xf32, #tpu.memory_space<hbm>>
      %dma_start3A_115 = arith.constant 0 : i32
      %dma_start3A_116 = tpu.memref_slice %arg13[%mul3A_105, %dma_start3A_115] : memref<192x128xf32, #tpu.memory_space<vmem>> -> memref<8x128xf32, #tpu.memory_space<vmem>>
      tpu.enqueue_dma source(%dma_start3A_116 : memref<8x128xf32, #tpu.memory_space<vmem>>) target(%dma_start3A_114 : memref<8x128xf32, #tpu.memory_space<hbm>>) target_semaphore(%arg17 : memref<!tpu.dma_semaphore, #tpu.memory_space<semaphore_mem>>)
    }
    %scan3A_37 = arith.constant 24 : i32
    %dma_wait3A = arith.constant 0 : i32
    %dma_wait3A_38 = arith.constant 0 : i32
    %dma_wait3A_39 = arith.constant 0 : i32
    %dma_wait3A_40 = tpu.memref_slice %arg12[%dma_wait3A_38, %dma_wait3A_39] : memref<192x128xf32, #tpu.memory_space<vmem>> -> memref<96x128xf32, #tpu.memory_space<vmem>>
    %dma_wait3A_41 = arith.constant 0 : i32
    %dma_wait3A_42 = tpu.memref_slice %arg9[%dma_wait3A, %dma_wait3A_41] : memref<2x96xi32, #tpu.memory_space<vmem>> -> memref<1x96xi32, #tpu.memory_space<vmem>>
    %dma_wait3A_43 = tpu.memref_squeeze %dma_wait3A_42 : memref<1x96xi32, #tpu.memory_space<vmem>> -> memref<96xi32, #tpu.memory_space<vmem>>
    %dma_wait3A_44 = arith.constant 0 : i32
    %dma_wait3A_45 = arith.constant 0 : i32
    %dma_wait3A_46 = tpu.memref_slice %arg3[%dma_wait3A_44, %dma_wait3A_45] : memref<10000x128xf32, #tpu.memory_space<hbm>> -> memref<10000x128xf32, #tpu.memory_space<hbm>>
    tpu.wait_indirect_dma semaphore(%arg16 : memref<!tpu.dma_semaphore, #tpu.memory_space<semaphore_mem>>) src(%dma_wait3A_46 : memref<10000x128xf32, #tpu.memory_space<hbm>>) dst(%dma_wait3A_40 : memref<96x128xf32, #tpu.memory_space<vmem>>)
    %dma_wait3A_47 = arith.constant 1 : i32
    %dma_wait3A_48 = arith.constant 96 : i32
    %dma_wait3A_49 = arith.constant 0 : i32
    %dma_wait3A_50 = tpu.memref_slice %arg12[%dma_wait3A_48, %dma_wait3A_49] : memref<192x128xf32, #tpu.memory_space<vmem>> -> memref<96x128xf32, #tpu.memory_space<vmem>>
    %dma_wait3A_51 = arith.constant 0 : i32
    %dma_wait3A_52 = tpu.memref_slice %arg9[%dma_wait3A_47, %dma_wait3A_51] : memref<2x96xi32, #tpu.memory_space<vmem>> -> memref<1x96xi32, #tpu.memory_space<vmem>>
    %dma_wait3A_53 = tpu.memref_squeeze %dma_wait3A_52 : memref<1x96xi32, #tpu.memory_space<vmem>> -> memref<96xi32, #tpu.memory_space<vmem>>
    %dma_wait3A_54 = arith.constant 0 : i32
    %dma_wait3A_55 = arith.constant 0 : i32
    %dma_wait3A_56 = tpu.memref_slice %arg3[%dma_wait3A_54, %dma_wait3A_55] : memref<10000x128xf32, #tpu.memory_space<hbm>> -> memref<10000x128xf32, #tpu.memory_space<hbm>>
    tpu.wait_indirect_dma semaphore(%arg16 : memref<!tpu.dma_semaphore, #tpu.memory_space<semaphore_mem>>) src(%dma_wait3A_56 : memref<10000x128xf32, #tpu.memory_space<hbm>>) dst(%dma_wait3A_50 : memref<96x128xf32, #tpu.memory_space<vmem>>)
    "tpu.region"() ({
      %run_scoped3A = tpu.sem_alloc : memref<!tpu.dma_semaphore, #tpu.memory_space<semaphore_mem>>
      %dma_start3A_63 = arith.constant 0 : i32
      %dma_start3A_64 = tpu.memref_slice %arg7[%mul3A_4, %dma_start3A_63] : memref<6144x128xf32, #tpu.memory_space<hbm>> -> memref<192x128xf32, #tpu.memory_space<hbm>>
      %dma_start3A_65 = arith.constant 0 : i32
      %dma_start3A_66 = tpu.memref_slice %arg7[%mul3A_4, %dma_start3A_65] : memref<6144x128xf32, #tpu.memory_space<hbm>> -> memref<192x128xf32, #tpu.memory_space<hbm>>
      tpu.enqueue_dma source(%arg12 : memref<192x128xf32, #tpu.memory_space<vmem>>) target(%dma_start3A_66 : memref<192x128xf32, #tpu.memory_space<hbm>>) target_semaphore(%run_scoped3A : memref<!tpu.dma_semaphore, #tpu.memory_space<semaphore_mem>>)
      %dma_wait3A_67 = arith.constant 0 : i32
      %dma_wait3A_68 = tpu.memref_slice %arg7[%mul3A_4, %dma_wait3A_67] : memref<6144x128xf32, #tpu.memory_space<hbm>> -> memref<192x128xf32, #tpu.memory_space<hbm>>
      %dma_wait3A_69 = arith.constant 0 : i32
      %dma_wait3A_70 = tpu.memref_slice %arg7[%mul3A_4, %dma_wait3A_69] : memref<6144x128xf32, #tpu.memory_space<hbm>> -> memref<192x128xf32, #tpu.memory_space<hbm>>
      tpu.wait_dma2 semaphore(%run_scoped3A : memref<!tpu.dma_semaphore, #tpu.memory_space<semaphore_mem>>) src(%arg12 : memref<192x128xf32, #tpu.memory_space<vmem>>) dst(%dma_wait3A_70 : memref<192x128xf32, #tpu.memory_space<hbm>>)
      tpu.yield
    }) : () -> ()
    %scan3A_57 = arith.constant 0 : i32
    %scan3A_58 = arith.constant 0 : i32
    %scan3A_59 = arith.constant 24 : i32
    %scan3A_60 = arith.addi %scan3A_58, %scan3A_59 : i32
    %scan3A_61 = arith.constant 1 : i32
    scf.for %scan3A_63 = %scan3A_58 to %scan3A_60 step %scan3A_61  : i32 {
      %dma_wait3A_64 = arith.constant 0 : i32
      %dma_wait3A_65 = arith.constant 0 : i32
      %dma_wait3A_66 = tpu.memref_slice %arg13[%dma_wait3A_64, %dma_wait3A_65] : memref<192x128xf32, #tpu.memory_space<vmem>> -> memref<8x128xf32, #tpu.memory_space<vmem>>
      %dma_wait3A_67 = arith.constant 0 : i32
      %dma_wait3A_68 = tpu.memref_slice %arg6[%mul3A_4, %dma_wait3A_67] : memref<6144x128xf32, #tpu.memory_space<hbm>> -> memref<8x128xf32, #tpu.memory_space<hbm>>
      %dma_wait3A_69 = arith.constant 0 : i32
      %dma_wait3A_70 = tpu.memref_slice %arg6[%mul3A_4, %dma_wait3A_69] : memref<6144x128xf32, #tpu.memory_space<hbm>> -> memref<8x128xf32, #tpu.memory_space<hbm>>
      %dma_wait3A_71 = arith.constant 0 : i32
      %dma_wait3A_72 = arith.constant 0 : i32
      %dma_wait3A_73 = tpu.memref_slice %arg13[%dma_wait3A_71, %dma_wait3A_72] : memref<192x128xf32, #tpu.memory_space<vmem>> -> memref<8x128xf32, #tpu.memory_space<vmem>>
      tpu.wait_dma2 semaphore(%arg17 : memref<!tpu.dma_semaphore, #tpu.memory_space<semaphore_mem>>) src(%dma_wait3A_73 : memref<8x128xf32, #tpu.memory_space<vmem>>) dst(%dma_wait3A_70 : memref<8x128xf32, #tpu.memory_space<hbm>>)
    }
    %scan3A_62 = arith.constant 24 : i32
    return
  }
}

module attributes {stable_mosaic.version = 14 : i64} {
  func.func @_xw_body(%arg0: i32, %arg1: memref<2000x128xf32, #tpu.memory_space<vmem>>, %arg2: memref<128x128xf32, #tpu.memory_space<vmem>>, %arg3: memref<1x128xf32, #tpu.memory_space<vmem>>, %arg4: memref<2000x128xf32, #tpu.memory_space<vmem>>) attributes {dimension_semantics = [#tpu.dimension_semantics<arbitrary>], iteration_bounds = array<i64: 5>, scalar_prefetch = 0 : i64, scratch_operands = 0 : i64, tpu.core_type = #tpu.core_type<tc>, window_params = [{transform_indices = @transform_0, window_bounds = array<i64: 2000, 128>}, {pipeline_mode = #tpu.pipeline_mode<synchronous>, transform_indices = @transform_1, window_bounds = array<i64: 128, 128>}, {pipeline_mode = #tpu.pipeline_mode<synchronous>, transform_indices = @transform_2, window_bounds = array<i64: 1, 128>}, {transform_indices = @transform_3, window_bounds = array<i64: 2000, 128>}]} {
    %get3A = arith.constant 0 : index
    %get3A_0 = arith.constant 0 : index
    %get3A_1 = vector.load %arg1[%get3A, %get3A_0] : memref<2000x128xf32, #tpu.memory_space<vmem>>, vector<2000x128xf32>
    %get3A_2 = arith.constant 0 : index
    %get3A_3 = arith.constant 0 : index
    %get3A_4 = vector.load %arg2[%get3A_2, %get3A_3] : memref<128x128xf32, #tpu.memory_space<vmem>>, vector<128x128xf32>
    %dot_general3A = arith.constant dense<0.000000e+00> : vector<2000x128xf32>
    %dot_general3A_5 = tpu.matmul %get3A_1, %get3A_4, %dot_general3A {dimension_numbers = #tpu.dot_dimension_numbers<[1], [0], [0], [1], [0, 0, 1, 1], [], []>, transpose_lhs_hint = false} : vector<2000x128xf32>, vector<128x128xf32>, vector<2000x128xf32> -> vector<2000x128xf32>
    %get3A_6 = arith.constant 0 : index
    %get3A_7 = arith.constant 0 : index
    %get3A_8 = vector.load %arg3[%get3A_6, %get3A_7] : memref<1x128xf32, #tpu.memory_space<vmem>>, vector<1x128xf32>
    %add3A = vector.broadcast %get3A_8 : vector<1x128xf32> to vector<2000x128xf32>
    %add3A_9 = arith.addf %dot_general3A_5, %add3A : vector<2000x128xf32>
    %max3A = arith.constant 0.000000e+00 : f32
    %max3A_10 = vector.broadcast %max3A : f32 to vector<2000x128xf32>
    %max3A_11 = arith.maximumf %add3A_9, %max3A_10 : vector<2000x128xf32>
    %swap3A = arith.constant 0 : index
    %swap3A_12 = arith.constant 0 : index
    %swap3A_13 = vector.load %arg4[%swap3A, %swap3A_12] : memref<2000x128xf32, #tpu.memory_space<vmem>>, vector<2000x128xf32>
    tpu.vector_store %arg4[%swap3A, %swap3A_12], %max3A_11 {strides = array<i32>} : memref<2000x128xf32, #tpu.memory_space<vmem>>, vector<2000x128xf32>,
    return
  }
  func.func @transform_0(%arg0: i32) -> (i32, i32) {
    %c0_i32 = arith.constant 0 : i32
    %c0_i32_0 = arith.constant 0 : i32
    return %arg0, %c0_i32 : i32, i32
  }
  func.func @transform_1(%arg0: i32) -> (i32, i32) {
    %c0_i32 = arith.constant 0 : i32
    %c0_i32_0 = arith.constant 0 : i32
    %c0_i32_1 = arith.constant 0 : i32
    return %c0_i32, %c0_i32_0 : i32, i32
  }
  func.func @transform_2(%arg0: i32) -> (i32, i32) {
    %c0_i32 = arith.constant 0 : i32
    %c0_i32_0 = arith.constant 0 : i32
    %c0_i32_1 = arith.constant 0 : i32
    return %c0_i32, %c0_i32_0 : i32, i32
  }
  func.func @transform_3(%arg0: i32) -> (i32, i32) {
    %c0_i32 = arith.constant 0 : i32
    %c0_i32_0 = arith.constant 0 : i32
    return %arg0, %c0_i32 : i32, i32
  }
}

module attributes {stable_mosaic.version = 14 : i64} {
  func.func @_head_body(%arg0: i32, %arg1: memref<6x1024x128xf32, #tpu.memory_space<vmem>>, %arg2: memref<6x1024x128xf32, #tpu.memory_space<vmem>>, %arg3: memref<256x128xf32, #tpu.memory_space<vmem>>, %arg4: memref<1x128xf32, #tpu.memory_space<vmem>>, %arg5: memref<2x128x128xf32, #tpu.memory_space<vmem>>, %arg6: memref<1x128xf32, #tpu.memory_space<vmem>>, %arg7: memref<3x128x128xf32, #tpu.memory_space<vmem>>, %arg8: memref<1x128xf32, #tpu.memory_space<vmem>>, %arg9: memref<256x400xf32, #tpu.memory_space<vmem>>, %arg10: memref<1x400xf32, #tpu.memory_space<vmem>>, %arg11: memref<400x400xf32, #tpu.memory_space<vmem>>, %arg12: memref<1x400xf32, #tpu.memory_space<vmem>>, %arg13: memref<400x2xf32, #tpu.memory_space<vmem>>, %arg14: memref<1x2xf32, #tpu.memory_space<vmem>>, %arg15: memref<1024x2xf32, #tpu.memory_space<vmem>>) attributes {dimension_semantics = [#tpu.dimension_semantics<arbitrary>], iteration_bounds = array<i64: 1>, scalar_prefetch = 0 : i64, scratch_operands = 0 : i64, tpu.core_type = #tpu.core_type<tc>, window_params = [{transform_indices = @transform_0, window_bounds = array<i64: 6, 1024, 128>}, {transform_indices = @transform_1, window_bounds = array<i64: 6, 1024, 128>}, {pipeline_mode = #tpu.pipeline_mode<synchronous>, transform_indices = @transform_2, window_bounds = array<i64: 256, 128>}, {pipeline_mode = #tpu.pipeline_mode<synchronous>, transform_indices = @transform_3, window_bounds = array<i64: 1, 128>}, {pipeline_mode = #tpu.pipeline_mode<synchronous>, transform_indices = @transform_4, window_bounds = array<i64: 2, 128, 128>}, {pipeline_mode = #tpu.pipeline_mode<synchronous>, transform_indices = @transform_5, window_bounds = array<i64: 1, 128>}, {pipeline_mode = #tpu.pipeline_mode<synchronous>, transform_indices = @transform_6, window_bounds = array<i64: 3, 128, 128>}, {pipeline_mode = #tpu.pipeline_mode<synchronous>, transform_indices = @transform_7, window_bounds = array<i64: 1, 128>}, {pipeline_mode = #tpu.pipeline_mode<synchronous>, transform_indices = @transform_8, window_bounds = array<i64: 256, 400>}, {pipeline_mode = #tpu.pipeline_mode<synchronous>, transform_indices = @transform_9, window_bounds = array<i64: 1, 400>}, {pipeline_mode = #tpu.pipeline_mode<synchronous>, transform_indices = @transform_10, window_bounds = array<i64: 400, 400>}, {pipeline_mode = #tpu.pipeline_mode<synchronous>, transform_indices = @transform_11, window_bounds = array<i64: 1, 400>}, {pipeline_mode = #tpu.pipeline_mode<synchronous>, transform_indices = @transform_12, window_bounds = array<i64: 400, 2>}, {pipeline_mode = #tpu.pipeline_mode<synchronous>, transform_indices = @transform_13, window_bounds = array<i64: 1, 2>}, {transform_indices = @transform_14, window_bounds = array<i64: 1024, 2>}]} {
    %get3A = arith.constant 0 : index
    %get3A_0 = arith.constant 0 : index
    %get3A_1 = vector.load %arg3[%get3A, %get3A_0] : memref<256x128xf32, #tpu.memory_space<vmem>>, vector<128x128xf32>
    %get3A_2 = arith.constant 128 : index
    %get3A_3 = arith.constant 0 : index
    %get3A_4 = vector.load %arg3[%get3A_2, %get3A_3] : memref<256x128xf32, #tpu.memory_space<vmem>>, vector<128x128xf32>
    %get3A_5 = arith.constant 0 : index
    %get3A_6 = arith.constant 0 : index
    %get3A_7 = arith.constant 0 : index
    %get3A_8 = vector.load %arg5[%get3A_5, %get3A_6, %get3A_7] : memref<2x128x128xf32, #tpu.memory_space<vmem>>, vector<1x128x128xf32>
    %get3A_9 = vector.shape_cast %get3A_8 : vector<1x128x128xf32> to vector<128x128xf32>
    %get3A_10 = arith.constant 1 : index
    %get3A_11 = arith.constant 0 : index
    %get3A_12 = arith.constant 0 : index
    %get3A_13 = vector.load %arg5[%get3A_10, %get3A_11, %get3A_12] : memref<2x128x128xf32, #tpu.memory_space<vmem>>, vector<1x128x128xf32>
    %get3A_14 = vector.shape_cast %get3A_13 : vector<1x128x128xf32> to vector<128x128xf32>
    %get3A_15 = arith.constant 0 : index
    %get3A_16 = arith.constant 0 : index
    %get3A_17 = arith.constant 0 : index
    %get3A_18 = vector.load %arg7[%get3A_15, %get3A_16, %get3A_17] : memref<3x128x128xf32, #tpu.memory_space<vmem>>, vector<1x128x128xf32>
    %get3A_19 = vector.shape_cast %get3A_18 : vector<1x128x128xf32> to vector<128x128xf32>
    %get3A_20 = arith.constant 1 : index
    %get3A_21 = arith.constant 0 : index
    %get3A_22 = arith.constant 0 : index
    %get3A_23 = vector.load %arg7[%get3A_20, %get3A_21, %get3A_22] : memref<3x128x128xf32, #tpu.memory_space<vmem>>, vector<1x128x128xf32>
    %get3A_24 = vector.shape_cast %get3A_23 : vector<1x128x128xf32> to vector<128x128xf32>
    %get3A_25 = arith.constant 2 : index
    %get3A_26 = arith.constant 0 : index
    %get3A_27 = arith.constant 0 : index
    %get3A_28 = vector.load %arg7[%get3A_25, %get3A_26, %get3A_27] : memref<3x128x128xf32, #tpu.memory_space<vmem>>, vector<1x128x128xf32>
    %get3A_29 = vector.shape_cast %get3A_28 : vector<1x128x128xf32> to vector<128x128xf32>
    %get3A_30 = arith.constant 0 : index
    %get3A_31 = arith.constant 0 : index
    %get3A_32 = vector.load %arg9[%get3A_30, %get3A_31] : memref<256x400xf32, #tpu.memory_space<vmem>>, vector<128x400xf32>
    %get3A_33 = arith.constant 128 : index
    %get3A_34 = arith.constant 0 : index
    %get3A_35 = vector.load %arg9[%get3A_33, %get3A_34] : memref<256x400xf32, #tpu.memory_space<vmem>>, vector<128x400xf32>
    %get3A_36 = arith.constant 0 : index
    %get3A_37 = arith.constant 0 : index
    %get3A_38 = arith.constant 0 : index
    %get3A_39 = vector.load %arg1[%get3A_36, %get3A_37, %get3A_38] : memref<6x1024x128xf32, #tpu.memory_space<vmem>>, vector<1x1024x128xf32>
    %get3A_40 = vector.shape_cast %get3A_39 : vector<1x1024x128xf32> to vector<1024x128xf32>
    %dot_general3A = arith.constant dense<0.000000e+00> : vector<1024x128xf32>
    %dot_general3A_41 = tpu.matmul %get3A_40, %get3A_1, %dot_general3A {dimension_numbers = #tpu.dot_dimension_numbers<[1], [0], [0], [1], [0, 0, 1, 1], [], []>, transpose_lhs_hint = false} : vector<1024x128xf32>, vector<128x128xf32>, vector<1024x128xf32> -> vector<1024x128xf32>
    %get3A_42 = arith.constant 0 : index
    %get3A_43 = arith.constant 0 : index
    %get3A_44 = arith.constant 0 : index
    %get3A_45 = vector.load %arg2[%get3A_42, %get3A_43, %get3A_44] : memref<6x1024x128xf32, #tpu.memory_space<vmem>>, vector<1x1024x128xf32>
    %get3A_46 = vector.shape_cast %get3A_45 : vector<1x1024x128xf32> to vector<1024x128xf32>
    %dot_general3A_47 = arith.constant dense<0.000000e+00> : vector<1024x128xf32>
    %dot_general3A_48 = tpu.matmul %get3A_46, %get3A_4, %dot_general3A_47 {dimension_numbers = #tpu.dot_dimension_numbers<[1], [0], [0], [1], [0, 0, 1, 1], [], []>, transpose_lhs_hint = false} : vector<1024x128xf32>, vector<128x128xf32>, vector<1024x128xf32> -> vector<1024x128xf32>
    %add3A = arith.addf %dot_general3A_41, %dot_general3A_48 : vector<1024x128xf32>
    %get3A_49 = arith.constant 0 : index
    %get3A_50 = arith.constant 0 : index
    %get3A_51 = vector.load %arg4[%get3A_49, %get3A_50] : memref<1x128xf32, #tpu.memory_space<vmem>>, vector<1x128xf32>
    %add3A_52 = vector.broadcast %get3A_51 : vector<1x128xf32> to vector<1024x128xf32>
    %add3A_53 = arith.addf %add3A, %add3A_52 : vector<1024x128xf32>
    %max3A = arith.constant 0.000000e+00 : f32
    %max3A_54 = vector.broadcast %max3A : f32 to vector<1024x128xf32>
    %max3A_55 = arith.maximumf %add3A_53, %max3A_54 : vector<1024x128xf32>
    %get3A_56 = arith.constant 1 : index
    %get3A_57 = arith.constant 0 : index
    %get3A_58 = arith.constant 0 : index
    %get3A_59 = vector.load %arg1[%get3A_56, %get3A_57, %get3A_58] : memref<6x1024x128xf32, #tpu.memory_space<vmem>>, vector<1x1024x128xf32>
    %get3A_60 = vector.shape_cast %get3A_59 : vector<1x1024x128xf32> to vector<1024x128xf32>
    %dot_general3A_61 = arith.constant dense<0.000000e+00> : vector<1024x128xf32>
    %dot_general3A_62 = tpu.matmul %get3A_60, %get3A_1, %dot_general3A_61 {dimension_numbers = #tpu.dot_dimension_numbers<[1], [0], [0], [1], [0, 0, 1, 1], [], []>, transpose_lhs_hint = false} : vector<1024x128xf32>, vector<128x128xf32>, vector<1024x128xf32> -> vector<1024x128xf32>
    %get3A_63 = arith.constant 1 : index
    %get3A_64 = arith.constant 0 : index
    %get3A_65 = arith.constant 0 : index
    %get3A_66 = vector.load %arg2[%get3A_63, %get3A_64, %get3A_65] : memref<6x1024x128xf32, #tpu.memory_space<vmem>>, vector<1x1024x128xf32>
    %get3A_67 = vector.shape_cast %get3A_66 : vector<1x1024x128xf32> to vector<1024x128xf32>
    %dot_general3A_68 = arith.constant dense<0.000000e+00> : vector<1024x128xf32>
    %dot_general3A_69 = tpu.matmul %get3A_67, %get3A_4, %dot_general3A_68 {dimension_numbers = #tpu.dot_dimension_numbers<[1], [0], [0], [1], [0, 0, 1, 1], [], []>, transpose_lhs_hint = false} : vector<1024x128xf32>, vector<128x128xf32>, vector<1024x128xf32> -> vector<1024x128xf32>
    %add3A_70 = arith.addf %dot_general3A_62, %dot_general3A_69 : vector<1024x128xf32>
    %get3A_71 = arith.constant 0 : index
    %get3A_72 = arith.constant 0 : index
    %get3A_73 = vector.load %arg4[%get3A_71, %get3A_72] : memref<1x128xf32, #tpu.memory_space<vmem>>, vector<1x128xf32>
    %add3A_74 = vector.broadcast %get3A_73 : vector<1x128xf32> to vector<1024x128xf32>
    %add3A_75 = arith.addf %add3A_70, %add3A_74 : vector<1024x128xf32>
    %max3A_76 = arith.constant 0.000000e+00 : f32
    %max3A_77 = vector.broadcast %max3A_76 : f32 to vector<1024x128xf32>
    %max3A_78 = arith.maximumf %add3A_75, %max3A_77 : vector<1024x128xf32>
    %get3A_79 = arith.constant 2 : index
    %get3A_80 = arith.constant 0 : index
    %get3A_81 = arith.constant 0 : index
    %get3A_82 = vector.load %arg1[%get3A_79, %get3A_80, %get3A_81] : memref<6x1024x128xf32, #tpu.memory_space<vmem>>, vector<1x1024x128xf32>
    %get3A_83 = vector.shape_cast %get3A_82 : vector<1x1024x128xf32> to vector<1024x128xf32>
    %dot_general3A_84 = arith.constant dense<0.000000e+00> : vector<1024x128xf32>
    %dot_general3A_85 = tpu.matmul %get3A_83, %get3A_1, %dot_general3A_84 {dimension_numbers = #tpu.dot_dimension_numbers<[1], [0], [0], [1], [0, 0, 1, 1], [], []>, transpose_lhs_hint = false} : vector<1024x128xf32>, vector<128x128xf32>, vector<1024x128xf32> -> vector<1024x128xf32>
    %get3A_86 = arith.constant 2 : index
    %get3A_87 = arith.constant 0 : index
    %get3A_88 = arith.constant 0 : index
    %get3A_89 = vector.load %arg2[%get3A_86, %get3A_87, %get3A_88] : memref<6x1024x128xf32, #tpu.memory_space<vmem>>, vector<1x1024x128xf32>
    %get3A_90 = vector.shape_cast %get3A_89 : vector<1x1024x128xf32> to vector<1024x128xf32>
    %dot_general3A_91 = arith.constant dense<0.000000e+00> : vector<1024x128xf32>
    %dot_general3A_92 = tpu.matmul %get3A_90, %get3A_4, %dot_general3A_91 {dimension_numbers = #tpu.dot_dimension_numbers<[1], [0], [0], [1], [0, 0, 1, 1], [], []>, transpose_lhs_hint = false} : vector<1024x128xf32>, vector<128x128xf32>, vector<1024x128xf32> -> vector<1024x128xf32>
    %add3A_93 = arith.addf %dot_general3A_85, %dot_general3A_92 : vector<1024x128xf32>
    %get3A_94 = arith.constant 0 : index
    %get3A_95 = arith.constant 0 : index
    %get3A_96 = vector.load %arg4[%get3A_94, %get3A_95] : memref<1x128xf32, #tpu.memory_space<vmem>>, vector<1x128xf32>
    %add3A_97 = vector.broadcast %get3A_96 : vector<1x128xf32> to vector<1024x128xf32>
    %add3A_98 = arith.addf %add3A_93, %add3A_97 : vector<1024x128xf32>
    %max3A_99 = arith.constant 0.000000e+00 : f32
    %max3A_100 = vector.broadcast %max3A_99 : f32 to vector<1024x128xf32>
    %max3A_101 = arith.maximumf %add3A_98, %max3A_100 : vector<1024x128xf32>
    %get3A_102 = arith.constant 3 : index
    %get3A_103 = arith.constant 0 : index
    %get3A_104 = arith.constant 0 : index
    %get3A_105 = vector.load %arg1[%get3A_102, %get3A_103, %get3A_104] : memref<6x1024x128xf32, #tpu.memory_space<vmem>>, vector<1x1024x128xf32>
    %get3A_106 = vector.shape_cast %get3A_105 : vector<1x1024x128xf32> to vector<1024x128xf32>
    %dot_general3A_107 = arith.constant dense<0.000000e+00> : vector<1024x128xf32>
    %dot_general3A_108 = tpu.matmul %get3A_106, %get3A_1, %dot_general3A_107 {dimension_numbers = #tpu.dot_dimension_numbers<[1], [0], [0], [1], [0, 0, 1, 1], [], []>, transpose_lhs_hint = false} : vector<1024x128xf32>, vector<128x128xf32>, vector<1024x128xf32> -> vector<1024x128xf32>
    %get3A_109 = arith.constant 3 : index
    %get3A_110 = arith.constant 0 : index
    %get3A_111 = arith.constant 0 : index
    %get3A_112 = vector.load %arg2[%get3A_109, %get3A_110, %get3A_111] : memref<6x1024x128xf32, #tpu.memory_space<vmem>>, vector<1x1024x128xf32>
    %get3A_113 = vector.shape_cast %get3A_112 : vector<1x1024x128xf32> to vector<1024x128xf32>
    %dot_general3A_114 = arith.constant dense<0.000000e+00> : vector<1024x128xf32>
    %dot_general3A_115 = tpu.matmul %get3A_113, %get3A_4, %dot_general3A_114 {dimension_numbers = #tpu.dot_dimension_numbers<[1], [0], [0], [1], [0, 0, 1, 1], [], []>, transpose_lhs_hint = false} : vector<1024x128xf32>, vector<128x128xf32>, vector<1024x128xf32> -> vector<1024x128xf32>
    %add3A_116 = arith.addf %dot_general3A_108, %dot_general3A_115 : vector<1024x128xf32>
    %get3A_117 = arith.constant 0 : index
    %get3A_118 = arith.constant 0 : index
    %get3A_119 = vector.load %arg4[%get3A_117, %get3A_118] : memref<1x128xf32, #tpu.memory_space<vmem>>, vector<1x128xf32>
    %add3A_120 = vector.broadcast %get3A_119 : vector<1x128xf32> to vector<1024x128xf32>
    %add3A_121 = arith.addf %add3A_116, %add3A_120 : vector<1024x128xf32>
    %max3A_122 = arith.constant 0.000000e+00 : f32
    %max3A_123 = vector.broadcast %max3A_122 : f32 to vector<1024x128xf32>
    %max3A_124 = arith.maximumf %add3A_121, %max3A_123 : vector<1024x128xf32>
    %get3A_125 = arith.constant 4 : index
    %get3A_126 = arith.constant 0 : index
    %get3A_127 = arith.constant 0 : index
    %get3A_128 = vector.load %arg1[%get3A_125, %get3A_126, %get3A_127] : memref<6x1024x128xf32, #tpu.memory_space<vmem>>, vector<1x1024x128xf32>
    %get3A_129 = vector.shape_cast %get3A_128 : vector<1x1024x128xf32> to vector<1024x128xf32>
    %dot_general3A_130 = arith.constant dense<0.000000e+00> : vector<1024x128xf32>
    %dot_general3A_131 = tpu.matmul %get3A_129, %get3A_1, %dot_general3A_130 {dimension_numbers = #tpu.dot_dimension_numbers<[1], [0], [0], [1], [0, 0, 1, 1], [], []>, transpose_lhs_hint = false} : vector<1024x128xf32>, vector<128x128xf32>, vector<1024x128xf32> -> vector<1024x128xf32>
    %get3A_132 = arith.constant 4 : index
    %get3A_133 = arith.constant 0 : index
    %get3A_134 = arith.constant 0 : index
    %get3A_135 = vector.load %arg2[%get3A_132, %get3A_133, %get3A_134] : memref<6x1024x128xf32, #tpu.memory_space<vmem>>, vector<1x1024x128xf32>
    %get3A_136 = vector.shape_cast %get3A_135 : vector<1x1024x128xf32> to vector<1024x128xf32>
    %dot_general3A_137 = arith.constant dense<0.000000e+00> : vector<1024x128xf32>
    %dot_general3A_138 = tpu.matmul %get3A_136, %get3A_4, %dot_general3A_137 {dimension_numbers = #tpu.dot_dimension_numbers<[1], [0], [0], [1], [0, 0, 1, 1], [], []>, transpose_lhs_hint = false} : vector<1024x128xf32>, vector<128x128xf32>, vector<1024x128xf32> -> vector<1024x128xf32>
    %add3A_139 = arith.addf %dot_general3A_131, %dot_general3A_138 : vector<1024x128xf32>
    %get3A_140 = arith.constant 0 : index
    %get3A_141 = arith.constant 0 : index
    %get3A_142 = vector.load %arg4[%get3A_140, %get3A_141] : memref<1x128xf32, #tpu.memory_space<vmem>>, vector<1x128xf32>
    %add3A_143 = vector.broadcast %get3A_142 : vector<1x128xf32> to vector<1024x128xf32>
    %add3A_144 = arith.addf %add3A_139, %add3A_143 : vector<1024x128xf32>
    %max3A_145 = arith.constant 0.000000e+00 : f32
    %max3A_146 = vector.broadcast %max3A_145 : f32 to vector<1024x128xf32>
    %max3A_147 = arith.maximumf %add3A_144, %max3A_146 : vector<1024x128xf32>
    %get3A_148 = arith.constant 5 : index
    %get3A_149 = arith.constant 0 : index
    %get3A_150 = arith.constant 0 : index
    %get3A_151 = vector.load %arg1[%get3A_148, %get3A_149, %get3A_150] : memref<6x1024x128xf32, #tpu.memory_space<vmem>>, vector<1x1024x128xf32>
    %get3A_152 = vector.shape_cast %get3A_151 : vector<1x1024x128xf32> to vector<1024x128xf32>
    %dot_general3A_153 = arith.constant dense<0.000000e+00> : vector<1024x128xf32>
    %dot_general3A_154 = tpu.matmul %get3A_152, %get3A_1, %dot_general3A_153 {dimension_numbers = #tpu.dot_dimension_numbers<[1], [0], [0], [1], [0, 0, 1, 1], [], []>, transpose_lhs_hint = false} : vector<1024x128xf32>, vector<128x128xf32>, vector<1024x128xf32> -> vector<1024x128xf32>
    %get3A_155 = arith.constant 5 : index
    %get3A_156 = arith.constant 0 : index
    %get3A_157 = arith.constant 0 : index
    %get3A_158 = vector.load %arg2[%get3A_155, %get3A_156, %get3A_157] : memref<6x1024x128xf32, #tpu.memory_space<vmem>>, vector<1x1024x128xf32>
    %get3A_159 = vector.shape_cast %get3A_158 : vector<1x1024x128xf32> to vector<1024x128xf32>
    %dot_general3A_160 = arith.constant dense<0.000000e+00> : vector<1024x128xf32>
    %dot_general3A_161 = tpu.matmul %get3A_159, %get3A_4, %dot_general3A_160 {dimension_numbers = #tpu.dot_dimension_numbers<[1], [0], [0], [1], [0, 0, 1, 1], [], []>, transpose_lhs_hint = false} : vector<1024x128xf32>, vector<128x128xf32>, vector<1024x128xf32> -> vector<1024x128xf32>
    %add3A_162 = arith.addf %dot_general3A_154, %dot_general3A_161 : vector<1024x128xf32>
    %get3A_163 = arith.constant 0 : index
    %get3A_164 = arith.constant 0 : index
    %get3A_165 = vector.load %arg4[%get3A_163, %get3A_164] : memref<1x128xf32, #tpu.memory_space<vmem>>, vector<1x128xf32>
    %add3A_166 = vector.broadcast %get3A_165 : vector<1x128xf32> to vector<1024x128xf32>
    %add3A_167 = arith.addf %add3A_162, %add3A_166 : vector<1024x128xf32>
    %max3A_168 = arith.constant 0.000000e+00 : f32
    %max3A_169 = vector.broadcast %max3A_168 : f32 to vector<1024x128xf32>
    %max3A_170 = arith.maximumf %add3A_167, %max3A_169 : vector<1024x128xf32>
    %dot_general3A_171 = arith.constant dense<0.000000e+00> : vector<1024x128xf32>
    %dot_general3A_172 = tpu.matmul %max3A_55, %get3A_9, %dot_general3A_171 {dimension_numbers = #tpu.dot_dimension_numbers<[1], [0], [0], [1], [0, 0, 1, 1], [], []>, transpose_lhs_hint = false} : vector<1024x128xf32>, vector<128x128xf32>, vector<1024x128xf32> -> vector<1024x128xf32>
    %dot_general3A_173 = arith.constant dense<0.000000e+00> : vector<1024x128xf32>
    %dot_general3A_174 = tpu.matmul %max3A_78, %get3A_14, %dot_general3A_173 {dimension_numbers = #tpu.dot_dimension_numbers<[1], [0], [0], [1], [0, 0, 1, 1], [], []>, transpose_lhs_hint = false} : vector<1024x128xf32>, vector<128x128xf32>, vector<1024x128xf32> -> vector<1024x128xf32>
    %add3A_175 = arith.addf %dot_general3A_172, %dot_general3A_174 : vector<1024x128xf32>
    %get3A_176 = arith.constant 0 : index
    %get3A_177 = arith.constant 0 : index
    %get3A_178 = vector.load %arg6[%get3A_176, %get3A_177] : memref<1x128xf32, #tpu.memory_space<vmem>>, vector<1x128xf32>
    %add3A_179 = vector.broadcast %get3A_178 : vector<1x128xf32> to vector<1024x128xf32>
    %add3A_180 = arith.addf %add3A_175, %add3A_179 : vector<1024x128xf32>
    %max3A_181 = arith.constant 0.000000e+00 : f32
    %max3A_182 = vector.broadcast %max3A_181 : f32 to vector<1024x128xf32>
    %max3A_183 = arith.maximumf %add3A_180, %max3A_182 : vector<1024x128xf32>
    %dot_general3A_184 = arith.constant dense<0.000000e+00> : vector<1024x128xf32>
    %dot_general3A_185 = tpu.matmul %max3A_78, %get3A_9, %dot_general3A_184 {dimension_numbers = #tpu.dot_dimension_numbers<[1], [0], [0], [1], [0, 0, 1, 1], [], []>, transpose_lhs_hint = false} : vector<1024x128xf32>, vector<128x128xf32>, vector<1024x128xf32> -> vector<1024x128xf32>
    %dot_general3A_186 = arith.constant dense<0.000000e+00> : vector<1024x128xf32>
    %dot_general3A_187 = tpu.matmul %max3A_101, %get3A_14, %dot_general3A_186 {dimension_numbers = #tpu.dot_dimension_numbers<[1], [0], [0], [1], [0, 0, 1, 1], [], []>, transpose_lhs_hint = false} : vector<1024x128xf32>, vector<128x128xf32>, vector<1024x128xf32> -> vector<1024x128xf32>
    %add3A_188 = arith.addf %dot_general3A_185, %dot_general3A_187 : vector<1024x128xf32>
    %get3A_189 = arith.constant 0 : index
    %get3A_190 = arith.constant 0 : index
    %get3A_191 = vector.load %arg6[%get3A_189, %get3A_190] : memref<1x128xf32, #tpu.memory_space<vmem>>, vector<1x128xf32>
    %add3A_192 = vector.broadcast %get3A_191 : vector<1x128xf32> to vector<1024x128xf32>
    %add3A_193 = arith.addf %add3A_188, %add3A_192 : vector<1024x128xf32>
    %max3A_194 = arith.constant 0.000000e+00 : f32
    %max3A_195 = vector.broadcast %max3A_194 : f32 to vector<1024x128xf32>
    %max3A_196 = arith.maximumf %add3A_193, %max3A_195 : vector<1024x128xf32>
    %max3A_197 = arith.maximumf %max3A_183, %max3A_196 : vector<1024x128xf32>
    %dot_general3A_198 = arith.constant dense<0.000000e+00> : vector<1024x128xf32>
    %dot_general3A_199 = tpu.matmul %max3A_101, %get3A_9, %dot_general3A_198 {dimension_numbers = #tpu.dot_dimension_numbers<[1], [0], [0], [1], [0, 0, 1, 1], [], []>, transpose_lhs_hint = false} : vector<1024x128xf32>, vector<128x128xf32>, vector<1024x128xf32> -> vector<1024x128xf32>
    %dot_general3A_200 = arith.constant dense<0.000000e+00> : vector<1024x128xf32>
    %dot_general3A_201 = tpu.matmul %max3A_124, %get3A_14, %dot_general3A_200 {dimension_numbers = #tpu.dot_dimension_numbers<[1], [0], [0], [1], [0, 0, 1, 1], [], []>, transpose_lhs_hint = false} : vector<1024x128xf32>, vector<128x128xf32>, vector<1024x128xf32> -> vector<1024x128xf32>
    %add3A_202 = arith.addf %dot_general3A_199, %dot_general3A_201 : vector<1024x128xf32>
    %get3A_203 = arith.constant 0 : index
    %get3A_204 = arith.constant 0 : index
    %get3A_205 = vector.load %arg6[%get3A_203, %get3A_204] : memref<1x128xf32, #tpu.memory_space<vmem>>, vector<1x128xf32>
    %add3A_206 = vector.broadcast %get3A_205 : vector<1x128xf32> to vector<1024x128xf32>
    %add3A_207 = arith.addf %add3A_202, %add3A_206 : vector<1024x128xf32>
    %max3A_208 = arith.constant 0.000000e+00 : f32
    %max3A_209 = vector.broadcast %max3A_208 : f32 to vector<1024x128xf32>
    %max3A_210 = arith.maximumf %add3A_207, %max3A_209 : vector<1024x128xf32>
    %max3A_211 = arith.maximumf %max3A_197, %max3A_210 : vector<1024x128xf32>
    %dot_general3A_212 = arith.constant dense<0.000000e+00> : vector<1024x128xf32>
    %dot_general3A_213 = tpu.matmul %max3A_124, %get3A_9, %dot_general3A_212 {dimension_numbers = #tpu.dot_dimension_numbers<[1], [0], [0], [1], [0, 0, 1, 1], [], []>, transpose_lhs_hint = false} : vector<1024x128xf32>, vector<128x128xf32>, vector<1024x128xf32> -> vector<1024x128xf32>
    %dot_general3A_214 = arith.constant dense<0.000000e+00> : vector<1024x128xf32>
    %dot_general3A_215 = tpu.matmul %max3A_147, %get3A_14, %dot_general3A_214 {dimension_numbers = #tpu.dot_dimension_numbers<[1], [0], [0], [1], [0, 0, 1, 1], [], []>, transpose_lhs_hint = false} : vector<1024x128xf32>, vector<128x128xf32>, vector<1024x128xf32> -> vector<1024x128xf32>
    %add3A_216 = arith.addf %dot_general3A_213, %dot_general3A_215 : vector<1024x128xf32>
    %get3A_217 = arith.constant 0 : index
    %get3A_218 = arith.constant 0 : index
    %get3A_219 = vector.load %arg6[%get3A_217, %get3A_218] : memref<1x128xf32, #tpu.memory_space<vmem>>, vector<1x128xf32>
    %add3A_220 = vector.broadcast %get3A_219 : vector<1x128xf32> to vector<1024x128xf32>
    %add3A_221 = arith.addf %add3A_216, %add3A_220 : vector<1024x128xf32>
    %max3A_222 = arith.constant 0.000000e+00 : f32
    %max3A_223 = vector.broadcast %max3A_222 : f32 to vector<1024x128xf32>
    %max3A_224 = arith.maximumf %add3A_221, %max3A_223 : vector<1024x128xf32>
    %max3A_225 = arith.maximumf %max3A_211, %max3A_224 : vector<1024x128xf32>
    %dot_general3A_226 = arith.constant dense<0.000000e+00> : vector<1024x128xf32>
    %dot_general3A_227 = tpu.matmul %max3A_147, %get3A_9, %dot_general3A_226 {dimension_numbers = #tpu.dot_dimension_numbers<[1], [0], [0], [1], [0, 0, 1, 1], [], []>, transpose_lhs_hint = false} : vector<1024x128xf32>, vector<128x128xf32>, vector<1024x128xf32> -> vector<1024x128xf32>
    %dot_general3A_228 = arith.constant dense<0.000000e+00> : vector<1024x128xf32>
    %dot_general3A_229 = tpu.matmul %max3A_170, %get3A_14, %dot_general3A_228 {dimension_numbers = #tpu.dot_dimension_numbers<[1], [0], [0], [1], [0, 0, 1, 1], [], []>, transpose_lhs_hint = false} : vector<1024x128xf32>, vector<128x128xf32>, vector<1024x128xf32> -> vector<1024x128xf32>
    %add3A_230 = arith.addf %dot_general3A_227, %dot_general3A_229 : vector<1024x128xf32>
    %get3A_231 = arith.constant 0 : index
    %get3A_232 = arith.constant 0 : index
    %get3A_233 = vector.load %arg6[%get3A_231, %get3A_232] : memref<1x128xf32, #tpu.memory_space<vmem>>, vector<1x128xf32>
    %add3A_234 = vector.broadcast %get3A_233 : vector<1x128xf32> to vector<1024x128xf32>
    %add3A_235 = arith.addf %add3A_230, %add3A_234 : vector<1024x128xf32>
    %max3A_236 = arith.constant 0.000000e+00 : f32
    %max3A_237 = vector.broadcast %max3A_236 : f32 to vector<1024x128xf32>
    %max3A_238 = arith.maximumf %add3A_235, %max3A_237 : vector<1024x128xf32>
    %max3A_239 = arith.maximumf %max3A_225, %max3A_238 : vector<1024x128xf32>
    %dot_general3A_240 = arith.constant dense<0.000000e+00> : vector<1024x128xf32>
    %dot_general3A_241 = tpu.matmul %max3A_55, %get3A_19, %dot_general3A_240 {dimension_numbers = #tpu.dot_dimension_numbers<[1], [0], [0], [1], [0, 0, 1, 1], [], []>, transpose_lhs_hint = false} : vector<1024x128xf32>, vector<128x128xf32>, vector<1024x128xf32> -> vector<1024x128xf32>
    %dot_general3A_242 = arith.constant dense<0.000000e+00> : vector<1024x128xf32>
    %dot_general3A_243 = tpu.matmul %max3A_78, %get3A_24, %dot_general3A_242 {dimension_numbers = #tpu.dot_dimension_numbers<[1], [0], [0], [1], [0, 0, 1, 1], [], []>, transpose_lhs_hint = false} : vector<1024x128xf32>, vector<128x128xf32>, vector<1024x128xf32> -> vector<1024x128xf32>
    %add3A_244 = arith.addf %dot_general3A_241, %dot_general3A_243 : vector<1024x128xf32>
    %dot_general3A_245 = arith.constant dense<0.000000e+00> : vector<1024x128xf32>
    %dot_general3A_246 = tpu.matmul %max3A_101, %get3A_29, %dot_general3A_245 {dimension_numbers = #tpu.dot_dimension_numbers<[1], [0], [0], [1], [0, 0, 1, 1], [], []>, transpose_lhs_hint = false} : vector<1024x128xf32>, vector<128x128xf32>, vector<1024x128xf32> -> vector<1024x128xf32>
    %add3A_247 = arith.addf %add3A_244, %dot_general3A_246 : vector<1024x128xf32>
    %get3A_248 = arith.constant 0 : index
    %get3A_249 = arith.constant 0 : index
    %get3A_250 = vector.load %arg8[%get3A_248, %get3A_249] : memref<1x128xf32, #tpu.memory_space<vmem>>, vector<1x128xf32>
    %add3A_251 = vector.broadcast %get3A_250 : vector<1x128xf32> to vector<1024x128xf32>
    %add3A_252 = arith.addf %add3A_247, %add3A_251 : vector<1024x128xf32>
    %max3A_253 = arith.constant 0.000000e+00 : f32
    %max3A_254 = vector.broadcast %max3A_253 : f32 to vector<1024x128xf32>
    %max3A_255 = arith.maximumf %add3A_252, %max3A_254 : vector<1024x128xf32>
    %dot_general3A_256 = arith.constant dense<0.000000e+00> : vector<1024x128xf32>
    %dot_general3A_257 = tpu.matmul %max3A_78, %get3A_19, %dot_general3A_256 {dimension_numbers = #tpu.dot_dimension_numbers<[1], [0], [0], [1], [0, 0, 1, 1], [], []>, transpose_lhs_hint = false} : vector<1024x128xf32>, vector<128x128xf32>, vector<1024x128xf32> -> vector<1024x128xf32>
    %dot_general3A_258 = arith.constant dense<0.000000e+00> : vector<1024x128xf32>
    %dot_general3A_259 = tpu.matmul %max3A_101, %get3A_24, %dot_general3A_258 {dimension_numbers = #tpu.dot_dimension_numbers<[1], [0], [0], [1], [0, 0, 1, 1], [], []>, transpose_lhs_hint = false} : vector<1024x128xf32>, vector<128x128xf32>, vector<1024x128xf32> -> vector<1024x128xf32>
    %add3A_260 = arith.addf %dot_general3A_257, %dot_general3A_259 : vector<1024x128xf32>
    %dot_general3A_261 = arith.constant dense<0.000000e+00> : vector<1024x128xf32>
    %dot_general3A_262 = tpu.matmul %max3A_124, %get3A_29, %dot_general3A_261 {dimension_numbers = #tpu.dot_dimension_numbers<[1], [0], [0], [1], [0, 0, 1, 1], [], []>, transpose_lhs_hint = false} : vector<1024x128xf32>, vector<128x128xf32>, vector<1024x128xf32> -> vector<1024x128xf32>
    %add3A_263 = arith.addf %add3A_260, %dot_general3A_262 : vector<1024x128xf32>
    %get3A_264 = arith.constant 0 : index
    %get3A_265 = arith.constant 0 : index
    %get3A_266 = vector.load %arg8[%get3A_264, %get3A_265] : memref<1x128xf32, #tpu.memory_space<vmem>>, vector<1x128xf32>
    %add3A_267 = vector.broadcast %get3A_266 : vector<1x128xf32> to vector<1024x128xf32>
    %add3A_268 = arith.addf %add3A_263, %add3A_267 : vector<1024x128xf32>
    %max3A_269 = arith.constant 0.000000e+00 : f32
    %max3A_270 = vector.broadcast %max3A_269 : f32 to vector<1024x128xf32>
    %max3A_271 = arith.maximumf %add3A_268, %max3A_270 : vector<1024x128xf32>
    %max3A_272 = arith.maximumf %max3A_255, %max3A_271 : vector<1024x128xf32>
    %dot_general3A_273 = arith.constant dense<0.000000e+00> : vector<1024x128xf32>
    %dot_general3A_274 = tpu.matmul %max3A_101, %get3A_19, %dot_general3A_273 {dimension_numbers = #tpu.dot_dimension_numbers<[1], [0], [0], [1], [0, 0, 1, 1], [], []>, transpose_lhs_hint = false} : vector<1024x128xf32>, vector<128x128xf32>, vector<1024x128xf32> -> vector<1024x128xf32>
    %dot_general3A_275 = arith.constant dense<0.000000e+00> : vector<1024x128xf32>
    %dot_general3A_276 = tpu.matmul %max3A_124, %get3A_24, %dot_general3A_275 {dimension_numbers = #tpu.dot_dimension_numbers<[1], [0], [0], [1], [0, 0, 1, 1], [], []>, transpose_lhs_hint = false} : vector<1024x128xf32>, vector<128x128xf32>, vector<1024x128xf32> -> vector<1024x128xf32>
    %add3A_277 = arith.addf %dot_general3A_274, %dot_general3A_276 : vector<1024x128xf32>
    %dot_general3A_278 = arith.constant dense<0.000000e+00> : vector<1024x128xf32>
    %dot_general3A_279 = tpu.matmul %max3A_147, %get3A_29, %dot_general3A_278 {dimension_numbers = #tpu.dot_dimension_numbers<[1], [0], [0], [1], [0, 0, 1, 1], [], []>, transpose_lhs_hint = false} : vector<1024x128xf32>, vector<128x128xf32>, vector<1024x128xf32> -> vector<1024x128xf32>
    %add3A_280 = arith.addf %add3A_277, %dot_general3A_279 : vector<1024x128xf32>
    %get3A_281 = arith.constant 0 : index
    %get3A_282 = arith.constant 0 : index
    %get3A_283 = vector.load %arg8[%get3A_281, %get3A_282] : memref<1x128xf32, #tpu.memory_space<vmem>>, vector<1x128xf32>
    %add3A_284 = vector.broadcast %get3A_283 : vector<1x128xf32> to vector<1024x128xf32>
    %add3A_285 = arith.addf %add3A_280, %add3A_284 : vector<1024x128xf32>
    %max3A_286 = arith.constant 0.000000e+00 : f32
    %max3A_287 = vector.broadcast %max3A_286 : f32 to vector<1024x128xf32>
    %max3A_288 = arith.maximumf %add3A_285, %max3A_287 : vector<1024x128xf32>
    %max3A_289 = arith.maximumf %max3A_272, %max3A_288 : vector<1024x128xf32>
    %dot_general3A_290 = arith.constant dense<0.000000e+00> : vector<1024x128xf32>
    %dot_general3A_291 = tpu.matmul %max3A_124, %get3A_19, %dot_general3A_290 {dimension_numbers = #tpu.dot_dimension_numbers<[1], [0], [0], [1], [0, 0, 1, 1], [], []>, transpose_lhs_hint = false} : vector<1024x128xf32>, vector<128x128xf32>, vector<1024x128xf32> -> vector<1024x128xf32>
    %dot_general3A_292 = arith.constant dense<0.000000e+00> : vector<1024x128xf32>
    %dot_general3A_293 = tpu.matmul %max3A_147, %get3A_24, %dot_general3A_292 {dimension_numbers = #tpu.dot_dimension_numbers<[1], [0], [0], [1], [0, 0, 1, 1], [], []>, transpose_lhs_hint = false} : vector<1024x128xf32>, vector<128x128xf32>, vector<1024x128xf32> -> vector<1024x128xf32>
    %add3A_294 = arith.addf %dot_general3A_291, %dot_general3A_293 : vector<1024x128xf32>
    %dot_general3A_295 = arith.constant dense<0.000000e+00> : vector<1024x128xf32>
    %dot_general3A_296 = tpu.matmul %max3A_170, %get3A_29, %dot_general3A_295 {dimension_numbers = #tpu.dot_dimension_numbers<[1], [0], [0], [1], [0, 0, 1, 1], [], []>, transpose_lhs_hint = false} : vector<1024x128xf32>, vector<128x128xf32>, vector<1024x128xf32> -> vector<1024x128xf32>
    %add3A_297 = arith.addf %add3A_294, %dot_general3A_296 : vector<1024x128xf32>
    %get3A_298 = arith.constant 0 : index
    %get3A_299 = arith.constant 0 : index
    %get3A_300 = vector.load %arg8[%get3A_298, %get3A_299] : memref<1x128xf32, #tpu.memory_space<vmem>>, vector<1x128xf32>
    %add3A_301 = vector.broadcast %get3A_300 : vector<1x128xf32> to vector<1024x128xf32>
    %add3A_302 = arith.addf %add3A_297, %add3A_301 : vector<1024x128xf32>
    %max3A_303 = arith.constant 0.000000e+00 : f32
    %max3A_304 = vector.broadcast %max3A_303 : f32 to vector<1024x128xf32>
    %max3A_305 = arith.maximumf %add3A_302, %max3A_304 : vector<1024x128xf32>
    %max3A_306 = arith.maximumf %max3A_289, %max3A_305 : vector<1024x128xf32>
    %dot_general3A_307 = arith.constant dense<0.000000e+00> : vector<1024x400xf32>
    %dot_general3A_308 = tpu.matmul %max3A_239, %get3A_32, %dot_general3A_307 {dimension_numbers = #tpu.dot_dimension_numbers<[1], [0], [0], [1], [0, 0, 1, 1], [], []>, transpose_lhs_hint = false} : vector<1024x128xf32>, vector<128x400xf32>, vector<1024x400xf32> -> vector<1024x400xf32>
    %dot_general3A_309 = arith.constant dense<0.000000e+00> : vector<1024x400xf32>
    %dot_general3A_310 = tpu.matmul %max3A_306, %get3A_35, %dot_general3A_309 {dimension_numbers = #tpu.dot_dimension_numbers<[1], [0], [0], [1], [0, 0, 1, 1], [], []>, transpose_lhs_hint = false} : vector<1024x128xf32>, vector<128x400xf32>, vector<1024x400xf32> -> vector<1024x400xf32>
    %add3A_311 = arith.addf %dot_general3A_308, %dot_general3A_310 : vector<1024x400xf32>
    %get3A_312 = arith.constant 0 : index
    %get3A_313 = arith.constant 0 : index
    %get3A_314 = vector.load %arg10[%get3A_312, %get3A_313] : memref<1x400xf32, #tpu.memory_space<vmem>>, vector<1x400xf32>
    %add3A_315 = vector.broadcast %get3A_314 : vector<1x400xf32> to vector<1024x400xf32>
    %add3A_316 = arith.addf %add3A_311, %add3A_315 : vector<1024x400xf32>
    %max3A_317 = arith.constant 0.000000e+00 : f32
    %max3A_318 = vector.broadcast %max3A_317 : f32 to vector<1024x400xf32>
    %max3A_319 = arith.maximumf %add3A_316, %max3A_318 : vector<1024x400xf32>
    %get3A_320 = arith.constant 0 : index
    %get3A_321 = arith.constant 0 : index
    %get3A_322 = vector.load %arg11[%get3A_320, %get3A_321] : memref<400x400xf32, #tpu.memory_space<vmem>>, vector<400x400xf32>
    %dot_general3A_323 = arith.constant dense<0.000000e+00> : vector<1024x400xf32>
    %dot_general3A_324 = tpu.matmul %max3A_319, %get3A_322, %dot_general3A_323 {dimension_numbers = #tpu.dot_dimension_numbers<[1], [0], [0], [1], [0, 0, 1, 1], [], []>, transpose_lhs_hint = false} : vector<1024x400xf32>, vector<400x400xf32>, vector<1024x400xf32> -> vector<1024x400xf32>
    %get3A_325 = arith.constant 0 : index
    %get3A_326 = arith.constant 0 : index
    %get3A_327 = vector.load %arg12[%get3A_325, %get3A_326] : memref<1x400xf32, #tpu.memory_space<vmem>>, vector<1x400xf32>
    %add3A_328 = vector.broadcast %get3A_327 : vector<1x400xf32> to vector<1024x400xf32>
    %add3A_329 = arith.addf %dot_general3A_324, %add3A_328 : vector<1024x400xf32>
    %max3A_330 = arith.constant 0.000000e+00 : f32
    %max3A_331 = vector.broadcast %max3A_330 : f32 to vector<1024x400xf32>
    %max3A_332 = arith.maximumf %add3A_329, %max3A_331 : vector<1024x400xf32>
    %get3A_333 = arith.constant 0 : index
    %get3A_334 = arith.constant 0 : index
    %get3A_335 = vector.load %arg13[%get3A_333, %get3A_334] : memref<400x2xf32, #tpu.memory_space<vmem>>, vector<400x2xf32>
    %dot_general3A_336 = arith.constant dense<0.000000e+00> : vector<1024x2xf32>
    %dot_general3A_337 = tpu.matmul %max3A_332, %get3A_335, %dot_general3A_336 {dimension_numbers = #tpu.dot_dimension_numbers<[1], [0], [0], [1], [0, 0, 1, 1], [], []>, transpose_lhs_hint = false} : vector<1024x400xf32>, vector<400x2xf32>, vector<1024x2xf32> -> vector<1024x2xf32>
    %get3A_338 = arith.constant 0 : index
    %get3A_339 = arith.constant 0 : index
    %get3A_340 = vector.load %arg14[%get3A_338, %get3A_339] : memref<1x2xf32, #tpu.memory_space<vmem>>, vector<1x2xf32>
    %add3A_341 = vector.broadcast %get3A_340 : vector<1x2xf32> to vector<1024x2xf32>
    %add3A_342 = arith.addf %dot_general3A_337, %add3A_341 : vector<1024x2xf32>
    %reduce_max3A = arith.constant dense<0xFF800000> : vector<1024xf32>
    %reduce_max3A_343 = vector.multi_reduction <maximumf>, %add3A_342, %reduce_max3A [1] : vector<1024x2xf32> to vector<1024xf32>
    %broadcast_in_dim3A = vector.shape_cast %reduce_max3A_343 : vector<1024xf32> to vector<1024x1xf32>
    %sub3A = vector.broadcast %broadcast_in_dim3A : vector<1024x1xf32> to vector<1024x2xf32>
    %sub3A_344 = arith.subf %add3A_342, %sub3A : vector<1024x2xf32>
    %exp3A = math.exp %sub3A_344 : vector<1024x2xf32>
    %reduce_sum3A = arith.constant dense<0.000000e+00> : vector<1024xf32>
    %reduce_sum3A_345 = vector.multi_reduction <add>, %exp3A, %reduce_sum3A [1] : vector<1024x2xf32> to vector<1024xf32>
    %broadcast_in_dim3A_346 = vector.shape_cast %reduce_sum3A_345 : vector<1024xf32> to vector<1024x1xf32>
    %div3A = vector.broadcast %broadcast_in_dim3A_346 : vector<1024x1xf32> to vector<1024x2xf32>
    %div3A_347 = arith.divf %exp3A, %div3A : vector<1024x2xf32>
    %swap3A = arith.constant 0 : index
    %swap3A_348 = arith.constant 0 : index
    %swap3A_349 = vector.load %arg15[%swap3A, %swap3A_348] : memref<1024x2xf32, #tpu.memory_space<vmem>>, vector<1024x2xf32>
    tpu.vector_store %arg15[%swap3A, %swap3A_348], %div3A_347 {strides = array<i32>} : memref<1024x2xf32, #tpu.memory_space<vmem>>, vector<1024x2xf32>,
    return
  }
  func.func @transform_0(%arg0: i32) -> (i32, i32, i32) {
    %c0_i32 = arith.constant 0 : i32
    %c0_i32_0 = arith.constant 0 : i32
    %c0_i32_1 = arith.constant 0 : i32
    return %c0_i32, %arg0, %c0_i32_0 : i32, i32, i32
  }
  func.func @transform_1(%arg0: i32) -> (i32, i32, i32) {
    %c0_i32 = arith.constant 0 : i32
    %c0_i32_0 = arith.constant 0 : i32
    %c0_i32_1 = arith.constant 0 : i32
    return %c0_i32, %arg0, %c0_i32_0 : i32, i32, i32
  }
  func.func @transform_2(%arg0: i32) -> (i32, i32) {
    %c0_i32 = arith.constant 0 : i32
    %c0_i32_0 = arith.constant 0 : i32
    %c0_i32_1 = arith.constant 0 : i32
    return %c0_i32, %c0_i32_0 : i32, i32
  }
  func.func @transform_3(%arg0: i32) -> (i32, i32) {
    %c0_i32 = arith.constant 0 : i32
    %c0_i32_0 = arith.constant 0 : i32
    %c0_i32_1 = arith.constant 0 : i32
    return %c0_i32, %c0_i32_0 : i32, i32
  }
  func.func @transform_4(%arg0: i32) -> (i32, i32, i32) {
    %c0_i32 = arith.constant 0 : i32
    %c0_i32_0 = arith.constant 0 : i32
    %c0_i32_1 = arith.constant 0 : i32
    %c0_i32_2 = arith.constant 0 : i32
    return %c0_i32, %c0_i32_0, %c0_i32_1 : i32, i32, i32
  }
  func.func @transform_5(%arg0: i32) -> (i32, i32) {
    %c0_i32 = arith.constant 0 : i32
    %c0_i32_0 = arith.constant 0 : i32
    %c0_i32_1 = arith.constant 0 : i32
    return %c0_i32, %c0_i32_0 : i32, i32
  }
  func.func @transform_6(%arg0: i32) -> (i32, i32, i32) {
    %c0_i32 = arith.constant 0 : i32
    %c0_i32_0 = arith.constant 0 : i32
    %c0_i32_1 = arith.constant 0 : i32
    %c0_i32_2 = arith.constant 0 : i32
    return %c0_i32, %c0_i32_0, %c0_i32_1 : i32, i32, i32
  }
  func.func @transform_7(%arg0: i32) -> (i32, i32) {
    %c0_i32 = arith.constant 0 : i32
    %c0_i32_0 = arith.constant 0 : i32
    %c0_i32_1 = arith.constant 0 : i32
    return %c0_i32, %c0_i32_0 : i32, i32
  }
  func.func @transform_8(%arg0: i32) -> (i32, i32) {
    %c0_i32 = arith.constant 0 : i32
    %c0_i32_0 = arith.constant 0 : i32
    %c0_i32_1 = arith.constant 0 : i32
    return %c0_i32, %c0_i32_0 : i32, i32
  }
  func.func @transform_9(%arg0: i32) -> (i32, i32) {
    %c0_i32 = arith.constant 0 : i32
    %c0_i32_0 = arith.constant 0 : i32
    %c0_i32_1 = arith.constant 0 : i32
    return %c0_i32, %c0_i32_0 : i32, i32
  }
  func.func @transform_10(%arg0: i32) -> (i32, i32) {
    %c0_i32 = arith.constant 0 : i32
    %c0_i32_0 = arith.constant 0 : i32
    %c0_i32_1 = arith.constant 0 : i32
    return %c0_i32, %c0_i32_0 : i32, i32
  }
  func.func @transform_11(%arg0: i32) -> (i32, i32) {
    %c0_i32 = arith.constant 0 : i32
    %c0_i32_0 = arith.constant 0 : i32
    %c0_i32_1 = arith.constant 0 : i32
    return %c0_i32, %c0_i32_0 : i32, i32
  }
  func.func @transform_12(%arg0: i32) -> (i32, i32) {
    %c0_i32 = arith.constant 0 : i32
    %c0_i32_0 = arith.constant 0 : i32
    %c0_i32_1 = arith.constant 0 : i32
    return %c0_i32, %c0_i32_0 : i32, i32
  }
  func.func @transform_13(%arg0: i32) -> (i32, i32) {
    %c0_i32 = arith.constant 0 : i32
    %c0_i32_0 = arith.constant 0 : i32
    %c0_i32_1 = arith.constant 0 : i32
    return %c0_i32, %c0_i32_0 : i32, i32
  }
  func.func @transform_14(%arg0: i32) -> (i32, i32) {
    %c0_i32 = arith.constant 0 : i32
    %c0_i32_0 = arith.constant 0 : i32
    return %arg0, %c0_i32 : i32, i32
  }
}

</mosaic_0001>

<sc_bundles>
// kernel: kernel.5.cloned.1.call-start
scs
__scs_entry_jumppad:
0x0: {  	(pc) =	sbr.rel $0x88, $3  }
0x1: {  	(tag) =	ssettag $0x0;
	lr =	simm.s32 $0x1  }
0x2: {  	[smem:$0x3F90] =	sst lr;
	_ =	strace $0xD0000000  }
0x3: {  	_ = 	snop  }
0x4: {  	_ = 	snop  }
0x5: {  	_ = 	snop  }
0x6: {  	_ = 	snop  }
0x7: {  	_ = 	snop  }
__scs_overlays_trampoline_lowered:
0x8: {  	[smem:$0x3F9F] =	sst s0  }
0x9: {  	[smem:$0x3FA0] =	sst s1  }
0xa: {  	[smem:$0x3FA1] =	sst s2  }
0xb: {  	[smem:$0x3FA2] =	sst s3  }
0xc: {  	[smem:$0x3FA3] =	sst s4  }
0xd: {  	[smem:$0x3FA4] =	sst s5  }
0xe: {  	[smem:$0x3FA5] =	sst s6  }
0xf: {  	[smem:$0x3FA6] =	sst s7  }
0x10: {  	[smem:$0x3FA7] =	sst s8  }
0x11: {  	[smem:$0x3FA8] =	sst s9;
	s0 =	simm.s32 @!p0 $0x0  }
0x12: {  	s1 =	sld [smem:$0x3F8E];
	s0 =	simm.s32 @p0 $0x1  }
0x13: {  	[smem:$0x3FA9] =	sst s0;
	s0 =	simm.s32 @!p1 $0x0  }
0x14: {  	s2 =	sld [smem:$0x3F8D];
	s0 =	simm.s32 @p1 $0x1  }
0x15: {  	[smem:$0x3FAA] =	sst s0;
	s0 =	simm.s32 @!p2 $0x0  }
0x16: {  	s3 =	sld [smem:$0x3FDB];
	s0 =	simm.s32 @p2 $0x1  }
0x17: {  	s4 =	simm.s32 $0x1BF5;
	[smem:$0x3FAC] =	sst s0  }
0x18: {  	s0 =	sld [smem:$0x3F8F];
	_ =	swait.ge [sflag:s4], $0x0  }
0x19: {  	s7 =	sld [smem:$0x3F90]  }
0x1a: {  	s8 =	sadd.s32 $0xFFFFE003, lr  }
0x1b: {  	s9 =	sadd.s32 $0xFFFFFEF7, lr;
	s5 =	simm.s32 $0xFFFFFFFF;
	p2 =	slt.u32 s8, $0xFFFFF086  }
0x1c: {  	p1 =	slt.u32 s9, $0xF7A;
	s5 =	simm.s32 @!p2 $0x0  }
0x1d: {  	s5 =	simm.s32 @p1 $0x1;
	p0 =	seq.s32 s7, s2  }
0x1e: {  	s7 =	smul.u32 @!p0 $0xF7A, s2;
	p2 =	seq.s32 @!p0 s5, $0x0  }
0x1f: {  	s9 =	smul.u32 $0xF7A, s1;
	s8 =	simm.s32 @!p0 $0x1BF5;
	p2 =	por !p2, p0  }
0x20: {  	[sflag:s8] =	ssyncset.s32 @!p0 $0xFFFFF086;
	s6 =	sadd.s32 @!p0 s3, s7;
	s7 =	simm.s32 @!p0 $0x108  }
0x21: {  	s3 =	sadd.s32 s3, s9;
	s6 =	sadd.s32 @!p0 $0x88, s6;
	s7 =	simm.s32 @p2 $0x1082  }
0x22: {  	[simem:s7], [sflag:s8] =	dma.local @!p0 [hbm:s6], $0xF7A  }
0x23: {  	s9 =	sor.u32 $0xD0000000, s2;
	s6 =	simm.s32 $0x108;
	_ =	swait.ge @!p0 [sflag:s8], $0x0  }
0x24: {  	s3 =	sadd.s32 $0x88, s3;
	s6 =	simm.s32 @!p1 $0x1082;
	[sflag:s4] =	ssyncset.s32 $0xFFFFF086  }
0x25: {  	[simem:s6], [sflag:s4] =	dma.local [hbm:s3], $0xF7A  }
0x26: {  	[smem:$0x3F90] =	sst s1;
	(tag) =	ssettag s2;
	_ =	strace s9  }
0x27: {  	s1 =	sld [smem:$0x3FA0]  }
0x28: {  	s2 =	sld [smem:$0x3FA1]  }
0x29: {  	s4 =	sld [smem:$0x3FA3]  }
0x2a: {  	p0 =	seq.s32 s5, $0x0;
	s5 =	sld [smem:$0x3FA4]  }
0x2b: {  	s6 =	sld [smem:$0x3FA5]  }
0x2c: {  	s7 =	sld [smem:$0x3FA6]  }
0x2d: {  	s3 =	simm.s32 $0x108;
	s8 =	sld [smem:$0x3FA7]  }
0x2e: {  	s3 =	simm.s32 @!p0 $0x1082;
	s9 =	sld [smem:$0x3FA8]  }
0x2f: {  	lr =	sadd.s32 s0, s3;
	s0 =	sld [smem:$0x3F9F]  }
0x30: {  	s3 =	sld [smem:$0x3FA2]  }
0x31: {  	[smem:$0x3FAB] =	sst s10  }
0x32: {  	s10 =	sld [smem:$0x3FA9];
	_ =	sdelay $0x3  }
0x33: {  	p0 =	seq.s32 s10, $0x1;
	s10 =	sld [smem:$0x3FAB];
	_ =	sdelay $0x3  }
0x34: {  	[smem:$0x3FAB] =	sst s10  }
0x35: {  	s10 =	sld [smem:$0x3FAA];
	_ =	sdelay $0x3  }
0x36: {  	p1 =	seq.s32 s10, $0x1;
	s10 =	sld [smem:$0x3FAB];
	_ =	sdelay $0x3  }
0x37: {  	[smem:$0x3FAB] =	sst s10  }
0x38: {  	s10 =	sld [smem:$0x3FAC]  }
0x39: {  	_ = 	snop;
	(pc) =	sbr.ind lr, $3  }
0x3a: {  	_ = 	snop  }
0x3b: {  	_ = 	snop  }
0x3c: {  	p2 =	seq.s32 s10, $0x1;
	s10 =	sld [smem:$0x3FAB]  }
0x3d: {  	_ =	shalt  }
0x3e: {  	_ =	shalt  }
0x3f: {  	_ =	shalt  }
0x40: {  	_ =	shalt  }
0x41: {  	_ =	shalt  }
0x42: {  	_ =	shalt  }
0x43: {  	_ =	shalt  }
0x44: {  	_ =	shalt  }
0x45: {  	_ =	shalt  }
0x46: {  	_ =	shalt  }
0x47: {  	_ =	shalt  }
0x48: {  	_ =	shalt  }
0x49: {  	_ =	shalt  }
0x4a: {  	_ =	shalt  }
0x4b: {  	_ =	shalt  }
0x4c: {  	_ =	shalt  }
0x4d: {  	_ =	shalt  }
0x4e: {  	_ =	shalt  }
0x4f: {  	_ =	shalt  }
0x50: {  	_ =	shalt  }
0x51: {  	_ =	shalt  }
0x52: {  	_ =	shalt  }
0x53: {  	_ =	shalt  }
0x54: {  	_ =	shalt  }
0x55: {  	_ =	shalt  }
0x56: {  	_ =	shalt  }
0x57: {  	_ =	shalt  }
0x58: {  	_ =	shalt  }
0x59: {  	_ =	shalt  }
0x5a: {  	_ =	shalt  }
0x5b: {  	_ =	shalt  }
0x5c: {  	_ =	shalt  }
0x5d: {  	_ =	shalt  }
0x5e: {  	_ =	shalt  }
0x5f: {  	_ =	shalt  }
0x60: {  	_ =	shalt  }
0x61: {  	_ =	shalt  }
0x62: {  	_ =	shalt  }
0x63: {  	_ =	shalt  }
0x64: {  	_ =	shalt  }
0x65: {  	_ =	shalt  }
0x66: {  	_ =	shalt  }
0x67: {  	_ =	shalt  }
0x68: {  	_ =	shalt  }
0x69: {  	_ =	shalt  }
0x6a: {  	_ =	shalt  }
0x6b: {  	_ =	shalt  }
0x6c: {  	_ =	shalt  }
0x6d: {  	_ =	shalt  }
0x6e: {  	_ =	shalt  }
0x6f: {  	_ =	shalt  }
0x70: {  	_ =	shalt  }
0x71: {  	_ =	shalt  }
0x72: {  	_ =	shalt  }
0x73: {  	_ =	shalt  }
0x74: {  	_ =	shalt  }
0x75: {  	_ =	shalt  }
0x76: {  	_ =	shalt  }
0x77: {  	_ =	shalt  }
0x78: {  	_ =	shalt  }
0x79: {  	_ =	shalt  }
0x7a: {  	_ =	shalt  }
0x7b: {  	_ =	shalt  }
0x7c: {  	_ =	shalt  }
0x7d: {  	_ =	shalt  }
0x7e: {  	_ =	shalt  }
0x7f: {  	_ =	shalt  }
0x80: {  	_ =	shalt  }
0x81: {  	_ =	shalt  }
0x82: {  	_ =	shalt  }
0x83: {  	_ =	shalt  }
0x84: {  	_ =	shalt  }
0x85: {  	_ =	shalt  }
0x86: {  	_ =	shalt  }
0x87: {  	_ =	shalt  }
.Lfunc_end0:
.L_simem_size_0:
called_computation_lowered:
.L_overlay_start_0:
0x88: {  	s2 =	sld [smem:$0x3FD9]  }
0x89: {  	s3 =	sld [smem:$0x3FFE];
	_ =	sdelay $0x1  }
0x8a: {  	s1 =	srdreg.scid  }
0x8b: {  	s0 =	sand.u32 $0x1, s1  }
0x8c: {  	s17 =	sshll.u32 s0, $0xA;
	s2 =	sadd.s32 s3, s2  }
0x8d: {  	s2 =	sadd.s32 s2, s17  }
0x8e: {  	[smem:$0x3FB7] =	sst s2  }
0x8f: {  	_ = 	snop  }
0x90: {  	s2 =	sld [smem:$0x3FC9];
	(tm) =	ssettm $0x1  }
0x91: {  	s18 =	sld [smem:$0x3FFB];
	_ =	sdelay $0x3  }
0x92: {  	_ =	strace s18  }
0x93: {  	s3 =	sld [smem:$0x3FFC];
	_ =	sdelay $0x3  }
0x94: {  	_ =	strace s3  }
0x95: {  	s3 =	sld [smem:$0x3FFD];
	_ =	sdelay $0x3  }
0x96: {  	_ =	strace s3  }
0x97: {  	_ =	strace $0x8FFFFFFF  }
0x98: {  	s19 =	sld [smem:$0x3FDB];
	_ =	sdelay $0x1  }
0x99: {  	s4 =	simm.s32 $_scs_section_size  }
0x9a: {  	s5 =	simm.s32 $_size__tile_overlayer_lowered;
	s6 =	simm.s32 $_tile_overlayer_lowered  }
0x9b: {  	s22 =	simm.s32 $0x1BFF;
	s21 =	sshll.u32 s6, $0x1;
	s3 =	sadd.s32 s4, s19  }
0x9c: {  	s7 =	simm.s32 $0x0;
	s20 =	sshll.u32 s5, $0x1;
	s5 =	sadd.s32 s21, s3  }
0x9d: {  	[timem:s7], [sflag:s22] =	dma.local [hbm:s5], s20  }
0x9e: {  	_ =	swait.ge [sflag:s22], s20  }
0x9f: {  	s4 =	ssub.s32 $0x0, s20;
	[sflag:s22] =	ssyncset.done $0x0  }
0xa0: {  	[sflag:s22] =	ssyncadd.s32 s4;
	_ =	sdelay $0x1  }
0xa1: {  	s23 =	simm.s32 $0x1B8B  }
0xa2: {  	_ =	swait.ge [sflag:s23], $0x1  }
0xa3: {  	[sflag:s23] =	ssyncset.done $0x0  }
0xa4: {  	s25 =	simm.s32 $0x1B8E;
	s24 =	sld [smem:$0x3FFE];
	[sflag:s23] =	ssyncadd.s32 $0xFFFFFFFF  }
0xa5: {  	s26 =	simm.s32 $execute0_lowered;
	[smem:$0x3FD2] =	sst s25  }
0xa6: {  	s5 =	sshll.u32 s26, $0x1;
	_ =	strace $0x80000046;
	[dreg:$0x1] =	wrdreg $0xFFFFFFFF  }
0xa7: {  	s28 =	simm.s32 $_size_execute0_lowered;
	s3 =	sadd.s32 s3, s5;
	[dreg:$0x0] =	wrdreg $0x0  }
0xa8: {  	s5 =	sshll.u32 s28, $0x1;
	[dreg:$0x2] =	wrdreg s3  }
0xa9: {  	[dreg:$0x3] =	wrdreg s5  }
0xaa: {  	[dreg:$0x4] =	wrdreg $0xC0  }
0xab: {  	_ =	task [dreg:s7], $0x5FFFF  }
0xac: {  	[dreg:$0x1] =	wrdreg $0xFFFFFFFF  }
0xad: {  	[dreg:$0x0] =	wrdreg $0x60  }
0xae: {  	[dreg:$0x2] =	wrdreg s24  }
0xaf: {  	[dreg:$0x3] =	wrdreg s2  }
0xb0: {  	[dreg:$0x4] =	wrdreg $0x9  }
0xb1: {  	_ =	task.clear_ibuf [dreg:s7], $0x5FFFF;
	_ =	strace $0x90000046  }
0xb2: {  	s29 =	simm.s32 $0x9;
	_ =	strace $0x80000048  }
0xb3: {  	_ =	swait.ge [sflag:s29], $0x1  }
0xb4: {  	[sflag:s29] =	ssyncadd.s32 $0xFFFFFFFF  }
0xb5: {  	_ =	strace $0x90000048  }
0xb6: {  	_ =	sfence  }
0xb7: {  	s30 =	sld [smem:$0x0];
	_ =	sdelay $0x2  }
0xb8: {  	s31 =	sshll.u32 s1, $0xD;
	s1 =	sshrl.u32 s1, $0x2  }
0xb9: {  	s3 =	sand.u32 $0x4000, s31;
	s1 =	sadd.s32 s1, s30  }
0xba: {  	s0 =	sor.u32 s3, s0;
	s1 =	sshll.u32 s1, $0x11  }
0xbb: {  	s0 =	sor.u32 s1, s0  }
0xbc: {  	s0 =	sadd.s32 $0x8F2B, s0  }
0xbd: {  	[sflag:s0] =	ssyncadd.remote.s32 $0x1  }
0xbe: {  	_ =	sfence.sel $0xFFFF  }
0xbf: {  	[dreg:$0x0] =	wrdreg $0xFFFFFFFF;
	(pc) =	sbr.abs _section_cstart, $3  }
0xc0: {  	[dreg:$0x1] =	wrdreg $0xFFFFFFFF  }
0xc1: {  	_ =	task.clear_ibuf [dreg:s7], $0x2FFFF;
	_ =	strace $0x9FFFFFFF  }
0xc2: {  	(tm) =	ssettm $0x7FFFFFFF  }
0xc3: {  	_ =	shalt  }
tec
execute0_lowered:
.L_overlay_start_1:
0x0: {  	(tag) =	ssettag $0x1  }
0x1: {  	s0 =	srdreg.scid  }
0x2: {  	s2 =	stileid.u32;
	s1 =	rddreg [dreg:$0x0];
	s11 =	simm.s32 $0x5  }
0x3: {  	s12 =	simm.s32 $0x1800;
	s13 =	simm.s32 $0x60;
	s14 =	simm.s32 $0x9900  }
0x4: {  	s15 =	simm.s32 $0x1880;
	s16 =	simm.s32 $0xC900;
	s17 =	simm.s32 $0x80  }
0x5: {  	s18 =	simm.s32 $0x1900;
	s19 =	simm.s32 $0x5900;
	s20 =	simm.s32 $0x1  }
0x6: {  	s21 =	simm.s32 $0x2;
	s22 =	simm.s32 $0x3;
	s23 =	simm.s32 $0x4  }
0x7: {  	s24 =	simm.s32 $0x0;
	s0 =	sand.u32 $0x1, s0;
	s3 =	sshll.u32 s2, $0x1  }
0x8: {  	s2 =	rddreg [dreg:$0x1];
	s4 =	sadd.s32 $0x9200, s1;
	s8 =	sor.u32 s0, s3  }
0x9: {  	s3 =	simm.s32 $0x0;
	s0 =	ssub.s32 $0x2, s0;
	s5 =	smul.u32 $0x300, s8  }
0xa: {  	[smem:$0x7FF] =	sst s3;
	s31 =	sshll.u32 s8, $0x5;
	s7 =	smul.u32 $0xC00, s8  }
0xb: {  	s10 =	sshrl.u32 s0, $0x1;
	s8 =	smul.u32 $0x6000, s8;
	_ =	strace $0x80000047  }
0xc: {  	s9 =	sadd.s32 s31, s1;
	s0 =	ssub.s32 s0, s10;
	s6 =	sadd.s32 s5, s1  }
0xd: {  	s5 =	sadd.s32 $0x30400, s1;
	s1 =	sadd.s32 s7, s1;
	s7 =	sadd.s32 $0x8E00, s9  }
0xe: {  	s10 =	smax.u32 s0, $0x1;
	s6 =	sadd.s32 $0x2E00, s6;
	s9 =	sadd.s32 $0x48400, s1  }
.LBB2_1:
0xf: {  	[tilespmem:s3], [sflag:$0x5] =	stream.linear.gather [hbm4b:s6+s3], $0x1800, $0x38;
	[tilespmem:$0x15900] =	vst v63  }
0x10: {  	_ =	swait.ge [sflag:s11], $0x1800  }
0x11: {  	[sflag:s11] =	ssyncset.done $0x0  }
0x12: {  	[sflag:s11] =	ssyncadd.s32 $0xFFFFE800  }
0x13: {  	[tilespmem:s12], [sflag:$0x5] =	stream.linear.gather [hbm4b:s7+s3], $0x100, $0x38;
	[tilespmem:$0x15900] =	vst v63  }
0x14: {  	_ =	swait.ge [sflag:s11], $0x100  }
0x15: {  	[sflag:s11] =	ssyncset.done $0x0  }
0x16: {  	[sflag:s11] =	ssyncadd.s32 $0xFFFFFF00  }
0x17: {  	[tilespmem:s14], [sflag:$0x3] =	stream.indirect.gather [hbm4b:s2+s13], $0x80, s12, s13, $0xb8;
	[tilespmem:$0x15900] =	vst v63  }
0x18: {  	_ = 	snop  }
0x19: {  	[tilespmem:s16], [sflag:$0x3] =	stream.indirect.gather [hbm4b:s2+s13], $0x80, s15, s13, $0xb8;
	[tilespmem:$0x15900] =	vst v63  }
0x1a: {  	s25 =	simm.s32 $0x0  }
0x1b: {  	[tilespmem:s18], [sflag:$0x1] =	stream.indirect.gather [hbm4b:s4+s17], $0x80, s3, s17, $0xb8;
	[tilespmem:$0x15900] =	vst v63  }
.LBB2_2:
0x1c: {  	s26 =	sshll.u32 s25, $0xA  }
0x1d: {  	s29 =	sor.u32 $0x200, s26  }
0x1e: {  	s0 =	sshra.s32 s29, $0x2  }
0x1f: {  	[tilespmem:s19], [sflag:$0x2] =	stream.indirect.gather [hbm4b:s4+s17], $0x80, s0, s17, $0xb8;
	[tilespmem:$0x15900] =	vst v63  }
0x20: {  	_ =	swait.ge [sflag:s20], $0x4000  }
0x21: {  	s1 =	simm.s32 $0x0;
	[sflag:s20] =	ssyncset.done $0x0  }
0x22: {  	s30 =	sand.u32 $0x3FFFF000, s1;
	[sflag:s20] =	ssyncadd.s32 $0xFFFFC000  }
0x23: {  	v0 =	vld [tilespmem:s30+$0x1900]  }
0x24: {  	v1 =	vld [tilespmem:s30+$0x1980]  }
0x25: {  	v2 =	vld [tilespmem:s30+$0x1A00]  }
0x26: {  	v3 =	vld [tilespmem:s30+$0x1A80]  }
0x27: {  	v4 =	vld [tilespmem:s30+$0x1B00]  }
0x28: {  	v5 =	vld [tilespmem:s30+$0x1B80]  }
0x29: {  	v0 =	vmax.f32 v0, v1;
	v1 =	vld [tilespmem:s30+$0x1C00]  }
0x2a: {  	v0 =	vmax.f32 v0, v2;
	v2 =	vld [tilespmem:s30+$0x1C80]  }
0x2b: {  	v0 =	vmax.f32 v0, v3;
	v3 =	vld [tilespmem:s30+$0x1D00]  }
0x2c: {  	v0 =	vmax.f32 v0, v4;
	v4 =	vld [tilespmem:s30+$0x1D80]  }
0x2d: {  	v0 =	vmax.f32 v0, v5;
	v5 =	vld [tilespmem:s30+$0x1E00]  }
0x2e: {  	v0 =	vmax.f32 v0, v1;
	v1 =	vld [tilespmem:s30+$0x1E80]  }
0x2f: {  	v0 =	vmax.f32 v0, v2;
	v2 =	vld [tilespmem:s30+$0x1F00]  }
0x30: {  	v0 =	vmax.f32 v0, v3;
	v3 =	vld [tilespmem:s30+$0x1F80]  }
0x31: {  	v0 =	vmax.f32 v0, v4;
	v4 =	vld [tilespmem:s30+$0x2000]  }
0x32: {  	v0 =	vmax.f32 v0, v5;
	v5 =	vld [tilespmem:s30+$0x2080]  }
0x33: {  	v0 =	vmax.f32 v0, v1;
	v1 =	vld [tilespmem:s30+$0x2100]  }
0x34: {  	v0 =	vmax.f32 v0, v2;
	v2 =	vld [tilespmem:s30+$0x2180]  }
0x35: {  	v0 =	vmax.f32 v0, v3;
	v3 =	vld [tilespmem:s30+$0x2200]  }
0x36: {  	v0 =	vmax.f32 v0, v4;
	v4 =	vld [tilespmem:s30+$0x2280]  }
0x37: {  	v0 =	vmax.f32 v0, v5;
	v5 =	vld [tilespmem:s30+$0x2300]  }
0x38: {  	v0 =	vmax.f32 v0, v1;
	v1 =	vld [tilespmem:s30+$0x2380]  }
0x39: {  	v0 =	vmax.f32 v0, v2;
	v2 =	vld [tilespmem:s30+$0x2400]  }
0x3a: {  	v0 =	vmax.f32 v0, v3;
	v3 =	vld [tilespmem:s30+$0x2480]  }
0x3b: {  	v0 =	vmax.f32 v0, v4;
	v4 =	vld [tilespmem:s30+$0x2500]  }
0x3c: {  	v0 =	vmax.f32 v0, v5;
	v5 =	vld [tilespmem:s30+$0x2580]  }
0x3d: {  	v0 =	vmax.f32 v0, v1;
	v1 =	vld [tilespmem:s30+$0x2600]  }
0x3e: {  	v0 =	vmax.f32 v0, v2;
	v2 =	vld [tilespmem:s30+$0x2680]  }
0x3f: {  	v0 =	vmax.f32 v0, v3;
	v3 =	vld [tilespmem:s30+$0x2700]  }
0x40: {  	v0 =	vmax.f32 v0, v4;
	v4 =	vld [tilespmem:s30+$0x2780]  }
0x41: {  	s1 =	sand.u32 $0x3FFFFC00, s26;
	v0 =	vmax.f32 v0, v5;
	v5 =	vld [tilespmem:s30+$0x2800]  }
0x42: {  	s28 =	sadd.s32 $0xF900, s1;
	v6 =	vld [tilespmem:s30+$0x2880];
	v1 =	vmax.f32 v0, v1  }
0x43: {  	v0 =	vmov s28;
	v1 =	vmax.f32 v1, v2  }
0x44: {  	v1 =	vmax.f32 v1, v3  }
0x45: {  	v1 =	vmax.f32 v1, v4  }
0x46: {  	s1 =	simm.s32 $0x0;
	v1 =	vmax.f32 v1, v5  }
0x47: {  	s31 =	sand.u32 $0x3FFFFF80, s1;
	v1 =	vmax.f32 v1, v6  }
0x48: {  	[tilespmem:v0+s31+$0x0 ss:$0x1] =	vst.idx.msk $0xffff, v1  }
0x49: {  	v1 =	vld [tilespmem:s30+$0x1910]  }
0x4a: {  	v2 =	vld [tilespmem:s30+$0x1990]  }
0x4b: {  	v3 =	vld [tilespmem:s30+$0x1A10]  }
0x4c: {  	v4 =	vld [tilespmem:s30+$0x1A90]  }
0x4d: {  	v5 =	vld [tilespmem:s30+$0x1B10]  }
0x4e: {  	v6 =	vld [tilespmem:s30+$0x1B90]  }
0x4f: {  	v1 =	vmax.f32 v1, v2;
	v2 =	vld [tilespmem:s30+$0x1C10]  }
0x50: {  	v1 =	vmax.f32 v1, v3;
	v3 =	vld [tilespmem:s30+$0x1C90]  }
0x51: {  	v1 =	vmax.f32 v1, v4;
	v4 =	vld [tilespmem:s30+$0x1D10]  }
0x52: {  	v1 =	vmax.f32 v1, v5;
	v5 =	vld [tilespmem:s30+$0x1D90]  }
0x53: {  	v1 =	vmax.f32 v1, v6;
	v6 =	vld [tilespmem:s30+$0x1E10]  }
0x54: {  	v1 =	vmax.f32 v1, v2;
	v2 =	vld [tilespmem:s30+$0x1E90]  }
0x55: {  	v1 =	vmax.f32 v1, v3;
	v3 =	vld [tilespmem:s30+$0x1F10]  }
0x56: {  	v1 =	vmax.f32 v1, v4;
	v4 =	vld [tilespmem:s30+$0x1F90]  }
0x57: {  	v1 =	vmax.f32 v1, v5;
	v5 =	vld [tilespmem:s30+$0x2010]  }
0x58: {  	v1 =	vmax.f32 v1, v6;
	v6 =	vld [tilespmem:s30+$0x2090]  }
0x59: {  	v1 =	vmax.f32 v1, v2;
	v2 =	vld [tilespmem:s30+$0x2110]  }
0x5a: {  	v1 =	vmax.f32 v1, v3;
	v3 =	vld [tilespmem:s30+$0x2190]  }
0x5b: {  	v1 =	vmax.f32 v1, v4;
	v4 =	vld [tilespmem:s30+$0x2210]  }
0x5c: {  	v1 =	vmax.f32 v1, v5;
	v5 =	vld [tilespmem:s30+$0x2290]  }
0x5d: {  	v1 =	vmax.f32 v1, v6;
	v6 =	vld [tilespmem:s30+$0x2310]  }
0x5e: {  	v1 =	vmax.f32 v1, v2;
	v2 =	vld [tilespmem:s30+$0x2390]  }
0x5f: {  	v1 =	vmax.f32 v1, v3;
	v3 =	vld [tilespmem:s30+$0x2410]  }
0x60: {  	v1 =	vmax.f32 v1, v4;
	v4 =	vld [tilespmem:s30+$0x2490]  }
0x61: {  	v1 =	vmax.f32 v1, v5;
	v5 =	vld [tilespmem:s30+$0x2510]  }
0x62: {  	v1 =	vmax.f32 v1, v6;
	v6 =	vld [tilespmem:s30+$0x2590]  }
0x63: {  	v1 =	vmax.f32 v1, v2;
	v2 =	vld [tilespmem:s30+$0x2610]  }
0x64: {  	v1 =	vmax.f32 v1, v3;
	v3 =	vld [tilespmem:s30+$0x2690]  }
0x65: {  	v1 =	vmax.f32 v1, v4;
	v4 =	vld [tilespmem:s30+$0x2710]  }
0x66: {  	v1 =	vmax.f32 v1, v5;
	v5 =	vld [tilespmem:s30+$0x2790]  }
0x67: {  	v1 =	vmax.f32 v1, v6;
	v6 =	vld [tilespmem:s30+$0x2810]  }
0x68: {  	v1 =	vmax.f32 v1, v2;
	v2 =	vld [tilespmem:s30+$0x2890]  }
0x69: {  	v1 =	vmax.f32 v1, v3  }
0x6a: {  	v1 =	vmax.f32 v1, v4  }
0x6b: {  	v1 =	vmax.f32 v1, v5  }
0x6c: {  	v1 =	vmax.f32 v1, v6  }
0x6d: {  	v1 =	vmax.f32 v1, v2  }
0x6e: {  	[tilespmem:v0+s31+$0x10 ss:$0x1] =	vst.idx.msk $0xffff, v1  }
0x6f: {  	v1 =	vld [tilespmem:s30+$0x1920]  }
0x70: {  	v2 =	vld [tilespmem:s30+$0x19A0]  }
0x71: {  	v3 =	vld [tilespmem:s30+$0x1A20]  }
0x72: {  	v4 =	vld [tilespmem:s30+$0x1AA0]  }
0x73: {  	v5 =	vld [tilespmem:s30+$0x1B20]  }
0x74: {  	v6 =	vld [tilespmem:s30+$0x1BA0]  }
0x75: {  	v1 =	vmax.f32 v1, v2;
	v2 =	vld [tilespmem:s30+$0x1C20]  }
0x76: {  	v1 =	vmax.f32 v1, v3;
	v3 =	vld [tilespmem:s30+$0x1CA0]  }
0x77: {  	v1 =	vmax.f32 v1, v4;
	v4 =	vld [tilespmem:s30+$0x1D20]  }
0x78: {  	v1 =	vmax.f32 v1, v5;
	v5 =	vld [tilespmem:s30+$0x1DA0]  }
0x79: {  	v1 =	vmax.f32 v1, v6;
	v6 =	vld [tilespmem:s30+$0x1E20]  }
0x7a: {  	v1 =	vmax.f32 v1, v2;
	v2 =	vld [tilespmem:s30+$0x1EA0]  }
0x7b: {  	v1 =	vmax.f32 v1, v3;
	v3 =	vld [tilespmem:s30+$0x1F20]  }
0x7c: {  	v1 =	vmax.f32 v1, v4;
	v4 =	vld [tilespmem:s30+$0x1FA0]  }
0x7d: {  	v1 =	vmax.f32 v1, v5;
	v5 =	vld [tilespmem:s30+$0x2020]  }
0x7e: {  	v1 =	vmax.f32 v1, v6;
	v6 =	vld [tilespmem:s30+$0x20A0]  }
0x7f: {  	v1 =	vmax.f32 v1, v2;
	v2 =	vld [tilespmem:s30+$0x2120]  }
0x80: {  	v1 =	vmax.f32 v1, v3;
	v3 =	vld [tilespmem:s30+$0x21A0]  }
0x81: {  	v1 =	vmax.f32 v1, v4;
	v4 =	vld [tilespmem:s30+$0x2220]  }
0x82: {  	v1 =	vmax.f32 v1, v5;
	v5 =	vld [tilespmem:s30+$0x22A0]  }
0x83: {  	v1 =	vmax.f32 v1, v6;
	v6 =	vld [tilespmem:s30+$0x2320]  }
0x84: {  	v1 =	vmax.f32 v1, v2;
	v2 =	vld [tilespmem:s30+$0x23A0]  }
0x85: {  	v1 =	vmax.f32 v1, v3;
	v3 =	vld [tilespmem:s30+$0x2420]  }
0x86: {  	v1 =	vmax.f32 v1, v4;
	v4 =	vld [tilespmem:s30+$0x24A0]  }
0x87: {  	v1 =	vmax.f32 v1, v5;
	v5 =	vld [tilespmem:s30+$0x2520]  }
0x88: {  	v1 =	vmax.f32 v1, v6;
	v6 =	vld [tilespmem:s30+$0x25A0]  }
0x89: {  	v1 =	vmax.f32 v1, v2;
	v2 =	vld [tilespmem:s30+$0x2620]  }
0x8a: {  	v1 =	vmax.f32 v1, v3;
	v3 =	vld [tilespmem:s30+$0x26A0]  }
0x8b: {  	v1 =	vmax.f32 v1, v4;
	v4 =	vld [tilespmem:s30+$0x2720]  }
0x8c: {  	v1 =	vmax.f32 v1, v5;
	v5 =	vld [tilespmem:s30+$0x27A0]  }
0x8d: {  	v1 =	vmax.f32 v1, v6;
	v6 =	vld [tilespmem:s30+$0x2820]  }
0x8e: {  	v1 =	vmax.f32 v1, v2;
	v2 =	vld [tilespmem:s30+$0x28A0]  }
0x8f: {  	v1 =	vmax.f32 v1, v3  }
0x90: {  	v1 =	vmax.f32 v1, v4  }
0x91: {  	v1 =	vmax.f32 v1, v5  }
0x92: {  	v1 =	vmax.f32 v1, v6  }
0x93: {  	v1 =	vmax.f32 v1, v2  }
0x94: {  	[tilespmem:v0+s31+$0x20 ss:$0x1] =	vst.idx.msk $0xffff, v1  }
0x95: {  	v1 =	vld [tilespmem:s30+$0x1930]  }
0x96: {  	v2 =	vld [tilespmem:s30+$0x19B0]  }
0x97: {  	v3 =	vld [tilespmem:s30+$0x1A30]  }
0x98: {  	v4 =	vld [tilespmem:s30+$0x1AB0]  }
0x99: {  	v5 =	vld [tilespmem:s30+$0x1B30]  }
0x9a: {  	v6 =	vld [tilespmem:s30+$0x1BB0]  }
0x9b: {  	v1 =	vmax.f32 v1, v2;
	v2 =	vld [tilespmem:s30+$0x1C30]  }
0x9c: {  	v1 =	vmax.f32 v1, v3;
	v3 =	vld [tilespmem:s30+$0x1CB0]  }
0x9d: {  	v1 =	vmax.f32 v1, v4;
	v4 =	vld [tilespmem:s30+$0x1D30]  }
0x9e: {  	v1 =	vmax.f32 v1, v5;
	v5 =	vld [tilespmem:s30+$0x1DB0]  }
0x9f: {  	v1 =	vmax.f32 v1, v6;
	v6 =	vld [tilespmem:s30+$0x1E30]  }
0xa0: {  	v1 =	vmax.f32 v1, v2;
	v2 =	vld [tilespmem:s30+$0x1EB0]  }
0xa1: {  	v1 =	vmax.f32 v1, v3;
	v3 =	vld [tilespmem:s30+$0x1F30]  }
0xa2: {  	v1 =	vmax.f32 v1, v4;
	v4 =	vld [tilespmem:s30+$0x1FB0]  }
0xa3: {  	v1 =	vmax.f32 v1, v5;
	v5 =	vld [tilespmem:s30+$0x2030]  }
0xa4: {  	v1 =	vmax.f32 v1, v6;
	v6 =	vld [tilespmem:s30+$0x20B0]  }
0xa5: {  	v1 =	vmax.f32 v1, v2;
	v2 =	vld [tilespmem:s30+$0x2130]  }
0xa6: {  	v1 =	vmax.f32 v1, v3;
	v3 =	vld [tilespmem:s30+$0x21B0]  }
0xa7: {  	v1 =	vmax.f32 v1, v4;
	v4 =	vld [tilespmem:s30+$0x2230]  }
0xa8: {  	v1 =	vmax.f32 v1, v5;
	v5 =	vld [tilespmem:s30+$0x22B0]  }
0xa9: {  	v1 =	vmax.f32 v1, v6;
	v6 =	vld [tilespmem:s30+$0x2330]  }
0xaa: {  	v1 =	vmax.f32 v1, v2;
	v2 =	vld [tilespmem:s30+$0x23B0]  }
0xab: {  	v1 =	vmax.f32 v1, v3;
	v3 =	vld [tilespmem:s30+$0x2430]  }
0xac: {  	v1 =	vmax.f32 v1, v4;
	v4 =	vld [tilespmem:s30+$0x24B0]  }
0xad: {  	v1 =	vmax.f32 v1, v5;
	v5 =	vld [tilespmem:s30+$0x2530]  }
0xae: {  	v1 =	vmax.f32 v1, v6;
	v6 =	vld [tilespmem:s30+$0x25B0]  }
0xaf: {  	v1 =	vmax.f32 v1, v2;
	v2 =	vld [tilespmem:s30+$0x2630]  }
0xb0: {  	v1 =	vmax.f32 v1, v3;
	v3 =	vld [tilespmem:s30+$0x26B0]  }
0xb1: {  	v1 =	vmax.f32 v1, v4;
	v4 =	vld [tilespmem:s30+$0x2730]  }
0xb2: {  	v1 =	vmax.f32 v1, v5;
	v5 =	vld [tilespmem:s30+$0x27B0]  }
0xb3: {  	v1 =	vmax.f32 v1, v6;
	v6 =	vld [tilespmem:s30+$0x2830]  }
0xb4: {  	v1 =	vmax.f32 v1, v2;
	v2 =	vld [tilespmem:s30+$0x28B0]  }
0xb5: {  	v1 =	vmax.f32 v1, v3  }
0xb6: {  	v1 =	vmax.f32 v1, v4  }
0xb7: {  	v1 =	vmax.f32 v1, v5  }
0xb8: {  	v1 =	vmax.f32 v1, v6  }
0xb9: {  	v1 =	vmax.f32 v1, v2  }
0xba: {  	[tilespmem:v0+s31+$0x30 ss:$0x1] =	vst.idx.msk $0xffff, v1  }
0xbb: {  	v1 =	vld [tilespmem:s30+$0x1940]  }
0xbc: {  	v2 =	vld [tilespmem:s30+$0x19C0]  }
0xbd: {  	v3 =	vld [tilespmem:s30+$0x1A40]  }
0xbe: {  	v4 =	vld [tilespmem:s30+$0x1AC0]  }
0xbf: {  	v5 =	vld [tilespmem:s30+$0x1B40]  }
0xc0: {  	v6 =	vld [tilespmem:s30+$0x1BC0]  }
0xc1: {  	v1 =	vmax.f32 v1, v2;
	v2 =	vld [tilespmem:s30+$0x1C40]  }
0xc2: {  	v1 =	vmax.f32 v1, v3;
	v3 =	vld [tilespmem:s30+$0x1CC0]  }
0xc3: {  	v1 =	vmax.f32 v1, v4;
	v4 =	vld [tilespmem:s30+$0x1D40]  }
0xc4: {  	v1 =	vmax.f32 v1, v5;
	v5 =	vld [tilespmem:s30+$0x1DC0]  }
0xc5: {  	v1 =	vmax.f32 v1, v6;
	v6 =	vld [tilespmem:s30+$0x1E40]  }
0xc6: {  	v1 =	vmax.f32 v1, v2;
	v2 =	vld [tilespmem:s30+$0x1EC0]  }
0xc7: {  	v1 =	vmax.f32 v1, v3;
	v3 =	vld [tilespmem:s30+$0x1F40]  }
0xc8: {  	v1 =	vmax.f32 v1, v4;
	v4 =	vld [tilespmem:s30+$0x1FC0]  }
0xc9: {  	v1 =	vmax.f32 v1, v5;
	v5 =	vld [tilespmem:s30+$0x2040]  }
0xca: {  	v1 =	vmax.f32 v1, v6;
	v6 =	vld [tilespmem:s30+$0x20C0]  }
0xcb: {  	v1 =	vmax.f32 v1, v2;
	v2 =	vld [tilespmem:s30+$0x2140]  }
0xcc: {  	v1 =	vmax.f32 v1, v3;
	v3 =	vld [tilespmem:s30+$0x21C0]  }
0xcd: {  	v1 =	vmax.f32 v1, v4;
	v4 =	vld [tilespmem:s30+$0x2240]  }
0xce: {  	v1 =	vmax.f32 v1, v5;
	v5 =	vld [tilespmem:s30+$0x22C0]  }
0xcf: {  	v1 =	vmax.f32 v1, v6;
	v6 =	vld [tilespmem:s30+$0x2340]  }
0xd0: {  	v1 =	vmax.f32 v1, v2;
	v2 =	vld [tilespmem:s30+$0x23C0]  }
0xd1: {  	v1 =	vmax.f32 v1, v3;
	v3 =	vld [tilespmem:s30+$0x2440]  }
0xd2: {  	v1 =	vmax.f32 v1, v4;
	v4 =	vld [tilespmem:s30+$0x24C0]  }
0xd3: {  	v1 =	vmax.f32 v1, v5;
	v5 =	vld [tilespmem:s30+$0x2540]  }
0xd4: {  	v1 =	vmax.f32 v1, v6;
	v6 =	vld [tilespmem:s30+$0x25C0]  }
0xd5: {  	v1 =	vmax.f32 v1, v2;
	v2 =	vld [tilespmem:s30+$0x2640]  }
0xd6: {  	v1 =	vmax.f32 v1, v3;
	v3 =	vld [tilespmem:s30+$0x26C0]  }
0xd7: {  	v1 =	vmax.f32 v1, v4;
	v4 =	vld [tilespmem:s30+$0x2740]  }
0xd8: {  	v1 =	vmax.f32 v1, v5;
	v5 =	vld [tilespmem:s30+$0x27C0]  }
0xd9: {  	v1 =	vmax.f32 v1, v6;
	v6 =	vld [tilespmem:s30+$0x2840]  }
0xda: {  	v1 =	vmax.f32 v1, v2;
	v2 =	vld [tilespmem:s30+$0x28C0]  }
0xdb: {  	v1 =	vmax.f32 v1, v3  }
0xdc: {  	v1 =	vmax.f32 v1, v4  }
0xdd: {  	v1 =	vmax.f32 v1, v5  }
0xde: {  	v1 =	vmax.f32 v1, v6  }
0xdf: {  	v1 =	vmax.f32 v1, v2  }
0xe0: {  	[tilespmem:v0+s31+$0x40 ss:$0x1] =	vst.idx.msk $0xffff, v1  }
0xe1: {  	v1 =	vld [tilespmem:s30+$0x1950]  }
0xe2: {  	v2 =	vld [tilespmem:s30+$0x19D0]  }
0xe3: {  	v3 =	vld [tilespmem:s30+$0x1A50]  }
0xe4: {  	v4 =	vld [tilespmem:s30+$0x1AD0]  }
0xe5: {  	v5 =	vld [tilespmem:s30+$0x1B50]  }
0xe6: {  	v6 =	vld [tilespmem:s30+$0x1BD0]  }
0xe7: {  	v1 =	vmax.f32 v1, v2;
	v2 =	vld [tilespmem:s30+$0x1C50]  }
0xe8: {  	v1 =	vmax.f32 v1, v3;
	v3 =	vld [tilespmem:s30+$0x1CD0]  }
0xe9: {  	v1 =	vmax.f32 v1, v4;
	v4 =	vld [tilespmem:s30+$0x1D50]  }
0xea: {  	v1 =	vmax.f32 v1, v5;
	v5 =	vld [tilespmem:s30+$0x1DD0]  }
0xeb: {  	v1 =	vmax.f32 v1, v6;
	v6 =	vld [tilespmem:s30+$0x1E50]  }
0xec: {  	v1 =	vmax.f32 v1, v2;
	v2 =	vld [tilespmem:s30+$0x1ED0]  }
0xed: {  	v1 =	vmax.f32 v1, v3;
	v3 =	vld [tilespmem:s30+$0x1F50]  }
0xee: {  	v1 =	vmax.f32 v1, v4;
	v4 =	vld [tilespmem:s30+$0x1FD0]  }
0xef: {  	v1 =	vmax.f32 v1, v5;
	v5 =	vld [tilespmem:s30+$0x2050]  }
0xf0: {  	v1 =	vmax.f32 v1, v6;
	v6 =	vld [tilespmem:s30+$0x20D0]  }
0xf1: {  	v1 =	vmax.f32 v1, v2;
	v2 =	vld [tilespmem:s30+$0x2150]  }
0xf2: {  	v1 =	vmax.f32 v1, v3;
	v3 =	vld [tilespmem:s30+$0x21D0]  }
0xf3: {  	v1 =	vmax.f32 v1, v4;
	v4 =	vld [tilespmem:s30+$0x2250]  }
0xf4: {  	v1 =	vmax.f32 v1, v5;
	v5 =	vld [tilespmem:s30+$0x22D0]  }
0xf5: {  	v1 =	vmax.f32 v1, v6;
	v6 =	vld [tilespmem:s30+$0x2350]  }
0xf6: {  	v1 =	vmax.f32 v1, v2;
	v2 =	vld [tilespmem:s30+$0x23D0]  }
0xf7: {  	v1 =	vmax.f32 v1, v3;
	v3 =	vld [tilespmem:s30+$0x2450]  }
0xf8: {  	v1 =	vmax.f32 v1, v4;
	v4 =	vld [tilespmem:s30+$0x24D0]  }
0xf9: {  	v1 =	vmax.f32 v1, v5;
	v5 =	vld [tilespmem:s30+$0x2550]  }
0xfa: {  	v1 =	vmax.f32 v1, v6;
	v6 =	vld [tilespmem:s30+$0x25D0]  }
0xfb: {  	v1 =	vmax.f32 v1, v2;
	v2 =	vld [tilespmem:s30+$0x2650]  }
0xfc: {  	v1 =	vmax.f32 v1, v3;
	v3 =	vld [tilespmem:s30+$0x26D0]  }
0xfd: {  	v1 =	vmax.f32 v1, v4;
	v4 =	vld [tilespmem:s30+$0x2750]  }
0xfe: {  	v1 =	vmax.f32 v1, v5;
	v5 =	vld [tilespmem:s30+$0x27D0]  }
0xff: {  	v1 =	vmax.f32 v1, v6;
	v6 =	vld [tilespmem:s30+$0x2850]  }
0x100: {  	v1 =	vmax.f32 v1, v2;
	v2 =	vld [tilespmem:s30+$0x28D0]  }
0x101: {  	v1 =	vmax.f32 v1, v3  }
0x102: {  	v1 =	vmax.f32 v1, v4  }
0x103: {  	v1 =	vmax.f32 v1, v5  }
0x104: {  	v1 =	vmax.f32 v1, v6  }
0x105: {  	v1 =	vmax.f32 v1, v2  }
0x106: {  	[tilespmem:v0+s31+$0x50 ss:$0x1] =	vst.idx.msk $0xffff, v1  }
0x107: {  	v1 =	vld [tilespmem:s30+$0x1960]  }
0x108: {  	v2 =	vld [tilespmem:s30+$0x19E0]  }
0x109: {  	v3 =	vld [tilespmem:s30+$0x1A60]  }
0x10a: {  	v4 =	vld [tilespmem:s30+$0x1AE0]  }
0x10b: {  	v5 =	vld [tilespmem:s30+$0x1B60]  }
0x10c: {  	v6 =	vld [tilespmem:s30+$0x1BE0]  }
0x10d: {  	v1 =	vmax.f32 v1, v2;
	v2 =	vld [tilespmem:s30+$0x1C60]  }
0x10e: {  	v1 =	vmax.f32 v1, v3;
	v3 =	vld [tilespmem:s30+$0x1CE0]  }
0x10f: {  	v1 =	vmax.f32 v1, v4;
	v4 =	vld [tilespmem:s30+$0x1D60]  }
0x110: {  	v1 =	vmax.f32 v1, v5;
	v5 =	vld [tilespmem:s30+$0x1DE0]  }
0x111: {  	v1 =	vmax.f32 v1, v6;
	v6 =	vld [tilespmem:s30+$0x1E60]  }
0x112: {  	v1 =	vmax.f32 v1, v2;
	v2 =	vld [tilespmem:s30+$0x1EE0]  }
0x113: {  	v1 =	vmax.f32 v1, v3;
	v3 =	vld [tilespmem:s30+$0x1F60]  }
0x114: {  	v1 =	vmax.f32 v1, v4;
	v4 =	vld [tilespmem:s30+$0x1FE0]  }
0x115: {  	v1 =	vmax.f32 v1, v5;
	v5 =	vld [tilespmem:s30+$0x2060]  }
0x116: {  	v1 =	vmax.f32 v1, v6;
	v6 =	vld [tilespmem:s30+$0x20E0]  }
0x117: {  	v1 =	vmax.f32 v1, v2;
	v2 =	vld [tilespmem:s30+$0x2160]  }
0x118: {  	v1 =	vmax.f32 v1, v3;
	v3 =	vld [tilespmem:s30+$0x21E0]  }
0x119: {  	v1 =	vmax.f32 v1, v4;
	v4 =	vld [tilespmem:s30+$0x2260]  }
0x11a: {  	v1 =	vmax.f32 v1, v5;
	v5 =	vld [tilespmem:s30+$0x22E0]  }
0x11b: {  	v1 =	vmax.f32 v1, v6;
	v6 =	vld [tilespmem:s30+$0x2360]  }
0x11c: {  	v1 =	vmax.f32 v1, v2;
	v2 =	vld [tilespmem:s30+$0x23E0]  }
0x11d: {  	v1 =	vmax.f32 v1, v3;
	v3 =	vld [tilespmem:s30+$0x2460]  }
0x11e: {  	v1 =	vmax.f32 v1, v4;
	v4 =	vld [tilespmem:s30+$0x24E0]  }
0x11f: {  	v1 =	vmax.f32 v1, v5;
	v5 =	vld [tilespmem:s30+$0x2560]  }
0x120: {  	v1 =	vmax.f32 v1, v6;
	v6 =	vld [tilespmem:s30+$0x25E0]  }
0x121: {  	v1 =	vmax.f32 v1, v2;
	v2 =	vld [tilespmem:s30+$0x2660]  }
0x122: {  	v1 =	vmax.f32 v1, v3;
	v3 =	vld [tilespmem:s30+$0x26E0]  }
0x123: {  	v1 =	vmax.f32 v1, v4;
	v4 =	vld [tilespmem:s30+$0x2760]  }
0x124: {  	v1 =	vmax.f32 v1, v5;
	v5 =	vld [tilespmem:s30+$0x27E0]  }
0x125: {  	v1 =	vmax.f32 v1, v6;
	v6 =	vld [tilespmem:s30+$0x2860]  }
0x126: {  	v1 =	vmax.f32 v1, v2;
	v2 =	vld [tilespmem:s30+$0x28E0]  }
0x127: {  	v1 =	vmax.f32 v1, v3  }
0x128: {  	v1 =	vmax.f32 v1, v4  }
0x129: {  	v1 =	vmax.f32 v1, v5  }
0x12a: {  	v1 =	vmax.f32 v1, v6  }
0x12b: {  	v1 =	vmax.f32 v1, v2  }
0x12c: {  	[tilespmem:v0+s31+$0x60 ss:$0x1] =	vst.idx.msk $0xffff, v1  }
0x12d: {  	v1 =	vld [tilespmem:s30+$0x1A70]  }
0x12e: {  	v2 =	vld [tilespmem:s30+$0x1970]  }
0x12f: {  	v3 =	vld [tilespmem:s30+$0x19F0]  }
0x130: {  	v4 =	vld [tilespmem:s30+$0x1AF0]  }
0x131: {  	v5 =	vld [tilespmem:s30+$0x1B70]  }
0x132: {  	v6 =	vld [tilespmem:s30+$0x1BF0]  }
0x133: {  	v7 =	vld [tilespmem:s30+$0x1C70]  }
0x134: {  	v8 =	vld [tilespmem:s30+$0x2370];
	v2 =	vmax.f32 v2, v3  }
0x135: {  	v3 =	vld [tilespmem:s30+$0x1CF0];
	v1 =	vmax.f32 v2, v1  }
0x136: {  	v2 =	vld [tilespmem:s30+$0x1D70];
	v1 =	vmax.f32 v1, v4  }
0x137: {  	v4 =	vld [tilespmem:s30+$0x1DF0];
	v1 =	vmax.f32 v1, v5  }
0x138: {  	v5 =	vld [tilespmem:s30+$0x1E70];
	v1 =	vmax.f32 v1, v6  }
0x139: {  	v6 =	vld [tilespmem:s30+$0x1EF0];
	v1 =	vmax.f32 v1, v7  }
0x13a: {  	v7 =	vld [tilespmem:s30+$0x1F70];
	v1 =	vmax.f32 v1, v3  }
0x13b: {  	v3 =	vld [tilespmem:s30+$0x1FF0];
	v1 =	vmax.f32 v1, v2  }
0x13c: {  	v2 =	vld [tilespmem:s30+$0x2070];
	v1 =	vmax.f32 v1, v4  }
0x13d: {  	v4 =	vld [tilespmem:s30+$0x20F0];
	v1 =	vmax.f32 v1, v5  }
0x13e: {  	v5 =	vld [tilespmem:s30+$0x2170];
	v1 =	vmax.f32 v1, v6  }
0x13f: {  	v6 =	vld [tilespmem:s30+$0x21F0];
	v1 =	vmax.f32 v1, v7  }
0x140: {  	v7 =	vld [tilespmem:s30+$0x2270];
	v1 =	vmax.f32 v1, v3  }
0x141: {  	v3 =	vld [tilespmem:s30+$0x22F0];
	v1 =	vmax.f32 v1, v2  }
0x142: {  	v9 =	vld [tilespmem:s30+$0x23F0];
	v1 =	vmax.f32 v1, v4  }
0x143: {  	v1 =	vmax.f32 v1, v5;
	v5 =	vld [tilespmem:s30+$0x2470]  }
0x144: {  	v2 =	vmax.f32 v1, v6;
	v1 =	vld [tilespmem:s30+$0x24F0]  }
0x145: {  	v4 =	vmax.f32 v2, v7;
	v2 =	vld [tilespmem:s30+$0x2570]  }
0x146: {  	v4 =	vmax.f32 v4, v3;
	v3 =	vld [tilespmem:s30+$0x25F0]  }
0x147: {  	v6 =	vmax.f32 v4, v8;
	v4 =	vld [tilespmem:s30+$0x2670]  }
0x148: {  	s1 =	simm.s32 $0x1;
	v7 =	vmax.f32 v6, v9;
	v6 =	vld [tilespmem:s30+$0x26F0]  }
.LBB2_3:
0x149: {  	p0 =	sne.s32 s1, $0x3;
	v5 =	vmax.f32 v7, v5;
	v7 =	vld [tilespmem:s30+$0x2770];
	s0 =	smov.u32 s1;
	s1 =	sadd.s32 $0x1, s1  }
0x14a: {  	v1 =	vmax.f32 v5, v1;
	v5 =	vld [tilespmem:s30+$0x27F0]  }
0x14b: {  	v1 =	vmax.f32 v1, v2;
	v2 =	vld [tilespmem:s30+$0x2870]  }
0x14c: {  	v1 =	vmax.f32 v1, v3;
	v3 =	vld [tilespmem:s30+$0x28F0]  }
0x14d: {  	v1 =	vmax.f32 v1, v4  }
0x14e: {  	v1 =	vmax.f32 v1, v6  }
0x14f: {  	v1 =	vmax.f32 v1, v7  }
0x150: {  	v1 =	vmax.f32 v1, v5  }
0x151: {  	s30 =	sshll.u32 s0, $0xC;
	v1 =	vmax.f32 v1, v2  }
0x152: {  	s30 =	sand.u32 $0x3FFFF000, s30;
	v1 =	vmax.f32 v1, v3  }
0x153: {  	[tilespmem:v0+s31+$0x70 ss:$0x1] =	vst.idx.msk $0xffff, v1  }
0x154: {  	v1 =	vld [tilespmem:s30+$0x1900]  }
0x155: {  	v2 =	vld [tilespmem:s30+$0x1980]  }
0x156: {  	v3 =	vld [tilespmem:s30+$0x1A00]  }
0x157: {  	v4 =	vld [tilespmem:s30+$0x1A80]  }
0x158: {  	v5 =	vld [tilespmem:s30+$0x1B00]  }
0x159: {  	v6 =	vld [tilespmem:s30+$0x1B80]  }
0x15a: {  	v1 =	vmax.f32 v1, v2;
	v2 =	vld [tilespmem:s30+$0x1C00]  }
0x15b: {  	v1 =	vmax.f32 v1, v3;
	v3 =	vld [tilespmem:s30+$0x1C80]  }
0x15c: {  	v1 =	vmax.f32 v1, v4;
	v4 =	vld [tilespmem:s30+$0x1D00]  }
0x15d: {  	v1 =	vmax.f32 v1, v5;
	v5 =	vld [tilespmem:s30+$0x1D80]  }
0x15e: {  	v1 =	vmax.f32 v1, v6;
	v6 =	vld [tilespmem:s30+$0x1E00]  }
0x15f: {  	v1 =	vmax.f32 v1, v2;
	v2 =	vld [tilespmem:s30+$0x1E80]  }
0x160: {  	v1 =	vmax.f32 v1, v3;
	v3 =	vld [tilespmem:s30+$0x1F00]  }
0x161: {  	v1 =	vmax.f32 v1, v4;
	v4 =	vld [tilespmem:s30+$0x1F80]  }
0x162: {  	v1 =	vmax.f32 v1, v5;
	v5 =	vld [tilespmem:s30+$0x2000]  }
0x163: {  	v1 =	vmax.f32 v1, v6;
	v6 =	vld [tilespmem:s30+$0x2080]  }
0x164: {  	v1 =	vmax.f32 v1, v2;
	v2 =	vld [tilespmem:s30+$0x2100]  }
0x165: {  	v1 =	vmax.f32 v1, v3;
	v3 =	vld [tilespmem:s30+$0x2180]  }
0x166: {  	v1 =	vmax.f32 v1, v4;
	v4 =	vld [tilespmem:s30+$0x2200]  }
0x167: {  	v1 =	vmax.f32 v1, v5;
	v5 =	vld [tilespmem:s30+$0x2280]  }
0x168: {  	v1 =	vmax.f32 v1, v6;
	v6 =	vld [tilespmem:s30+$0x2300]  }
0x169: {  	v1 =	vmax.f32 v1, v2;
	v2 =	vld [tilespmem:s30+$0x2380]  }
0x16a: {  	v1 =	vmax.f32 v1, v3;
	v3 =	vld [tilespmem:s30+$0x2400]  }
0x16b: {  	v1 =	vmax.f32 v1, v4;
	v4 =	vld [tilespmem:s30+$0x2480]  }
0x16c: {  	v1 =	vmax.f32 v1, v5;
	v5 =	vld [tilespmem:s30+$0x2500]  }
0x16d: {  	v1 =	vmax.f32 v1, v6;
	v6 =	vld [tilespmem:s30+$0x2580]  }
0x16e: {  	v1 =	vmax.f32 v1, v2;
	v2 =	vld [tilespmem:s30+$0x2600]  }
0x16f: {  	v1 =	vmax.f32 v1, v3;
	v3 =	vld [tilespmem:s30+$0x2680]  }
0x170: {  	v1 =	vmax.f32 v1, v4;
	v4 =	vld [tilespmem:s30+$0x2700]  }
0x171: {  	v1 =	vmax.f32 v1, v5;
	v5 =	vld [tilespmem:s30+$0x2780]  }
0x172: {  	v1 =	vmax.f32 v1, v6;
	v6 =	vld [tilespmem:s30+$0x2800]  }
0x173: {  	v1 =	vmax.f32 v1, v2;
	v2 =	vld [tilespmem:s30+$0x2880]  }
0x174: {  	v1 =	vmax.f32 v1, v3  }
0x175: {  	v1 =	vmax.f32 v1, v4  }
0x176: {  	v1 =	vmax.f32 v1, v5  }
0x177: {  	s0 =	sshll.u32 s0, $0x7;
	v1 =	vmax.f32 v1, v6  }
0x178: {  	s31 =	sand.u32 $0x3FFFFF80, s0;
	v1 =	vmax.f32 v1, v2  }
0x179: {  	[tilespmem:v0+s31+$0x0 ss:$0x1] =	vst.idx.msk $0xffff, v1  }
0x17a: {  	v1 =	vld [tilespmem:s30+$0x1910]  }
0x17b: {  	v2 =	vld [tilespmem:s30+$0x1990]  }
0x17c: {  	v3 =	vld [tilespmem:s30+$0x1A10]  }
0x17d: {  	v4 =	vld [tilespmem:s30+$0x1A90]  }
0x17e: {  	v5 =	vld [tilespmem:s30+$0x1B10]  }
0x17f: {  	v6 =	vld [tilespmem:s30+$0x1B90]  }
0x180: {  	v1 =	vmax.f32 v1, v2;
	v2 =	vld [tilespmem:s30+$0x1C10]  }
0x181: {  	v1 =	vmax.f32 v1, v3;
	v3 =	vld [tilespmem:s30+$0x1C90]  }
0x182: {  	v1 =	vmax.f32 v1, v4;
	v4 =	vld [tilespmem:s30+$0x1D10]  }
0x183: {  	v1 =	vmax.f32 v1, v5;
	v5 =	vld [tilespmem:s30+$0x1D90]  }
0x184: {  	v1 =	vmax.f32 v1, v6;
	v6 =	vld [tilespmem:s30+$0x1E10]  }
0x185: {  	v1 =	vmax.f32 v1, v2;
	v2 =	vld [tilespmem:s30+$0x1E90]  }
0x186: {  	v1 =	vmax.f32 v1, v3;
	v3 =	vld [tilespmem:s30+$0x1F10]  }
0x187: {  	v1 =	vmax.f32 v1, v4;
	v4 =	vld [tilespmem:s30+$0x1F90]  }
0x188: {  	v1 =	vmax.f32 v1, v5;
	v5 =	vld [tilespmem:s30+$0x2010]  }
0x189: {  	v1 =	vmax.f32 v1, v6;
	v6 =	vld [tilespmem:s30+$0x2090]  }
0x18a: {  	v1 =	vmax.f32 v1, v2;
	v2 =	vld [tilespmem:s30+$0x2110]  }
0x18b: {  	v1 =	vmax.f32 v1, v3;
	v3 =	vld [tilespmem:s30+$0x2190]  }
0x18c: {  	v1 =	vmax.f32 v1, v4;
	v4 =	vld [tilespmem:s30+$0x2210]  }
0x18d: {  	v1 =	vmax.f32 v1, v5;
	v5 =	vld [tilespmem:s30+$0x2290]  }
0x18e: {  	v1 =	vmax.f32 v1, v6;
	v6 =	vld [tilespmem:s30+$0x2310]  }
0x18f: {  	v1 =	vmax.f32 v1, v2;
	v2 =	vld [tilespmem:s30+$0x2390]  }
0x190: {  	v1 =	vmax.f32 v1, v3;
	v3 =	vld [tilespmem:s30+$0x2410]  }
0x191: {  	v1 =	vmax.f32 v1, v4;
	v4 =	vld [tilespmem:s30+$0x2490]  }
0x192: {  	v1 =	vmax.f32 v1, v5;
	v5 =	vld [tilespmem:s30+$0x2510]  }
0x193: {  	v1 =	vmax.f32 v1, v6;
	v6 =	vld [tilespmem:s30+$0x2590]  }
0x194: {  	v1 =	vmax.f32 v1, v2;
	v2 =	vld [tilespmem:s30+$0x2610]  }
0x195: {  	v1 =	vmax.f32 v1, v3;
	v3 =	vld [tilespmem:s30+$0x2690]  }
0x196: {  	v1 =	vmax.f32 v1, v4;
	v4 =	vld [tilespmem:s30+$0x2710]  }
0x197: {  	v1 =	vmax.f32 v1, v5;
	v5 =	vld [tilespmem:s30+$0x2790]  }
0x198: {  	v1 =	vmax.f32 v1, v6;
	v6 =	vld [tilespmem:s30+$0x2810]  }
0x199: {  	v1 =	vmax.f32 v1, v2;
	v2 =	vld [tilespmem:s30+$0x2890]  }
0x19a: {  	v1 =	vmax.f32 v1, v3  }
0x19b: {  	v1 =	vmax.f32 v1, v4  }
0x19c: {  	v1 =	vmax.f32 v1, v5  }
0x19d: {  	v1 =	vmax.f32 v1, v6  }
0x19e: {  	v1 =	vmax.f32 v1, v2  }
0x19f: {  	[tilespmem:v0+s31+$0x10 ss:$0x1] =	vst.idx.msk $0xffff, v1  }
0x1a0: {  	v1 =	vld [tilespmem:s30+$0x1920]  }
0x1a1: {  	v2 =	vld [tilespmem:s30+$0x19A0]  }
0x1a2: {  	v3 =	vld [tilespmem:s30+$0x1A20]  }
0x1a3: {  	v4 =	vld [tilespmem:s30+$0x1AA0]  }
0x1a4: {  	v5 =	vld [tilespmem:s30+$0x1B20]  }
0x1a5: {  	v6 =	vld [tilespmem:s30+$0x1BA0]  }
0x1a6: {  	v1 =	vmax.f32 v1, v2;
	v2 =	vld [tilespmem:s30+$0x1C20]  }
0x1a7: {  	v1 =	vmax.f32 v1, v3;
	v3 =	vld [tilespmem:s30+$0x1CA0]  }
0x1a8: {  	v1 =	vmax.f32 v1, v4;
	v4 =	vld [tilespmem:s30+$0x1D20]  }
0x1a9: {  	v1 =	vmax.f32 v1, v5;
	v5 =	vld [tilespmem:s30+$0x1DA0]  }
0x1aa: {  	v1 =	vmax.f32 v1, v6;
	v6 =	vld [tilespmem:s30+$0x1E20]  }
0x1ab: {  	v1 =	vmax.f32 v1, v2;
	v2 =	vld [tilespmem:s30+$0x1EA0]  }
0x1ac: {  	v1 =	vmax.f32 v1, v3;
	v3 =	vld [tilespmem:s30+$0x1F20]  }
0x1ad: {  	v1 =	vmax.f32 v1, v4;
	v4 =	vld [tilespmem:s30+$0x1FA0]  }
0x1ae: {  	v1 =	vmax.f32 v1, v5;
	v5 =	vld [tilespmem:s30+$0x2020]  }
0x1af: {  	v1 =	vmax.f32 v1, v6;
	v6 =	vld [tilespmem:s30+$0x20A0]  }
0x1b0: {  	v1 =	vmax.f32 v1, v2;
	v2 =	vld [tilespmem:s30+$0x2120]  }
0x1b1: {  	v1 =	vmax.f32 v1, v3;
	v3 =	vld [tilespmem:s30+$0x21A0]  }
0x1b2: {  	v1 =	vmax.f32 v1, v4;
	v4 =	vld [tilespmem:s30+$0x2220]  }
0x1b3: {  	v1 =	vmax.f32 v1, v5;
	v5 =	vld [tilespmem:s30+$0x22A0]  }
0x1b4: {  	v1 =	vmax.f32 v1, v6;
	v6 =	vld [tilespmem:s30+$0x2320]  }
0x1b5: {  	v1 =	vmax.f32 v1, v2;
	v2 =	vld [tilespmem:s30+$0x23A0]  }
0x1b6: {  	v1 =	vmax.f32 v1, v3;
	v3 =	vld [tilespmem:s30+$0x2420]  }
0x1b7: {  	v1 =	vmax.f32 v1, v4;
	v4 =	vld [tilespmem:s30+$0x24A0]  }
0x1b8: {  	v1 =	vmax.f32 v1, v5;
	v5 =	vld [tilespmem:s30+$0x2520]  }
0x1b9: {  	v1 =	vmax.f32 v1, v6;
	v6 =	vld [tilespmem:s30+$0x25A0]  }
0x1ba: {  	v1 =	vmax.f32 v1, v2;
	v2 =	vld [tilespmem:s30+$0x2620]  }
0x1bb: {  	v1 =	vmax.f32 v1, v3;
	v3 =	vld [tilespmem:s30+$0x26A0]  }
0x1bc: {  	v1 =	vmax.f32 v1, v4;
	v4 =	vld [tilespmem:s30+$0x2720]  }
0x1bd: {  	v1 =	vmax.f32 v1, v5;
	v5 =	vld [tilespmem:s30+$0x27A0]  }
0x1be: {  	v1 =	vmax.f32 v1, v6;
	v6 =	vld [tilespmem:s30+$0x2820]  }
0x1bf: {  	v1 =	vmax.f32 v1, v2;
	v2 =	vld [tilespmem:s30+$0x28A0]  }
0x1c0: {  	v1 =	vmax.f32 v1, v3  }
0x1c1: {  	v1 =	vmax.f32 v1, v4  }
0x1c2: {  	v1 =	vmax.f32 v1, v5  }
0x1c3: {  	v1 =	vmax.f32 v1, v6  }
0x1c4: {  	v1 =	vmax.f32 v1, v2  }
0x1c5: {  	[tilespmem:v0+s31+$0x20 ss:$0x1] =	vst.idx.msk $0xffff, v1  }
0x1c6: {  	v1 =	vld [tilespmem:s30+$0x1930]  }
0x1c7: {  	v2 =	vld [tilespmem:s30+$0x19B0]  }
0x1c8: {  	v3 =	vld [tilespmem:s30+$0x1A30]  }
0x1c9: {  	v4 =	vld [tilespmem:s30+$0x1AB0]  }
0x1ca: {  	v5 =	vld [tilespmem:s30+$0x1B30]  }
0x1cb: {  	v6 =	vld [tilespmem:s30+$0x1BB0]  }
0x1cc: {  	v1 =	vmax.f32 v1, v2;
	v2 =	vld [tilespmem:s30+$0x1C30]  }
0x1cd: {  	v1 =	vmax.f32 v1, v3;
	v3 =	vld [tilespmem:s30+$0x1CB0]  }
0x1ce: {  	v1 =	vmax.f32 v1, v4;
	v4 =	vld [tilespmem:s30+$0x1D30]  }
0x1cf: {  	v1 =	vmax.f32 v1, v5;
	v5 =	vld [tilespmem:s30+$0x1DB0]  }
0x1d0: {  	v1 =	vmax.f32 v1, v6;
	v6 =	vld [tilespmem:s30+$0x1E30]  }
0x1d1: {  	v1 =	vmax.f32 v1, v2;
	v2 =	vld [tilespmem:s30+$0x1EB0]  }
0x1d2: {  	v1 =	vmax.f32 v1, v3;
	v3 =	vld [tilespmem:s30+$0x1F30]  }
0x1d3: {  	v1 =	vmax.f32 v1, v4;
	v4 =	vld [tilespmem:s30+$0x1FB0]  }
0x1d4: {  	v1 =	vmax.f32 v1, v5;
	v5 =	vld [tilespmem:s30+$0x2030]  }
0x1d5: {  	v1 =	vmax.f32 v1, v6;
	v6 =	vld [tilespmem:s30+$0x20B0]  }
0x1d6: {  	v1 =	vmax.f32 v1, v2;
	v2 =	vld [tilespmem:s30+$0x2130]  }
0x1d7: {  	v1 =	vmax.f32 v1, v3;
	v3 =	vld [tilespmem:s30+$0x21B0]  }
0x1d8: {  	v1 =	vmax.f32 v1, v4;
	v4 =	vld [tilespmem:s30+$0x2230]  }
0x1d9: {  	v1 =	vmax.f32 v1, v5;
	v5 =	vld [tilespmem:s30+$0x22B0]  }
0x1da: {  	v1 =	vmax.f32 v1, v6;
	v6 =	vld [tilespmem:s30+$0x2330]  }
0x1db: {  	v1 =	vmax.f32 v1, v2;
	v2 =	vld [tilespmem:s30+$0x23B0]  }
0x1dc: {  	v1 =	vmax.f32 v1, v3;
	v3 =	vld [tilespmem:s30+$0x2430]  }
0x1dd: {  	v1 =	vmax.f32 v1, v4;
	v4 =	vld [tilespmem:s30+$0x24B0]  }
0x1de: {  	v1 =	vmax.f32 v1, v5;
	v5 =	vld [tilespmem:s30+$0x2530]  }
0x1df: {  	v1 =	vmax.f32 v1, v6;
	v6 =	vld [tilespmem:s30+$0x25B0]  }
0x1e0: {  	v1 =	vmax.f32 v1, v2;
	v2 =	vld [tilespmem:s30+$0x2630]  }
0x1e1: {  	v1 =	vmax.f32 v1, v3;
	v3 =	vld [tilespmem:s30+$0x26B0]  }
0x1e2: {  	v1 =	vmax.f32 v1, v4;
	v4 =	vld [tilespmem:s30+$0x2730]  }
0x1e3: {  	v1 =	vmax.f32 v1, v5;
	v5 =	vld [tilespmem:s30+$0x27B0]  }
0x1e4: {  	v1 =	vmax.f32 v1, v6;
	v6 =	vld [tilespmem:s30+$0x2830]  }
0x1e5: {  	v1 =	vmax.f32 v1, v2;
	v2 =	vld [tilespmem:s30+$0x28B0]  }
0x1e6: {  	v1 =	vmax.f32 v1, v3  }
0x1e7: {  	v1 =	vmax.f32 v1, v4  }
0x1e8: {  	v1 =	vmax.f32 v1, v5  }
0x1e9: {  	v1 =	vmax.f32 v1, v6  }
0x1ea: {  	v1 =	vmax.f32 v1, v2  }
0x1eb: {  	[tilespmem:v0+s31+$0x30 ss:$0x1] =	vst.idx.msk $0xffff, v1  }
0x1ec: {  	v1 =	vld [tilespmem:s30+$0x1940]  }
0x1ed: {  	v2 =	vld [tilespmem:s30+$0x19C0]  }
0x1ee: {  	v3 =	vld [tilespmem:s30+$0x1A40]  }
0x1ef: {  	v4 =	vld [tilespmem:s30+$0x1AC0]  }
0x1f0: {  	v5 =	vld [tilespmem:s30+$0x1B40]  }
0x1f1: {  	v6 =	vld [tilespmem:s30+$0x1BC0]  }
0x1f2: {  	v1 =	vmax.f32 v1, v2;
	v2 =	vld [tilespmem:s30+$0x1C40]  }
0x1f3: {  	v1 =	vmax.f32 v1, v3;
	v3 =	vld [tilespmem:s30+$0x1CC0]  }
0x1f4: {  	v1 =	vmax.f32 v1, v4;
	v4 =	vld [tilespmem:s30+$0x1D40]  }
0x1f5: {  	v1 =	vmax.f32 v1, v5;
	v5 =	vld [tilespmem:s30+$0x1DC0]  }
0x1f6: {  	v1 =	vmax.f32 v1, v6;
	v6 =	vld [tilespmem:s30+$0x1E40]  }
0x1f7: {  	v1 =	vmax.f32 v1, v2;
	v2 =	vld [tilespmem:s30+$0x1EC0]  }
0x1f8: {  	v1 =	vmax.f32 v1, v3;
	v3 =	vld [tilespmem:s30+$0x1F40]  }
0x1f9: {  	v1 =	vmax.f32 v1, v4;
	v4 =	vld [tilespmem:s30+$0x1FC0]  }
0x1fa: {  	v1 =	vmax.f32 v1, v5;
	v5 =	vld [tilespmem:s30+$0x2040]  }
0x1fb: {  	v1 =	vmax.f32 v1, v6;
	v6 =	vld [tilespmem:s30+$0x20C0]  }
0x1fc: {  	v1 =	vmax.f32 v1, v2;
	v2 =	vld [tilespmem:s30+$0x2140]  }
0x1fd: {  	v1 =	vmax.f32 v1, v3;
	v3 =	vld [tilespmem:s30+$0x21C0]  }
0x1fe: {  	v1 =	vmax.f32 v1, v4;
	v4 =	vld [tilespmem:s30+$0x2240]  }
0x1ff: {  	v1 =	vmax.f32 v1, v5;
	v5 =	vld [tilespmem:s30+$0x22C0]  }
0x200: {  	v1 =	vmax.f32 v1, v6;
	v6 =	vld [tilespmem:s30+$0x2340]  }
0x201: {  	v1 =	vmax.f32 v1, v2;
	v2 =	vld [tilespmem:s30+$0x23C0]  }
0x202: {  	v1 =	vmax.f32 v1, v3;
	v3 =	vld [tilespmem:s30+$0x2440]  }
0x203: {  	v1 =	vmax.f32 v1, v4;
	v4 =	vld [tilespmem:s30+$0x24C0]  }
0x204: {  	v1 =	vmax.f32 v1, v5;
	v5 =	vld [tilespmem:s30+$0x2540]  }
0x205: {  	v1 =	vmax.f32 v1, v6;
	v6 =	vld [tilespmem:s30+$0x25C0]  }
0x206: {  	v1 =	vmax.f32 v1, v2;
	v2 =	vld [tilespmem:s30+$0x2640]  }
0x207: {  	v1 =	vmax.f32 v1, v3;
	v3 =	vld [tilespmem:s30+$0x26C0]  }
0x208: {  	v1 =	vmax.f32 v1, v4;
	v4 =	vld [tilespmem:s30+$0x2740]  }
0x209: {  	v1 =	vmax.f32 v1, v5;
	v5 =	vld [tilespmem:s30+$0x27C0]  }
0x20a: {  	v1 =	vmax.f32 v1, v6;
	v6 =	vld [tilespmem:s30+$0x2840]  }
0x20b: {  	v1 =	vmax.f32 v1, v2;
	v2 =	vld [tilespmem:s30+$0x28C0]  }
0x20c: {  	v1 =	vmax.f32 v1, v3  }
0x20d: {  	v1 =	vmax.f32 v1, v4  }
0x20e: {  	v1 =	vmax.f32 v1, v5  }
0x20f: {  	v1 =	vmax.f32 v1, v6  }
0x210: {  	v1 =	vmax.f32 v1, v2  }
0x211: {  	[tilespmem:v0+s31+$0x40 ss:$0x1] =	vst.idx.msk $0xffff, v1  }
0x212: {  	v1 =	vld [tilespmem:s30+$0x1950]  }
0x213: {  	v2 =	vld [tilespmem:s30+$0x19D0]  }
0x214: {  	v3 =	vld [tilespmem:s30+$0x1A50]  }
0x215: {  	v4 =	vld [tilespmem:s30+$0x1AD0]  }
0x216: {  	v5 =	vld [tilespmem:s30+$0x1B50]  }
0x217: {  	v6 =	vld [tilespmem:s30+$0x1BD0]  }
0x218: {  	v1 =	vmax.f32 v1, v2;
	v2 =	vld [tilespmem:s30+$0x1C50]  }
0x219: {  	v1 =	vmax.f32 v1, v3;
	v3 =	vld [tilespmem:s30+$0x1CD0]  }
0x21a: {  	v1 =	vmax.f32 v1, v4;
	v4 =	vld [tilespmem:s30+$0x1D50]  }
0x21b: {  	v1 =	vmax.f32 v1, v5;
	v5 =	vld [tilespmem:s30+$0x1DD0]  }
0x21c: {  	v1 =	vmax.f32 v1, v6;
	v6 =	vld [tilespmem:s30+$0x1E50]  }
0x21d: {  	v1 =	vmax.f32 v1, v2;
	v2 =	vld [tilespmem:s30+$0x1ED0]  }
0x21e: {  	v1 =	vmax.f32 v1, v3;
	v3 =	vld [tilespmem:s30+$0x1F50]  }
0x21f: {  	v1 =	vmax.f32 v1, v4;
	v4 =	vld [tilespmem:s30+$0x1FD0]  }
0x220: {  	v1 =	vmax.f32 v1, v5;
	v5 =	vld [tilespmem:s30+$0x2050]  }
0x221: {  	v1 =	vmax.f32 v1, v6;
	v6 =	vld [tilespmem:s30+$0x20D0]  }
0x222: {  	v1 =	vmax.f32 v1, v2;
	v2 =	vld [tilespmem:s30+$0x2150]  }
0x223: {  	v1 =	vmax.f32 v1, v3;
	v3 =	vld [tilespmem:s30+$0x21D0]  }
0x224: {  	v1 =	vmax.f32 v1, v4;
	v4 =	vld [tilespmem:s30+$0x2250]  }
0x225: {  	v1 =	vmax.f32 v1, v5;
	v5 =	vld [tilespmem:s30+$0x22D0]  }
0x226: {  	v1 =	vmax.f32 v1, v6;
	v6 =	vld [tilespmem:s30+$0x2350]  }
0x227: {  	v1 =	vmax.f32 v1, v2;
	v2 =	vld [tilespmem:s30+$0x23D0]  }
0x228: {  	v1 =	vmax.f32 v1, v3;
	v3 =	vld [tilespmem:s30+$0x2450]  }
0x229: {  	v1 =	vmax.f32 v1, v4;
	v4 =	vld [tilespmem:s30+$0x24D0]  }
0x22a: {  	v1 =	vmax.f32 v1, v5;
	v5 =	vld [tilespmem:s30+$0x2550]  }
0x22b: {  	v1 =	vmax.f32 v1, v6;
	v6 =	vld [tilespmem:s30+$0x25D0]  }
0x22c: {  	v1 =	vmax.f32 v1, v2;
	v2 =	vld [tilespmem:s30+$0x2650]  }
0x22d: {  	v1 =	vmax.f32 v1, v3;
	v3 =	vld [tilespmem:s30+$0x26D0]  }
0x22e: {  	v1 =	vmax.f32 v1, v4;
	v4 =	vld [tilespmem:s30+$0x2750]  }
0x22f: {  	v1 =	vmax.f32 v1, v5;
	v5 =	vld [tilespmem:s30+$0x27D0]  }
0x230: {  	v1 =	vmax.f32 v1, v6;
	v6 =	vld [tilespmem:s30+$0x2850]  }
0x231: {  	v1 =	vmax.f32 v1, v2;
	v2 =	vld [tilespmem:s30+$0x28D0]  }
0x232: {  	v1 =	vmax.f32 v1, v3  }
0x233: {  	v1 =	vmax.f32 v1, v4  }
0x234: {  	v1 =	vmax.f32 v1, v5  }
0x235: {  	v1 =	vmax.f32 v1, v6  }
0x236: {  	v1 =	vmax.f32 v1, v2  }
0x237: {  	[tilespmem:v0+s31+$0x50 ss:$0x1] =	vst.idx.msk $0xffff, v1  }
0x238: {  	v1 =	vld [tilespmem:s30+$0x1960]  }
0x239: {  	v2 =	vld [tilespmem:s30+$0x19E0]  }
0x23a: {  	v3 =	vld [tilespmem:s30+$0x1A60]  }
0x23b: {  	v4 =	vld [tilespmem:s30+$0x1AE0]  }
0x23c: {  	v5 =	vld [tilespmem:s30+$0x1B60]  }
0x23d: {  	v6 =	vld [tilespmem:s30+$0x1BE0]  }
0x23e: {  	v1 =	vmax.f32 v1, v2;
	v2 =	vld [tilespmem:s30+$0x1C60]  }
0x23f: {  	v1 =	vmax.f32 v1, v3;
	v3 =	vld [tilespmem:s30+$0x1CE0]  }
0x240: {  	v1 =	vmax.f32 v1, v4;
	v4 =	vld [tilespmem:s30+$0x1D60]  }
0x241: {  	v1 =	vmax.f32 v1, v5;
	v5 =	vld [tilespmem:s30+$0x1DE0]  }
0x242: {  	v1 =	vmax.f32 v1, v6;
	v6 =	vld [tilespmem:s30+$0x1E60]  }
0x243: {  	v1 =	vmax.f32 v1, v2;
	v2 =	vld [tilespmem:s30+$0x1EE0]  }
0x244: {  	v1 =	vmax.f32 v1, v3;
	v3 =	vld [tilespmem:s30+$0x1F60]  }
0x245: {  	v1 =	vmax.f32 v1, v4;
	v4 =	vld [tilespmem:s30+$0x1FE0]  }
0x246: {  	v1 =	vmax.f32 v1, v5;
	v5 =	vld [tilespmem:s30+$0x2060]  }
0x247: {  	v1 =	vmax.f32 v1, v6;
	v6 =	vld [tilespmem:s30+$0x20E0]  }
0x248: {  	v1 =	vmax.f32 v1, v2;
	v2 =	vld [tilespmem:s30+$0x2160]  }
0x249: {  	v1 =	vmax.f32 v1, v3;
	v3 =	vld [tilespmem:s30+$0x21E0]  }
0x24a: {  	v1 =	vmax.f32 v1, v4;
	v4 =	vld [tilespmem:s30+$0x2260]  }
0x24b: {  	v1 =	vmax.f32 v1, v5;
	v5 =	vld [tilespmem:s30+$0x22E0]  }
0x24c: {  	v1 =	vmax.f32 v1, v6;
	v6 =	vld [tilespmem:s30+$0x2360]  }
0x24d: {  	v1 =	vmax.f32 v1, v2;
	v2 =	vld [tilespmem:s30+$0x23E0]  }
0x24e: {  	v1 =	vmax.f32 v1, v3;
	v3 =	vld [tilespmem:s30+$0x2460]  }
0x24f: {  	v1 =	vmax.f32 v1, v4;
	v4 =	vld [tilespmem:s30+$0x24E0]  }
0x250: {  	v1 =	vmax.f32 v1, v5;
	v5 =	vld [tilespmem:s30+$0x2560]  }
0x251: {  	v1 =	vmax.f32 v1, v6;
	v6 =	vld [tilespmem:s30+$0x25E0]  }
0x252: {  	v1 =	vmax.f32 v1, v2;
	v2 =	vld [tilespmem:s30+$0x2660]  }
0x253: {  	v1 =	vmax.f32 v1, v3;
	v3 =	vld [tilespmem:s30+$0x26E0]  }
0x254: {  	v1 =	vmax.f32 v1, v4;
	v4 =	vld [tilespmem:s30+$0x2760]  }
0x255: {  	v1 =	vmax.f32 v1, v5;
	v5 =	vld [tilespmem:s30+$0x27E0]  }
0x256: {  	v1 =	vmax.f32 v1, v6;
	v6 =	vld [tilespmem:s30+$0x2860]  }
0x257: {  	v1 =	vmax.f32 v1, v2;
	v2 =	vld [tilespmem:s30+$0x28E0]  }
0x258: {  	v1 =	vmax.f32 v1, v3  }
0x259: {  	v1 =	vmax.f32 v1, v4  }
0x25a: {  	v1 =	vmax.f32 v1, v5  }
0x25b: {  	v1 =	vmax.f32 v1, v6  }
0x25c: {  	v1 =	vmax.f32 v1, v2  }
0x25d: {  	[tilespmem:v0+s31+$0x60 ss:$0x1] =	vst.idx.msk $0xffff, v1  }
0x25e: {  	v1 =	vld [tilespmem:s30+$0x1A70]  }
0x25f: {  	v2 =	vld [tilespmem:s30+$0x1970]  }
0x260: {  	v3 =	vld [tilespmem:s30+$0x19F0]  }
0x261: {  	v4 =	vld [tilespmem:s30+$0x1AF0]  }
0x262: {  	v5 =	vld [tilespmem:s30+$0x1B70]  }
0x263: {  	v6 =	vld [tilespmem:s30+$0x1BF0]  }
0x264: {  	v7 =	vld [tilespmem:s30+$0x1C70]  }
0x265: {  	v2 =	vmax.f32 v2, v3;
	v3 =	vld [tilespmem:s30+$0x1CF0]  }
0x266: {  	v1 =	vmax.f32 v2, v1;
	v2 =	vld [tilespmem:s30+$0x1D70]  }
0x267: {  	v1 =	vmax.f32 v1, v4;
	v4 =	vld [tilespmem:s30+$0x1DF0]  }
0x268: {  	v1 =	vmax.f32 v1, v5;
	v5 =	vld [tilespmem:s30+$0x1E70]  }
0x269: {  	v1 =	vmax.f32 v1, v6;
	v6 =	vld [tilespmem:s30+$0x1EF0]  }
0x26a: {  	v1 =	vmax.f32 v1, v7;
	v7 =	vld [tilespmem:s30+$0x1F70]  }
0x26b: {  	v1 =	vmax.f32 v1, v3;
	v3 =	vld [tilespmem:s30+$0x1FF0]  }
0x26c: {  	v1 =	vmax.f32 v1, v2;
	v2 =	vld [tilespmem:s30+$0x2070]  }
0x26d: {  	v1 =	vmax.f32 v1, v4;
	v4 =	vld [tilespmem:s30+$0x20F0]  }
0x26e: {  	v1 =	vmax.f32 v1, v5;
	v5 =	vld [tilespmem:s30+$0x2170]  }
0x26f: {  	v1 =	vmax.f32 v1, v6;
	v6 =	vld [tilespmem:s30+$0x21F0]  }
0x270: {  	v1 =	vmax.f32 v1, v7;
	v7 =	vld [tilespmem:s30+$0x2270]  }
0x271: {  	v1 =	vmax.f32 v1, v3;
	v3 =	vld [tilespmem:s30+$0x22F0]  }
0x272: {  	v1 =	vmax.f32 v1, v2;
	v8 =	vld [tilespmem:s30+$0x2370]  }
0x273: {  	v1 =	vmax.f32 v1, v4;
	v9 =	vld [tilespmem:s30+$0x23F0]  }
0x274: {  	v1 =	vmax.f32 v1, v5;
	v5 =	vld [tilespmem:s30+$0x2470]  }
.Ltmp0:
0x275: {  	v2 =	vmax.f32 v1, v6;
	v1 =	vld [tilespmem:s30+$0x24F0];
	(pc) =	sbr.rel @p0 .LBB2_3-.Ltmp0, $4  }
0x276: {  	v4 =	vmax.f32 v2, v7;
	v2 =	vld [tilespmem:s30+$0x2570]  }
0x277: {  	v4 =	vmax.f32 v4, v3;
	v3 =	vld [tilespmem:s30+$0x25F0]  }
0x278: {  	v6 =	vmax.f32 v4, v8;
	v4 =	vld [tilespmem:s30+$0x2670]  }
0x279: {  	v7 =	vmax.f32 v6, v9;
	v6 =	vld [tilespmem:s30+$0x26F0]  }
0x27a: {  	v5 =	vmax.f32 v7, v5  }
0x27b: {  	v7 =	vld [tilespmem:s30+$0x2770];
	v1 =	vmax.f32 v5, v1  }
0x27c: {  	v5 =	vld [tilespmem:s30+$0x27F0];
	v1 =	vmax.f32 v1, v2  }
0x27d: {  	v2 =	vld [tilespmem:s30+$0x2870];
	v1 =	vmax.f32 v1, v3  }
0x27e: {  	v3 =	vld [tilespmem:s30+$0x28F0];
	v1 =	vmax.f32 v1, v4  }
0x27f: {  	v1 =	vmax.f32 v1, v6  }
0x280: {  	v1 =	vmax.f32 v1, v7  }
0x281: {  	v1 =	vmax.f32 v1, v5  }
0x282: {  	p0 =	seq.s32 s25, $0x17;
	v1 =	vmax.f32 v1, v2  }
0x283: {  	s0 =	sshra.s32 @!p0 s26, $0x2;
	v1 =	vmax.f32 v1, v3  }
0x284: {  	s1 =	simm.s32 @!p0 $0x80;
	s0 =	sadd.s32 @!p0 $0x100, s0;
	s30 =	simm.s32 @!p0 $0x1900;
	[tilespmem:v0+s31+$0x70 ss:$0x1] =	vst.idx.msk $0xffff, v1  }
0x285: {  	[tilespmem:s30], [sflag:$0x1] =	stream.indirect.gather @!p0 [hbm4b:s4+s1], $0x80, s0, s1, $0xb8;
	[tilespmem:$0x15900] =	vst v63  }
0x286: {  	_ =	swait.ge [sflag:s21], $0x4000  }
0x287: {  	s31 =	simm.s32 $0x0;
	[sflag:s21] =	ssyncset.done $0x0  }
0x288: {  	s30 =	sand.u32 $0x3FFFF000, s31;
	[sflag:s21] =	ssyncadd.s32 $0xFFFFC000  }
0x289: {  	v0 =	vld [tilespmem:s30+$0x5900]  }
0x28a: {  	v1 =	vld [tilespmem:s30+$0x5980]  }
0x28b: {  	v2 =	vld [tilespmem:s30+$0x5A00]  }
0x28c: {  	v3 =	vld [tilespmem:s30+$0x5A80]  }
0x28d: {  	v4 =	vld [tilespmem:s30+$0x5B00]  }
0x28e: {  	v5 =	vld [tilespmem:s30+$0x5B80]  }
0x28f: {  	v0 =	vmax.f32 v0, v1;
	v1 =	vld [tilespmem:s30+$0x5C00]  }
0x290: {  	v0 =	vmax.f32 v0, v2;
	v2 =	vld [tilespmem:s30+$0x5C80]  }
0x291: {  	v0 =	vmax.f32 v0, v3;
	v3 =	vld [tilespmem:s30+$0x5D00]  }
0x292: {  	v0 =	vmax.f32 v0, v4;
	v4 =	vld [tilespmem:s30+$0x5D80]  }
0x293: {  	v0 =	vmax.f32 v0, v5;
	v5 =	vld [tilespmem:s30+$0x5E00]  }
0x294: {  	v0 =	vmax.f32 v0, v1;
	v1 =	vld [tilespmem:s30+$0x5E80]  }
0x295: {  	v0 =	vmax.f32 v0, v2;
	v2 =	vld [tilespmem:s30+$0x5F00]  }
0x296: {  	v0 =	vmax.f32 v0, v3;
	v3 =	vld [tilespmem:s30+$0x5F80]  }
0x297: {  	v0 =	vmax.f32 v0, v4;
	v4 =	vld [tilespmem:s30+$0x6000]  }
0x298: {  	v0 =	vmax.f32 v0, v5;
	v5 =	vld [tilespmem:s30+$0x6080]  }
0x299: {  	v0 =	vmax.f32 v0, v1;
	v1 =	vld [tilespmem:s30+$0x6100]  }
0x29a: {  	v0 =	vmax.f32 v0, v2;
	v2 =	vld [tilespmem:s30+$0x6180]  }
0x29b: {  	v0 =	vmax.f32 v0, v3;
	v3 =	vld [tilespmem:s30+$0x6200]  }
0x29c: {  	v0 =	vmax.f32 v0, v4;
	v4 =	vld [tilespmem:s30+$0x6280]  }
0x29d: {  	v0 =	vmax.f32 v0, v5;
	v5 =	vld [tilespmem:s30+$0x6300]  }
0x29e: {  	v0 =	vmax.f32 v0, v1;
	v1 =	vld [tilespmem:s30+$0x6380]  }
0x29f: {  	v0 =	vmax.f32 v0, v2;
	v2 =	vld [tilespmem:s30+$0x6400]  }
0x2a0: {  	v0 =	vmax.f32 v0, v3;
	v3 =	vld [tilespmem:s30+$0x6480]  }
0x2a1: {  	v0 =	vmax.f32 v0, v4;
	v4 =	vld [tilespmem:s30+$0x6500]  }
0x2a2: {  	v0 =	vmax.f32 v0, v5;
	v5 =	vld [tilespmem:s30+$0x6580]  }
0x2a3: {  	v0 =	vmax.f32 v0, v1;
	v1 =	vld [tilespmem:s30+$0x6600]  }
0x2a4: {  	v0 =	vmax.f32 v0, v2;
	v2 =	vld [tilespmem:s30+$0x6680]  }
0x2a5: {  	v0 =	vmax.f32 v0, v3;
	v3 =	vld [tilespmem:s30+$0x6700]  }
0x2a6: {  	v0 =	vmax.f32 v0, v4;
	v4 =	vld [tilespmem:s30+$0x6780]  }
0x2a7: {  	v0 =	vmax.f32 v0, v5;
	v5 =	vld [tilespmem:s30+$0x6800]  }
0x2a8: {  	s1 =	sadd.s32 $0xF900, s29;
	v6 =	vld [tilespmem:s30+$0x6880];
	v1 =	vmax.f32 v0, v1  }
0x2a9: {  	v0 =	vmov s1;
	v1 =	vmax.f32 v1, v2  }
0x2aa: {  	v1 =	vmax.f32 v1, v3  }
0x2ab: {  	v1 =	vmax.f32 v1, v4  }
0x2ac: {  	s31 =	simm.s32 $0x0;
	v1 =	vmax.f32 v1, v5  }
0x2ad: {  	s29 =	sand.u32 $0x3FFFFF80, s31;
	v1 =	vmax.f32 v1, v6  }
0x2ae: {  	[tilespmem:v0+s29+$0x0 ss:$0x1] =	vst.idx.msk $0xffff, v1  }
0x2af: {  	v1 =	vld [tilespmem:s30+$0x5910]  }
0x2b0: {  	v2 =	vld [tilespmem:s30+$0x5990]  }
0x2b1: {  	v3 =	vld [tilespmem:s30+$0x5A10]  }
0x2b2: {  	v4 =	vld [tilespmem:s30+$0x5A90]  }
0x2b3: {  	v5 =	vld [tilespmem:s30+$0x5B10]  }
0x2b4: {  	v6 =	vld [tilespmem:s30+$0x5B90]  }
0x2b5: {  	v1 =	vmax.f32 v1, v2;
	v2 =	vld [tilespmem:s30+$0x5C10]  }
0x2b6: {  	v1 =	vmax.f32 v1, v3;
	v3 =	vld [tilespmem:s30+$0x5C90]  }
0x2b7: {  	v1 =	vmax.f32 v1, v4;
	v4 =	vld [tilespmem:s30+$0x5D10]  }
0x2b8: {  	v1 =	vmax.f32 v1, v5;
	v5 =	vld [tilespmem:s30+$0x5D90]  }
0x2b9: {  	v1 =	vmax.f32 v1, v6;
	v6 =	vld [tilespmem:s30+$0x5E10]  }
0x2ba: {  	v1 =	vmax.f32 v1, v2;
	v2 =	vld [tilespmem:s30+$0x5E90]  }
0x2bb: {  	v1 =	vmax.f32 v1, v3;
	v3 =	vld [tilespmem:s30+$0x5F10]  }
0x2bc: {  	v1 =	vmax.f32 v1, v4;
	v4 =	vld [tilespmem:s30+$0x5F90]  }
0x2bd: {  	v1 =	vmax.f32 v1, v5;
	v5 =	vld [tilespmem:s30+$0x6010]  }
0x2be: {  	v1 =	vmax.f32 v1, v6;
	v6 =	vld [tilespmem:s30+$0x6090]  }
0x2bf: {  	v1 =	vmax.f32 v1, v2;
	v2 =	vld [tilespmem:s30+$0x6110]  }
0x2c0: {  	v1 =	vmax.f32 v1, v3;
	v3 =	vld [tilespmem:s30+$0x6190]  }
0x2c1: {  	v1 =	vmax.f32 v1, v4;
	v4 =	vld [tilespmem:s30+$0x6210]  }
0x2c2: {  	v1 =	vmax.f32 v1, v5;
	v5 =	vld [tilespmem:s30+$0x6290]  }
0x2c3: {  	v1 =	vmax.f32 v1, v6;
	v6 =	vld [tilespmem:s30+$0x6310]  }
0x2c4: {  	v1 =	vmax.f32 v1, v2;
	v2 =	vld [tilespmem:s30+$0x6390]  }
0x2c5: {  	v1 =	vmax.f32 v1, v3;
	v3 =	vld [tilespmem:s30+$0x6410]  }
0x2c6: {  	v1 =	vmax.f32 v1, v4;
	v4 =	vld [tilespmem:s30+$0x6490]  }
0x2c7: {  	v1 =	vmax.f32 v1, v5;
	v5 =	vld [tilespmem:s30+$0x6510]  }
0x2c8: {  	v1 =	vmax.f32 v1, v6;
	v6 =	vld [tilespmem:s30+$0x6590]  }
0x2c9: {  	v1 =	vmax.f32 v1, v2;
	v2 =	vld [tilespmem:s30+$0x6610]  }
0x2ca: {  	v1 =	vmax.f32 v1, v3;
	v3 =	vld [tilespmem:s30+$0x6690]  }
0x2cb: {  	v1 =	vmax.f32 v1, v4;
	v4 =	vld [tilespmem:s30+$0x6710]  }
0x2cc: {  	v1 =	vmax.f32 v1, v5;
	v5 =	vld [tilespmem:s30+$0x6790]  }
0x2cd: {  	v1 =	vmax.f32 v1, v6;
	v6 =	vld [tilespmem:s30+$0x6810]  }
0x2ce: {  	v1 =	vmax.f32 v1, v2;
	v2 =	vld [tilespmem:s30+$0x6890]  }
0x2cf: {  	v1 =	vmax.f32 v1, v3  }
0x2d0: {  	v1 =	vmax.f32 v1, v4  }
0x2d1: {  	v1 =	vmax.f32 v1, v5  }
0x2d2: {  	v1 =	vmax.f32 v1, v6  }
0x2d3: {  	v1 =	vmax.f32 v1, v2  }
0x2d4: {  	[tilespmem:v0+s29+$0x10 ss:$0x1] =	vst.idx.msk $0xffff, v1  }
0x2d5: {  	v1 =	vld [tilespmem:s30+$0x5920]  }
0x2d6: {  	v2 =	vld [tilespmem:s30+$0x59A0]  }
0x2d7: {  	v3 =	vld [tilespmem:s30+$0x5A20]  }
0x2d8: {  	v4 =	vld [tilespmem:s30+$0x5AA0]  }
0x2d9: {  	v5 =	vld [tilespmem:s30+$0x5B20]  }
0x2da: {  	v6 =	vld [tilespmem:s30+$0x5BA0]  }
0x2db: {  	v1 =	vmax.f32 v1, v2;
	v2 =	vld [tilespmem:s30+$0x5C20]  }
0x2dc: {  	v1 =	vmax.f32 v1, v3;
	v3 =	vld [tilespmem:s30+$0x5CA0]  }
0x2dd: {  	v1 =	vmax.f32 v1, v4;
	v4 =	vld [tilespmem:s30+$0x5D20]  }
0x2de: {  	v1 =	vmax.f32 v1, v5;
	v5 =	vld [tilespmem:s30+$0x5DA0]  }
0x2df: {  	v1 =	vmax.f32 v1, v6;
	v6 =	vld [tilespmem:s30+$0x5E20]  }
0x2e0: {  	v1 =	vmax.f32 v1, v2;
	v2 =	vld [tilespmem:s30+$0x5EA0]  }
0x2e1: {  	v1 =	vmax.f32 v1, v3;
	v3 =	vld [tilespmem:s30+$0x5F20]  }
0x2e2: {  	v1 =	vmax.f32 v1, v4;
	v4 =	vld [tilespmem:s30+$0x5FA0]  }
0x2e3: {  	v1 =	vmax.f32 v1, v5;
	v5 =	vld [tilespmem:s30+$0x6020]  }
0x2e4: {  	v1 =	vmax.f32 v1, v6;
	v6 =	vld [tilespmem:s30+$0x60A0]  }
0x2e5: {  	v1 =	vmax.f32 v1, v2;
	v2 =	vld [tilespmem:s30+$0x6120]  }
0x2e6: {  	v1 =	vmax.f32 v1, v3;
	v3 =	vld [tilespmem:s30+$0x61A0]  }
0x2e7: {  	v1 =	vmax.f32 v1, v4;
	v4 =	vld [tilespmem:s30+$0x6220]  }
0x2e8: {  	v1 =	vmax.f32 v1, v5;
	v5 =	vld [tilespmem:s30+$0x62A0]  }
0x2e9: {  	v1 =	vmax.f32 v1, v6;
	v6 =	vld [tilespmem:s30+$0x6320]  }
0x2ea: {  	v1 =	vmax.f32 v1, v2;
	v2 =	vld [tilespmem:s30+$0x63A0]  }
0x2eb: {  	v1 =	vmax.f32 v1, v3;
	v3 =	vld [tilespmem:s30+$0x6420]  }
0x2ec: {  	v1 =	vmax.f32 v1, v4;
	v4 =	vld [tilespmem:s30+$0x64A0]  }
0x2ed: {  	v1 =	vmax.f32 v1, v5;
	v5 =	vld [tilespmem:s30+$0x6520]  }
0x2ee: {  	v1 =	vmax.f32 v1, v6;
	v6 =	vld [tilespmem:s30+$0x65A0]  }
0x2ef: {  	v1 =	vmax.f32 v1, v2;
	v2 =	vld [tilespmem:s30+$0x6620]  }
0x2f0: {  	v1 =	vmax.f32 v1, v3;
	v3 =	vld [tilespmem:s30+$0x66A0]  }
0x2f1: {  	v1 =	vmax.f32 v1, v4;
	v4 =	vld [tilespmem:s30+$0x6720]  }
0x2f2: {  	v1 =	vmax.f32 v1, v5;
	v5 =	vld [tilespmem:s30+$0x67A0]  }
0x2f3: {  	v1 =	vmax.f32 v1, v6;
	v6 =	vld [tilespmem:s30+$0x6820]  }
0x2f4: {  	v1 =	vmax.f32 v1, v2;
	v2 =	vld [tilespmem:s30+$0x68A0]  }
0x2f5: {  	v1 =	vmax.f32 v1, v3  }
0x2f6: {  	v1 =	vmax.f32 v1, v4  }
0x2f7: {  	v1 =	vmax.f32 v1, v5  }
0x2f8: {  	v1 =	vmax.f32 v1, v6  }
0x2f9: {  	v1 =	vmax.f32 v1, v2  }
0x2fa: {  	[tilespmem:v0+s29+$0x20 ss:$0x1] =	vst.idx.msk $0xffff, v1  }
0x2fb: {  	v1 =	vld [tilespmem:s30+$0x5930]  }
0x2fc: {  	v2 =	vld [tilespmem:s30+$0x59B0]  }
0x2fd: {  	v3 =	vld [tilespmem:s30+$0x5A30]  }
0x2fe: {  	v4 =	vld [tilespmem:s30+$0x5AB0]  }
0x2ff: {  	v5 =	vld [tilespmem:s30+$0x5B30]  }
0x300: {  	v6 =	vld [tilespmem:s30+$0x5BB0]  }
0x301: {  	v1 =	vmax.f32 v1, v2;
	v2 =	vld [tilespmem:s30+$0x5C30]  }
0x302: {  	v1 =	vmax.f32 v1, v3;
	v3 =	vld [tilespmem:s30+$0x5CB0]  }
0x303: {  	v1 =	vmax.f32 v1, v4;
	v4 =	vld [tilespmem:s30+$0x5D30]  }
0x304: {  	v1 =	vmax.f32 v1, v5;
	v5 =	vld [tilespmem:s30+$0x5DB0]  }
0x305: {  	v1 =	vmax.f32 v1, v6;
	v6 =	vld [tilespmem:s30+$0x5E30]  }
0x306: {  	v1 =	vmax.f32 v1, v2;
	v2 =	vld [tilespmem:s30+$0x5EB0]  }
0x307: {  	v1 =	vmax.f32 v1, v3;
	v3 =	vld [tilespmem:s30+$0x5F30]  }
0x308: {  	v1 =	vmax.f32 v1, v4;
	v4 =	vld [tilespmem:s30+$0x5FB0]  }
0x309: {  	v1 =	vmax.f32 v1, v5;
	v5 =	vld [tilespmem:s30+$0x6030]  }
0x30a: {  	v1 =	vmax.f32 v1, v6;
	v6 =	vld [tilespmem:s30+$0x60B0]  }
0x30b: {  	v1 =	vmax.f32 v1, v2;
	v2 =	vld [tilespmem:s30+$0x6130]  }
0x30c: {  	v1 =	vmax.f32 v1, v3;
	v3 =	vld [tilespmem:s30+$0x61B0]  }
0x30d: {  	v1 =	vmax.f32 v1, v4;
	v4 =	vld [tilespmem:s30+$0x6230]  }
0x30e: {  	v1 =	vmax.f32 v1, v5;
	v5 =	vld [tilespmem:s30+$0x62B0]  }
0x30f: {  	v1 =	vmax.f32 v1, v6;
	v6 =	vld [tilespmem:s30+$0x6330]  }
0x310: {  	v1 =	vmax.f32 v1, v2;
	v2 =	vld [tilespmem:s30+$0x63B0]  }
0x311: {  	v1 =	vmax.f32 v1, v3;
	v3 =	vld [tilespmem:s30+$0x6430]  }
0x312: {  	v1 =	vmax.f32 v1, v4;
	v4 =	vld [tilespmem:s30+$0x64B0]  }
0x313: {  	v1 =	vmax.f32 v1, v5;
	v5 =	vld [tilespmem:s30+$0x6530]  }
0x314: {  	v1 =	vmax.f32 v1, v6;
	v6 =	vld [tilespmem:s30+$0x65B0]  }
0x315: {  	v1 =	vmax.f32 v1, v2;
	v2 =	vld [tilespmem:s30+$0x6630]  }
0x316: {  	v1 =	vmax.f32 v1, v3;
	v3 =	vld [tilespmem:s30+$0x66B0]  }
0x317: {  	v1 =	vmax.f32 v1, v4;
	v4 =	vld [tilespmem:s30+$0x6730]  }
0x318: {  	v1 =	vmax.f32 v1, v5;
	v5 =	vld [tilespmem:s30+$0x67B0]  }
0x319: {  	v1 =	vmax.f32 v1, v6;
	v6 =	vld [tilespmem:s30+$0x6830]  }
0x31a: {  	v1 =	vmax.f32 v1, v2;
	v2 =	vld [tilespmem:s30+$0x68B0]  }
0x31b: {  	v1 =	vmax.f32 v1, v3  }
0x31c: {  	v1 =	vmax.f32 v1, v4  }
0x31d: {  	v1 =	vmax.f32 v1, v5  }
0x31e: {  	v1 =	vmax.f32 v1, v6  }
0x31f: {  	v1 =	vmax.f32 v1, v2  }
0x320: {  	[tilespmem:v0+s29+$0x30 ss:$0x1] =	vst.idx.msk $0xffff, v1  }
0x321: {  	v1 =	vld [tilespmem:s30+$0x5940]  }
0x322: {  	v2 =	vld [tilespmem:s30+$0x59C0]  }
0x323: {  	v3 =	vld [tilespmem:s30+$0x5A40]  }
0x324: {  	v4 =	vld [tilespmem:s30+$0x5AC0]  }
0x325: {  	v5 =	vld [tilespmem:s30+$0x5B40]  }
0x326: {  	v6 =	vld [tilespmem:s30+$0x5BC0]  }
0x327: {  	v1 =	vmax.f32 v1, v2;
	v2 =	vld [tilespmem:s30+$0x5C40]  }
0x328: {  	v1 =	vmax.f32 v1, v3;
	v3 =	vld [tilespmem:s30+$0x5CC0]  }
0x329: {  	v1 =	vmax.f32 v1, v4;
	v4 =	vld [tilespmem:s30+$0x5D40]  }
0x32a: {  	v1 =	vmax.f32 v1, v5;
	v5 =	vld [tilespmem:s30+$0x5DC0]  }
0x32b: {  	v1 =	vmax.f32 v1, v6;
	v6 =	vld [tilespmem:s30+$0x5E40]  }
0x32c: {  	v1 =	vmax.f32 v1, v2;
	v2 =	vld [tilespmem:s30+$0x5EC0]  }
0x32d: {  	v1 =	vmax.f32 v1, v3;
	v3 =	vld [tilespmem:s30+$0x5F40]  }
0x32e: {  	v1 =	vmax.f32 v1, v4;
	v4 =	vld [tilespmem:s30+$0x5FC0]  }
0x32f: {  	v1 =	vmax.f32 v1, v5;
	v5 =	vld [tilespmem:s30+$0x6040]  }
0x330: {  	v1 =	vmax.f32 v1, v6;
	v6 =	vld [tilespmem:s30+$0x60C0]  }
0x331: {  	v1 =	vmax.f32 v1, v2;
	v2 =	vld [tilespmem:s30+$0x6140]  }
0x332: {  	v1 =	vmax.f32 v1, v3;
	v3 =	vld [tilespmem:s30+$0x61C0]  }
0x333: {  	v1 =	vmax.f32 v1, v4;
	v4 =	vld [tilespmem:s30+$0x6240]  }
0x334: {  	v1 =	vmax.f32 v1, v5;
	v5 =	vld [tilespmem:s30+$0x62C0]  }
0x335: {  	v1 =	vmax.f32 v1, v6;
	v6 =	vld [tilespmem:s30+$0x6340]  }
0x336: {  	v1 =	vmax.f32 v1, v2;
	v2 =	vld [tilespmem:s30+$0x63C0]  }
0x337: {  	v1 =	vmax.f32 v1, v3;
	v3 =	vld [tilespmem:s30+$0x6440]  }
0x338: {  	v1 =	vmax.f32 v1, v4;
	v4 =	vld [tilespmem:s30+$0x64C0]  }
0x339: {  	v1 =	vmax.f32 v1, v5;
	v5 =	vld [tilespmem:s30+$0x6540]  }
0x33a: {  	v1 =	vmax.f32 v1, v6;
	v6 =	vld [tilespmem:s30+$0x65C0]  }
0x33b: {  	v1 =	vmax.f32 v1, v2;
	v2 =	vld [tilespmem:s30+$0x6640]  }
0x33c: {  	v1 =	vmax.f32 v1, v3;
	v3 =	vld [tilespmem:s30+$0x66C0]  }
0x33d: {  	v1 =	vmax.f32 v1, v4;
	v4 =	vld [tilespmem:s30+$0x6740]  }
0x33e: {  	v1 =	vmax.f32 v1, v5;
	v5 =	vld [tilespmem:s30+$0x67C0]  }
0x33f: {  	v1 =	vmax.f32 v1, v6;
	v6 =	vld [tilespmem:s30+$0x6840]  }
0x340: {  	v1 =	vmax.f32 v1, v2;
	v2 =	vld [tilespmem:s30+$0x68C0]  }
0x341: {  	v1 =	vmax.f32 v1, v3  }
0x342: {  	v1 =	vmax.f32 v1, v4  }
0x343: {  	v1 =	vmax.f32 v1, v5  }
0x344: {  	v1 =	vmax.f32 v1, v6  }
0x345: {  	v1 =	vmax.f32 v1, v2  }
0x346: {  	[tilespmem:v0+s29+$0x40 ss:$0x1] =	vst.idx.msk $0xffff, v1  }
0x347: {  	v1 =	vld [tilespmem:s30+$0x5950]  }
0x348: {  	v2 =	vld [tilespmem:s30+$0x59D0]  }
0x349: {  	v3 =	vld [tilespmem:s30+$0x5A50]  }
0x34a: {  	v4 =	vld [tilespmem:s30+$0x5AD0]  }
0x34b: {  	v5 =	vld [tilespmem:s30+$0x5B50]  }
0x34c: {  	v6 =	vld [tilespmem:s30+$0x5BD0]  }
0x34d: {  	v1 =	vmax.f32 v1, v2;
	v2 =	vld [tilespmem:s30+$0x5C50]  }
0x34e: {  	v1 =	vmax.f32 v1, v3;
	v3 =	vld [tilespmem:s30+$0x5CD0]  }
0x34f: {  	v1 =	vmax.f32 v1, v4;
	v4 =	vld [tilespmem:s30+$0x5D50]  }
0x350: {  	v1 =	vmax.f32 v1, v5;
	v5 =	vld [tilespmem:s30+$0x5DD0]  }
0x351: {  	v1 =	vmax.f32 v1, v6;
	v6 =	vld [tilespmem:s30+$0x5E50]  }
0x352: {  	v1 =	vmax.f32 v1, v2;
	v2 =	vld [tilespmem:s30+$0x5ED0]  }
0x353: {  	v1 =	vmax.f32 v1, v3;
	v3 =	vld [tilespmem:s30+$0x5F50]  }
0x354: {  	v1 =	vmax.f32 v1, v4;
	v4 =	vld [tilespmem:s30+$0x5FD0]  }
0x355: {  	v1 =	vmax.f32 v1, v5;
	v5 =	vld [tilespmem:s30+$0x6050]  }
0x356: {  	v1 =	vmax.f32 v1, v6;
	v6 =	vld [tilespmem:s30+$0x60D0]  }
0x357: {  	v1 =	vmax.f32 v1, v2;
	v2 =	vld [tilespmem:s30+$0x6150]  }
0x358: {  	v1 =	vmax.f32 v1, v3;
	v3 =	vld [tilespmem:s30+$0x61D0]  }
0x359: {  	v1 =	vmax.f32 v1, v4;
	v4 =	vld [tilespmem:s30+$0x6250]  }
0x35a: {  	v1 =	vmax.f32 v1, v5;
	v5 =	vld [tilespmem:s30+$0x62D0]  }
0x35b: {  	v1 =	vmax.f32 v1, v6;
	v6 =	vld [tilespmem:s30+$0x6350]  }
0x35c: {  	v1 =	vmax.f32 v1, v2;
	v2 =	vld [tilespmem:s30+$0x63D0]  }
0x35d: {  	v1 =	vmax.f32 v1, v3;
	v3 =	vld [tilespmem:s30+$0x6450]  }
0x35e: {  	v1 =	vmax.f32 v1, v4;
	v4 =	vld [tilespmem:s30+$0x64D0]  }
0x35f: {  	v1 =	vmax.f32 v1, v5;
	v5 =	vld [tilespmem:s30+$0x6550]  }
0x360: {  	v1 =	vmax.f32 v1, v6;
	v6 =	vld [tilespmem:s30+$0x65D0]  }
0x361: {  	v1 =	vmax.f32 v1, v2;
	v2 =	vld [tilespmem:s30+$0x6650]  }
0x362: {  	v1 =	vmax.f32 v1, v3;
	v3 =	vld [tilespmem:s30+$0x66D0]  }
0x363: {  	v1 =	vmax.f32 v1, v4;
	v4 =	vld [tilespmem:s30+$0x6750]  }
0x364: {  	v1 =	vmax.f32 v1, v5;
	v5 =	vld [tilespmem:s30+$0x67D0]  }
0x365: {  	v1 =	vmax.f32 v1, v6;
	v6 =	vld [tilespmem:s30+$0x6850]  }
0x366: {  	v1 =	vmax.f32 v1, v2;
	v2 =	vld [tilespmem:s30+$0x68D0]  }
0x367: {  	v1 =	vmax.f32 v1, v3  }
0x368: {  	v1 =	vmax.f32 v1, v4  }
0x369: {  	v1 =	vmax.f32 v1, v5  }
0x36a: {  	v1 =	vmax.f32 v1, v6  }
0x36b: {  	v1 =	vmax.f32 v1, v2  }
0x36c: {  	[tilespmem:v0+s29+$0x50 ss:$0x1] =	vst.idx.msk $0xffff, v1  }
0x36d: {  	v1 =	vld [tilespmem:s30+$0x5960]  }
0x36e: {  	v2 =	vld [tilespmem:s30+$0x59E0]  }
0x36f: {  	v3 =	vld [tilespmem:s30+$0x5A60]  }
0x370: {  	v4 =	vld [tilespmem:s30+$0x5AE0]  }
0x371: {  	v5 =	vld [tilespmem:s30+$0x5B60]  }
0x372: {  	v6 =	vld [tilespmem:s30+$0x5BE0]  }
0x373: {  	v1 =	vmax.f32 v1, v2;
	v2 =	vld [tilespmem:s30+$0x5C60]  }
0x374: {  	v1 =	vmax.f32 v1, v3;
	v3 =	vld [tilespmem:s30+$0x5CE0]  }
0x375: {  	v1 =	vmax.f32 v1, v4;
	v4 =	vld [tilespmem:s30+$0x5D60]  }
0x376: {  	v1 =	vmax.f32 v1, v5;
	v5 =	vld [tilespmem:s30+$0x5DE0]  }
0x377: {  	v1 =	vmax.f32 v1, v6;
	v6 =	vld [tilespmem:s30+$0x5E60]  }
0x378: {  	v1 =	vmax.f32 v1, v2;
	v2 =	vld [tilespmem:s30+$0x5EE0]  }
0x379: {  	v1 =	vmax.f32 v1, v3;
	v3 =	vld [tilespmem:s30+$0x5F60]  }
0x37a: {  	v1 =	vmax.f32 v1, v4;
	v4 =	vld [tilespmem:s30+$0x5FE0]  }
0x37b: {  	v1 =	vmax.f32 v1, v5;
	v5 =	vld [tilespmem:s30+$0x6060]  }
0x37c: {  	v1 =	vmax.f32 v1, v6;
	v6 =	vld [tilespmem:s30+$0x60E0]  }
0x37d: {  	v1 =	vmax.f32 v1, v2;
	v2 =	vld [tilespmem:s30+$0x6160]  }
0x37e: {  	v1 =	vmax.f32 v1, v3;
	v3 =	vld [tilespmem:s30+$0x61E0]  }
0x37f: {  	v1 =	vmax.f32 v1, v4;
	v4 =	vld [tilespmem:s30+$0x6260]  }
0x380: {  	v1 =	vmax.f32 v1, v5;
	v5 =	vld [tilespmem:s30+$0x62E0]  }
0x381: {  	v1 =	vmax.f32 v1, v6;
	v6 =	vld [tilespmem:s30+$0x6360]  }
0x382: {  	v1 =	vmax.f32 v1, v2;
	v2 =	vld [tilespmem:s30+$0x63E0]  }
0x383: {  	v1 =	vmax.f32 v1, v3;
	v3 =	vld [tilespmem:s30+$0x6460]  }
0x384: {  	v1 =	vmax.f32 v1, v4;
	v4 =	vld [tilespmem:s30+$0x64E0]  }
0x385: {  	v1 =	vmax.f32 v1, v5;
	v5 =	vld [tilespmem:s30+$0x6560]  }
0x386: {  	v1 =	vmax.f32 v1, v6;
	v6 =	vld [tilespmem:s30+$0x65E0]  }
0x387: {  	v1 =	vmax.f32 v1, v2;
	v2 =	vld [tilespmem:s30+$0x6660]  }
0x388: {  	v1 =	vmax.f32 v1, v3;
	v3 =	vld [tilespmem:s30+$0x66E0]  }
0x389: {  	v1 =	vmax.f32 v1, v4;
	v4 =	vld [tilespmem:s30+$0x6760]  }
0x38a: {  	v1 =	vmax.f32 v1, v5;
	v5 =	vld [tilespmem:s30+$0x67E0]  }
0x38b: {  	v1 =	vmax.f32 v1, v6;
	v6 =	vld [tilespmem:s30+$0x6860]  }
0x38c: {  	v1 =	vmax.f32 v1, v2;
	v2 =	vld [tilespmem:s30+$0x68E0]  }
0x38d: {  	v1 =	vmax.f32 v1, v3  }
0x38e: {  	v1 =	vmax.f32 v1, v4  }
0x38f: {  	v1 =	vmax.f32 v1, v5  }
0x390: {  	v1 =	vmax.f32 v1, v6  }
0x391: {  	v1 =	vmax.f32 v1, v2  }
0x392: {  	[tilespmem:v0+s29+$0x60 ss:$0x1] =	vst.idx.msk $0xffff, v1  }
0x393: {  	v1 =	vld [tilespmem:s30+$0x5A70]  }
0x394: {  	v2 =	vld [tilespmem:s30+$0x5970]  }
0x395: {  	v3 =	vld [tilespmem:s30+$0x59F0]  }
0x396: {  	v4 =	vld [tilespmem:s30+$0x5AF0]  }
0x397: {  	v5 =	vld [tilespmem:s30+$0x5B70]  }
0x398: {  	v6 =	vld [tilespmem:s30+$0x5BF0]  }
0x399: {  	v7 =	vld [tilespmem:s30+$0x5C70]  }
0x39a: {  	v8 =	vld [tilespmem:s30+$0x6370];
	v2 =	vmax.f32 v2, v3  }
0x39b: {  	v3 =	vld [tilespmem:s30+$0x5CF0];
	v1 =	vmax.f32 v2, v1  }
0x39c: {  	v2 =	vld [tilespmem:s30+$0x5D70];
	v1 =	vmax.f32 v1, v4  }
0x39d: {  	v4 =	vld [tilespmem:s30+$0x5DF0];
	v1 =	vmax.f32 v1, v5  }
0x39e: {  	v5 =	vld [tilespmem:s30+$0x5E70];
	v1 =	vmax.f32 v1, v6  }
0x39f: {  	v6 =	vld [tilespmem:s30+$0x5EF0];
	v1 =	vmax.f32 v1, v7  }
0x3a0: {  	v7 =	vld [tilespmem:s30+$0x5F70];
	v1 =	vmax.f32 v1, v3  }
0x3a1: {  	v3 =	vld [tilespmem:s30+$0x5FF0];
	v1 =	vmax.f32 v1, v2  }
0x3a2: {  	v2 =	vld [tilespmem:s30+$0x6070];
	v1 =	vmax.f32 v1, v4  }
0x3a3: {  	v4 =	vld [tilespmem:s30+$0x60F0];
	v1 =	vmax.f32 v1, v5  }
0x3a4: {  	v5 =	vld [tilespmem:s30+$0x6170];
	v1 =	vmax.f32 v1, v6  }
0x3a5: {  	v6 =	vld [tilespmem:s30+$0x61F0];
	v1 =	vmax.f32 v1, v7  }
0x3a6: {  	v7 =	vld [tilespmem:s30+$0x6270];
	v1 =	vmax.f32 v1, v3  }
0x3a7: {  	v3 =	vld [tilespmem:s30+$0x62F0];
	v1 =	vmax.f32 v1, v2  }
0x3a8: {  	v9 =	vld [tilespmem:s30+$0x63F0];
	v1 =	vmax.f32 v1, v4  }
0x3a9: {  	v1 =	vmax.f32 v1, v5;
	v5 =	vld [tilespmem:s30+$0x6470]  }
0x3aa: {  	v2 =	vmax.f32 v1, v6;
	v1 =	vld [tilespmem:s30+$0x64F0]  }
0x3ab: {  	v4 =	vmax.f32 v2, v7;
	v2 =	vld [tilespmem:s30+$0x6570]  }
0x3ac: {  	v4 =	vmax.f32 v4, v3;
	v3 =	vld [tilespmem:s30+$0x65F0]  }
0x3ad: {  	v6 =	vmax.f32 v4, v8;
	v4 =	vld [tilespmem:s30+$0x6670]  }
0x3ae: {  	s1 =	simm.s32 $0x1;
	v7 =	vmax.f32 v6, v9;
	v6 =	vld [tilespmem:s30+$0x66F0]  }
.LBB2_5:
0x3af: {  	p0 =	sne.s32 s1, $0x3;
	v5 =	vmax.f32 v7, v5;
	v7 =	vld [tilespmem:s30+$0x6770];
	s0 =	smov.u32 s1;
	s1 =	sadd.s32 $0x1, s1  }
0x3b0: {  	v1 =	vmax.f32 v5, v1;
	v5 =	vld [tilespmem:s30+$0x67F0]  }
0x3b1: {  	v1 =	vmax.f32 v1, v2;
	v2 =	vld [tilespmem:s30+$0x6870]  }
0x3b2: {  	v1 =	vmax.f32 v1, v3;
	v3 =	vld [tilespmem:s30+$0x68F0]  }
0x3b3: {  	v1 =	vmax.f32 v1, v4  }
0x3b4: {  	v1 =	vmax.f32 v1, v6  }
0x3b5: {  	v1 =	vmax.f32 v1, v7  }
0x3b6: {  	v1 =	vmax.f32 v1, v5  }
0x3b7: {  	s30 =	sshll.u32 s0, $0xC;
	v1 =	vmax.f32 v1, v2  }
0x3b8: {  	s30 =	sand.u32 $0x3FFFF000, s30;
	v1 =	vmax.f32 v1, v3  }
0x3b9: {  	[tilespmem:v0+s29+$0x70 ss:$0x1] =	vst.idx.msk $0xffff, v1  }
0x3ba: {  	v1 =	vld [tilespmem:s30+$0x5900]  }
0x3bb: {  	v2 =	vld [tilespmem:s30+$0x5980]  }
0x3bc: {  	v3 =	vld [tilespmem:s30+$0x5A00]  }
0x3bd: {  	v4 =	vld [tilespmem:s30+$0x5A80]  }
0x3be: {  	v5 =	vld [tilespmem:s30+$0x5B00]  }
0x3bf: {  	v6 =	vld [tilespmem:s30+$0x5B80]  }
0x3c0: {  	v1 =	vmax.f32 v1, v2;
	v2 =	vld [tilespmem:s30+$0x5C00]  }
0x3c1: {  	v1 =	vmax.f32 v1, v3;
	v3 =	vld [tilespmem:s30+$0x5C80]  }
0x3c2: {  	v1 =	vmax.f32 v1, v4;
	v4 =	vld [tilespmem:s30+$0x5D00]  }
0x3c3: {  	v1 =	vmax.f32 v1, v5;
	v5 =	vld [tilespmem:s30+$0x5D80]  }
0x3c4: {  	v1 =	vmax.f32 v1, v6;
	v6 =	vld [tilespmem:s30+$0x5E00]  }
0x3c5: {  	v1 =	vmax.f32 v1, v2;
	v2 =	vld [tilespmem:s30+$0x5E80]  }
0x3c6: {  	v1 =	vmax.f32 v1, v3;
	v3 =	vld [tilespmem:s30+$0x5F00]  }
0x3c7: {  	v1 =	vmax.f32 v1, v4;
	v4 =	vld [tilespmem:s30+$0x5F80]  }
0x3c8: {  	v1 =	vmax.f32 v1, v5;
	v5 =	vld [tilespmem:s30+$0x6000]  }
0x3c9: {  	v1 =	vmax.f32 v1, v6;
	v6 =	vld [tilespmem:s30+$0x6080]  }
0x3ca: {  	v1 =	vmax.f32 v1, v2;
	v2 =	vld [tilespmem:s30+$0x6100]  }
0x3cb: {  	v1 =	vmax.f32 v1, v3;
	v3 =	vld [tilespmem:s30+$0x6180]  }
0x3cc: {  	v1 =	vmax.f32 v1, v4;
	v4 =	vld [tilespmem:s30+$0x6200]  }
0x3cd: {  	v1 =	vmax.f32 v1, v5;
	v5 =	vld [tilespmem:s30+$0x6280]  }
0x3ce: {  	v1 =	vmax.f32 v1, v6;
	v6 =	vld [tilespmem:s30+$0x6300]  }
0x3cf: {  	v1 =	vmax.f32 v1, v2;
	v2 =	vld [tilespmem:s30+$0x6380]  }
0x3d0: {  	v1 =	vmax.f32 v1, v3;
	v3 =	vld [tilespmem:s30+$0x6400]  }
0x3d1: {  	v1 =	vmax.f32 v1, v4;
	v4 =	vld [tilespmem:s30+$0x6480]  }
0x3d2: {  	v1 =	vmax.f32 v1, v5;
	v5 =	vld [tilespmem:s30+$0x6500]  }
0x3d3: {  	v1 =	vmax.f32 v1, v6;
	v6 =	vld [tilespmem:s30+$0x6580]  }
0x3d4: {  	v1 =	vmax.f32 v1, v2;
	v2 =	vld [tilespmem:s30+$0x6600]  }
0x3d5: {  	v1 =	vmax.f32 v1, v3;
	v3 =	vld [tilespmem:s30+$0x6680]  }
0x3d6: {  	v1 =	vmax.f32 v1, v4;
	v4 =	vld [tilespmem:s30+$0x6700]  }
0x3d7: {  	v1 =	vmax.f32 v1, v5;
	v5 =	vld [tilespmem:s30+$0x6780]  }
0x3d8: {  	v1 =	vmax.f32 v1, v6;
	v6 =	vld [tilespmem:s30+$0x6800]  }
0x3d9: {  	v1 =	vmax.f32 v1, v2;
	v2 =	vld [tilespmem:s30+$0x6880]  }
0x3da: {  	v1 =	vmax.f32 v1, v3  }
0x3db: {  	v1 =	vmax.f32 v1, v4  }
0x3dc: {  	v1 =	vmax.f32 v1, v5  }
0x3dd: {  	s0 =	sshll.u32 s0, $0x7;
	v1 =	vmax.f32 v1, v6  }
0x3de: {  	s29 =	sand.u32 $0x3FFFFF80, s0;
	v1 =	vmax.f32 v1, v2  }
0x3df: {  	[tilespmem:v0+s29+$0x0 ss:$0x1] =	vst.idx.msk $0xffff, v1  }
0x3e0: {  	v1 =	vld [tilespmem:s30+$0x5910]  }
0x3e1: {  	v2 =	vld [tilespmem:s30+$0x5990]  }
0x3e2: {  	v3 =	vld [tilespmem:s30+$0x5A10]  }
0x3e3: {  	v4 =	vld [tilespmem:s30+$0x5A90]  }
0x3e4: {  	v5 =	vld [tilespmem:s30+$0x5B10]  }
0x3e5: {  	v6 =	vld [tilespmem:s30+$0x5B90]  }
0x3e6: {  	v1 =	vmax.f32 v1, v2;
	v2 =	vld [tilespmem:s30+$0x5C10]  }
0x3e7: {  	v1 =	vmax.f32 v1, v3;
	v3 =	vld [tilespmem:s30+$0x5C90]  }
0x3e8: {  	v1 =	vmax.f32 v1, v4;
	v4 =	vld [tilespmem:s30+$0x5D10]  }
0x3e9: {  	v1 =	vmax.f32 v1, v5;
	v5 =	vld [tilespmem:s30+$0x5D90]  }
0x3ea: {  	v1 =	vmax.f32 v1, v6;
	v6 =	vld [tilespmem:s30+$0x5E10]  }
0x3eb: {  	v1 =	vmax.f32 v1, v2;
	v2 =	vld [tilespmem:s30+$0x5E90]  }
0x3ec: {  	v1 =	vmax.f32 v1, v3;
	v3 =	vld [tilespmem:s30+$0x5F10]  }
0x3ed: {  	v1 =	vmax.f32 v1, v4;
	v4 =	vld [tilespmem:s30+$0x5F90]  }
0x3ee: {  	v1 =	vmax.f32 v1, v5;
	v5 =	vld [tilespmem:s30+$0x6010]  }
0x3ef: {  	v1 =	vmax.f32 v1, v6;
	v6 =	vld [tilespmem:s30+$0x6090]  }
0x3f0: {  	v1 =	vmax.f32 v1, v2;
	v2 =	vld [tilespmem:s30+$0x6110]  }
0x3f1: {  	v1 =	vmax.f32 v1, v3;
	v3 =	vld [tilespmem:s30+$0x6190]  }
0x3f2: {  	v1 =	vmax.f32 v1, v4;
	v4 =	vld [tilespmem:s30+$0x6210]  }
0x3f3: {  	v1 =	vmax.f32 v1, v5;
	v5 =	vld [tilespmem:s30+$0x6290]  }
0x3f4: {  	v1 =	vmax.f32 v1, v6;
	v6 =	vld [tilespmem:s30+$0x6310]  }
0x3f5: {  	v1 =	vmax.f32 v1, v2;
	v2 =	vld [tilespmem:s30+$0x6390]  }
0x3f6: {  	v1 =	vmax.f32 v1, v3;
	v3 =	vld [tilespmem:s30+$0x6410]  }
0x3f7: {  	v1 =	vmax.f32 v1, v4;
	v4 =	vld [tilespmem:s30+$0x6490]  }
0x3f8: {  	v1 =	vmax.f32 v1, v5;
	v5 =	vld [tilespmem:s30+$0x6510]  }
0x3f9: {  	v1 =	vmax.f32 v1, v6;
	v6 =	vld [tilespmem:s30+$0x6590]  }
0x3fa: {  	v1 =	vmax.f32 v1, v2;
	v2 =	vld [tilespmem:s30+$0x6610]  }
0x3fb: {  	v1 =	vmax.f32 v1, v3;
	v3 =	vld [tilespmem:s30+$0x6690]  }
0x3fc: {  	v1 =	vmax.f32 v1, v4;
	v4 =	vld [tilespmem:s30+$0x6710]  }
0x3fd: {  	v1 =	vmax.f32 v1, v5;
	v5 =	vld [tilespmem:s30+$0x6790]  }
0x3fe: {  	v1 =	vmax.f32 v1, v6;
	v6 =	vld [tilespmem:s30+$0x6810]  }
0x3ff: {  	v1 =	vmax.f32 v1, v2;
	v2 =	vld [tilespmem:s30+$0x6890]  }
0x400: {  	v1 =	vmax.f32 v1, v3  }
0x401: {  	v1 =	vmax.f32 v1, v4  }
0x402: {  	v1 =	vmax.f32 v1, v5  }
0x403: {  	v1 =	vmax.f32 v1, v6  }
0x404: {  	v1 =	vmax.f32 v1, v2  }
0x405: {  	[tilespmem:v0+s29+$0x10 ss:$0x1] =	vst.idx.msk $0xffff, v1  }
0x406: {  	v1 =	vld [tilespmem:s30+$0x5920]  }
0x407: {  	v2 =	vld [tilespmem:s30+$0x59A0]  }
0x408: {  	v3 =	vld [tilespmem:s30+$0x5A20]  }
0x409: {  	v4 =	vld [tilespmem:s30+$0x5AA0]  }
0x40a: {  	v5 =	vld [tilespmem:s30+$0x5B20]  }
0x40b: {  	v6 =	vld [tilespmem:s30+$0x5BA0]  }
0x40c: {  	v1 =	vmax.f32 v1, v2;
	v2 =	vld [tilespmem:s30+$0x5C20]  }
0x40d: {  	v1 =	vmax.f32 v1, v3;
	v3 =	vld [tilespmem:s30+$0x5CA0]  }
0x40e: {  	v1 =	vmax.f32 v1, v4;
	v4 =	vld [tilespmem:s30+$0x5D20]  }
0x40f: {  	v1 =	vmax.f32 v1, v5;
	v5 =	vld [tilespmem:s30+$0x5DA0]  }
0x410: {  	v1 =	vmax.f32 v1, v6;
	v6 =	vld [tilespmem:s30+$0x5E20]  }
0x411: {  	v1 =	vmax.f32 v1, v2;
	v2 =	vld [tilespmem:s30+$0x5EA0]  }
0x412: {  	v1 =	vmax.f32 v1, v3;
	v3 =	vld [tilespmem:s30+$0x5F20]  }
0x413: {  	v1 =	vmax.f32 v1, v4;
	v4 =	vld [tilespmem:s30+$0x5FA0]  }
0x414: {  	v1 =	vmax.f32 v1, v5;
	v5 =	vld [tilespmem:s30+$0x6020]  }
0x415: {  	v1 =	vmax.f32 v1, v6;
	v6 =	vld [tilespmem:s30+$0x60A0]  }
0x416: {  	v1 =	vmax.f32 v1, v2;
	v2 =	vld [tilespmem:s30+$0x6120]  }
0x417: {  	v1 =	vmax.f32 v1, v3;
	v3 =	vld [tilespmem:s30+$0x61A0]  }
0x418: {  	v1 =	vmax.f32 v1, v4;
	v4 =	vld [tilespmem:s30+$0x6220]  }
0x419: {  	v1 =	vmax.f32 v1, v5;
	v5 =	vld [tilespmem:s30+$0x62A0]  }
0x41a: {  	v1 =	vmax.f32 v1, v6;
	v6 =	vld [tilespmem:s30+$0x6320]  }
0x41b: {  	v1 =	vmax.f32 v1, v2;
	v2 =	vld [tilespmem:s30+$0x63A0]  }
0x41c: {  	v1 =	vmax.f32 v1, v3;
	v3 =	vld [tilespmem:s30+$0x6420]  }
0x41d: {  	v1 =	vmax.f32 v1, v4;
	v4 =	vld [tilespmem:s30+$0x64A0]  }
0x41e: {  	v1 =	vmax.f32 v1, v5;
	v5 =	vld [tilespmem:s30+$0x6520]  }
0x41f: {  	v1 =	vmax.f32 v1, v6;
	v6 =	vld [tilespmem:s30+$0x65A0]  }
0x420: {  	v1 =	vmax.f32 v1, v2;
	v2 =	vld [tilespmem:s30+$0x6620]  }
0x421: {  	v1 =	vmax.f32 v1, v3;
	v3 =	vld [tilespmem:s30+$0x66A0]  }
0x422: {  	v1 =	vmax.f32 v1, v4;
	v4 =	vld [tilespmem:s30+$0x6720]  }
0x423: {  	v1 =	vmax.f32 v1, v5;
	v5 =	vld [tilespmem:s30+$0x67A0]  }
0x424: {  	v1 =	vmax.f32 v1, v6;
	v6 =	vld [tilespmem:s30+$0x6820]  }
0x425: {  	v1 =	vmax.f32 v1, v2;
	v2 =	vld [tilespmem:s30+$0x68A0]  }
0x426: {  	v1 =	vmax.f32 v1, v3  }
0x427: {  	v1 =	vmax.f32 v1, v4  }
0x428: {  	v1 =	vmax.f32 v1, v5  }
0x429: {  	v1 =	vmax.f32 v1, v6  }
0x42a: {  	v1 =	vmax.f32 v1, v2  }
0x42b: {  	[tilespmem:v0+s29+$0x20 ss:$0x1] =	vst.idx.msk $0xffff, v1  }
0x42c: {  	v1 =	vld [tilespmem:s30+$0x5930]  }
0x42d: {  	v2 =	vld [tilespmem:s30+$0x59B0]  }
0x42e: {  	v3 =	vld [tilespmem:s30+$0x5A30]  }
0x42f: {  	v4 =	vld [tilespmem:s30+$0x5AB0]  }
0x430: {  	v5 =	vld [tilespmem:s30+$0x5B30]  }
0x431: {  	v6 =	vld [tilespmem:s30+$0x5BB0]  }
0x432: {  	v1 =	vmax.f32 v1, v2;
	v2 =	vld [tilespmem:s30+$0x5C30]  }
0x433: {  	v1 =	vmax.f32 v1, v3;
	v3 =	vld [tilespmem:s30+$0x5CB0]  }
0x434: {  	v1 =	vmax.f32 v1, v4;
	v4 =	vld [tilespmem:s30+$0x5D30]  }
0x435: {  	v1 =	vmax.f32 v1, v5;
	v5 =	vld [tilespmem:s30+$0x5DB0]  }
0x436: {  	v1 =	vmax.f32 v1, v6;
	v6 =	vld [tilespmem:s30+$0x5E30]  }
0x437: {  	v1 =	vmax.f32 v1, v2;
	v2 =	vld [tilespmem:s30+$0x5EB0]  }
0x438: {  	v1 =	vmax.f32 v1, v3;
	v3 =	vld [tilespmem:s30+$0x5F30]  }
0x439: {  	v1 =	vmax.f32 v1, v4;
	v4 =	vld [tilespmem:s30+$0x5FB0]  }
0x43a: {  	v1 =	vmax.f32 v1, v5;
	v5 =	vld [tilespmem:s30+$0x6030]  }
0x43b: {  	v1 =	vmax.f32 v1, v6;
	v6 =	vld [tilespmem:s30+$0x60B0]  }
0x43c: {  	v1 =	vmax.f32 v1, v2;
	v2 =	vld [tilespmem:s30+$0x6130]  }
0x43d: {  	v1 =	vmax.f32 v1, v3;
	v3 =	vld [tilespmem:s30+$0x61B0]  }
0x43e: {  	v1 =	vmax.f32 v1, v4;
	v4 =	vld [tilespmem:s30+$0x6230]  }
0x43f: {  	v1 =	vmax.f32 v1, v5;
	v5 =	vld [tilespmem:s30+$0x62B0]  }
0x440: {  	v1 =	vmax.f32 v1, v6;
	v6 =	vld [tilespmem:s30+$0x6330]  }
0x441: {  	v1 =	vmax.f32 v1, v2;
	v2 =	vld [tilespmem:s30+$0x63B0]  }
0x442: {  	v1 =	vmax.f32 v1, v3;
	v3 =	vld [tilespmem:s30+$0x6430]  }
0x443: {  	v1 =	vmax.f32 v1, v4;
	v4 =	vld [tilespmem:s30+$0x64B0]  }
0x444: {  	v1 =	vmax.f32 v1, v5;
	v5 =	vld [tilespmem:s30+$0x6530]  }
0x445: {  	v1 =	vmax.f32 v1, v6;
	v6 =	vld [tilespmem:s30+$0x65B0]  }
0x446: {  	v1 =	vmax.f32 v1, v2;
	v2 =	vld [tilespmem:s30+$0x6630]  }
0x447: {  	v1 =	vmax.f32 v1, v3;
	v3 =	vld [tilespmem:s30+$0x66B0]  }
0x448: {  	v1 =	vmax.f32 v1, v4;
	v4 =	vld [tilespmem:s30+$0x6730]  }
0x449: {  	v1 =	vmax.f32 v1, v5;
	v5 =	vld [tilespmem:s30+$0x67B0]  }
0x44a: {  	v1 =	vmax.f32 v1, v6;
	v6 =	vld [tilespmem:s30+$0x6830]  }
0x44b: {  	v1 =	vmax.f32 v1, v2;
	v2 =	vld [tilespmem:s30+$0x68B0]  }
0x44c: {  	v1 =	vmax.f32 v1, v3  }
0x44d: {  	v1 =	vmax.f32 v1, v4  }
0x44e: {  	v1 =	vmax.f32 v1, v5  }
0x44f: {  	v1 =	vmax.f32 v1, v6  }
0x450: {  	v1 =	vmax.f32 v1, v2  }
0x451: {  	[tilespmem:v0+s29+$0x30 ss:$0x1] =	vst.idx.msk $0xffff, v1  }
0x452: {  	v1 =	vld [tilespmem:s30+$0x5940]  }
0x453: {  	v2 =	vld [tilespmem:s30+$0x59C0]  }
0x454: {  	v3 =	vld [tilespmem:s30+$0x5A40]  }
0x455: {  	v4 =	vld [tilespmem:s30+$0x5AC0]  }
0x456: {  	v5 =	vld [tilespmem:s30+$0x5B40]  }
0x457: {  	v6 =	vld [tilespmem:s30+$0x5BC0]  }
0x458: {  	v1 =	vmax.f32 v1, v2;
	v2 =	vld [tilespmem:s30+$0x5C40]  }
0x459: {  	v1 =	vmax.f32 v1, v3;
	v3 =	vld [tilespmem:s30+$0x5CC0]  }
0x45a: {  	v1 =	vmax.f32 v1, v4;
	v4 =	vld [tilespmem:s30+$0x5D40]  }
0x45b: {  	v1 =	vmax.f32 v1, v5;
	v5 =	vld [tilespmem:s30+$0x5DC0]  }
0x45c: {  	v1 =	vmax.f32 v1, v6;
	v6 =	vld [tilespmem:s30+$0x5E40]  }
0x45d: {  	v1 =	vmax.f32 v1, v2;
	v2 =	vld [tilespmem:s30+$0x5EC0]  }
0x45e: {  	v1 =	vmax.f32 v1, v3;
	v3 =	vld [tilespmem:s30+$0x5F40]  }
0x45f: {  	v1 =	vmax.f32 v1, v4;
	v4 =	vld [tilespmem:s30+$0x5FC0]  }
0x460: {  	v1 =	vmax.f32 v1, v5;
	v5 =	vld [tilespmem:s30+$0x6040]  }
0x461: {  	v1 =	vmax.f32 v1, v6;
	v6 =	vld [tilespmem:s30+$0x60C0]  }
0x462: {  	v1 =	vmax.f32 v1, v2;
	v2 =	vld [tilespmem:s30+$0x6140]  }
0x463: {  	v1 =	vmax.f32 v1, v3;
	v3 =	vld [tilespmem:s30+$0x61C0]  }
0x464: {  	v1 =	vmax.f32 v1, v4;
	v4 =	vld [tilespmem:s30+$0x6240]  }
0x465: {  	v1 =	vmax.f32 v1, v5;
	v5 =	vld [tilespmem:s30+$0x62C0]  }
0x466: {  	v1 =	vmax.f32 v1, v6;
	v6 =	vld [tilespmem:s30+$0x6340]  }
0x467: {  	v1 =	vmax.f32 v1, v2;
	v2 =	vld [tilespmem:s30+$0x63C0]  }
0x468: {  	v1 =	vmax.f32 v1, v3;
	v3 =	vld [tilespmem:s30+$0x6440]  }
0x469: {  	v1 =	vmax.f32 v1, v4;
	v4 =	vld [tilespmem:s30+$0x64C0]  }
0x46a: {  	v1 =	vmax.f32 v1, v5;
	v5 =	vld [tilespmem:s30+$0x6540]  }
0x46b: {  	v1 =	vmax.f32 v1, v6;
	v6 =	vld [tilespmem:s30+$0x65C0]  }
0x46c: {  	v1 =	vmax.f32 v1, v2;
	v2 =	vld [tilespmem:s30+$0x6640]  }
0x46d: {  	v1 =	vmax.f32 v1, v3;
	v3 =	vld [tilespmem:s30+$0x66C0]  }
0x46e: {  	v1 =	vmax.f32 v1, v4;
	v4 =	vld [tilespmem:s30+$0x6740]  }
0x46f: {  	v1 =	vmax.f32 v1, v5;
	v5 =	vld [tilespmem:s30+$0x67C0]  }
0x470: {  	v1 =	vmax.f32 v1, v6;
	v6 =	vld [tilespmem:s30+$0x6840]  }
0x471: {  	v1 =	vmax.f32 v1, v2;
	v2 =	vld [tilespmem:s30+$0x68C0]  }
0x472: {  	v1 =	vmax.f32 v1, v3  }
0x473: {  	v1 =	vmax.f32 v1, v4  }
0x474: {  	v1 =	vmax.f32 v1, v5  }
0x475: {  	v1 =	vmax.f32 v1, v6  }
0x476: {  	v1 =	vmax.f32 v1, v2  }
0x477: {  	[tilespmem:v0+s29+$0x40 ss:$0x1] =	vst.idx.msk $0xffff, v1  }
0x478: {  	v1 =	vld [tilespmem:s30+$0x5950]  }
0x479: {  	v2 =	vld [tilespmem:s30+$0x59D0]  }
0x47a: {  	v3 =	vld [tilespmem:s30+$0x5A50]  }
0x47b: {  	v4 =	vld [tilespmem:s30+$0x5AD0]  }
0x47c: {  	v5 =	vld [tilespmem:s30+$0x5B50]  }
0x47d: {  	v6 =	vld [tilespmem:s30+$0x5BD0]  }
0x47e: {  	v1 =	vmax.f32 v1, v2;
	v2 =	vld [tilespmem:s30+$0x5C50]  }
0x47f: {  	v1 =	vmax.f32 v1, v3;
	v3 =	vld [tilespmem:s30+$0x5CD0]  }
0x480: {  	v1 =	vmax.f32 v1, v4;
	v4 =	vld [tilespmem:s30+$0x5D50]  }
0x481: {  	v1 =	vmax.f32 v1, v5;
	v5 =	vld [tilespmem:s30+$0x5DD0]  }
0x482: {  	v1 =	vmax.f32 v1, v6;
	v6 =	vld [tilespmem:s30+$0x5E50]  }
0x483: {  	v1 =	vmax.f32 v1, v2;
	v2 =	vld [tilespmem:s30+$0x5ED0]  }
0x484: {  	v1 =	vmax.f32 v1, v3;
	v3 =	vld [tilespmem:s30+$0x5F50]  }
0x485: {  	v1 =	vmax.f32 v1, v4;
	v4 =	vld [tilespmem:s30+$0x5FD0]  }
0x486: {  	v1 =	vmax.f32 v1, v5;
	v5 =	vld [tilespmem:s30+$0x6050]  }
0x487: {  	v1 =	vmax.f32 v1, v6;
	v6 =	vld [tilespmem:s30+$0x60D0]  }
0x488: {  	v1 =	vmax.f32 v1, v2;
	v2 =	vld [tilespmem:s30+$0x6150]  }
0x489: {  	v1 =	vmax.f32 v1, v3;
	v3 =	vld [tilespmem:s30+$0x61D0]  }
0x48a: {  	v1 =	vmax.f32 v1, v4;
	v4 =	vld [tilespmem:s30+$0x6250]  }
0x48b: {  	v1 =	vmax.f32 v1, v5;
	v5 =	vld [tilespmem:s30+$0x62D0]  }
0x48c: {  	v1 =	vmax.f32 v1, v6;
	v6 =	vld [tilespmem:s30+$0x6350]  }
0x48d: {  	v1 =	vmax.f32 v1, v2;
	v2 =	vld [tilespmem:s30+$0x63D0]  }
0x48e: {  	v1 =	vmax.f32 v1, v3;
	v3 =	vld [tilespmem:s30+$0x6450]  }
0x48f: {  	v1 =	vmax.f32 v1, v4;
	v4 =	vld [tilespmem:s30+$0x64D0]  }
0x490: {  	v1 =	vmax.f32 v1, v5;
	v5 =	vld [tilespmem:s30+$0x6550]  }
0x491: {  	v1 =	vmax.f32 v1, v6;
	v6 =	vld [tilespmem:s30+$0x65D0]  }
0x492: {  	v1 =	vmax.f32 v1, v2;
	v2 =	vld [tilespmem:s30+$0x6650]  }
0x493: {  	v1 =	vmax.f32 v1, v3;
	v3 =	vld [tilespmem:s30+$0x66D0]  }
0x494: {  	v1 =	vmax.f32 v1, v4;
	v4 =	vld [tilespmem:s30+$0x6750]  }
0x495: {  	v1 =	vmax.f32 v1, v5;
	v5 =	vld [tilespmem:s30+$0x67D0]  }
0x496: {  	v1 =	vmax.f32 v1, v6;
	v6 =	vld [tilespmem:s30+$0x6850]  }
0x497: {  	v1 =	vmax.f32 v1, v2;
	v2 =	vld [tilespmem:s30+$0x68D0]  }
0x498: {  	v1 =	vmax.f32 v1, v3  }
0x499: {  	v1 =	vmax.f32 v1, v4  }
0x49a: {  	v1 =	vmax.f32 v1, v5  }
0x49b: {  	v1 =	vmax.f32 v1, v6  }
0x49c: {  	v1 =	vmax.f32 v1, v2  }
0x49d: {  	[tilespmem:v0+s29+$0x50 ss:$0x1] =	vst.idx.msk $0xffff, v1  }
0x49e: {  	v1 =	vld [tilespmem:s30+$0x5960]  }
0x49f: {  	v2 =	vld [tilespmem:s30+$0x59E0]  }
0x4a0: {  	v3 =	vld [tilespmem:s30+$0x5A60]  }
0x4a1: {  	v4 =	vld [tilespmem:s30+$0x5AE0]  }
0x4a2: {  	v5 =	vld [tilespmem:s30+$0x5B60]  }
0x4a3: {  	v6 =	vld [tilespmem:s30+$0x5BE0]  }
0x4a4: {  	v1 =	vmax.f32 v1, v2;
	v2 =	vld [tilespmem:s30+$0x5C60]  }
0x4a5: {  	v1 =	vmax.f32 v1, v3;
	v3 =	vld [tilespmem:s30+$0x5CE0]  }
0x4a6: {  	v1 =	vmax.f32 v1, v4;
	v4 =	vld [tilespmem:s30+$0x5D60]  }
0x4a7: {  	v1 =	vmax.f32 v1, v5;
	v5 =	vld [tilespmem:s30+$0x5DE0]  }
0x4a8: {  	v1 =	vmax.f32 v1, v6;
	v6 =	vld [tilespmem:s30+$0x5E60]  }
0x4a9: {  	v1 =	vmax.f32 v1, v2;
	v2 =	vld [tilespmem:s30+$0x5EE0]  }
0x4aa: {  	v1 =	vmax.f32 v1, v3;
	v3 =	vld [tilespmem:s30+$0x5F60]  }
0x4ab: {  	v1 =	vmax.f32 v1, v4;
	v4 =	vld [tilespmem:s30+$0x5FE0]  }
0x4ac: {  	v1 =	vmax.f32 v1, v5;
	v5 =	vld [tilespmem:s30+$0x6060]  }
0x4ad: {  	v1 =	vmax.f32 v1, v6;
	v6 =	vld [tilespmem:s30+$0x60E0]  }
0x4ae: {  	v1 =	vmax.f32 v1, v2;
	v2 =	vld [tilespmem:s30+$0x6160]  }
0x4af: {  	v1 =	vmax.f32 v1, v3;
	v3 =	vld [tilespmem:s30+$0x61E0]  }
0x4b0: {  	v1 =	vmax.f32 v1, v4;
	v4 =	vld [tilespmem:s30+$0x6260]  }
0x4b1: {  	v1 =	vmax.f32 v1, v5;
	v5 =	vld [tilespmem:s30+$0x62E0]  }
0x4b2: {  	v1 =	vmax.f32 v1, v6;
	v6 =	vld [tilespmem:s30+$0x6360]  }
0x4b3: {  	v1 =	vmax.f32 v1, v2;
	v2 =	vld [tilespmem:s30+$0x63E0]  }
0x4b4: {  	v1 =	vmax.f32 v1, v3;
	v3 =	vld [tilespmem:s30+$0x6460]  }
0x4b5: {  	v1 =	vmax.f32 v1, v4;
	v4 =	vld [tilespmem:s30+$0x64E0]  }
0x4b6: {  	v1 =	vmax.f32 v1, v5;
	v5 =	vld [tilespmem:s30+$0x6560]  }
0x4b7: {  	v1 =	vmax.f32 v1, v6;
	v6 =	vld [tilespmem:s30+$0x65E0]  }
0x4b8: {  	v1 =	vmax.f32 v1, v2;
	v2 =	vld [tilespmem:s30+$0x6660]  }
0x4b9: {  	v1 =	vmax.f32 v1, v3;
	v3 =	vld [tilespmem:s30+$0x66E0]  }
0x4ba: {  	v1 =	vmax.f32 v1, v4;
	v4 =	vld [tilespmem:s30+$0x6760]  }
0x4bb: {  	v1 =	vmax.f32 v1, v5;
	v5 =	vld [tilespmem:s30+$0x67E0]  }
0x4bc: {  	v1 =	vmax.f32 v1, v6;
	v6 =	vld [tilespmem:s30+$0x6860]  }
0x4bd: {  	v1 =	vmax.f32 v1, v2;
	v2 =	vld [tilespmem:s30+$0x68E0]  }
0x4be: {  	v1 =	vmax.f32 v1, v3  }
0x4bf: {  	v1 =	vmax.f32 v1, v4  }
0x4c0: {  	v1 =	vmax.f32 v1, v5  }
0x4c1: {  	v1 =	vmax.f32 v1, v6  }
0x4c2: {  	v1 =	vmax.f32 v1, v2  }
0x4c3: {  	[tilespmem:v0+s29+$0x60 ss:$0x1] =	vst.idx.msk $0xffff, v1  }
0x4c4: {  	v1 =	vld [tilespmem:s30+$0x5A70]  }
0x4c5: {  	v2 =	vld [tilespmem:s30+$0x5970]  }
0x4c6: {  	v3 =	vld [tilespmem:s30+$0x59F0]  }
0x4c7: {  	v4 =	vld [tilespmem:s30+$0x5AF0]  }
0x4c8: {  	v5 =	vld [tilespmem:s30+$0x5B70]  }
0x4c9: {  	v6 =	vld [tilespmem:s30+$0x5BF0]  }
0x4ca: {  	v7 =	vld [tilespmem:s30+$0x5C70]  }
0x4cb: {  	v2 =	vmax.f32 v2, v3;
	v3 =	vld [tilespmem:s30+$0x5CF0]  }
0x4cc: {  	v1 =	vmax.f32 v2, v1;
	v2 =	vld [tilespmem:s30+$0x5D70]  }
0x4cd: {  	v1 =	vmax.f32 v1, v4;
	v4 =	vld [tilespmem:s30+$0x5DF0]  }
0x4ce: {  	v1 =	vmax.f32 v1, v5;
	v5 =	vld [tilespmem:s30+$0x5E70]  }
0x4cf: {  	v1 =	vmax.f32 v1, v6;
	v6 =	vld [tilespmem:s30+$0x5EF0]  }
0x4d0: {  	v1 =	vmax.f32 v1, v7;
	v7 =	vld [tilespmem:s30+$0x5F70]  }
0x4d1: {  	v1 =	vmax.f32 v1, v3;
	v3 =	vld [tilespmem:s30+$0x5FF0]  }
0x4d2: {  	v1 =	vmax.f32 v1, v2;
	v2 =	vld [tilespmem:s30+$0x6070]  }
0x4d3: {  	v1 =	vmax.f32 v1, v4;
	v4 =	vld [tilespmem:s30+$0x60F0]  }
0x4d4: {  	v1 =	vmax.f32 v1, v5;
	v5 =	vld [tilespmem:s30+$0x6170]  }
0x4d5: {  	v1 =	vmax.f32 v1, v6;
	v6 =	vld [tilespmem:s30+$0x61F0]  }
0x4d6: {  	v1 =	vmax.f32 v1, v7;
	v7 =	vld [tilespmem:s30+$0x6270]  }
0x4d7: {  	v1 =	vmax.f32 v1, v3;
	v3 =	vld [tilespmem:s30+$0x62F0]  }
0x4d8: {  	v1 =	vmax.f32 v1, v2;
	v8 =	vld [tilespmem:s30+$0x6370]  }
0x4d9: {  	v1 =	vmax.f32 v1, v4;
	v9 =	vld [tilespmem:s30+$0x63F0]  }
0x4da: {  	v1 =	vmax.f32 v1, v5;
	v5 =	vld [tilespmem:s30+$0x6470]  }
.Ltmp1:
0x4db: {  	v2 =	vmax.f32 v1, v6;
	v1 =	vld [tilespmem:s30+$0x64F0];
	(pc) =	sbr.rel @p0 .LBB2_5-.Ltmp1, $4  }
0x4dc: {  	v4 =	vmax.f32 v2, v7;
	v2 =	vld [tilespmem:s30+$0x6570]  }
0x4dd: {  	v4 =	vmax.f32 v4, v3;
	v3 =	vld [tilespmem:s30+$0x65F0]  }
0x4de: {  	v6 =	vmax.f32 v4, v8;
	v4 =	vld [tilespmem:s30+$0x6670]  }
0x4df: {  	v7 =	vmax.f32 v6, v9;
	v6 =	vld [tilespmem:s30+$0x66F0]  }
0x4e0: {  	v5 =	vmax.f32 v7, v5  }
0x4e1: {  	v60 =	vld [tilespmem:s30+$0x6770];
	v1 =	vmax.f32 v5, v1  }
0x4e2: {  	v61 =	vld [tilespmem:s30+$0x67F0];
	v1 =	vmax.f32 v1, v2  }
0x4e3: {  	v62 =	vld [tilespmem:s30+$0x6870];
	v1 =	vmax.f32 v1, v3  }
0x4e4: {  	v63 =	vld [tilespmem:s30+$0x68F0];
	v1 =	vmax.f32 v1, v4  }
0x4e5: {  	s25 =	sadd.s32 $0x1, s25;
	v1 =	vmax.f32 v1, v6  }
0x4e6: {  	p0 =	sne.s32 s25, $0x18;
	v1 =	vmax.f32 v1, v60  }
.Ltmp2:
0x4e7: {  	v1 =	vmax.f32 v1, v61;
	(pc) =	sbr.rel @p0 .LBB2_2-.Ltmp2, $4  }
0x4e8: {  	s0 =	sadd.s32 s8, s26;
	v1 =	vmax.f32 v1, v62  }
0x4e9: {  	s0 =	sshrl.u32 s0, $0x3;
	v1 =	vmax.f32 v1, v63  }
0x4ea: {  	s0 =	sadd.s32 s5, s0;
	[tilespmem:v0+s29+$0x70 ss:$0x1] =	vst.idx.msk $0xffff, v1  }
0x4eb: {  	[hbm4b:s0+s3] =	stream.linear.scatter [tilespmem:s28], [sflag:$0x4], $0x400, $0x38;
	[tilespmem:$0x15900] =	vst v63  }
0x4ec: {  	_ =	swait.ge [sflag:s22], $0x3000  }
0x4ed: {  	[sflag:s22] =	ssyncset.done $0x0  }
0x4ee: {  	[sflag:s22] =	ssyncadd.s32 $0xFFFFD000  }
0x4ef: {  	_ =	swait.ge [sflag:s22], $0x3000  }
0x4f0: {  	[sflag:s22] =	ssyncset.done $0x0  }
0x4f1: {  	[sflag:s22] =	ssyncadd.s32 $0xFFFFD000  }
0x4f2: {  	[hbm4b:s9+s3] =	stream.linear.scatter [tilespmem:s14], [sflag:$0x5], $0x6000, $0x38;
	[tilespmem:$0x15900] =	vst v63  }
0x4f3: {  	_ =	swait.ge [sflag:s11], $0x6000  }
0x4f4: {  	[sflag:s11] =	ssyncset.done $0x0  }
0x4f5: {  	[sflag:s11] =	ssyncadd.s32 $0xFFFFA000  }
0x4f6: {  	_ =	swait.ge [sflag:s23], $0x400  }
0x4f7: {  	[sflag:s23] =	ssyncset.done $0x0  }
0x4f8: {  	[sflag:s23] =	ssyncadd.s32 $0xFFFFFC00  }
0x4f9: {  	_ =	swait.ge [sflag:s23], $0x400  }
0x4fa: {  	[sflag:s23] =	ssyncset.done $0x0  }
0x4fb: {  	[sflag:s23] =	ssyncadd.s32 $0xFFFFFC00  }
0x4fc: {  	_ =	swait.ge [sflag:s23], $0x400  }
0x4fd: {  	[sflag:s23] =	ssyncset.done $0x0  }
0x4fe: {  	[sflag:s23] =	ssyncadd.s32 $0xFFFFFC00  }
0x4ff: {  	_ =	swait.ge [sflag:s23], $0x400  }
0x500: {  	[sflag:s23] =	ssyncset.done $0x0  }
0x501: {  	[sflag:s23] =	ssyncadd.s32 $0xFFFFFC00  }
0x502: {  	_ =	swait.ge [sflag:s23], $0x400  }
0x503: {  	[sflag:s23] =	ssyncset.done $0x0  }
0x504: {  	[sflag:s23] =	ssyncadd.s32 $0xFFFFFC00  }
0x505: {  	_ =	swait.ge [sflag:s23], $0x400  }
0x506: {  	[sflag:s23] =	ssyncset.done $0x0  }
0x507: {  	[sflag:s23] =	ssyncadd.s32 $0xFFFFFC00  }
0x508: {  	_ =	swait.ge [sflag:s23], $0x400  }
0x509: {  	[sflag:s23] =	ssyncset.done $0x0  }
0x50a: {  	[sflag:s23] =	ssyncadd.s32 $0xFFFFFC00  }
0x50b: {  	_ =	swait.ge [sflag:s23], $0x400  }
0x50c: {  	[sflag:s23] =	ssyncset.done $0x0  }
0x50d: {  	[sflag:s23] =	ssyncadd.s32 $0xFFFFFC00  }
0x50e: {  	_ =	swait.ge [sflag:s23], $0x400  }
0x50f: {  	[sflag:s23] =	ssyncset.done $0x0  }
0x510: {  	[sflag:s23] =	ssyncadd.s32 $0xFFFFFC00  }
0x511: {  	_ =	swait.ge [sflag:s23], $0x400  }
0x512: {  	[sflag:s23] =	ssyncset.done $0x0  }
0x513: {  	[sflag:s23] =	ssyncadd.s32 $0xFFFFFC00  }
0x514: {  	_ =	swait.ge [sflag:s23], $0x400  }
0x515: {  	[sflag:s23] =	ssyncset.done $0x0  }
0x516: {  	[sflag:s23] =	ssyncadd.s32 $0xFFFFFC00  }
0x517: {  	_ =	swait.ge [sflag:s23], $0x400  }
0x518: {  	[sflag:s23] =	ssyncset.done $0x0  }
0x519: {  	[sflag:s23] =	ssyncadd.s32 $0xFFFFFC00  }
0x51a: {  	_ =	swait.ge [sflag:s23], $0x400  }
0x51b: {  	[sflag:s23] =	ssyncset.done $0x0  }
0x51c: {  	[sflag:s23] =	ssyncadd.s32 $0xFFFFFC00  }
0x51d: {  	_ =	swait.ge [sflag:s23], $0x400  }
0x51e: {  	[sflag:s23] =	ssyncset.done $0x0  }
0x51f: {  	[sflag:s23] =	ssyncadd.s32 $0xFFFFFC00  }
0x520: {  	_ =	swait.ge [sflag:s23], $0x400  }
0x521: {  	[sflag:s23] =	ssyncset.done $0x0  }
0x522: {  	[sflag:s23] =	ssyncadd.s32 $0xFFFFFC00  }
0x523: {  	_ =	swait.ge [sflag:s23], $0x400  }
0x524: {  	[sflag:s23] =	ssyncset.done $0x0  }
0x525: {  	[sflag:s23] =	ssyncadd.s32 $0xFFFFFC00  }
0x526: {  	_ =	swait.ge [sflag:s23], $0x400  }
0x527: {  	[sflag:s23] =	ssyncset.done $0x0  }
0x528: {  	[sflag:s23] =	ssyncadd.s32 $0xFFFFFC00  }
0x529: {  	_ =	swait.ge [sflag:s23], $0x400  }
0x52a: {  	[sflag:s23] =	ssyncset.done $0x0  }
0x52b: {  	[sflag:s23] =	ssyncadd.s32 $0xFFFFFC00  }
0x52c: {  	_ =	swait.ge [sflag:s23], $0x400  }
0x52d: {  	[sflag:s23] =	ssyncset.done $0x0  }
0x52e: {  	[sflag:s23] =	ssyncadd.s32 $0xFFFFFC00  }
0x52f: {  	_ =	swait.ge [sflag:s23], $0x400  }
0x530: {  	[sflag:s23] =	ssyncset.done $0x0  }
0x531: {  	[sflag:s23] =	ssyncadd.s32 $0xFFFFFC00  }
0x532: {  	_ =	swait.ge [sflag:s23], $0x400  }
0x533: {  	[sflag:s23] =	ssyncset.done $0x0  }
0x534: {  	[sflag:s23] =	ssyncadd.s32 $0xFFFFFC00  }
0x535: {  	_ =	swait.ge [sflag:s23], $0x400  }
0x536: {  	[sflag:s23] =	ssyncset.done $0x0  }
0x537: {  	s24 =	sadd.s32 $0x1, s24;
	[sflag:s23] =	ssyncadd.s32 $0xFFFFFC00  }
0x538: {  	p0 =	sne.s32 s24, s10;
	_ =	swait.ge [sflag:s23], $0x400  }
.Ltmp3:
0x539: {  	[sflag:s23] =	ssyncset.done $0x0;
	(pc) =	sbr.rel @p0 .LBB2_1-.Ltmp3, $4  }
0x53a: {  	[sflag:s23] =	ssyncadd.s32 $0xFFFFFC00  }
0x53b: {  	_ =	swait.ge [sflag:s23], $0x400  }
0x53c: {  	[sflag:s23] =	ssyncset.done $0x0  }
0x53d: {  	[sflag:s23] =	ssyncadd.s32 $0xFFFFFC00  }
0x53e: {  	_ =	sfence.sel $0x180000  }
0x53f: {  	[bflag:$0x0] =	sbarrier.arrive $0xFFFF  }
0x540: {  	_ =	strace $0x90000047  }
0x541: {  	s0 =	stileid.u32;
	[bflag:$0x2] =	sbarrier.arrive $0xFFFF  }
0x542: {  	p0 =	sne.s32 s0, $0x0;
	s0 =	rddreg [dreg:$0x2]  }
0x543: {  	s0 =	sadd.s32 @!p0 $0x100000, s0  }
0x544: {  	[sflag:s0] =	ssyncadd.tile.s32 @!p0 $0x1;
	_ =	shalt  }
.Lfunc_end2:
_tile_overlayer_lowered:
.L_overlay_start_2:
0x545: {  	(tag) =	ssettag $0x2  }
0x546: {  	s0 =	rddreg [dreg:$0x0];
	s2 =	stileid.u32  }
0x547: {  	s1 =	rddreg [dreg:$0x1];
	p0 =	sne.s32 s2, $0x0  }
0x548: {  	s3 =	rddreg [dreg:$0x2];
	[bflag:$0x3] =	sbarrier.arrive $0xFFFF;
	s2 =	simm.s32 @!p0 $0x1C05  }
0x549: {  	[timem:s3], [sflag:s2] =	dma.local @!p0 [hbm:s0], s1  }
0x54a: {  	s0 =	simm.s32 @!p0 $0x5  }
0x54b: {  	_ =	swait.ge @!p0 [sflag:s0], s1  }
0x54c: {  	s1 =	ssub.s32 @!p0 $0x0, s1;
	[sflag:s0] =	ssyncset.done @!p0 $0x0  }
0x54d: {  	[sflag:s0] =	ssyncadd.s32 @!p0 s1  }
0x54e: {  	[bflag:$0x3] =	sbarrier.arrive $0xFFFF  }
0x54f: {  	_ =	shalt  }

</sc_bundles>
